<compile_context>
chip_gen: v7x
topology: tpu7x:2x2x1
jax: 0.10.2.dev20260603
libtpu: 0.0.44.dev20260713+nightly
codegen_flags: <defaults>
</compile_context>

<pallas_src>
import functools

import jax
import jax.numpy as jnp
from jax import lax
from jax.experimental import pallas as pl
from jax.experimental.pallas import tpu as pltpu
from jax.experimental.pallas import tpu_sc as plsc

B = 16384
D = 64
TAG = 128
NW = 32
BOUT = B + NW
LANES = 16


def _splat(x, dtype=jnp.int32):
    return jnp.full((LANES,), x, dtype)


def _make_stream_gather(V, WV, WVS):
    assert WV == 1 << WVS
    n_full = V // WV
    tail_w = V - n_full * WV
    tail_off = n_full * WV

    def body(idx_hbm, tableT_hbm, out_hbm,
             ibuf, hbuf, winbuf, tailbuf, curl,
             staging, posline, semw):
        wid = lax.axis_index("s") * 2 + lax.axis_index("c")
        kmax = (n_full - 1 - wid) // NW + 1
        iota = lax.iota(jnp.int32, LANES)

        def zrow(i, c):
            for j in range(4):
                plsc.store_scatter(staging,
                                   [_splat(i), D + 16 * j + iota],
                                   jnp.zeros((LANES,), jnp.float32))
            return c
        lax.fori_loop(0, 128, zrow, 0)

        for j in range(8):
            plsc.store_scatter(posline, [_splat(0), 16 * j + iota],
                               _splat(B + wid))

        IC = 2048

        def chunk(q, off):
            pltpu.sync_copy(idx_hbm.at[pl.ds(q * IC, IC)], ibuf)

            def scan(g, off):
                v = ibuf[pl.ds(g * LANES, LANES)]
                pos = q * IC + g * LANES + iota
                m = ((v >> WVS) & (NW - 1)) == wid
                tailbit = (v >= tail_off).astype(jnp.int32)
                packed = ((tailbit << 30) | ((v >> (WVS + 5)) << 23)
                          | ((v & (WV - 1)) << 14) | pos)
                plsc.store_compressed(hbuf.at[pl.ds(off, LANES)], packed,
                                      mask=m)
                return off + plsc.all_reduce_population_count(m)[0]

            return lax.fori_loop(0, IC // LANES, scan, off)

        n = lax.fori_loop(0, B // IC, chunk, 0)
        hbuf[pl.ds(n, LANES)] = _splat(jnp.int32(2147400000))

        nvec = (n + LANES - 1) // LANES

        def process_hits(k_id, slot_idx, src_ref, f):
            def hit_vec(t, f):
                hv = hbuf[pl.ds(t * LANES, LANES)]
                m = (hv >> 23) == k_id
                plsc.store_compressed(curl.at[pl.ds(0, LANES)], hv, mask=m)
                c = plsc.all_reduce_population_count(m)[0]

                def item(j, f):
                    w = curl[pl.ds(j, LANES)][0]
                    l = (w >> 14) & 511
                    p = w & (B - 1)
                    fm = lax.rem(f, 128)
                    for i in range(4):
                        dvec = 16 * i + iota
                        if src_ref is winbuf:
                            vals = plsc.load_gather(
                                winbuf, [_splat(slot_idx), dvec, _splat(l)])
                        else:
                            vals = plsc.load_gather(src_ref, [dvec, _splat(l)])
                        plsc.store_scatter(staging, [_splat(fm), dvec], vals)
                    plsc.store_scatter(posline, [_splat(0), _splat(fm)],
                                       _splat(p), mask=iota == 0)
                    f = f + 1

                    @pl.when(lax.rem(f, 128) == 0)
                    def _flush():
                        pltpu.sync_copy(staging, out_hbm.at[posline.at[0]])
                    return f

                return lax.fori_loop(0, c, item, f)

            return lax.fori_loop(0, nvec, hit_vec, f)

        def win_src(k):
            off = pl.multiple_of((wid + k * NW) * WV, WV)
            return tableT_hbm.at[:, pl.ds(off, WV)]

        pltpu.async_copy(win_src(0), winbuf.at[0], semw)

        def wloop(k, f):
            @pl.when(k + 1 < kmax)
            def _():
                pltpu.async_copy(win_src(k + 1), winbuf.at[lax.rem(k + 1, 2)],
                                 semw)
            pltpu.make_async_copy(win_src(k), winbuf.at[lax.rem(k, 2)],
                                  semw).wait()
            return process_hits(k, lax.rem(k, 2), winbuf, f)

        f = lax.fori_loop(0, kmax, wloop, 0)

        if tail_w:
            pltpu.sync_copy(tableT_hbm.at[:, pl.ds(tail_off, tail_w)], tailbuf)
            f = process_hits(n_full // NW + 128, 0, tailbuf, f)

        @pl.when(lax.rem(f, 128) != 0)
        def _():
            pltpu.sync_copy(staging, out_hbm.at[posline.at[0]])

    return functools.partial(
        pl.kernel,
        mesh=plsc.VectorSubcoreMesh(core_axis_name="c", subcore_axis_name="s"),
        out_type=jax.ShapeDtypeStruct((BOUT, TAG), jnp.float32),
        scratch_types=[
            pltpu.VMEM((2048,), jnp.int32),
            pltpu.VMEM((B + LANES,), jnp.int32),
            pltpu.VMEM((2, D, WV), jnp.float32),
            pltpu.VMEM((D, max(tail_w, 8)), jnp.float32),
            pltpu.VMEM((2 * LANES,), jnp.int32),
            pltpu.VMEM((128, TAG), jnp.float32),
            pltpu.VMEM((1, TAG), jnp.int32),
            pltpu.SemaphoreType.DMA,
        ],
        compiler_params=pltpu.CompilerParams(use_tc_tiling_on_sc=True, needs_layout_passes=False),
    )(body)


_gather_user = _make_stream_gather(1000000, 512, 9)
_gather_artist = _make_stream_gather(100000, 256, 8)



BB = 2048


def _mlp_body(u2_ref, a2_ref, t_ref, wtag_ref, w1u_ref, w1a_ref, w1t_ref,
              b1_ref, w2_ref, b2_ref, w3_ref, b3_ref, out_ref):
    f32 = jnp.float32
    u = u2_ref[:, :D]
    a = a2_ref[:, :D]
    t = jnp.maximum(
        jnp.dot(t_ref[...], wtag_ref[...], preferred_element_type=f32), 0.0)
    h = jnp.dot(u, w1u_ref[...], preferred_element_type=f32)
    h = h + jnp.dot(a, w1a_ref[...], preferred_element_type=f32)
    h = h + jnp.dot(t, w1t_ref[...], preferred_element_type=f32)
    h = jnp.maximum(h + b1_ref[...], 0.0)
    h = jnp.maximum(
        jnp.dot(h, w2_ref[...], preferred_element_type=f32) + b2_ref[...], 0.0)
    logit = jnp.dot(h, w3_ref[...], preferred_element_type=f32) + b3_ref[...]
    out_ref[...] = jax.nn.sigmoid(logit)


def _full(shape):
    return pl.BlockSpec(shape, lambda i: (0, 0))


_mlp = pl.pallas_call(
    _mlp_body,
    grid=(B // BB,),
    in_specs=[
        pl.BlockSpec((BB, TAG), lambda i: (i, 0)),
        pl.BlockSpec((BB, TAG), lambda i: (i, 0)),
        pl.BlockSpec((BB, TAG), lambda i: (i, 0)),
        _full((TAG, D)),
        _full((D, TAG)),
        _full((D, TAG)),
        _full((D, TAG)),
        _full((1, TAG)),
        _full((TAG, D)),
        _full((1, D)),
        _full((D, 1)),
        _full((1, 1)),
    ],
    out_specs=pl.BlockSpec((BB, 1), lambda i: (i, 0)),
    out_shape=jax.ShapeDtypeStruct((B, 1), jnp.float32),
)


def kernel(user_idx, artist_idx, tag_features, user_emb, artist_emb,
           W_tag, W1, b1, W2, b2, W3, b3):
    ui = user_idx.astype(jnp.int32)
    ai = artist_idx.astype(jnp.int32)
    u2 = _gather_user(ui, user_emb.T)
    a2 = _gather_artist(ai, artist_emb.T)
    out = _mlp(u2, a2, tag_features,
               W_tag.T,
               W1[:, :D].T, W1[:, D:2 * D].T, W1[:, 2 * D:].T,
               b1.reshape(1, -1),
               W2.T, b2.reshape(1, -1),
               W3.T, b3.reshape(1, 1))
    return out.reshape(B)

# --- scband reference (transcript-rebuilt; emitter-appended) ---
"""Pipeline reference for scband-ncfhybrid-50036368998997 (READ-ONLY COPY).

The authoritative reference and input builder live on the scoring server;
editing this copy changes nothing except your own understanding.
"""

import jax, jax.numpy as jnp
import numpy as np

N_USERS = 1000000
N_ARTISTS = 100000
EMBED_DIM = 64
TAG_DIM = 128
BATCH = 16384


def setup_inputs(seed: int = 0) -> dict:
    key = jax.random.key(seed)
    ks = jax.random.split(key, 12)
    user_idx = jax.random.randint(ks[0], (BATCH,), 0, N_USERS, dtype=jnp.int64 if jax.config.read('jax_enable_x64') else jnp.int32)
    artist_idx = jax.random.randint(ks[1], (BATCH,), 0, N_ARTISTS, dtype=jnp.int64 if jax.config.read('jax_enable_x64') else jnp.int32)
    tag_features = jax.random.uniform(ks[2], (BATCH, TAG_DIM), dtype=jnp.float32)
    # parameters
    user_emb = jax.random.normal(ks[3], (N_USERS, EMBED_DIM), dtype=jnp.float32) * 0.01
    artist_emb = jax.random.normal(ks[4], (N_ARTISTS, EMBED_DIM), dtype=jnp.float32) * 0.01
    # xavier uniform for tag projection weight [out=EMBED_DIM, in=TAG_DIM]
    limit_tag = float(np.sqrt(6.0 / (EMBED_DIM + TAG_DIM)))
    W_tag = jax.random.uniform(ks[5], (EMBED_DIM, TAG_DIM), dtype=jnp.float32, minval=-limit_tag, maxval=limit_tag)
    def kaiming_linear(k, out_f, in_f):
        bound = float(1.0 / np.sqrt(in_f))
        kw, kb = jax.random.split(k)
        W = jax.random.uniform(kw, (out_f, in_f), dtype=jnp.float32, minval=-bound, maxval=bound)
        b = jax.random.uniform(kb, (out_f,), dtype=jnp.float32, minval=-bound, maxval=bound)
        return W, b
    W1, b1 = kaiming_linear(ks[6], 128, EMBED_DIM * 3)
    W2, b2 = kaiming_linear(ks[7], 64, 128)
    W3, b3 = kaiming_linear(ks[8], 1, 64)
    return {"user_idx": user_idx, "artist_idx": artist_idx, "tag_features": tag_features,
            "user_emb": user_emb, "artist_emb": artist_emb, "W_tag": W_tag,
            "W1": W1, "b1": b1, "W2": W2, "b2": b2, "W3": W3, "b3": b3}


def reference(user_idx, artist_idx, tag_features, user_emb, artist_emb, W_tag, W1, b1, W2, b2, W3, b3):
    u = jnp.take(user_emb, user_idx, axis=0)
    a = jnp.take(artist_emb, artist_idx, axis=0)
    t = jax.nn.relu(tag_features @ W_tag.T)
    x = jnp.concatenate([u, a, t], axis=1)
    h = jax.nn.relu(x @ W1.T + b1)
    h = jax.nn.relu(h @ W2.T + b2)
    out = jax.nn.sigmoid(h @ W3.T + b3)
    return out.squeeze(1)

if __name__ == "__main__":
    import jax
    _d = setup_inputs()
    print(jax.jit(kernel)(*tuple(_d.values())))

</pallas_src>

<mosaic_0001>
#map = affine_map<(d0, d1) -> (0)>
#map1 = affine_map<(d0, d1) -> (0, 0)>
module attributes {stable_mosaic.version = 14 : i64} {
  func.func @body(%arg0: i32, %arg1: i32, %arg2: memref<16384xi32, #tpu.memory_space<hbm>>, %arg3: memref<64x1000000xf32, #tpu.memory_space<hbm>>, %arg4: memref<16416x128xf32, #tpu.memory_space<hbm>>, %arg5: memref<2048xi32, #tpu.memory_space<vmem>>, %arg6: memref<16400xi32, #tpu.memory_space<vmem>>, %arg7: memref<2x64x512xf32, #tpu.memory_space<vmem>>, %arg8: memref<64x64xf32, #tpu.memory_space<vmem>>, %arg9: memref<32xi32, #tpu.memory_space<vmem>>, %arg10: memref<128x128xf32, #tpu.memory_space<vmem>>, %arg11: memref<1x128xi32, #tpu.memory_space<vmem>>, %arg12: memref<!tpu.dma_semaphore, #tpu.memory_space<semaphore_mem>>) attributes {dimension_semantics = [#tpu.dimension_semantics<core_parallel>, #tpu.dimension_semantics<subcore_parallel>], iteration_bounds = array<i64: 2, 16>, scalar_prefetch = 0 : i64, scratch_operands = 8 : i64, tpu.core_type = #tpu.core_type<sc_vector_subcore>, window_params = [{transform_indices = #map}, {transform_indices = #map1}, {transform_indices = #map1}]} {
    %mul3A = arith.constant 2 : i32
    %mul3A_0 = arith.muli %arg1, %mul3A : i32
    %add3A = arith.addi %mul3A_0, %arg0 : i32
    %sub3A = arith.constant 1952 : i32
    %sub3A_1 = arith.subi %sub3A, %add3A : i32
    %jit3A = arith.constant 32 : i32
    %div3A = arith.divsi %sub3A_1, %jit3A : i32
    %sign3A = arith.constant 0 : i32
    %sign3A_2 = arith.cmpi sgt, %sub3A_1, %sign3A : i32
    %sign3A_3 = arith.extui %sign3A_2 : i1 to i32
    %sign3A_4 = arith.constant 0 : i32
    %sign3A_5 = arith.cmpi slt, %sub3A_1, %sign3A_4 : i32
    %sign3A_6 = arith.extui %sign3A_5 : i1 to i32
    %sign3A_7 = arith.subi %sign3A_3, %sign3A_6 : i32
    %sign3A_8 = arith.constant 0 : i32
    %sign3A_9 = arith.cmpi sgt, %jit3A, %sign3A_8 : i32
    %sign3A_10 = arith.extui %sign3A_9 : i1 to i32
    %sign3A_11 = arith.constant 0 : i32
    %sign3A_12 = arith.cmpi slt, %jit3A, %sign3A_11 : i32
    %sign3A_13 = arith.extui %sign3A_12 : i1 to i32
    %sign3A_14 = arith.subi %sign3A_10, %sign3A_13 : i32
    %ne3A = arith.cmpi ne, %sign3A_7, %sign3A_14 : i32
    %rem3A = arith.remsi %sub3A_1, %jit3A : i32
    %ne3A_15 = arith.constant 0 : i32
    %ne3A_16 = arith.cmpi ne, %rem3A, %ne3A_15 : i32
    %and3A = arith.andi %ne3A, %ne3A_16 : i1
    %sub3A_17 = arith.constant 1 : i32
    %sub3A_18 = arith.subi %div3A, %sub3A_17 : i32
    %select_n3A = arith.select %and3A, %sub3A_18, %div3A : i32
    %add3A_19 = arith.constant 1 : i32
    %add3A_20 = arith.addi %select_n3A, %add3A_19 : i32
    %iota3A = tpu.iota {dimensions = array<i32: 0>} : vector<16xi32>
    %scan3A = arith.constant 0 : i32
    %scan3A_21 = arith.constant 0 : i32
    %scan3A_22 = arith.constant 128 : i32
    %scan3A_23 = arith.addi %scan3A_21, %scan3A_22 : i32
    %scan3A_24 = arith.constant 1 : i32
    scf.for %scan3A_170 = %scan3A_21 to %scan3A_23 step %scan3A_24  : i32 {
      %broadcast_in_dim3A_171 = vector.broadcast %scan3A_170 : i32 to vector<16xi32>
      %add3A_172 = arith.constant 64 : i32
      %add3A_173 = vector.broadcast %add3A_172 : i32 to vector<16xi32>
      %add3A_174 = arith.addi %add3A_173, %iota3A : vector<16xi32>
      %broadcast_in_dim3A_175 = arith.constant 0.000000e+00 : f32
      %broadcast_in_dim3A_176 = vector.broadcast %broadcast_in_dim3A_175 : f32 to vector<16xf32>
      tpu.vector_store_idx %arg10[%broadcast_in_dim3A_171, %add3A_174], %broadcast_in_dim3A_176 : memref<128x128xf32, #tpu.memory_space<vmem>>[vector<16xi32>, vector<16xi32>], vector<16xf32>,
      %broadcast_in_dim3A_177 = vector.broadcast %scan3A_170 : i32 to vector<16xi32>
      %add3A_178 = arith.constant 80 : i32
      %add3A_179 = vector.broadcast %add3A_178 : i32 to vector<16xi32>
      %add3A_180 = arith.addi %add3A_179, %iota3A : vector<16xi32>
      %broadcast_in_dim3A_181 = arith.constant 0.000000e+00 : f32
      %broadcast_in_dim3A_182 = vector.broadcast %broadcast_in_dim3A_181 : f32 to vector<16xf32>
      tpu.vector_store_idx %arg10[%broadcast_in_dim3A_177, %add3A_180], %broadcast_in_dim3A_182 : memref<128x128xf32, #tpu.memory_space<vmem>>[vector<16xi32>, vector<16xi32>], vector<16xf32>,
      %broadcast_in_dim3A_183 = vector.broadcast %scan3A_170 : i32 to vector<16xi32>
      %add3A_184 = arith.constant 96 : i32
      %add3A_185 = vector.broadcast %add3A_184 : i32 to vector<16xi32>
      %add3A_186 = arith.addi %add3A_185, %iota3A : vector<16xi32>
      %broadcast_in_dim3A_187 = arith.constant 0.000000e+00 : f32
      %broadcast_in_dim3A_188 = vector.broadcast %broadcast_in_dim3A_187 : f32 to vector<16xf32>
      tpu.vector_store_idx %arg10[%broadcast_in_dim3A_183, %add3A_186], %broadcast_in_dim3A_188 : memref<128x128xf32, #tpu.memory_space<vmem>>[vector<16xi32>, vector<16xi32>], vector<16xf32>,
      %broadcast_in_dim3A_189 = vector.broadcast %scan3A_170 : i32 to vector<16xi32>
      %add3A_190 = arith.constant 112 : i32
      %add3A_191 = vector.broadcast %add3A_190 : i32 to vector<16xi32>
      %add3A_192 = arith.addi %add3A_191, %iota3A : vector<16xi32>
      %broadcast_in_dim3A_193 = arith.constant 0.000000e+00 : f32
      %broadcast_in_dim3A_194 = vector.broadcast %broadcast_in_dim3A_193 : f32 to vector<16xf32>
      tpu.vector_store_idx %arg10[%broadcast_in_dim3A_189, %add3A_192], %broadcast_in_dim3A_194 : memref<128x128xf32, #tpu.memory_space<vmem>>[vector<16xi32>, vector<16xi32>], vector<16xf32>,
    }
    %scan3A_25 = arith.constant 128 : i32
    %broadcast_in_dim3A = arith.constant 0 : i32
    %broadcast_in_dim3A_26 = vector.broadcast %broadcast_in_dim3A : i32 to vector<16xi32>
    %add3A_27 = arith.constant 0 : i32
    %add3A_28 = vector.broadcast %add3A_27 : i32 to vector<16xi32>
    %add3A_29 = arith.addi %add3A_28, %iota3A : vector<16xi32>
    %add3A_30 = arith.constant 16384 : i32
    %add3A_31 = arith.addi %add3A_30, %add3A : i32
    %broadcast_in_dim3A_32 = vector.broadcast %add3A_31 : i32 to vector<16xi32>
    tpu.vector_store_idx %arg11[%broadcast_in_dim3A_26, %add3A_29], %broadcast_in_dim3A_32 : memref<1x128xi32, #tpu.memory_space<vmem>>[vector<16xi32>, vector<16xi32>], vector<16xi32>,
    %broadcast_in_dim3A_33 = arith.constant 0 : i32
    %broadcast_in_dim3A_34 = vector.broadcast %broadcast_in_dim3A_33 : i32 to vector<16xi32>
    %add3A_35 = arith.constant 16 : i32
    %add3A_36 = vector.broadcast %add3A_35 : i32 to vector<16xi32>
    %add3A_37 = arith.addi %add3A_36, %iota3A : vector<16xi32>
    %add3A_38 = arith.constant 16384 : i32
    %add3A_39 = arith.addi %add3A_38, %add3A : i32
    %broadcast_in_dim3A_40 = vector.broadcast %add3A_39 : i32 to vector<16xi32>
    tpu.vector_store_idx %arg11[%broadcast_in_dim3A_34, %add3A_37], %broadcast_in_dim3A_40 : memref<1x128xi32, #tpu.memory_space<vmem>>[vector<16xi32>, vector<16xi32>], vector<16xi32>,
    %broadcast_in_dim3A_41 = arith.constant 0 : i32
    %broadcast_in_dim3A_42 = vector.broadcast %broadcast_in_dim3A_41 : i32 to vector<16xi32>
    %add3A_43 = arith.constant 32 : i32
    %add3A_44 = vector.broadcast %add3A_43 : i32 to vector<16xi32>
    %add3A_45 = arith.addi %add3A_44, %iota3A : vector<16xi32>
    %add3A_46 = arith.constant 16384 : i32
    %add3A_47 = arith.addi %add3A_46, %add3A : i32
    %broadcast_in_dim3A_48 = vector.broadcast %add3A_47 : i32 to vector<16xi32>
    tpu.vector_store_idx %arg11[%broadcast_in_dim3A_42, %add3A_45], %broadcast_in_dim3A_48 : memref<1x128xi32, #tpu.memory_space<vmem>>[vector<16xi32>, vector<16xi32>], vector<16xi32>,
    %broadcast_in_dim3A_49 = arith.constant 0 : i32
    %broadcast_in_dim3A_50 = vector.broadcast %broadcast_in_dim3A_49 : i32 to vector<16xi32>
    %add3A_51 = arith.constant 48 : i32
    %add3A_52 = vector.broadcast %add3A_51 : i32 to vector<16xi32>
    %add3A_53 = arith.addi %add3A_52, %iota3A : vector<16xi32>
    %add3A_54 = arith.constant 16384 : i32
    %add3A_55 = arith.addi %add3A_54, %add3A : i32
    %broadcast_in_dim3A_56 = vector.broadcast %add3A_55 : i32 to vector<16xi32>
    tpu.vector_store_idx %arg11[%broadcast_in_dim3A_50, %add3A_53], %broadcast_in_dim3A_56 : memref<1x128xi32, #tpu.memory_space<vmem>>[vector<16xi32>, vector<16xi32>], vector<16xi32>,
    %broadcast_in_dim3A_57 = arith.constant 0 : i32
    %broadcast_in_dim3A_58 = vector.broadcast %broadcast_in_dim3A_57 : i32 to vector<16xi32>
    %add3A_59 = arith.constant 64 : i32
    %add3A_60 = vector.broadcast %add3A_59 : i32 to vector<16xi32>
    %add3A_61 = arith.addi %add3A_60, %iota3A : vector<16xi32>
    %add3A_62 = arith.constant 16384 : i32
    %add3A_63 = arith.addi %add3A_62, %add3A : i32
    %broadcast_in_dim3A_64 = vector.broadcast %add3A_63 : i32 to vector<16xi32>
    tpu.vector_store_idx %arg11[%broadcast_in_dim3A_58, %add3A_61], %broadcast_in_dim3A_64 : memref<1x128xi32, #tpu.memory_space<vmem>>[vector<16xi32>, vector<16xi32>], vector<16xi32>,
    %broadcast_in_dim3A_65 = arith.constant 0 : i32
    %broadcast_in_dim3A_66 = vector.broadcast %broadcast_in_dim3A_65 : i32 to vector<16xi32>
    %add3A_67 = arith.constant 80 : i32
    %add3A_68 = vector.broadcast %add3A_67 : i32 to vector<16xi32>
    %add3A_69 = arith.addi %add3A_68, %iota3A : vector<16xi32>
    %add3A_70 = arith.constant 16384 : i32
    %add3A_71 = arith.addi %add3A_70, %add3A : i32
    %broadcast_in_dim3A_72 = vector.broadcast %add3A_71 : i32 to vector<16xi32>
    tpu.vector_store_idx %arg11[%broadcast_in_dim3A_66, %add3A_69], %broadcast_in_dim3A_72 : memref<1x128xi32, #tpu.memory_space<vmem>>[vector<16xi32>, vector<16xi32>], vector<16xi32>,
    %broadcast_in_dim3A_73 = arith.constant 0 : i32
    %broadcast_in_dim3A_74 = vector.broadcast %broadcast_in_dim3A_73 : i32 to vector<16xi32>
    %add3A_75 = arith.constant 96 : i32
    %add3A_76 = vector.broadcast %add3A_75 : i32 to vector<16xi32>
    %add3A_77 = arith.addi %add3A_76, %iota3A : vector<16xi32>
    %add3A_78 = arith.constant 16384 : i32
    %add3A_79 = arith.addi %add3A_78, %add3A : i32
    %broadcast_in_dim3A_80 = vector.broadcast %add3A_79 : i32 to vector<16xi32>
    tpu.vector_store_idx %arg11[%broadcast_in_dim3A_74, %add3A_77], %broadcast_in_dim3A_80 : memref<1x128xi32, #tpu.memory_space<vmem>>[vector<16xi32>, vector<16xi32>], vector<16xi32>,
    %broadcast_in_dim3A_81 = arith.constant 0 : i32
    %broadcast_in_dim3A_82 = vector.broadcast %broadcast_in_dim3A_81 : i32 to vector<16xi32>
    %add3A_83 = arith.constant 112 : i32
    %add3A_84 = vector.broadcast %add3A_83 : i32 to vector<16xi32>
    %add3A_85 = arith.addi %add3A_84, %iota3A : vector<16xi32>
    %add3A_86 = arith.constant 16384 : i32
    %add3A_87 = arith.addi %add3A_86, %add3A : i32
    %broadcast_in_dim3A_88 = vector.broadcast %add3A_87 : i32 to vector<16xi32>
    tpu.vector_store_idx %arg11[%broadcast_in_dim3A_82, %add3A_85], %broadcast_in_dim3A_88 : memref<1x128xi32, #tpu.memory_space<vmem>>[vector<16xi32>, vector<16xi32>], vector<16xi32>,
    %scan3A_89 = arith.constant 0 : i32
    %scan3A_90 = arith.constant 0 : i32
    %scan3A_91 = arith.constant 8 : i32
    %scan3A_92 = arith.addi %scan3A_90, %scan3A_91 : i32
    %scan3A_93 = arith.constant 1 : i32
    %scan3A_94 = scf.for %scan3A_170 = %scan3A_90 to %scan3A_92 step %scan3A_93 iter_args(%scan3A_171 = %scan3A_89) -> (i32)  : i32 {
      %mul3A_172 = arith.constant 2048 : i32
      %mul3A_173 = arith.muli %scan3A_170, %mul3A_172 : i32
      "tpu.region"() ({
        %run_scoped3A = tpu.sem_alloc : memref<!tpu.dma_semaphore, #tpu.memory_space<semaphore_mem>>
        %dma_start3A_180 = tpu.memref_slice %arg2[%mul3A_173] : memref<16384xi32, #tpu.memory_space<hbm>> -> memref<2048xi32, #tpu.memory_space<hbm>>
        %dma_start3A_181 = tpu.memref_slice %arg2[%mul3A_173] : memref<16384xi32, #tpu.memory_space<hbm>> -> memref<2048xi32, #tpu.memory_space<hbm>>
        tpu.enqueue_dma source(%dma_start3A_181 : memref<2048xi32, #tpu.memory_space<hbm>>) target(%arg5 : memref<2048xi32, #tpu.memory_space<vmem>>) target_semaphore(%run_scoped3A : memref<!tpu.dma_semaphore, #tpu.memory_space<semaphore_mem>>)
        %dma_wait3A = tpu.memref_slice %arg2[%mul3A_173] : memref<16384xi32, #tpu.memory_space<hbm>> -> memref<2048xi32, #tpu.memory_space<hbm>>
        %dma_wait3A_182 = tpu.memref_slice %arg2[%mul3A_173] : memref<16384xi32, #tpu.memory_space<hbm>> -> memref<2048xi32, #tpu.memory_space<hbm>>
        tpu.wait_dma2 semaphore(%run_scoped3A : memref<!tpu.dma_semaphore, #tpu.memory_space<semaphore_mem>>) src(%dma_wait3A_182 : memref<2048xi32, #tpu.memory_space<hbm>>) dst(%arg5 : memref<2048xi32, #tpu.memory_space<vmem>>)
        tpu.yield
      }) : () -> ()
      %scan3A_174 = arith.constant 0 : i32
      %scan3A_175 = arith.constant 128 : i32
      %scan3A_176 = arith.addi %scan3A_174, %scan3A_175 : i32
      %scan3A_177 = arith.constant 1 : i32
      %scan3A_178 = scf.for %scan3A_180 = %scan3A_174 to %scan3A_176 step %scan3A_177 iter_args(%scan3A_181 = %scan3A_171) -> (i32)  : i32 {
        %mul3A_182 = arith.constant 16 : i32
        %mul3A_183 = arith.muli %scan3A_180, %mul3A_182 : i32
        %get3A = arith.index_cast %mul3A_183 : i32 to index
        %get3A_184 = tpu.vector_load %arg5[%get3A] {strides = array<i32>} : memref<2048xi32, #tpu.memory_space<vmem>>, vector<16xi32>,
        %mul3A_185 = arith.constant 2048 : i32
        %mul3A_186 = arith.muli %scan3A_170, %mul3A_185 : i32
        %mul3A_187 = arith.constant 16 : i32
        %mul3A_188 = arith.muli %scan3A_180, %mul3A_187 : i32
        %add3A_189 = arith.addi %mul3A_186, %mul3A_188 : i32
        %add3A_190 = vector.broadcast %add3A_189 : i32 to vector<16xi32>
        %add3A_191 = arith.addi %add3A_190, %iota3A : vector<16xi32>
        %shift_right_arithmetic3A = arith.constant 9 : i32
        %shift_right_arithmetic3A_192 = vector.broadcast %shift_right_arithmetic3A : i32 to vector<16xi32>
        %shift_right_arithmetic3A_193 = arith.shrsi %get3A_184, %shift_right_arithmetic3A_192 : vector<16xi32>
        %and3A_194 = arith.constant 31 : i32
        %and3A_195 = vector.broadcast %and3A_194 : i32 to vector<16xi32>
        %and3A_196 = arith.andi %shift_right_arithmetic3A_193, %and3A_195 : vector<16xi32>
        %eq3A = vector.broadcast %add3A : i32 to vector<16xi32>
        %eq3A_197 = arith.cmpi eq, %and3A_196, %eq3A : vector<16xi32>
        %ge3A = arith.constant 999936 : i32
        %ge3A_198 = vector.broadcast %ge3A : i32 to vector<16xi32>
        %ge3A_199 = arith.cmpi sge, %get3A_184, %ge3A_198 : vector<16xi32>
        %convert_element_type3A_200 = arith.extui %ge3A_199 : vector<16xi1> to vector<16xi32>
        %shift_left3A = arith.constant 30 : i32
        %shift_left3A_201 = vector.broadcast %shift_left3A : i32 to vector<16xi32>
        %shift_left3A_202 = arith.shli %convert_element_type3A_200, %shift_left3A_201 : vector<16xi32>
        %shift_right_arithmetic3A_203 = arith.constant 14 : i32
        %shift_right_arithmetic3A_204 = vector.broadcast %shift_right_arithmetic3A_203 : i32 to vector<16xi32>
        %shift_right_arithmetic3A_205 = arith.shrsi %get3A_184, %shift_right_arithmetic3A_204 : vector<16xi32>
        %shift_left3A_206 = arith.constant 23 : i32
        %shift_left3A_207 = vector.broadcast %shift_left3A_206 : i32 to vector<16xi32>
        %shift_left3A_208 = arith.shli %shift_right_arithmetic3A_205, %shift_left3A_207 : vector<16xi32>
        %or3A = arith.ori %shift_left3A_202, %shift_left3A_208 : vector<16xi32>
        %and3A_209 = arith.constant 511 : i32
        %and3A_210 = vector.broadcast %and3A_209 : i32 to vector<16xi32>
        %and3A_211 = arith.andi %get3A_184, %and3A_210 : vector<16xi32>
        %shift_left3A_212 = arith.constant 14 : i32
        %shift_left3A_213 = vector.broadcast %shift_left3A_212 : i32 to vector<16xi32>
        %shift_left3A_214 = arith.shli %and3A_211, %shift_left3A_213 : vector<16xi32>
        %or3A_215 = arith.ori %or3A, %shift_left3A_214 : vector<16xi32>
        %or3A_216 = arith.ori %or3A_215, %add3A_191 : vector<16xi32>
        %swap3A_217 = arith.index_cast %scan3A_181 : i32 to index
        %swap3A_218 = tpu.vector_load %arg6[%swap3A_217] masked %eq3A_197 {strides = array<i32>} : memref<16400xi32, #tpu.memory_space<vmem>>, vector<16xi32>, vector<16xi1>
        tpu.vector_store %arg6[%swap3A_217], %or3A_216 masked %eq3A_197 {strides = array<i32>} : memref<16400xi32, #tpu.memory_space<vmem>>, vector<16xi32>, vector<16xi1>
        %all_reduce_population_count3A = tpu.all_reduce %eq3A_197 {dim = 0 : i64, kind = #tpu.reduction_kind<sum>} : vector<16xi1> -> vector<16xi32>
        %slice3A = vector.extract_strided_slice %all_reduce_population_count3A {offsets = [0], sizes = [1], strides = [1]} : vector<16xi32> to vector<1xi32>
        %squeeze3A = vector.extract %slice3A[0] : i32 from vector<1xi32>
        %add3A_219 = arith.addi %scan3A_181, %squeeze3A : i32
        scf.yield %add3A_219 : i32
      }
      %scan3A_179 = arith.constant 128 : i32
      scf.yield %scan3A_178 : i32
    }
    %scan3A_95 = arith.constant 8 : i32
    %broadcast_in_dim3A_96 = arith.constant 2147400000 : i32
    %broadcast_in_dim3A_97 = vector.broadcast %broadcast_in_dim3A_96 : i32 to vector<16xi32>
    %swap3A = arith.index_cast %scan3A_94 : i32 to index
    %swap3A_98 = tpu.vector_load %arg6[%swap3A] {strides = array<i32>} : memref<16400xi32, #tpu.memory_space<vmem>>, vector<16xi32>,
    tpu.vector_store %arg6[%swap3A], %broadcast_in_dim3A_97 {strides = array<i32>} : memref<16400xi32, #tpu.memory_space<vmem>>, vector<16xi32>,
    %add3A_99 = arith.constant 16 : i32
    %add3A_100 = arith.addi %scan3A_94, %add3A_99 : i32
    %sub3A_101 = arith.constant 1 : i32
    %sub3A_102 = arith.subi %add3A_100, %sub3A_101 : i32
    %jit3A_103 = arith.constant 16 : i32
    %div3A_104 = arith.divsi %sub3A_102, %jit3A_103 : i32
    %sign3A_105 = arith.constant 0 : i32
    %sign3A_106 = arith.cmpi sgt, %sub3A_102, %sign3A_105 : i32
    %sign3A_107 = arith.extui %sign3A_106 : i1 to i32
    %sign3A_108 = arith.constant 0 : i32
    %sign3A_109 = arith.cmpi slt, %sub3A_102, %sign3A_108 : i32
    %sign3A_110 = arith.extui %sign3A_109 : i1 to i32
    %sign3A_111 = arith.subi %sign3A_107, %sign3A_110 : i32
    %sign3A_112 = arith.constant 0 : i32
    %sign3A_113 = arith.cmpi sgt, %jit3A_103, %sign3A_112 : i32
    %sign3A_114 = arith.extui %sign3A_113 : i1 to i32
    %sign3A_115 = arith.constant 0 : i32
    %sign3A_116 = arith.cmpi slt, %jit3A_103, %sign3A_115 : i32
    %sign3A_117 = arith.extui %sign3A_116 : i1 to i32
    %sign3A_118 = arith.subi %sign3A_114, %sign3A_117 : i32
    %ne3A_119 = arith.cmpi ne, %sign3A_111, %sign3A_118 : i32
    %rem3A_120 = arith.remsi %sub3A_102, %jit3A_103 : i32
    %ne3A_121 = arith.constant 0 : i32
    %ne3A_122 = arith.cmpi ne, %rem3A_120, %ne3A_121 : i32
    %and3A_123 = arith.andi %ne3A_119, %ne3A_122 : i1
    %sub3A_124 = arith.constant 1 : i32
    %sub3A_125 = arith.subi %div3A_104, %sub3A_124 : i32
    %select_n3A_126 = arith.select %and3A_123, %sub3A_125, %div3A_104 : i32
    %add3A_127 = arith.constant 0 : i32
    %add3A_128 = arith.addi %add3A, %add3A_127 : i32
    %mul3A_129 = arith.constant 512 : i32
    %mul3A_130 = arith.muli %add3A_128, %mul3A_129 : i32
    %multiple_of3A = tpu.assume_multiple %mul3A_130, 512 : i32
    %dma_start3A = arith.constant 0 : i32
    %dma_start3A_131 = arith.constant 0 : i32
    %dma_start3A_132 = arith.constant 0 : i32
    %dma_start3A_133 = tpu.memref_slice %arg7[%dma_start3A, %dma_start3A_131, %dma_start3A_132] : memref<2x64x512xf32, #tpu.memory_space<vmem>> -> memref<1x64x512xf32, #tpu.memory_space<vmem>>
    %dma_start3A_134 = tpu.memref_squeeze %dma_start3A_133 : memref<1x64x512xf32, #tpu.memory_space<vmem>> -> memref<64x512xf32, #tpu.memory_space<vmem>>
    %dma_start3A_135 = arith.constant 0 : i32
    %dma_start3A_136 = tpu.memref_slice %arg3[%dma_start3A_135, %multiple_of3A] : memref<64x1000000xf32, #tpu.memory_space<hbm>> -> memref<64x512xf32, #tpu.memory_space<hbm>>
    %dma_start3A_137 = arith.constant 0 : i32
    %dma_start3A_138 = arith.constant 0 : i32
    %dma_start3A_139 = tpu.memref_slice %arg7[%dma_start3A, %dma_start3A_137, %dma_start3A_138] : memref<2x64x512xf32, #tpu.memory_space<vmem>> -> memref<1x64x512xf32, #tpu.memory_space<vmem>>
    %dma_start3A_140 = tpu.memref_squeeze %dma_start3A_139 : memref<1x64x512xf32, #tpu.memory_space<vmem>> -> memref<64x512xf32, #tpu.memory_space<vmem>>
    %dma_start3A_141 = arith.constant 0 : i32
    %dma_start3A_142 = tpu.memref_slice %arg3[%dma_start3A_141, %multiple_of3A] : memref<64x1000000xf32, #tpu.memory_space<hbm>> -> memref<64x512xf32, #tpu.memory_space<hbm>>
    tpu.enqueue_dma source(%dma_start3A_142 : memref<64x512xf32, #tpu.memory_space<hbm>>) target(%dma_start3A_140 : memref<64x512xf32, #tpu.memory_space<vmem>>) target_semaphore(%arg12 : memref<!tpu.dma_semaphore, #tpu.memory_space<semaphore_mem>>)
    %while3A = arith.constant 0 : i32
    %while3A_143 = arith.constant 0 : i32
    %while3A_144 = arith.subi %add3A_20, %while3A : i32
    %while3A_145 = arith.addi %while3A, %while3A_144 : i32
    %while3A_146 = arith.constant 1 : i32
    %while3A_147 = arith.divsi %while3A_144, %while3A_146 : i32
    %while3A_148 = arith.muli %while3A_147, %while3A_146 : i32
    %while3A_149 = arith.addi %while3A, %while3A_148 : i32
    %while3A_150 = arith.constant 1 : i32
    %while3A_151 = scf.for %while3A_170 = %while3A to %while3A_149 step %while3A_150 iter_args(%while3A_171 = %while3A_143) -> (i32)  : i32 {
      %add3A_172 = arith.constant 1 : i32
      %add3A_173 = arith.addi %while3A_170, %add3A_172 : i32
      %lt3A = arith.cmpi slt, %add3A_173, %add3A_20 : i32
      %convert_element_type3A_174 = arith.extui %lt3A : i1 to i32
      %cond3A_175 = arith.constant 0 : i32
      %cond3A_176 = arith.cmpi ne, %convert_element_type3A_174, %cond3A_175 : i32
      scf.if %cond3A_176 {
        %add3A_209 = arith.constant 1 : i32
        %add3A_210 = arith.addi %while3A_170, %add3A_209 : i32
        %mul3A_211 = arith.constant 32 : i32
        %mul3A_212 = arith.muli %add3A_210, %mul3A_211 : i32
        %add3A_213 = arith.addi %add3A, %mul3A_212 : i32
        %mul3A_214 = arith.constant 512 : i32
        %mul3A_215 = arith.muli %add3A_213, %mul3A_214 : i32
        %multiple_of3A_216 = tpu.assume_multiple %mul3A_215, 512 : i32
        %add3A_217 = arith.constant 1 : i32
        %add3A_218 = arith.addi %while3A_170, %add3A_217 : i32
        %rem3A_219 = arith.constant 2 : i32
        %rem3A_220 = arith.remsi %add3A_218, %rem3A_219 : i32
        %dma_start3A_221 = arith.constant 0 : i32
        %dma_start3A_222 = arith.constant 0 : i32
        %dma_start3A_223 = tpu.memref_slice %arg7[%rem3A_220, %dma_start3A_221, %dma_start3A_222] : memref<2x64x512xf32, #tpu.memory_space<vmem>> -> memref<1x64x512xf32, #tpu.memory_space<vmem>>
        %dma_start3A_224 = tpu.memref_squeeze %dma_start3A_223 : memref<1x64x512xf32, #tpu.memory_space<vmem>> -> memref<64x512xf32, #tpu.memory_space<vmem>>
        %dma_start3A_225 = arith.constant 0 : i32
        %dma_start3A_226 = tpu.memref_slice %arg3[%dma_start3A_225, %multiple_of3A_216] : memref<64x1000000xf32, #tpu.memory_space<hbm>> -> memref<64x512xf32, #tpu.memory_space<hbm>>
        %dma_start3A_227 = arith.constant 0 : i32
        %dma_start3A_228 = arith.constant 0 : i32
        %dma_start3A_229 = tpu.memref_slice %arg7[%rem3A_220, %dma_start3A_227, %dma_start3A_228] : memref<2x64x512xf32, #tpu.memory_space<vmem>> -> memref<1x64x512xf32, #tpu.memory_space<vmem>>
        %dma_start3A_230 = tpu.memref_squeeze %dma_start3A_229 : memref<1x64x512xf32, #tpu.memory_space<vmem>> -> memref<64x512xf32, #tpu.memory_space<vmem>>
        %dma_start3A_231 = arith.constant 0 : i32
        %dma_start3A_232 = tpu.memref_slice %arg3[%dma_start3A_231, %multiple_of3A_216] : memref<64x1000000xf32, #tpu.memory_space<hbm>> -> memref<64x512xf32, #tpu.memory_space<hbm>>
        tpu.enqueue_dma source(%dma_start3A_232 : memref<64x512xf32, #tpu.memory_space<hbm>>) target(%dma_start3A_230 : memref<64x512xf32, #tpu.memory_space<vmem>>) target_semaphore(%arg12 : memref<!tpu.dma_semaphore, #tpu.memory_space<semaphore_mem>>)
      } else {
      }
      %mul3A_177 = arith.constant 32 : i32
      %mul3A_178 = arith.muli %while3A_170, %mul3A_177 : i32
      %add3A_179 = arith.addi %add3A, %mul3A_178 : i32
      %mul3A_180 = arith.constant 512 : i32
      %mul3A_181 = arith.muli %add3A_179, %mul3A_180 : i32
      %multiple_of3A_182 = tpu.assume_multiple %mul3A_181, 512 : i32
      %rem3A_183 = arith.constant 2 : i32
      %rem3A_184 = arith.remsi %while3A_170, %rem3A_183 : i32
      %dma_wait3A = arith.constant 0 : i32
      %dma_wait3A_185 = arith.constant 0 : i32
      %dma_wait3A_186 = tpu.memref_slice %arg7[%rem3A_184, %dma_wait3A, %dma_wait3A_185] : memref<2x64x512xf32, #tpu.memory_space<vmem>> -> memref<1x64x512xf32, #tpu.memory_space<vmem>>
      %dma_wait3A_187 = tpu.memref_squeeze %dma_wait3A_186 : memref<1x64x512xf32, #tpu.memory_space<vmem>> -> memref<64x512xf32, #tpu.memory_space<vmem>>
      %dma_wait3A_188 = arith.constant 0 : i32
      %dma_wait3A_189 = tpu.memref_slice %arg3[%dma_wait3A_188, %multiple_of3A_182] : memref<64x1000000xf32, #tpu.memory_space<hbm>> -> memref<64x512xf32, #tpu.memory_space<hbm>>
      %dma_wait3A_190 = arith.constant 0 : i32
      %dma_wait3A_191 = arith.constant 0 : i32
      %dma_wait3A_192 = tpu.memref_slice %arg7[%rem3A_184, %dma_wait3A_190, %dma_wait3A_191] : memref<2x64x512xf32, #tpu.memory_space<vmem>> -> memref<1x64x512xf32, #tpu.memory_space<vmem>>
      %dma_wait3A_193 = tpu.memref_squeeze %dma_wait3A_192 : memref<1x64x512xf32, #tpu.memory_space<vmem>> -> memref<64x512xf32, #tpu.memory_space<vmem>>
      %dma_wait3A_194 = arith.constant 0 : i32
      %dma_wait3A_195 = tpu.memref_slice %arg3[%dma_wait3A_194, %multiple_of3A_182] : memref<64x1000000xf32, #tpu.memory_space<hbm>> -> memref<64x512xf32, #tpu.memory_space<hbm>>
      tpu.wait_dma2 semaphore(%arg12 : memref<!tpu.dma_semaphore, #tpu.memory_space<semaphore_mem>>) src(%dma_wait3A_195 : memref<64x512xf32, #tpu.memory_space<hbm>>) dst(%dma_wait3A_193 : memref<64x512xf32, #tpu.memory_space<vmem>>)
      %rem3A_196 = arith.constant 2 : i32
      %rem3A_197 = arith.remsi %while3A_170, %rem3A_196 : i32
      %while3A_198 = arith.constant 0 : i32
      %while3A_199 = arith.subi %select_n3A_126, %while3A_198 : i32
      %while3A_200 = arith.addi %while3A_198, %while3A_199 : i32
      %while3A_201 = arith.constant 1 : i32
      %while3A_202 = arith.divsi %while3A_199, %while3A_201 : i32
      %while3A_203 = arith.muli %while3A_202, %while3A_201 : i32
      %while3A_204 = arith.addi %while3A_198, %while3A_203 : i32
      %while3A_205 = arith.constant 1 : i32
      %while3A_206 = scf.for %while3A_209 = %while3A_198 to %while3A_204 step %while3A_205 iter_args(%while3A_210 = %while3A_171) -> (i32)  : i32 {
        %mul3A_211 = arith.constant 16 : i32
        %mul3A_212 = arith.muli %while3A_209, %mul3A_211 : i32
        %get3A = arith.index_cast %mul3A_212 : i32 to index
        %get3A_213 = tpu.vector_load %arg6[%get3A] {strides = array<i32>} : memref<16400xi32, #tpu.memory_space<vmem>>, vector<16xi32>,
        %shift_right_arithmetic3A = arith.constant 23 : i32
        %shift_right_arithmetic3A_214 = vector.broadcast %shift_right_arithmetic3A : i32 to vector<16xi32>
        %shift_right_arithmetic3A_215 = arith.shrsi %get3A_213, %shift_right_arithmetic3A_214 : vector<16xi32>
        %eq3A = vector.broadcast %while3A_170 : i32 to vector<16xi32>
        %eq3A_216 = arith.cmpi eq, %shift_right_arithmetic3A_215, %eq3A : vector<16xi32>
        %swap3A_217 = arith.constant 0 : index
        %swap3A_218 = tpu.vector_load %arg9[%swap3A_217] masked %eq3A_216 {strides = array<i32>} : memref<32xi32, #tpu.memory_space<vmem>>, vector<16xi32>, vector<16xi1>
        tpu.vector_store %arg9[%swap3A_217], %get3A_213 masked %eq3A_216 {strides = array<i32>} : memref<32xi32, #tpu.memory_space<vmem>>, vector<16xi32>, vector<16xi1>
        %all_reduce_population_count3A = tpu.all_reduce %eq3A_216 {dim = 0 : i64, kind = #tpu.reduction_kind<sum>} : vector<16xi1> -> vector<16xi32>
        %slice3A = vector.extract_strided_slice %all_reduce_population_count3A {offsets = [0], sizes = [1], strides = [1]} : vector<16xi32> to vector<1xi32>
        %squeeze3A = vector.extract %slice3A[0] : i32 from vector<1xi32>
        %while3A_219 = arith.constant 0 : i32
        %while3A_220 = arith.subi %squeeze3A, %while3A_219 : i32
        %while3A_221 = arith.addi %while3A_219, %while3A_220 : i32
        %while3A_222 = arith.constant 1 : i32
        %while3A_223 = arith.divsi %while3A_220, %while3A_222 : i32
        %while3A_224 = arith.muli %while3A_223, %while3A_222 : i32
        %while3A_225 = arith.addi %while3A_219, %while3A_224 : i32
        %while3A_226 = arith.constant 1 : i32
        %while3A_227 = scf.for %while3A_230 = %while3A_219 to %while3A_225 step %while3A_226 iter_args(%while3A_231 = %while3A_210) -> (i32)  : i32 {
          %get3A_232 = arith.index_cast %while3A_230 : i32 to index
          %get3A_233 = tpu.vector_load %arg9[%get3A_232] {strides = array<i32>} : memref<32xi32, #tpu.memory_space<vmem>>, vector<16xi32>,
          %slice3A_234 = vector.extract_strided_slice %get3A_233 {offsets = [0], sizes = [1], strides = [1]} : vector<16xi32> to vector<1xi32>
          %squeeze3A_235 = vector.extract %slice3A_234[0] : i32 from vector<1xi32>
          %shift_right_arithmetic3A_236 = arith.constant 14 : i32
          %shift_right_arithmetic3A_237 = arith.shrsi %squeeze3A_235, %shift_right_arithmetic3A_236 : i32
          %and3A_238 = arith.constant 511 : i32
          %and3A_239 = arith.andi %shift_right_arithmetic3A_237, %and3A_238 : i32
          %and3A_240 = arith.constant 16383 : i32
          %and3A_241 = arith.andi %squeeze3A_235, %and3A_240 : i32
          %rem3A_242 = arith.constant 128 : i32
          %rem3A_243 = arith.remsi %while3A_231, %rem3A_242 : i32
          %add3A_244 = arith.constant 0 : i32
          %add3A_245 = vector.broadcast %add3A_244 : i32 to vector<16xi32>
          %add3A_246 = arith.addi %add3A_245, %iota3A : vector<16xi32>
          %broadcast_in_dim3A_247 = vector.broadcast %rem3A_197 : i32 to vector<16xi32>
          %broadcast_in_dim3A_248 = vector.broadcast %and3A_239 : i32 to vector<16xi32>
          %gather3A = tpu.vector_load_idx %arg7[%broadcast_in_dim3A_247, %add3A_246, %broadcast_in_dim3A_248] : memref<2x64x512xf32, #tpu.memory_space<vmem>>[vector<16xi32>, vector<16xi32>, vector<16xi32>], vector<16xf32>,
          %broadcast_in_dim3A_249 = vector.broadcast %rem3A_243 : i32 to vector<16xi32>
          tpu.vector_store_idx %arg10[%broadcast_in_dim3A_249, %add3A_246], %gather3A : memref<128x128xf32, #tpu.memory_space<vmem>>[vector<16xi32>, vector<16xi32>], vector<16xf32>,
          %add3A_250 = arith.constant 16 : i32
          %add3A_251 = vector.broadcast %add3A_250 : i32 to vector<16xi32>
          %add3A_252 = arith.addi %add3A_251, %iota3A : vector<16xi32>
          %broadcast_in_dim3A_253 = vector.broadcast %rem3A_197 : i32 to vector<16xi32>
          %broadcast_in_dim3A_254 = vector.broadcast %and3A_239 : i32 to vector<16xi32>
          %gather3A_255 = tpu.vector_load_idx %arg7[%broadcast_in_dim3A_253, %add3A_252, %broadcast_in_dim3A_254] : memref<2x64x512xf32, #tpu.memory_space<vmem>>[vector<16xi32>, vector<16xi32>, vector<16xi32>], vector<16xf32>,
          %broadcast_in_dim3A_256 = vector.broadcast %rem3A_243 : i32 to vector<16xi32>
          tpu.vector_store_idx %arg10[%broadcast_in_dim3A_256, %add3A_252], %gather3A_255 : memref<128x128xf32, #tpu.memory_space<vmem>>[vector<16xi32>, vector<16xi32>], vector<16xf32>,
          %add3A_257 = arith.constant 32 : i32
          %add3A_258 = vector.broadcast %add3A_257 : i32 to vector<16xi32>
          %add3A_259 = arith.addi %add3A_258, %iota3A : vector<16xi32>
          %broadcast_in_dim3A_260 = vector.broadcast %rem3A_197 : i32 to vector<16xi32>
          %broadcast_in_dim3A_261 = vector.broadcast %and3A_239 : i32 to vector<16xi32>
          %gather3A_262 = tpu.vector_load_idx %arg7[%broadcast_in_dim3A_260, %add3A_259, %broadcast_in_dim3A_261] : memref<2x64x512xf32, #tpu.memory_space<vmem>>[vector<16xi32>, vector<16xi32>, vector<16xi32>], vector<16xf32>,
          %broadcast_in_dim3A_263 = vector.broadcast %rem3A_243 : i32 to vector<16xi32>
          tpu.vector_store_idx %arg10[%broadcast_in_dim3A_263, %add3A_259], %gather3A_262 : memref<128x128xf32, #tpu.memory_space<vmem>>[vector<16xi32>, vector<16xi32>], vector<16xf32>,
          %add3A_264 = arith.constant 48 : i32
          %add3A_265 = vector.broadcast %add3A_264 : i32 to vector<16xi32>
          %add3A_266 = arith.addi %add3A_265, %iota3A : vector<16xi32>
          %broadcast_in_dim3A_267 = vector.broadcast %rem3A_197 : i32 to vector<16xi32>
          %broadcast_in_dim3A_268 = vector.broadcast %and3A_239 : i32 to vector<16xi32>
          %gather3A_269 = tpu.vector_load_idx %arg7[%broadcast_in_dim3A_267, %add3A_266, %broadcast_in_dim3A_268] : memref<2x64x512xf32, #tpu.memory_space<vmem>>[vector<16xi32>, vector<16xi32>, vector<16xi32>], vector<16xf32>,
          %broadcast_in_dim3A_270 = vector.broadcast %rem3A_243 : i32 to vector<16xi32>
          tpu.vector_store_idx %arg10[%broadcast_in_dim3A_270, %add3A_266], %gather3A_269 : memref<128x128xf32, #tpu.memory_space<vmem>>[vector<16xi32>, vector<16xi32>], vector<16xf32>,
          %broadcast_in_dim3A_271 = arith.constant 0 : i32
          %broadcast_in_dim3A_272 = vector.broadcast %broadcast_in_dim3A_271 : i32 to vector<16xi32>
          %broadcast_in_dim3A_273 = vector.broadcast %rem3A_243 : i32 to vector<16xi32>
          %broadcast_in_dim3A_274 = vector.broadcast %and3A_241 : i32 to vector<16xi32>
          %eq3A_275 = arith.constant 0 : i32
          %eq3A_276 = vector.broadcast %eq3A_275 : i32 to vector<16xi32>
          %eq3A_277 = arith.cmpi eq, %iota3A, %eq3A_276 : vector<16xi32>
          tpu.vector_store_idx %arg11[%broadcast_in_dim3A_272, %broadcast_in_dim3A_273], %broadcast_in_dim3A_274 masked %eq3A_277 : memref<1x128xi32, #tpu.memory_space<vmem>>[vector<16xi32>, vector<16xi32>], vector<16xi32>, vector<16xi1>
          %add3A_278 = arith.constant 1 : i32
          %add3A_279 = arith.addi %while3A_231, %add3A_278 : i32
          %rem3A_280 = arith.constant 128 : i32
          %rem3A_281 = arith.remsi %add3A_279, %rem3A_280 : i32
          %eq3A_282 = arith.constant 0 : i32
          %eq3A_283 = arith.cmpi eq, %rem3A_281, %eq3A_282 : i32
          %convert_element_type3A_284 = arith.extui %eq3A_283 : i1 to i32
          %cond3A_285 = arith.constant 0 : i32
          %cond3A_286 = arith.cmpi ne, %convert_element_type3A_284, %cond3A_285 : i32
          scf.if %cond3A_286 {
            %run_scoped3A = arith.constant 0 : i32
            "tpu.region"() ({
              %run_scoped3A_287 = tpu.sem_alloc : memref<!tpu.dma_semaphore, #tpu.memory_space<semaphore_mem>>
              %dma_start3A_288 = arith.constant 0 : i32
              %dma_start3A_289 = tpu.memref_slice %arg11[%run_scoped3A, %dma_start3A_288] : memref<1x128xi32, #tpu.memory_space<vmem>> -> memref<1x128xi32, #tpu.memory_space<vmem>>
              %dma_start3A_290 = tpu.memref_squeeze %dma_start3A_289 : memref<1x128xi32, #tpu.memory_space<vmem>> -> memref<128xi32, #tpu.memory_space<vmem>>
              %dma_start3A_291 = arith.constant 0 : i32
              %dma_start3A_292 = arith.constant 0 : i32
              %dma_start3A_293 = tpu.memref_slice %arg4[%dma_start3A_291, %dma_start3A_292] : memref<16416x128xf32, #tpu.memory_space<hbm>> -> memref<16416x128xf32, #tpu.memory_space<hbm>>
              tpu.enqueue_indirect_dma source(%arg10 : memref<128x128xf32, #tpu.memory_space<vmem>>) target(%dma_start3A_293 : memref<16416x128xf32, #tpu.memory_space<hbm>>) offsets(%dma_start3A_290 : memref<128xi32, #tpu.memory_space<vmem>>) semaphore(%run_scoped3A_287 : memref<!tpu.dma_semaphore, #tpu.memory_space<semaphore_mem>>)
              %dma_wait3A_294 = arith.constant 0 : i32
              %dma_wait3A_295 = tpu.memref_slice %arg11[%run_scoped3A, %dma_wait3A_294] : memref<1x128xi32, #tpu.memory_space<vmem>> -> memref<1x128xi32, #tpu.memory_space<vmem>>
              %dma_wait3A_296 = tpu.memref_squeeze %dma_wait3A_295 : memref<1x128xi32, #tpu.memory_space<vmem>> -> memref<128xi32, #tpu.memory_space<vmem>>
              %dma_wait3A_297 = arith.constant 0 : i32
              %dma_wait3A_298 = arith.constant 0 : i32
              %dma_wait3A_299 = tpu.memref_slice %arg4[%dma_wait3A_297, %dma_wait3A_298] : memref<16416x128xf32, #tpu.memory_space<hbm>> -> memref<16416x128xf32, #tpu.memory_space<hbm>>
              tpu.wait_indirect_dma semaphore(%run_scoped3A_287 : memref<!tpu.dma_semaphore, #tpu.memory_space<semaphore_mem>>) src(%arg10 : memref<128x128xf32, #tpu.memory_space<vmem>>) dst(%dma_wait3A_299 : memref<16416x128xf32, #tpu.memory_space<hbm>>)
              tpu.yield
            }) : () -> ()
          } else {
          }
          scf.yield %add3A_279 : i32
        }
        %while3A_228 = arith.constant 1 : i32
        %while3A_229 = scf.for %while3A_230 = %while3A_225 to %while3A_221 step %while3A_228 iter_args(%while3A_231 = %while3A_227) -> (i32)  : i32 {
          %get3A_232 = arith.index_cast %while3A_230 : i32 to index
          %get3A_233 = tpu.vector_load %arg9[%get3A_232] {strides = array<i32>} : memref<32xi32, #tpu.memory_space<vmem>>, vector<16xi32>,
          %slice3A_234 = vector.extract_strided_slice %get3A_233 {offsets = [0], sizes = [1], strides = [1]} : vector<16xi32> to vector<1xi32>
          %squeeze3A_235 = vector.extract %slice3A_234[0] : i32 from vector<1xi32>
          %shift_right_arithmetic3A_236 = arith.constant 14 : i32
          %shift_right_arithmetic3A_237 = arith.shrsi %squeeze3A_235, %shift_right_arithmetic3A_236 : i32
          %and3A_238 = arith.constant 511 : i32
          %and3A_239 = arith.andi %shift_right_arithmetic3A_237, %and3A_238 : i32
          %and3A_240 = arith.constant 16383 : i32
          %and3A_241 = arith.andi %squeeze3A_235, %and3A_240 : i32
          %rem3A_242 = arith.constant 128 : i32
          %rem3A_243 = arith.remsi %while3A_231, %rem3A_242 : i32
          %add3A_244 = arith.constant 0 : i32
          %add3A_245 = vector.broadcast %add3A_244 : i32 to vector<16xi32>
          %add3A_246 = arith.addi %add3A_245, %iota3A : vector<16xi32>
          %broadcast_in_dim3A_247 = vector.broadcast %rem3A_197 : i32 to vector<16xi32>
          %broadcast_in_dim3A_248 = vector.broadcast %and3A_239 : i32 to vector<16xi32>
          %gather3A = tpu.vector_load_idx %arg7[%broadcast_in_dim3A_247, %add3A_246, %broadcast_in_dim3A_248] : memref<2x64x512xf32, #tpu.memory_space<vmem>>[vector<16xi32>, vector<16xi32>, vector<16xi32>], vector<16xf32>,
          %broadcast_in_dim3A_249 = vector.broadcast %rem3A_243 : i32 to vector<16xi32>
          tpu.vector_store_idx %arg10[%broadcast_in_dim3A_249, %add3A_246], %gather3A : memref<128x128xf32, #tpu.memory_space<vmem>>[vector<16xi32>, vector<16xi32>], vector<16xf32>,
          %add3A_250 = arith.constant 16 : i32
          %add3A_251 = vector.broadcast %add3A_250 : i32 to vector<16xi32>
          %add3A_252 = arith.addi %add3A_251, %iota3A : vector<16xi32>
          %broadcast_in_dim3A_253 = vector.broadcast %rem3A_197 : i32 to vector<16xi32>
          %broadcast_in_dim3A_254 = vector.broadcast %and3A_239 : i32 to vector<16xi32>
          %gather3A_255 = tpu.vector_load_idx %arg7[%broadcast_in_dim3A_253, %add3A_252, %broadcast_in_dim3A_254] : memref<2x64x512xf32, #tpu.memory_space<vmem>>[vector<16xi32>, vector<16xi32>, vector<16xi32>], vector<16xf32>,
          %broadcast_in_dim3A_256 = vector.broadcast %rem3A_243 : i32 to vector<16xi32>
          tpu.vector_store_idx %arg10[%broadcast_in_dim3A_256, %add3A_252], %gather3A_255 : memref<128x128xf32, #tpu.memory_space<vmem>>[vector<16xi32>, vector<16xi32>], vector<16xf32>,
          %add3A_257 = arith.constant 32 : i32
          %add3A_258 = vector.broadcast %add3A_257 : i32 to vector<16xi32>
          %add3A_259 = arith.addi %add3A_258, %iota3A : vector<16xi32>
          %broadcast_in_dim3A_260 = vector.broadcast %rem3A_197 : i32 to vector<16xi32>
          %broadcast_in_dim3A_261 = vector.broadcast %and3A_239 : i32 to vector<16xi32>
          %gather3A_262 = tpu.vector_load_idx %arg7[%broadcast_in_dim3A_260, %add3A_259, %broadcast_in_dim3A_261] : memref<2x64x512xf32, #tpu.memory_space<vmem>>[vector<16xi32>, vector<16xi32>, vector<16xi32>], vector<16xf32>,
          %broadcast_in_dim3A_263 = vector.broadcast %rem3A_243 : i32 to vector<16xi32>
          tpu.vector_store_idx %arg10[%broadcast_in_dim3A_263, %add3A_259], %gather3A_262 : memref<128x128xf32, #tpu.memory_space<vmem>>[vector<16xi32>, vector<16xi32>], vector<16xf32>,
          %add3A_264 = arith.constant 48 : i32
          %add3A_265 = vector.broadcast %add3A_264 : i32 to vector<16xi32>
          %add3A_266 = arith.addi %add3A_265, %iota3A : vector<16xi32>
          %broadcast_in_dim3A_267 = vector.broadcast %rem3A_197 : i32 to vector<16xi32>
          %broadcast_in_dim3A_268 = vector.broadcast %and3A_239 : i32 to vector<16xi32>
          %gather3A_269 = tpu.vector_load_idx %arg7[%broadcast_in_dim3A_267, %add3A_266, %broadcast_in_dim3A_268] : memref<2x64x512xf32, #tpu.memory_space<vmem>>[vector<16xi32>, vector<16xi32>, vector<16xi32>], vector<16xf32>,
          %broadcast_in_dim3A_270 = vector.broadcast %rem3A_243 : i32 to vector<16xi32>
          tpu.vector_store_idx %arg10[%broadcast_in_dim3A_270, %add3A_266], %gather3A_269 : memref<128x128xf32, #tpu.memory_space<vmem>>[vector<16xi32>, vector<16xi32>], vector<16xf32>,
          %broadcast_in_dim3A_271 = arith.constant 0 : i32
          %broadcast_in_dim3A_272 = vector.broadcast %broadcast_in_dim3A_271 : i32 to vector<16xi32>
          %broadcast_in_dim3A_273 = vector.broadcast %rem3A_243 : i32 to vector<16xi32>
          %broadcast_in_dim3A_274 = vector.broadcast %and3A_241 : i32 to vector<16xi32>
          %eq3A_275 = arith.constant 0 : i32
          %eq3A_276 = vector.broadcast %eq3A_275 : i32 to vector<16xi32>
          %eq3A_277 = arith.cmpi eq, %iota3A, %eq3A_276 : vector<16xi32>
          tpu.vector_store_idx %arg11[%broadcast_in_dim3A_272, %broadcast_in_dim3A_273], %broadcast_in_dim3A_274 masked %eq3A_277 : memref<1x128xi32, #tpu.memory_space<vmem>>[vector<16xi32>, vector<16xi32>], vector<16xi32>, vector<16xi1>
          %add3A_278 = arith.constant 1 : i32
          %add3A_279 = arith.addi %while3A_231, %add3A_278 : i32
          %rem3A_280 = arith.constant 128 : i32
          %rem3A_281 = arith.remsi %add3A_279, %rem3A_280 : i32
          %eq3A_282 = arith.constant 0 : i32
          %eq3A_283 = arith.cmpi eq, %rem3A_281, %eq3A_282 : i32
          %convert_element_type3A_284 = arith.extui %eq3A_283 : i1 to i32
          %cond3A_285 = arith.constant 0 : i32
          %cond3A_286 = arith.cmpi ne, %convert_element_type3A_284, %cond3A_285 : i32
          scf.if %cond3A_286 {
            %run_scoped3A = arith.constant 0 : i32
            "tpu.region"() ({
              %run_scoped3A_287 = tpu.sem_alloc : memref<!tpu.dma_semaphore, #tpu.memory_space<semaphore_mem>>
              %dma_start3A_288 = arith.constant 0 : i32
              %dma_start3A_289 = tpu.memref_slice %arg11[%run_scoped3A, %dma_start3A_288] : memref<1x128xi32, #tpu.memory_space<vmem>> -> memref<1x128xi32, #tpu.memory_space<vmem>>
              %dma_start3A_290 = tpu.memref_squeeze %dma_start3A_289 : memref<1x128xi32, #tpu.memory_space<vmem>> -> memref<128xi32, #tpu.memory_space<vmem>>
              %dma_start3A_291 = arith.constant 0 : i32
              %dma_start3A_292 = arith.constant 0 : i32
              %dma_start3A_293 = tpu.memref_slice %arg4[%dma_start3A_291, %dma_start3A_292] : memref<16416x128xf32, #tpu.memory_space<hbm>> -> memref<16416x128xf32, #tpu.memory_space<hbm>>
              tpu.enqueue_indirect_dma source(%arg10 : memref<128x128xf32, #tpu.memory_space<vmem>>) target(%dma_start3A_293 : memref<16416x128xf32, #tpu.memory_space<hbm>>) offsets(%dma_start3A_290 : memref<128xi32, #tpu.memory_space<vmem>>) semaphore(%run_scoped3A_287 : memref<!tpu.dma_semaphore, #tpu.memory_space<semaphore_mem>>)
              %dma_wait3A_294 = arith.constant 0 : i32
              %dma_wait3A_295 = tpu.memref_slice %arg11[%run_scoped3A, %dma_wait3A_294] : memref<1x128xi32, #tpu.memory_space<vmem>> -> memref<1x128xi32, #tpu.memory_space<vmem>>
              %dma_wait3A_296 = tpu.memref_squeeze %dma_wait3A_295 : memref<1x128xi32, #tpu.memory_space<vmem>> -> memref<128xi32, #tpu.memory_space<vmem>>
              %dma_wait3A_297 = arith.constant 0 : i32
              %dma_wait3A_298 = arith.constant 0 : i32
              %dma_wait3A_299 = tpu.memref_slice %arg4[%dma_wait3A_297, %dma_wait3A_298] : memref<16416x128xf32, #tpu.memory_space<hbm>> -> memref<16416x128xf32, #tpu.memory_space<hbm>>
              tpu.wait_indirect_dma semaphore(%run_scoped3A_287 : memref<!tpu.dma_semaphore, #tpu.memory_space<semaphore_mem>>) src(%arg10 : memref<128x128xf32, #tpu.memory_space<vmem>>) dst(%dma_wait3A_299 : memref<16416x128xf32, #tpu.memory_space<hbm>>)
              tpu.yield
            }) : () -> ()
          } else {
          }
          scf.yield %add3A_279 : i32
        }
        scf.yield %while3A_229 : i32
      }
      %while3A_207 = arith.constant 1 : i32
      %while3A_208 = scf.for %while3A_209 = %while3A_204 to %while3A_200 step %while3A_207 iter_args(%while3A_210 = %while3A_206) -> (i32)  : i32 {
        %mul3A_211 = arith.constant 16 : i32
        %mul3A_212 = arith.muli %while3A_209, %mul3A_211 : i32
        %get3A = arith.index_cast %mul3A_212 : i32 to index
        %get3A_213 = tpu.vector_load %arg6[%get3A] {strides = array<i32>} : memref<16400xi32, #tpu.memory_space<vmem>>, vector<16xi32>,
        %shift_right_arithmetic3A = arith.constant 23 : i32
        %shift_right_arithmetic3A_214 = vector.broadcast %shift_right_arithmetic3A : i32 to vector<16xi32>
        %shift_right_arithmetic3A_215 = arith.shrsi %get3A_213, %shift_right_arithmetic3A_214 : vector<16xi32>
        %eq3A = vector.broadcast %while3A_170 : i32 to vector<16xi32>
        %eq3A_216 = arith.cmpi eq, %shift_right_arithmetic3A_215, %eq3A : vector<16xi32>
        %swap3A_217 = arith.constant 0 : index
        %swap3A_218 = tpu.vector_load %arg9[%swap3A_217] masked %eq3A_216 {strides = array<i32>} : memref<32xi32, #tpu.memory_space<vmem>>, vector<16xi32>, vector<16xi1>
        tpu.vector_store %arg9[%swap3A_217], %get3A_213 masked %eq3A_216 {strides = array<i32>} : memref<32xi32, #tpu.memory_space<vmem>>, vector<16xi32>, vector<16xi1>
        %all_reduce_population_count3A = tpu.all_reduce %eq3A_216 {dim = 0 : i64, kind = #tpu.reduction_kind<sum>} : vector<16xi1> -> vector<16xi32>
        %slice3A = vector.extract_strided_slice %all_reduce_population_count3A {offsets = [0], sizes = [1], strides = [1]} : vector<16xi32> to vector<1xi32>
        %squeeze3A = vector.extract %slice3A[0] : i32 from vector<1xi32>
        %while3A_219 = arith.constant 0 : i32
        %while3A_220 = arith.subi %squeeze3A, %while3A_219 : i32
        %while3A_221 = arith.addi %while3A_219, %while3A_220 : i32
        %while3A_222 = arith.constant 1 : i32
        %while3A_223 = arith.divsi %while3A_220, %while3A_222 : i32
        %while3A_224 = arith.muli %while3A_223, %while3A_222 : i32
        %while3A_225 = arith.addi %while3A_219, %while3A_224 : i32
        %while3A_226 = arith.constant 1 : i32
        %while3A_227 = scf.for %while3A_230 = %while3A_219 to %while3A_225 step %while3A_226 iter_args(%while3A_231 = %while3A_210) -> (i32)  : i32 {
          %get3A_232 = arith.index_cast %while3A_230 : i32 to index
          %get3A_233 = tpu.vector_load %arg9[%get3A_232] {strides = array<i32>} : memref<32xi32, #tpu.memory_space<vmem>>, vector<16xi32>,
          %slice3A_234 = vector.extract_strided_slice %get3A_233 {offsets = [0], sizes = [1], strides = [1]} : vector<16xi32> to vector<1xi32>
          %squeeze3A_235 = vector.extract %slice3A_234[0] : i32 from vector<1xi32>
          %shift_right_arithmetic3A_236 = arith.constant 14 : i32
          %shift_right_arithmetic3A_237 = arith.shrsi %squeeze3A_235, %shift_right_arithmetic3A_236 : i32
          %and3A_238 = arith.constant 511 : i32
          %and3A_239 = arith.andi %shift_right_arithmetic3A_237, %and3A_238 : i32
          %and3A_240 = arith.constant 16383 : i32
          %and3A_241 = arith.andi %squeeze3A_235, %and3A_240 : i32
          %rem3A_242 = arith.constant 128 : i32
          %rem3A_243 = arith.remsi %while3A_231, %rem3A_242 : i32
          %add3A_244 = arith.constant 0 : i32
          %add3A_245 = vector.broadcast %add3A_244 : i32 to vector<16xi32>
          %add3A_246 = arith.addi %add3A_245, %iota3A : vector<16xi32>
          %broadcast_in_dim3A_247 = vector.broadcast %rem3A_197 : i32 to vector<16xi32>
          %broadcast_in_dim3A_248 = vector.broadcast %and3A_239 : i32 to vector<16xi32>
          %gather3A = tpu.vector_load_idx %arg7[%broadcast_in_dim3A_247, %add3A_246, %broadcast_in_dim3A_248] : memref<2x64x512xf32, #tpu.memory_space<vmem>>[vector<16xi32>, vector<16xi32>, vector<16xi32>], vector<16xf32>,
          %broadcast_in_dim3A_249 = vector.broadcast %rem3A_243 : i32 to vector<16xi32>
          tpu.vector_store_idx %arg10[%broadcast_in_dim3A_249, %add3A_246], %gather3A : memref<128x128xf32, #tpu.memory_space<vmem>>[vector<16xi32>, vector<16xi32>], vector<16xf32>,
          %add3A_250 = arith.constant 16 : i32
          %add3A_251 = vector.broadcast %add3A_250 : i32 to vector<16xi32>
          %add3A_252 = arith.addi %add3A_251, %iota3A : vector<16xi32>
          %broadcast_in_dim3A_253 = vector.broadcast %rem3A_197 : i32 to vector<16xi32>
          %broadcast_in_dim3A_254 = vector.broadcast %and3A_239 : i32 to vector<16xi32>
          %gather3A_255 = tpu.vector_load_idx %arg7[%broadcast_in_dim3A_253, %add3A_252, %broadcast_in_dim3A_254] : memref<2x64x512xf32, #tpu.memory_space<vmem>>[vector<16xi32>, vector<16xi32>, vector<16xi32>], vector<16xf32>,
          %broadcast_in_dim3A_256 = vector.broadcast %rem3A_243 : i32 to vector<16xi32>
          tpu.vector_store_idx %arg10[%broadcast_in_dim3A_256, %add3A_252], %gather3A_255 : memref<128x128xf32, #tpu.memory_space<vmem>>[vector<16xi32>, vector<16xi32>], vector<16xf32>,
          %add3A_257 = arith.constant 32 : i32
          %add3A_258 = vector.broadcast %add3A_257 : i32 to vector<16xi32>
          %add3A_259 = arith.addi %add3A_258, %iota3A : vector<16xi32>
          %broadcast_in_dim3A_260 = vector.broadcast %rem3A_197 : i32 to vector<16xi32>
          %broadcast_in_dim3A_261 = vector.broadcast %and3A_239 : i32 to vector<16xi32>
          %gather3A_262 = tpu.vector_load_idx %arg7[%broadcast_in_dim3A_260, %add3A_259, %broadcast_in_dim3A_261] : memref<2x64x512xf32, #tpu.memory_space<vmem>>[vector<16xi32>, vector<16xi32>, vector<16xi32>], vector<16xf32>,
          %broadcast_in_dim3A_263 = vector.broadcast %rem3A_243 : i32 to vector<16xi32>
          tpu.vector_store_idx %arg10[%broadcast_in_dim3A_263, %add3A_259], %gather3A_262 : memref<128x128xf32, #tpu.memory_space<vmem>>[vector<16xi32>, vector<16xi32>], vector<16xf32>,
          %add3A_264 = arith.constant 48 : i32
          %add3A_265 = vector.broadcast %add3A_264 : i32 to vector<16xi32>
          %add3A_266 = arith.addi %add3A_265, %iota3A : vector<16xi32>
          %broadcast_in_dim3A_267 = vector.broadcast %rem3A_197 : i32 to vector<16xi32>
          %broadcast_in_dim3A_268 = vector.broadcast %and3A_239 : i32 to vector<16xi32>
          %gather3A_269 = tpu.vector_load_idx %arg7[%broadcast_in_dim3A_267, %add3A_266, %broadcast_in_dim3A_268] : memref<2x64x512xf32, #tpu.memory_space<vmem>>[vector<16xi32>, vector<16xi32>, vector<16xi32>], vector<16xf32>,
          %broadcast_in_dim3A_270 = vector.broadcast %rem3A_243 : i32 to vector<16xi32>
          tpu.vector_store_idx %arg10[%broadcast_in_dim3A_270, %add3A_266], %gather3A_269 : memref<128x128xf32, #tpu.memory_space<vmem>>[vector<16xi32>, vector<16xi32>], vector<16xf32>,
          %broadcast_in_dim3A_271 = arith.constant 0 : i32
          %broadcast_in_dim3A_272 = vector.broadcast %broadcast_in_dim3A_271 : i32 to vector<16xi32>
          %broadcast_in_dim3A_273 = vector.broadcast %rem3A_243 : i32 to vector<16xi32>
          %broadcast_in_dim3A_274 = vector.broadcast %and3A_241 : i32 to vector<16xi32>
          %eq3A_275 = arith.constant 0 : i32
          %eq3A_276 = vector.broadcast %eq3A_275 : i32 to vector<16xi32>
          %eq3A_277 = arith.cmpi eq, %iota3A, %eq3A_276 : vector<16xi32>
          tpu.vector_store_idx %arg11[%broadcast_in_dim3A_272, %broadcast_in_dim3A_273], %broadcast_in_dim3A_274 masked %eq3A_277 : memref<1x128xi32, #tpu.memory_space<vmem>>[vector<16xi32>, vector<16xi32>], vector<16xi32>, vector<16xi1>
          %add3A_278 = arith.constant 1 : i32
          %add3A_279 = arith.addi %while3A_231, %add3A_278 : i32
          %rem3A_280 = arith.constant 128 : i32
          %rem3A_281 = arith.remsi %add3A_279, %rem3A_280 : i32
          %eq3A_282 = arith.constant 0 : i32
          %eq3A_283 = arith.cmpi eq, %rem3A_281, %eq3A_282 : i32
          %convert_element_type3A_284 = arith.extui %eq3A_283 : i1 to i32
          %cond3A_285 = arith.constant 0 : i32
          %cond3A_286 = arith.cmpi ne, %convert_element_type3A_284, %cond3A_285 : i32
          scf.if %cond3A_286 {
            %run_scoped3A = arith.constant 0 : i32
            "tpu.region"() ({
              %run_scoped3A_287 = tpu.sem_alloc : memref<!tpu.dma_semaphore, #tpu.memory_space<semaphore_mem>>
              %dma_start3A_288 = arith.constant 0 : i32
              %dma_start3A_289 = tpu.memref_slice %arg11[%run_scoped3A, %dma_start3A_288] : memref<1x128xi32, #tpu.memory_space<vmem>> -> memref<1x128xi32, #tpu.memory_space<vmem>>
              %dma_start3A_290 = tpu.memref_squeeze %dma_start3A_289 : memref<1x128xi32, #tpu.memory_space<vmem>> -> memref<128xi32, #tpu.memory_space<vmem>>
              %dma_start3A_291 = arith.constant 0 : i32
              %dma_start3A_292 = arith.constant 0 : i32
              %dma_start3A_293 = tpu.memref_slice %arg4[%dma_start3A_291, %dma_start3A_292] : memref<16416x128xf32, #tpu.memory_space<hbm>> -> memref<16416x128xf32, #tpu.memory_space<hbm>>
              tpu.enqueue_indirect_dma source(%arg10 : memref<128x128xf32, #tpu.memory_space<vmem>>) target(%dma_start3A_293 : memref<16416x128xf32, #tpu.memory_space<hbm>>) offsets(%dma_start3A_290 : memref<128xi32, #tpu.memory_space<vmem>>) semaphore(%run_scoped3A_287 : memref<!tpu.dma_semaphore, #tpu.memory_space<semaphore_mem>>)
              %dma_wait3A_294 = arith.constant 0 : i32
              %dma_wait3A_295 = tpu.memref_slice %arg11[%run_scoped3A, %dma_wait3A_294] : memref<1x128xi32, #tpu.memory_space<vmem>> -> memref<1x128xi32, #tpu.memory_space<vmem>>
              %dma_wait3A_296 = tpu.memref_squeeze %dma_wait3A_295 : memref<1x128xi32, #tpu.memory_space<vmem>> -> memref<128xi32, #tpu.memory_space<vmem>>
              %dma_wait3A_297 = arith.constant 0 : i32
              %dma_wait3A_298 = arith.constant 0 : i32
              %dma_wait3A_299 = tpu.memref_slice %arg4[%dma_wait3A_297, %dma_wait3A_298] : memref<16416x128xf32, #tpu.memory_space<hbm>> -> memref<16416x128xf32, #tpu.memory_space<hbm>>
              tpu.wait_indirect_dma semaphore(%run_scoped3A_287 : memref<!tpu.dma_semaphore, #tpu.memory_space<semaphore_mem>>) src(%arg10 : memref<128x128xf32, #tpu.memory_space<vmem>>) dst(%dma_wait3A_299 : memref<16416x128xf32, #tpu.memory_space<hbm>>)
              tpu.yield
            }) : () -> ()
          } else {
          }
          scf.yield %add3A_279 : i32
        }
        %while3A_228 = arith.constant 1 : i32
        %while3A_229 = scf.for %while3A_230 = %while3A_225 to %while3A_221 step %while3A_228 iter_args(%while3A_231 = %while3A_227) -> (i32)  : i32 {
          %get3A_232 = arith.index_cast %while3A_230 : i32 to index
          %get3A_233 = tpu.vector_load %arg9[%get3A_232] {strides = array<i32>} : memref<32xi32, #tpu.memory_space<vmem>>, vector<16xi32>,
          %slice3A_234 = vector.extract_strided_slice %get3A_233 {offsets = [0], sizes = [1], strides = [1]} : vector<16xi32> to vector<1xi32>
          %squeeze3A_235 = vector.extract %slice3A_234[0] : i32 from vector<1xi32>
          %shift_right_arithmetic3A_236 = arith.constant 14 : i32
          %shift_right_arithmetic3A_237 = arith.shrsi %squeeze3A_235, %shift_right_arithmetic3A_236 : i32
          %and3A_238 = arith.constant 511 : i32
          %and3A_239 = arith.andi %shift_right_arithmetic3A_237, %and3A_238 : i32
          %and3A_240 = arith.constant 16383 : i32
          %and3A_241 = arith.andi %squeeze3A_235, %and3A_240 : i32
          %rem3A_242 = arith.constant 128 : i32
          %rem3A_243 = arith.remsi %while3A_231, %rem3A_242 : i32
          %add3A_244 = arith.constant 0 : i32
          %add3A_245 = vector.broadcast %add3A_244 : i32 to vector<16xi32>
          %add3A_246 = arith.addi %add3A_245, %iota3A : vector<16xi32>
          %broadcast_in_dim3A_247 = vector.broadcast %rem3A_197 : i32 to vector<16xi32>
          %broadcast_in_dim3A_248 = vector.broadcast %and3A_239 : i32 to vector<16xi32>
          %gather3A = tpu.vector_load_idx %arg7[%broadcast_in_dim3A_247, %add3A_246, %broadcast_in_dim3A_248] : memref<2x64x512xf32, #tpu.memory_space<vmem>>[vector<16xi32>, vector<16xi32>, vector<16xi32>], vector<16xf32>,
          %broadcast_in_dim3A_249 = vector.broadcast %rem3A_243 : i32 to vector<16xi32>
          tpu.vector_store_idx %arg10[%broadcast_in_dim3A_249, %add3A_246], %gather3A : memref<128x128xf32, #tpu.memory_space<vmem>>[vector<16xi32>, vector<16xi32>], vector<16xf32>,
          %add3A_250 = arith.constant 16 : i32
          %add3A_251 = vector.broadcast %add3A_250 : i32 to vector<16xi32>
          %add3A_252 = arith.addi %add3A_251, %iota3A : vector<16xi32>
          %broadcast_in_dim3A_253 = vector.broadcast %rem3A_197 : i32 to vector<16xi32>
          %broadcast_in_dim3A_254 = vector.broadcast %and3A_239 : i32 to vector<16xi32>
          %gather3A_255 = tpu.vector_load_idx %arg7[%broadcast_in_dim3A_253, %add3A_252, %broadcast_in_dim3A_254] : memref<2x64x512xf32, #tpu.memory_space<vmem>>[vector<16xi32>, vector<16xi32>, vector<16xi32>], vector<16xf32>,
          %broadcast_in_dim3A_256 = vector.broadcast %rem3A_243 : i32 to vector<16xi32>
          tpu.vector_store_idx %arg10[%broadcast_in_dim3A_256, %add3A_252], %gather3A_255 : memref<128x128xf32, #tpu.memory_space<vmem>>[vector<16xi32>, vector<16xi32>], vector<16xf32>,
          %add3A_257 = arith.constant 32 : i32
          %add3A_258 = vector.broadcast %add3A_257 : i32 to vector<16xi32>
          %add3A_259 = arith.addi %add3A_258, %iota3A : vector<16xi32>
          %broadcast_in_dim3A_260 = vector.broadcast %rem3A_197 : i32 to vector<16xi32>
          %broadcast_in_dim3A_261 = vector.broadcast %and3A_239 : i32 to vector<16xi32>
          %gather3A_262 = tpu.vector_load_idx %arg7[%broadcast_in_dim3A_260, %add3A_259, %broadcast_in_dim3A_261] : memref<2x64x512xf32, #tpu.memory_space<vmem>>[vector<16xi32>, vector<16xi32>, vector<16xi32>], vector<16xf32>,
          %broadcast_in_dim3A_263 = vector.broadcast %rem3A_243 : i32 to vector<16xi32>
          tpu.vector_store_idx %arg10[%broadcast_in_dim3A_263, %add3A_259], %gather3A_262 : memref<128x128xf32, #tpu.memory_space<vmem>>[vector<16xi32>, vector<16xi32>], vector<16xf32>,
          %add3A_264 = arith.constant 48 : i32
          %add3A_265 = vector.broadcast %add3A_264 : i32 to vector<16xi32>
          %add3A_266 = arith.addi %add3A_265, %iota3A : vector<16xi32>
          %broadcast_in_dim3A_267 = vector.broadcast %rem3A_197 : i32 to vector<16xi32>
          %broadcast_in_dim3A_268 = vector.broadcast %and3A_239 : i32 to vector<16xi32>
          %gather3A_269 = tpu.vector_load_idx %arg7[%broadcast_in_dim3A_267, %add3A_266, %broadcast_in_dim3A_268] : memref<2x64x512xf32, #tpu.memory_space<vmem>>[vector<16xi32>, vector<16xi32>, vector<16xi32>], vector<16xf32>,
          %broadcast_in_dim3A_270 = vector.broadcast %rem3A_243 : i32 to vector<16xi32>
          tpu.vector_store_idx %arg10[%broadcast_in_dim3A_270, %add3A_266], %gather3A_269 : memref<128x128xf32, #tpu.memory_space<vmem>>[vector<16xi32>, vector<16xi32>], vector<16xf32>,
          %broadcast_in_dim3A_271 = arith.constant 0 : i32
          %broadcast_in_dim3A_272 = vector.broadcast %broadcast_in_dim3A_271 : i32 to vector<16xi32>
          %broadcast_in_dim3A_273 = vector.broadcast %rem3A_243 : i32 to vector<16xi32>
          %broadcast_in_dim3A_274 = vector.broadcast %and3A_241 : i32 to vector<16xi32>
          %eq3A_275 = arith.constant 0 : i32
          %eq3A_276 = vector.broadcast %eq3A_275 : i32 to vector<16xi32>
          %eq3A_277 = arith.cmpi eq, %iota3A, %eq3A_276 : vector<16xi32>
          tpu.vector_store_idx %arg11[%broadcast_in_dim3A_272, %broadcast_in_dim3A_273], %broadcast_in_dim3A_274 masked %eq3A_277 : memref<1x128xi32, #tpu.memory_space<vmem>>[vector<16xi32>, vector<16xi32>], vector<16xi32>, vector<16xi1>
          %add3A_278 = arith.constant 1 : i32
          %add3A_279 = arith.addi %while3A_231, %add3A_278 : i32
          %rem3A_280 = arith.constant 128 : i32
          %rem3A_281 = arith.remsi %add3A_279, %rem3A_280 : i32
          %eq3A_282 = arith.constant 0 : i32
          %eq3A_283 = arith.cmpi eq, %rem3A_281, %eq3A_282 : i32
          %convert_element_type3A_284 = arith.extui %eq3A_283 : i1 to i32
          %cond3A_285 = arith.constant 0 : i32
          %cond3A_286 = arith.cmpi ne, %convert_element_type3A_284, %cond3A_285 : i32
          scf.if %cond3A_286 {
            %run_scoped3A = arith.constant 0 : i32
            "tpu.region"() ({
              %run_scoped3A_287 = tpu.sem_alloc : memref<!tpu.dma_semaphore, #tpu.memory_space<semaphore_mem>>
              %dma_start3A_288 = arith.constant 0 : i32
              %dma_start3A_289 = tpu.memref_slice %arg11[%run_scoped3A, %dma_start3A_288] : memref<1x128xi32, #tpu.memory_space<vmem>> -> memref<1x128xi32, #tpu.memory_space<vmem>>
              %dma_start3A_290 = tpu.memref_squeeze %dma_start3A_289 : memref<1x128xi32, #tpu.memory_space<vmem>> -> memref<128xi32, #tpu.memory_space<vmem>>
              %dma_start3A_291 = arith.constant 0 : i32
              %dma_start3A_292 = arith.constant 0 : i32
              %dma_start3A_293 = tpu.memref_slice %arg4[%dma_start3A_291, %dma_start3A_292] : memref<16416x128xf32, #tpu.memory_space<hbm>> -> memref<16416x128xf32, #tpu.memory_space<hbm>>
              tpu.enqueue_indirect_dma source(%arg10 : memref<128x128xf32, #tpu.memory_space<vmem>>) target(%dma_start3A_293 : memref<16416x128xf32, #tpu.memory_space<hbm>>) offsets(%dma_start3A_290 : memref<128xi32, #tpu.memory_space<vmem>>) semaphore(%run_scoped3A_287 : memref<!tpu.dma_semaphore, #tpu.memory_space<semaphore_mem>>)
              %dma_wait3A_294 = arith.constant 0 : i32
              %dma_wait3A_295 = tpu.memref_slice %arg11[%run_scoped3A, %dma_wait3A_294] : memref<1x128xi32, #tpu.memory_space<vmem>> -> memref<1x128xi32, #tpu.memory_space<vmem>>
              %dma_wait3A_296 = tpu.memref_squeeze %dma_wait3A_295 : memref<1x128xi32, #tpu.memory_space<vmem>> -> memref<128xi32, #tpu.memory_space<vmem>>
              %dma_wait3A_297 = arith.constant 0 : i32
              %dma_wait3A_298 = arith.constant 0 : i32
              %dma_wait3A_299 = tpu.memref_slice %arg4[%dma_wait3A_297, %dma_wait3A_298] : memref<16416x128xf32, #tpu.memory_space<hbm>> -> memref<16416x128xf32, #tpu.memory_space<hbm>>
              tpu.wait_indirect_dma semaphore(%run_scoped3A_287 : memref<!tpu.dma_semaphore, #tpu.memory_space<semaphore_mem>>) src(%arg10 : memref<128x128xf32, #tpu.memory_space<vmem>>) dst(%dma_wait3A_299 : memref<16416x128xf32, #tpu.memory_space<hbm>>)
              tpu.yield
            }) : () -> ()
          } else {
          }
          scf.yield %add3A_279 : i32
        }
        scf.yield %while3A_229 : i32
      }
      scf.yield %while3A_208 : i32
    }
    %while3A_152 = arith.constant 1 : i32
    %while3A_153 = scf.for %while3A_170 = %while3A_149 to %while3A_145 step %while3A_152 iter_args(%while3A_171 = %while3A_151) -> (i32)  : i32 {
      %add3A_172 = arith.constant 1 : i32
      %add3A_173 = arith.addi %while3A_170, %add3A_172 : i32
      %lt3A = arith.cmpi slt, %add3A_173, %add3A_20 : i32
      %convert_element_type3A_174 = arith.extui %lt3A : i1 to i32
      %cond3A_175 = arith.constant 0 : i32
      %cond3A_176 = arith.cmpi ne, %convert_element_type3A_174, %cond3A_175 : i32
      scf.if %cond3A_176 {
        %add3A_209 = arith.constant 1 : i32
        %add3A_210 = arith.addi %while3A_170, %add3A_209 : i32
        %mul3A_211 = arith.constant 32 : i32
        %mul3A_212 = arith.muli %add3A_210, %mul3A_211 : i32
        %add3A_213 = arith.addi %add3A, %mul3A_212 : i32
        %mul3A_214 = arith.constant 512 : i32
        %mul3A_215 = arith.muli %add3A_213, %mul3A_214 : i32
        %multiple_of3A_216 = tpu.assume_multiple %mul3A_215, 512 : i32
        %add3A_217 = arith.constant 1 : i32
        %add3A_218 = arith.addi %while3A_170, %add3A_217 : i32
        %rem3A_219 = arith.constant 2 : i32
        %rem3A_220 = arith.remsi %add3A_218, %rem3A_219 : i32
        %dma_start3A_221 = arith.constant 0 : i32
        %dma_start3A_222 = arith.constant 0 : i32
        %dma_start3A_223 = tpu.memref_slice %arg7[%rem3A_220, %dma_start3A_221, %dma_start3A_222] : memref<2x64x512xf32, #tpu.memory_space<vmem>> -> memref<1x64x512xf32, #tpu.memory_space<vmem>>
        %dma_start3A_224 = tpu.memref_squeeze %dma_start3A_223 : memref<1x64x512xf32, #tpu.memory_space<vmem>> -> memref<64x512xf32, #tpu.memory_space<vmem>>
        %dma_start3A_225 = arith.constant 0 : i32
        %dma_start3A_226 = tpu.memref_slice %arg3[%dma_start3A_225, %multiple_of3A_216] : memref<64x1000000xf32, #tpu.memory_space<hbm>> -> memref<64x512xf32, #tpu.memory_space<hbm>>
        %dma_start3A_227 = arith.constant 0 : i32
        %dma_start3A_228 = arith.constant 0 : i32
        %dma_start3A_229 = tpu.memref_slice %arg7[%rem3A_220, %dma_start3A_227, %dma_start3A_228] : memref<2x64x512xf32, #tpu.memory_space<vmem>> -> memref<1x64x512xf32, #tpu.memory_space<vmem>>
        %dma_start3A_230 = tpu.memref_squeeze %dma_start3A_229 : memref<1x64x512xf32, #tpu.memory_space<vmem>> -> memref<64x512xf32, #tpu.memory_space<vmem>>
        %dma_start3A_231 = arith.constant 0 : i32
        %dma_start3A_232 = tpu.memref_slice %arg3[%dma_start3A_231, %multiple_of3A_216] : memref<64x1000000xf32, #tpu.memory_space<hbm>> -> memref<64x512xf32, #tpu.memory_space<hbm>>
        tpu.enqueue_dma source(%dma_start3A_232 : memref<64x512xf32, #tpu.memory_space<hbm>>) target(%dma_start3A_230 : memref<64x512xf32, #tpu.memory_space<vmem>>) target_semaphore(%arg12 : memref<!tpu.dma_semaphore, #tpu.memory_space<semaphore_mem>>)
      } else {
      }
      %mul3A_177 = arith.constant 32 : i32
      %mul3A_178 = arith.muli %while3A_170, %mul3A_177 : i32
      %add3A_179 = arith.addi %add3A, %mul3A_178 : i32
      %mul3A_180 = arith.constant 512 : i32
      %mul3A_181 = arith.muli %add3A_179, %mul3A_180 : i32
      %multiple_of3A_182 = tpu.assume_multiple %mul3A_181, 512 : i32
      %rem3A_183 = arith.constant 2 : i32
      %rem3A_184 = arith.remsi %while3A_170, %rem3A_183 : i32
      %dma_wait3A = arith.constant 0 : i32
      %dma_wait3A_185 = arith.constant 0 : i32
      %dma_wait3A_186 = tpu.memref_slice %arg7[%rem3A_184, %dma_wait3A, %dma_wait3A_185] : memref<2x64x512xf32, #tpu.memory_space<vmem>> -> memref<1x64x512xf32, #tpu.memory_space<vmem>>
      %dma_wait3A_187 = tpu.memref_squeeze %dma_wait3A_186 : memref<1x64x512xf32, #tpu.memory_space<vmem>> -> memref<64x512xf32, #tpu.memory_space<vmem>>
      %dma_wait3A_188 = arith.constant 0 : i32
      %dma_wait3A_189 = tpu.memref_slice %arg3[%dma_wait3A_188, %multiple_of3A_182] : memref<64x1000000xf32, #tpu.memory_space<hbm>> -> memref<64x512xf32, #tpu.memory_space<hbm>>
      %dma_wait3A_190 = arith.constant 0 : i32
      %dma_wait3A_191 = arith.constant 0 : i32
      %dma_wait3A_192 = tpu.memref_slice %arg7[%rem3A_184, %dma_wait3A_190, %dma_wait3A_191] : memref<2x64x512xf32, #tpu.memory_space<vmem>> -> memref<1x64x512xf32, #tpu.memory_space<vmem>>
      %dma_wait3A_193 = tpu.memref_squeeze %dma_wait3A_192 : memref<1x64x512xf32, #tpu.memory_space<vmem>> -> memref<64x512xf32, #tpu.memory_space<vmem>>
      %dma_wait3A_194 = arith.constant 0 : i32
      %dma_wait3A_195 = tpu.memref_slice %arg3[%dma_wait3A_194, %multiple_of3A_182] : memref<64x1000000xf32, #tpu.memory_space<hbm>> -> memref<64x512xf32, #tpu.memory_space<hbm>>
      tpu.wait_dma2 semaphore(%arg12 : memref<!tpu.dma_semaphore, #tpu.memory_space<semaphore_mem>>) src(%dma_wait3A_195 : memref<64x512xf32, #tpu.memory_space<hbm>>) dst(%dma_wait3A_193 : memref<64x512xf32, #tpu.memory_space<vmem>>)
      %rem3A_196 = arith.constant 2 : i32
      %rem3A_197 = arith.remsi %while3A_170, %rem3A_196 : i32
      %while3A_198 = arith.constant 0 : i32
      %while3A_199 = arith.subi %select_n3A_126, %while3A_198 : i32
      %while3A_200 = arith.addi %while3A_198, %while3A_199 : i32
      %while3A_201 = arith.constant 1 : i32
      %while3A_202 = arith.divsi %while3A_199, %while3A_201 : i32
      %while3A_203 = arith.muli %while3A_202, %while3A_201 : i32
      %while3A_204 = arith.addi %while3A_198, %while3A_203 : i32
      %while3A_205 = arith.constant 1 : i32
      %while3A_206 = scf.for %while3A_209 = %while3A_198 to %while3A_204 step %while3A_205 iter_args(%while3A_210 = %while3A_171) -> (i32)  : i32 {
        %mul3A_211 = arith.constant 16 : i32
        %mul3A_212 = arith.muli %while3A_209, %mul3A_211 : i32
        %get3A = arith.index_cast %mul3A_212 : i32 to index
        %get3A_213 = tpu.vector_load %arg6[%get3A] {strides = array<i32>} : memref<16400xi32, #tpu.memory_space<vmem>>, vector<16xi32>,
        %shift_right_arithmetic3A = arith.constant 23 : i32
        %shift_right_arithmetic3A_214 = vector.broadcast %shift_right_arithmetic3A : i32 to vector<16xi32>
        %shift_right_arithmetic3A_215 = arith.shrsi %get3A_213, %shift_right_arithmetic3A_214 : vector<16xi32>
        %eq3A = vector.broadcast %while3A_170 : i32 to vector<16xi32>
        %eq3A_216 = arith.cmpi eq, %shift_right_arithmetic3A_215, %eq3A : vector<16xi32>
        %swap3A_217 = arith.constant 0 : index
        %swap3A_218 = tpu.vector_load %arg9[%swap3A_217] masked %eq3A_216 {strides = array<i32>} : memref<32xi32, #tpu.memory_space<vmem>>, vector<16xi32>, vector<16xi1>
        tpu.vector_store %arg9[%swap3A_217], %get3A_213 masked %eq3A_216 {strides = array<i32>} : memref<32xi32, #tpu.memory_space<vmem>>, vector<16xi32>, vector<16xi1>
        %all_reduce_population_count3A = tpu.all_reduce %eq3A_216 {dim = 0 : i64, kind = #tpu.reduction_kind<sum>} : vector<16xi1> -> vector<16xi32>
        %slice3A = vector.extract_strided_slice %all_reduce_population_count3A {offsets = [0], sizes = [1], strides = [1]} : vector<16xi32> to vector<1xi32>
        %squeeze3A = vector.extract %slice3A[0] : i32 from vector<1xi32>
        %while3A_219 = arith.constant 0 : i32
        %while3A_220 = arith.subi %squeeze3A, %while3A_219 : i32
        %while3A_221 = arith.addi %while3A_219, %while3A_220 : i32
        %while3A_222 = arith.constant 1 : i32
        %while3A_223 = arith.divsi %while3A_220, %while3A_222 : i32
        %while3A_224 = arith.muli %while3A_223, %while3A_222 : i32
        %while3A_225 = arith.addi %while3A_219, %while3A_224 : i32
        %while3A_226 = arith.constant 1 : i32
        %while3A_227 = scf.for %while3A_230 = %while3A_219 to %while3A_225 step %while3A_226 iter_args(%while3A_231 = %while3A_210) -> (i32)  : i32 {
          %get3A_232 = arith.index_cast %while3A_230 : i32 to index
          %get3A_233 = tpu.vector_load %arg9[%get3A_232] {strides = array<i32>} : memref<32xi32, #tpu.memory_space<vmem>>, vector<16xi32>,
          %slice3A_234 = vector.extract_strided_slice %get3A_233 {offsets = [0], sizes = [1], strides = [1]} : vector<16xi32> to vector<1xi32>
          %squeeze3A_235 = vector.extract %slice3A_234[0] : i32 from vector<1xi32>
          %shift_right_arithmetic3A_236 = arith.constant 14 : i32
          %shift_right_arithmetic3A_237 = arith.shrsi %squeeze3A_235, %shift_right_arithmetic3A_236 : i32
          %and3A_238 = arith.constant 511 : i32
          %and3A_239 = arith.andi %shift_right_arithmetic3A_237, %and3A_238 : i32
          %and3A_240 = arith.constant 16383 : i32
          %and3A_241 = arith.andi %squeeze3A_235, %and3A_240 : i32
          %rem3A_242 = arith.constant 128 : i32
          %rem3A_243 = arith.remsi %while3A_231, %rem3A_242 : i32
          %add3A_244 = arith.constant 0 : i32
          %add3A_245 = vector.broadcast %add3A_244 : i32 to vector<16xi32>
          %add3A_246 = arith.addi %add3A_245, %iota3A : vector<16xi32>
          %broadcast_in_dim3A_247 = vector.broadcast %rem3A_197 : i32 to vector<16xi32>
          %broadcast_in_dim3A_248 = vector.broadcast %and3A_239 : i32 to vector<16xi32>
          %gather3A = tpu.vector_load_idx %arg7[%broadcast_in_dim3A_247, %add3A_246, %broadcast_in_dim3A_248] : memref<2x64x512xf32, #tpu.memory_space<vmem>>[vector<16xi32>, vector<16xi32>, vector<16xi32>], vector<16xf32>,
          %broadcast_in_dim3A_249 = vector.broadcast %rem3A_243 : i32 to vector<16xi32>
          tpu.vector_store_idx %arg10[%broadcast_in_dim3A_249, %add3A_246], %gather3A : memref<128x128xf32, #tpu.memory_space<vmem>>[vector<16xi32>, vector<16xi32>], vector<16xf32>,
          %add3A_250 = arith.constant 16 : i32
          %add3A_251 = vector.broadcast %add3A_250 : i32 to vector<16xi32>
          %add3A_252 = arith.addi %add3A_251, %iota3A : vector<16xi32>
          %broadcast_in_dim3A_253 = vector.broadcast %rem3A_197 : i32 to vector<16xi32>
          %broadcast_in_dim3A_254 = vector.broadcast %and3A_239 : i32 to vector<16xi32>
          %gather3A_255 = tpu.vector_load_idx %arg7[%broadcast_in_dim3A_253, %add3A_252, %broadcast_in_dim3A_254] : memref<2x64x512xf32, #tpu.memory_space<vmem>>[vector<16xi32>, vector<16xi32>, vector<16xi32>], vector<16xf32>,
          %broadcast_in_dim3A_256 = vector.broadcast %rem3A_243 : i32 to vector<16xi32>
          tpu.vector_store_idx %arg10[%broadcast_in_dim3A_256, %add3A_252], %gather3A_255 : memref<128x128xf32, #tpu.memory_space<vmem>>[vector<16xi32>, vector<16xi32>], vector<16xf32>,
          %add3A_257 = arith.constant 32 : i32
          %add3A_258 = vector.broadcast %add3A_257 : i32 to vector<16xi32>
          %add3A_259 = arith.addi %add3A_258, %iota3A : vector<16xi32>
          %broadcast_in_dim3A_260 = vector.broadcast %rem3A_197 : i32 to vector<16xi32>
          %broadcast_in_dim3A_261 = vector.broadcast %and3A_239 : i32 to vector<16xi32>
          %gather3A_262 = tpu.vector_load_idx %arg7[%broadcast_in_dim3A_260, %add3A_259, %broadcast_in_dim3A_261] : memref<2x64x512xf32, #tpu.memory_space<vmem>>[vector<16xi32>, vector<16xi32>, vector<16xi32>], vector<16xf32>,
          %broadcast_in_dim3A_263 = vector.broadcast %rem3A_243 : i32 to vector<16xi32>
          tpu.vector_store_idx %arg10[%broadcast_in_dim3A_263, %add3A_259], %gather3A_262 : memref<128x128xf32, #tpu.memory_space<vmem>>[vector<16xi32>, vector<16xi32>], vector<16xf32>,
          %add3A_264 = arith.constant 48 : i32
          %add3A_265 = vector.broadcast %add3A_264 : i32 to vector<16xi32>
          %add3A_266 = arith.addi %add3A_265, %iota3A : vector<16xi32>
          %broadcast_in_dim3A_267 = vector.broadcast %rem3A_197 : i32 to vector<16xi32>
          %broadcast_in_dim3A_268 = vector.broadcast %and3A_239 : i32 to vector<16xi32>
          %gather3A_269 = tpu.vector_load_idx %arg7[%broadcast_in_dim3A_267, %add3A_266, %broadcast_in_dim3A_268] : memref<2x64x512xf32, #tpu.memory_space<vmem>>[vector<16xi32>, vector<16xi32>, vector<16xi32>], vector<16xf32>,
          %broadcast_in_dim3A_270 = vector.broadcast %rem3A_243 : i32 to vector<16xi32>
          tpu.vector_store_idx %arg10[%broadcast_in_dim3A_270, %add3A_266], %gather3A_269 : memref<128x128xf32, #tpu.memory_space<vmem>>[vector<16xi32>, vector<16xi32>], vector<16xf32>,
          %broadcast_in_dim3A_271 = arith.constant 0 : i32
          %broadcast_in_dim3A_272 = vector.broadcast %broadcast_in_dim3A_271 : i32 to vector<16xi32>
          %broadcast_in_dim3A_273 = vector.broadcast %rem3A_243 : i32 to vector<16xi32>
          %broadcast_in_dim3A_274 = vector.broadcast %and3A_241 : i32 to vector<16xi32>
          %eq3A_275 = arith.constant 0 : i32
          %eq3A_276 = vector.broadcast %eq3A_275 : i32 to vector<16xi32>
          %eq3A_277 = arith.cmpi eq, %iota3A, %eq3A_276 : vector<16xi32>
          tpu.vector_store_idx %arg11[%broadcast_in_dim3A_272, %broadcast_in_dim3A_273], %broadcast_in_dim3A_274 masked %eq3A_277 : memref<1x128xi32, #tpu.memory_space<vmem>>[vector<16xi32>, vector<16xi32>], vector<16xi32>, vector<16xi1>
          %add3A_278 = arith.constant 1 : i32
          %add3A_279 = arith.addi %while3A_231, %add3A_278 : i32
          %rem3A_280 = arith.constant 128 : i32
          %rem3A_281 = arith.remsi %add3A_279, %rem3A_280 : i32
          %eq3A_282 = arith.constant 0 : i32
          %eq3A_283 = arith.cmpi eq, %rem3A_281, %eq3A_282 : i32
          %convert_element_type3A_284 = arith.extui %eq3A_283 : i1 to i32
          %cond3A_285 = arith.constant 0 : i32
          %cond3A_286 = arith.cmpi ne, %convert_element_type3A_284, %cond3A_285 : i32
          scf.if %cond3A_286 {
            %run_scoped3A = arith.constant 0 : i32
            "tpu.region"() ({
              %run_scoped3A_287 = tpu.sem_alloc : memref<!tpu.dma_semaphore, #tpu.memory_space<semaphore_mem>>
              %dma_start3A_288 = arith.constant 0 : i32
              %dma_start3A_289 = tpu.memref_slice %arg11[%run_scoped3A, %dma_start3A_288] : memref<1x128xi32, #tpu.memory_space<vmem>> -> memref<1x128xi32, #tpu.memory_space<vmem>>
              %dma_start3A_290 = tpu.memref_squeeze %dma_start3A_289 : memref<1x128xi32, #tpu.memory_space<vmem>> -> memref<128xi32, #tpu.memory_space<vmem>>
              %dma_start3A_291 = arith.constant 0 : i32
              %dma_start3A_292 = arith.constant 0 : i32
              %dma_start3A_293 = tpu.memref_slice %arg4[%dma_start3A_291, %dma_start3A_292] : memref<16416x128xf32, #tpu.memory_space<hbm>> -> memref<16416x128xf32, #tpu.memory_space<hbm>>
              tpu.enqueue_indirect_dma source(%arg10 : memref<128x128xf32, #tpu.memory_space<vmem>>) target(%dma_start3A_293 : memref<16416x128xf32, #tpu.memory_space<hbm>>) offsets(%dma_start3A_290 : memref<128xi32, #tpu.memory_space<vmem>>) semaphore(%run_scoped3A_287 : memref<!tpu.dma_semaphore, #tpu.memory_space<semaphore_mem>>)
              %dma_wait3A_294 = arith.constant 0 : i32
              %dma_wait3A_295 = tpu.memref_slice %arg11[%run_scoped3A, %dma_wait3A_294] : memref<1x128xi32, #tpu.memory_space<vmem>> -> memref<1x128xi32, #tpu.memory_space<vmem>>
              %dma_wait3A_296 = tpu.memref_squeeze %dma_wait3A_295 : memref<1x128xi32, #tpu.memory_space<vmem>> -> memref<128xi32, #tpu.memory_space<vmem>>
              %dma_wait3A_297 = arith.constant 0 : i32
              %dma_wait3A_298 = arith.constant 0 : i32
              %dma_wait3A_299 = tpu.memref_slice %arg4[%dma_wait3A_297, %dma_wait3A_298] : memref<16416x128xf32, #tpu.memory_space<hbm>> -> memref<16416x128xf32, #tpu.memory_space<hbm>>
              tpu.wait_indirect_dma semaphore(%run_scoped3A_287 : memref<!tpu.dma_semaphore, #tpu.memory_space<semaphore_mem>>) src(%arg10 : memref<128x128xf32, #tpu.memory_space<vmem>>) dst(%dma_wait3A_299 : memref<16416x128xf32, #tpu.memory_space<hbm>>)
              tpu.yield
            }) : () -> ()
          } else {
          }
          scf.yield %add3A_279 : i32
        }
        %while3A_228 = arith.constant 1 : i32
        %while3A_229 = scf.for %while3A_230 = %while3A_225 to %while3A_221 step %while3A_228 iter_args(%while3A_231 = %while3A_227) -> (i32)  : i32 {
          %get3A_232 = arith.index_cast %while3A_230 : i32 to index
          %get3A_233 = tpu.vector_load %arg9[%get3A_232] {strides = array<i32>} : memref<32xi32, #tpu.memory_space<vmem>>, vector<16xi32>,
          %slice3A_234 = vector.extract_strided_slice %get3A_233 {offsets = [0], sizes = [1], strides = [1]} : vector<16xi32> to vector<1xi32>
          %squeeze3A_235 = vector.extract %slice3A_234[0] : i32 from vector<1xi32>
          %shift_right_arithmetic3A_236 = arith.constant 14 : i32
          %shift_right_arithmetic3A_237 = arith.shrsi %squeeze3A_235, %shift_right_arithmetic3A_236 : i32
          %and3A_238 = arith.constant 511 : i32
          %and3A_239 = arith.andi %shift_right_arithmetic3A_237, %and3A_238 : i32
          %and3A_240 = arith.constant 16383 : i32
          %and3A_241 = arith.andi %squeeze3A_235, %and3A_240 : i32
          %rem3A_242 = arith.constant 128 : i32
          %rem3A_243 = arith.remsi %while3A_231, %rem3A_242 : i32
          %add3A_244 = arith.constant 0 : i32
          %add3A_245 = vector.broadcast %add3A_244 : i32 to vector<16xi32>
          %add3A_246 = arith.addi %add3A_245, %iota3A : vector<16xi32>
          %broadcast_in_dim3A_247 = vector.broadcast %rem3A_197 : i32 to vector<16xi32>
          %broadcast_in_dim3A_248 = vector.broadcast %and3A_239 : i32 to vector<16xi32>
          %gather3A = tpu.vector_load_idx %arg7[%broadcast_in_dim3A_247, %add3A_246, %broadcast_in_dim3A_248] : memref<2x64x512xf32, #tpu.memory_space<vmem>>[vector<16xi32>, vector<16xi32>, vector<16xi32>], vector<16xf32>,
          %broadcast_in_dim3A_249 = vector.broadcast %rem3A_243 : i32 to vector<16xi32>
          tpu.vector_store_idx %arg10[%broadcast_in_dim3A_249, %add3A_246], %gather3A : memref<128x128xf32, #tpu.memory_space<vmem>>[vector<16xi32>, vector<16xi32>], vector<16xf32>,
          %add3A_250 = arith.constant 16 : i32
          %add3A_251 = vector.broadcast %add3A_250 : i32 to vector<16xi32>
          %add3A_252 = arith.addi %add3A_251, %iota3A : vector<16xi32>
          %broadcast_in_dim3A_253 = vector.broadcast %rem3A_197 : i32 to vector<16xi32>
          %broadcast_in_dim3A_254 = vector.broadcast %and3A_239 : i32 to vector<16xi32>
          %gather3A_255 = tpu.vector_load_idx %arg7[%broadcast_in_dim3A_253, %add3A_252, %broadcast_in_dim3A_254] : memref<2x64x512xf32, #tpu.memory_space<vmem>>[vector<16xi32>, vector<16xi32>, vector<16xi32>], vector<16xf32>,
          %broadcast_in_dim3A_256 = vector.broadcast %rem3A_243 : i32 to vector<16xi32>
          tpu.vector_store_idx %arg10[%broadcast_in_dim3A_256, %add3A_252], %gather3A_255 : memref<128x128xf32, #tpu.memory_space<vmem>>[vector<16xi32>, vector<16xi32>], vector<16xf32>,
          %add3A_257 = arith.constant 32 : i32
          %add3A_258 = vector.broadcast %add3A_257 : i32 to vector<16xi32>
          %add3A_259 = arith.addi %add3A_258, %iota3A : vector<16xi32>
          %broadcast_in_dim3A_260 = vector.broadcast %rem3A_197 : i32 to vector<16xi32>
          %broadcast_in_dim3A_261 = vector.broadcast %and3A_239 : i32 to vector<16xi32>
          %gather3A_262 = tpu.vector_load_idx %arg7[%broadcast_in_dim3A_260, %add3A_259, %broadcast_in_dim3A_261] : memref<2x64x512xf32, #tpu.memory_space<vmem>>[vector<16xi32>, vector<16xi32>, vector<16xi32>], vector<16xf32>,
          %broadcast_in_dim3A_263 = vector.broadcast %rem3A_243 : i32 to vector<16xi32>
          tpu.vector_store_idx %arg10[%broadcast_in_dim3A_263, %add3A_259], %gather3A_262 : memref<128x128xf32, #tpu.memory_space<vmem>>[vector<16xi32>, vector<16xi32>], vector<16xf32>,
          %add3A_264 = arith.constant 48 : i32
          %add3A_265 = vector.broadcast %add3A_264 : i32 to vector<16xi32>
          %add3A_266 = arith.addi %add3A_265, %iota3A : vector<16xi32>
          %broadcast_in_dim3A_267 = vector.broadcast %rem3A_197 : i32 to vector<16xi32>
          %broadcast_in_dim3A_268 = vector.broadcast %and3A_239 : i32 to vector<16xi32>
          %gather3A_269 = tpu.vector_load_idx %arg7[%broadcast_in_dim3A_267, %add3A_266, %broadcast_in_dim3A_268] : memref<2x64x512xf32, #tpu.memory_space<vmem>>[vector<16xi32>, vector<16xi32>, vector<16xi32>], vector<16xf32>,
          %broadcast_in_dim3A_270 = vector.broadcast %rem3A_243 : i32 to vector<16xi32>
          tpu.vector_store_idx %arg10[%broadcast_in_dim3A_270, %add3A_266], %gather3A_269 : memref<128x128xf32, #tpu.memory_space<vmem>>[vector<16xi32>, vector<16xi32>], vector<16xf32>,
          %broadcast_in_dim3A_271 = arith.constant 0 : i32
          %broadcast_in_dim3A_272 = vector.broadcast %broadcast_in_dim3A_271 : i32 to vector<16xi32>
          %broadcast_in_dim3A_273 = vector.broadcast %rem3A_243 : i32 to vector<16xi32>
          %broadcast_in_dim3A_274 = vector.broadcast %and3A_241 : i32 to vector<16xi32>
          %eq3A_275 = arith.constant 0 : i32
          %eq3A_276 = vector.broadcast %eq3A_275 : i32 to vector<16xi32>
          %eq3A_277 = arith.cmpi eq, %iota3A, %eq3A_276 : vector<16xi32>
          tpu.vector_store_idx %arg11[%broadcast_in_dim3A_272, %broadcast_in_dim3A_273], %broadcast_in_dim3A_274 masked %eq3A_277 : memref<1x128xi32, #tpu.memory_space<vmem>>[vector<16xi32>, vector<16xi32>], vector<16xi32>, vector<16xi1>
          %add3A_278 = arith.constant 1 : i32
          %add3A_279 = arith.addi %while3A_231, %add3A_278 : i32
          %rem3A_280 = arith.constant 128 : i32
          %rem3A_281 = arith.remsi %add3A_279, %rem3A_280 : i32
          %eq3A_282 = arith.constant 0 : i32
          %eq3A_283 = arith.cmpi eq, %rem3A_281, %eq3A_282 : i32
          %convert_element_type3A_284 = arith.extui %eq3A_283 : i1 to i32
          %cond3A_285 = arith.constant 0 : i32
          %cond3A_286 = arith.cmpi ne, %convert_element_type3A_284, %cond3A_285 : i32
          scf.if %cond3A_286 {
            %run_scoped3A = arith.constant 0 : i32
            "tpu.region"() ({
              %run_scoped3A_287 = tpu.sem_alloc : memref<!tpu.dma_semaphore, #tpu.memory_space<semaphore_mem>>
              %dma_start3A_288 = arith.constant 0 : i32
              %dma_start3A_289 = tpu.memref_slice %arg11[%run_scoped3A, %dma_start3A_288] : memref<1x128xi32, #tpu.memory_space<vmem>> -> memref<1x128xi32, #tpu.memory_space<vmem>>
              %dma_start3A_290 = tpu.memref_squeeze %dma_start3A_289 : memref<1x128xi32, #tpu.memory_space<vmem>> -> memref<128xi32, #tpu.memory_space<vmem>>
              %dma_start3A_291 = arith.constant 0 : i32
              %dma_start3A_292 = arith.constant 0 : i32
              %dma_start3A_293 = tpu.memref_slice %arg4[%dma_start3A_291, %dma_start3A_292] : memref<16416x128xf32, #tpu.memory_space<hbm>> -> memref<16416x128xf32, #tpu.memory_space<hbm>>
              tpu.enqueue_indirect_dma source(%arg10 : memref<128x128xf32, #tpu.memory_space<vmem>>) target(%dma_start3A_293 : memref<16416x128xf32, #tpu.memory_space<hbm>>) offsets(%dma_start3A_290 : memref<128xi32, #tpu.memory_space<vmem>>) semaphore(%run_scoped3A_287 : memref<!tpu.dma_semaphore, #tpu.memory_space<semaphore_mem>>)
              %dma_wait3A_294 = arith.constant 0 : i32
              %dma_wait3A_295 = tpu.memref_slice %arg11[%run_scoped3A, %dma_wait3A_294] : memref<1x128xi32, #tpu.memory_space<vmem>> -> memref<1x128xi32, #tpu.memory_space<vmem>>
              %dma_wait3A_296 = tpu.memref_squeeze %dma_wait3A_295 : memref<1x128xi32, #tpu.memory_space<vmem>> -> memref<128xi32, #tpu.memory_space<vmem>>
              %dma_wait3A_297 = arith.constant 0 : i32
              %dma_wait3A_298 = arith.constant 0 : i32
              %dma_wait3A_299 = tpu.memref_slice %arg4[%dma_wait3A_297, %dma_wait3A_298] : memref<16416x128xf32, #tpu.memory_space<hbm>> -> memref<16416x128xf32, #tpu.memory_space<hbm>>
              tpu.wait_indirect_dma semaphore(%run_scoped3A_287 : memref<!tpu.dma_semaphore, #tpu.memory_space<semaphore_mem>>) src(%arg10 : memref<128x128xf32, #tpu.memory_space<vmem>>) dst(%dma_wait3A_299 : memref<16416x128xf32, #tpu.memory_space<hbm>>)
              tpu.yield
            }) : () -> ()
          } else {
          }
          scf.yield %add3A_279 : i32
        }
        scf.yield %while3A_229 : i32
      }
      %while3A_207 = arith.constant 1 : i32
      %while3A_208 = scf.for %while3A_209 = %while3A_204 to %while3A_200 step %while3A_207 iter_args(%while3A_210 = %while3A_206) -> (i32)  : i32 {
        %mul3A_211 = arith.constant 16 : i32
        %mul3A_212 = arith.muli %while3A_209, %mul3A_211 : i32
        %get3A = arith.index_cast %mul3A_212 : i32 to index
        %get3A_213 = tpu.vector_load %arg6[%get3A] {strides = array<i32>} : memref<16400xi32, #tpu.memory_space<vmem>>, vector<16xi32>,
        %shift_right_arithmetic3A = arith.constant 23 : i32
        %shift_right_arithmetic3A_214 = vector.broadcast %shift_right_arithmetic3A : i32 to vector<16xi32>
        %shift_right_arithmetic3A_215 = arith.shrsi %get3A_213, %shift_right_arithmetic3A_214 : vector<16xi32>
        %eq3A = vector.broadcast %while3A_170 : i32 to vector<16xi32>
        %eq3A_216 = arith.cmpi eq, %shift_right_arithmetic3A_215, %eq3A : vector<16xi32>
        %swap3A_217 = arith.constant 0 : index
        %swap3A_218 = tpu.vector_load %arg9[%swap3A_217] masked %eq3A_216 {strides = array<i32>} : memref<32xi32, #tpu.memory_space<vmem>>, vector<16xi32>, vector<16xi1>
        tpu.vector_store %arg9[%swap3A_217], %get3A_213 masked %eq3A_216 {strides = array<i32>} : memref<32xi32, #tpu.memory_space<vmem>>, vector<16xi32>, vector<16xi1>
        %all_reduce_population_count3A = tpu.all_reduce %eq3A_216 {dim = 0 : i64, kind = #tpu.reduction_kind<sum>} : vector<16xi1> -> vector<16xi32>
        %slice3A = vector.extract_strided_slice %all_reduce_population_count3A {offsets = [0], sizes = [1], strides = [1]} : vector<16xi32> to vector<1xi32>
        %squeeze3A = vector.extract %slice3A[0] : i32 from vector<1xi32>
        %while3A_219 = arith.constant 0 : i32
        %while3A_220 = arith.subi %squeeze3A, %while3A_219 : i32
        %while3A_221 = arith.addi %while3A_219, %while3A_220 : i32
        %while3A_222 = arith.constant 1 : i32
        %while3A_223 = arith.divsi %while3A_220, %while3A_222 : i32
        %while3A_224 = arith.muli %while3A_223, %while3A_222 : i32
        %while3A_225 = arith.addi %while3A_219, %while3A_224 : i32
        %while3A_226 = arith.constant 1 : i32
        %while3A_227 = scf.for %while3A_230 = %while3A_219 to %while3A_225 step %while3A_226 iter_args(%while3A_231 = %while3A_210) -> (i32)  : i32 {
          %get3A_232 = arith.index_cast %while3A_230 : i32 to index
          %get3A_233 = tpu.vector_load %arg9[%get3A_232] {strides = array<i32>} : memref<32xi32, #tpu.memory_space<vmem>>, vector<16xi32>,
          %slice3A_234 = vector.extract_strided_slice %get3A_233 {offsets = [0], sizes = [1], strides = [1]} : vector<16xi32> to vector<1xi32>
          %squeeze3A_235 = vector.extract %slice3A_234[0] : i32 from vector<1xi32>
          %shift_right_arithmetic3A_236 = arith.constant 14 : i32
          %shift_right_arithmetic3A_237 = arith.shrsi %squeeze3A_235, %shift_right_arithmetic3A_236 : i32
          %and3A_238 = arith.constant 511 : i32
          %and3A_239 = arith.andi %shift_right_arithmetic3A_237, %and3A_238 : i32
          %and3A_240 = arith.constant 16383 : i32
          %and3A_241 = arith.andi %squeeze3A_235, %and3A_240 : i32
          %rem3A_242 = arith.constant 128 : i32
          %rem3A_243 = arith.remsi %while3A_231, %rem3A_242 : i32
          %add3A_244 = arith.constant 0 : i32
          %add3A_245 = vector.broadcast %add3A_244 : i32 to vector<16xi32>
          %add3A_246 = arith.addi %add3A_245, %iota3A : vector<16xi32>
          %broadcast_in_dim3A_247 = vector.broadcast %rem3A_197 : i32 to vector<16xi32>
          %broadcast_in_dim3A_248 = vector.broadcast %and3A_239 : i32 to vector<16xi32>
          %gather3A = tpu.vector_load_idx %arg7[%broadcast_in_dim3A_247, %add3A_246, %broadcast_in_dim3A_248] : memref<2x64x512xf32, #tpu.memory_space<vmem>>[vector<16xi32>, vector<16xi32>, vector<16xi32>], vector<16xf32>,
          %broadcast_in_dim3A_249 = vector.broadcast %rem3A_243 : i32 to vector<16xi32>
          tpu.vector_store_idx %arg10[%broadcast_in_dim3A_249, %add3A_246], %gather3A : memref<128x128xf32, #tpu.memory_space<vmem>>[vector<16xi32>, vector<16xi32>], vector<16xf32>,
          %add3A_250 = arith.constant 16 : i32
          %add3A_251 = vector.broadcast %add3A_250 : i32 to vector<16xi32>
          %add3A_252 = arith.addi %add3A_251, %iota3A : vector<16xi32>
          %broadcast_in_dim3A_253 = vector.broadcast %rem3A_197 : i32 to vector<16xi32>
          %broadcast_in_dim3A_254 = vector.broadcast %and3A_239 : i32 to vector<16xi32>
          %gather3A_255 = tpu.vector_load_idx %arg7[%broadcast_in_dim3A_253, %add3A_252, %broadcast_in_dim3A_254] : memref<2x64x512xf32, #tpu.memory_space<vmem>>[vector<16xi32>, vector<16xi32>, vector<16xi32>], vector<16xf32>,
          %broadcast_in_dim3A_256 = vector.broadcast %rem3A_243 : i32 to vector<16xi32>
          tpu.vector_store_idx %arg10[%broadcast_in_dim3A_256, %add3A_252], %gather3A_255 : memref<128x128xf32, #tpu.memory_space<vmem>>[vector<16xi32>, vector<16xi32>], vector<16xf32>,
          %add3A_257 = arith.constant 32 : i32
          %add3A_258 = vector.broadcast %add3A_257 : i32 to vector<16xi32>
          %add3A_259 = arith.addi %add3A_258, %iota3A : vector<16xi32>
          %broadcast_in_dim3A_260 = vector.broadcast %rem3A_197 : i32 to vector<16xi32>
          %broadcast_in_dim3A_261 = vector.broadcast %and3A_239 : i32 to vector<16xi32>
          %gather3A_262 = tpu.vector_load_idx %arg7[%broadcast_in_dim3A_260, %add3A_259, %broadcast_in_dim3A_261] : memref<2x64x512xf32, #tpu.memory_space<vmem>>[vector<16xi32>, vector<16xi32>, vector<16xi32>], vector<16xf32>,
          %broadcast_in_dim3A_263 = vector.broadcast %rem3A_243 : i32 to vector<16xi32>
          tpu.vector_store_idx %arg10[%broadcast_in_dim3A_263, %add3A_259], %gather3A_262 : memref<128x128xf32, #tpu.memory_space<vmem>>[vector<16xi32>, vector<16xi32>], vector<16xf32>,
          %add3A_264 = arith.constant 48 : i32
          %add3A_265 = vector.broadcast %add3A_264 : i32 to vector<16xi32>
          %add3A_266 = arith.addi %add3A_265, %iota3A : vector<16xi32>
          %broadcast_in_dim3A_267 = vector.broadcast %rem3A_197 : i32 to vector<16xi32>
          %broadcast_in_dim3A_268 = vector.broadcast %and3A_239 : i32 to vector<16xi32>
          %gather3A_269 = tpu.vector_load_idx %arg7[%broadcast_in_dim3A_267, %add3A_266, %broadcast_in_dim3A_268] : memref<2x64x512xf32, #tpu.memory_space<vmem>>[vector<16xi32>, vector<16xi32>, vector<16xi32>], vector<16xf32>,
          %broadcast_in_dim3A_270 = vector.broadcast %rem3A_243 : i32 to vector<16xi32>
          tpu.vector_store_idx %arg10[%broadcast_in_dim3A_270, %add3A_266], %gather3A_269 : memref<128x128xf32, #tpu.memory_space<vmem>>[vector<16xi32>, vector<16xi32>], vector<16xf32>,
          %broadcast_in_dim3A_271 = arith.constant 0 : i32
          %broadcast_in_dim3A_272 = vector.broadcast %broadcast_in_dim3A_271 : i32 to vector<16xi32>
          %broadcast_in_dim3A_273 = vector.broadcast %rem3A_243 : i32 to vector<16xi32>
          %broadcast_in_dim3A_274 = vector.broadcast %and3A_241 : i32 to vector<16xi32>
          %eq3A_275 = arith.constant 0 : i32
          %eq3A_276 = vector.broadcast %eq3A_275 : i32 to vector<16xi32>
          %eq3A_277 = arith.cmpi eq, %iota3A, %eq3A_276 : vector<16xi32>
          tpu.vector_store_idx %arg11[%broadcast_in_dim3A_272, %broadcast_in_dim3A_273], %broadcast_in_dim3A_274 masked %eq3A_277 : memref<1x128xi32, #tpu.memory_space<vmem>>[vector<16xi32>, vector<16xi32>], vector<16xi32>, vector<16xi1>
          %add3A_278 = arith.constant 1 : i32
          %add3A_279 = arith.addi %while3A_231, %add3A_278 : i32
          %rem3A_280 = arith.constant 128 : i32
          %rem3A_281 = arith.remsi %add3A_279, %rem3A_280 : i32
          %eq3A_282 = arith.constant 0 : i32
          %eq3A_283 = arith.cmpi eq, %rem3A_281, %eq3A_282 : i32
          %convert_element_type3A_284 = arith.extui %eq3A_283 : i1 to i32
          %cond3A_285 = arith.constant 0 : i32
          %cond3A_286 = arith.cmpi ne, %convert_element_type3A_284, %cond3A_285 : i32
          scf.if %cond3A_286 {
            %run_scoped3A = arith.constant 0 : i32
            "tpu.region"() ({
              %run_scoped3A_287 = tpu.sem_alloc : memref<!tpu.dma_semaphore, #tpu.memory_space<semaphore_mem>>
              %dma_start3A_288 = arith.constant 0 : i32
              %dma_start3A_289 = tpu.memref_slice %arg11[%run_scoped3A, %dma_start3A_288] : memref<1x128xi32, #tpu.memory_space<vmem>> -> memref<1x128xi32, #tpu.memory_space<vmem>>
              %dma_start3A_290 = tpu.memref_squeeze %dma_start3A_289 : memref<1x128xi32, #tpu.memory_space<vmem>> -> memref<128xi32, #tpu.memory_space<vmem>>
              %dma_start3A_291 = arith.constant 0 : i32
              %dma_start3A_292 = arith.constant 0 : i32
              %dma_start3A_293 = tpu.memref_slice %arg4[%dma_start3A_291, %dma_start3A_292] : memref<16416x128xf32, #tpu.memory_space<hbm>> -> memref<16416x128xf32, #tpu.memory_space<hbm>>
              tpu.enqueue_indirect_dma source(%arg10 : memref<128x128xf32, #tpu.memory_space<vmem>>) target(%dma_start3A_293 : memref<16416x128xf32, #tpu.memory_space<hbm>>) offsets(%dma_start3A_290 : memref<128xi32, #tpu.memory_space<vmem>>) semaphore(%run_scoped3A_287 : memref<!tpu.dma_semaphore, #tpu.memory_space<semaphore_mem>>)
              %dma_wait3A_294 = arith.constant 0 : i32
              %dma_wait3A_295 = tpu.memref_slice %arg11[%run_scoped3A, %dma_wait3A_294] : memref<1x128xi32, #tpu.memory_space<vmem>> -> memref<1x128xi32, #tpu.memory_space<vmem>>
              %dma_wait3A_296 = tpu.memref_squeeze %dma_wait3A_295 : memref<1x128xi32, #tpu.memory_space<vmem>> -> memref<128xi32, #tpu.memory_space<vmem>>
              %dma_wait3A_297 = arith.constant 0 : i32
              %dma_wait3A_298 = arith.constant 0 : i32
              %dma_wait3A_299 = tpu.memref_slice %arg4[%dma_wait3A_297, %dma_wait3A_298] : memref<16416x128xf32, #tpu.memory_space<hbm>> -> memref<16416x128xf32, #tpu.memory_space<hbm>>
              tpu.wait_indirect_dma semaphore(%run_scoped3A_287 : memref<!tpu.dma_semaphore, #tpu.memory_space<semaphore_mem>>) src(%arg10 : memref<128x128xf32, #tpu.memory_space<vmem>>) dst(%dma_wait3A_299 : memref<16416x128xf32, #tpu.memory_space<hbm>>)
              tpu.yield
            }) : () -> ()
          } else {
          }
          scf.yield %add3A_279 : i32
        }
        %while3A_228 = arith.constant 1 : i32
        %while3A_229 = scf.for %while3A_230 = %while3A_225 to %while3A_221 step %while3A_228 iter_args(%while3A_231 = %while3A_227) -> (i32)  : i32 {
          %get3A_232 = arith.index_cast %while3A_230 : i32 to index
          %get3A_233 = tpu.vector_load %arg9[%get3A_232] {strides = array<i32>} : memref<32xi32, #tpu.memory_space<vmem>>, vector<16xi32>,
          %slice3A_234 = vector.extract_strided_slice %get3A_233 {offsets = [0], sizes = [1], strides = [1]} : vector<16xi32> to vector<1xi32>
          %squeeze3A_235 = vector.extract %slice3A_234[0] : i32 from vector<1xi32>
          %shift_right_arithmetic3A_236 = arith.constant 14 : i32
          %shift_right_arithmetic3A_237 = arith.shrsi %squeeze3A_235, %shift_right_arithmetic3A_236 : i32
          %and3A_238 = arith.constant 511 : i32
          %and3A_239 = arith.andi %shift_right_arithmetic3A_237, %and3A_238 : i32
          %and3A_240 = arith.constant 16383 : i32
          %and3A_241 = arith.andi %squeeze3A_235, %and3A_240 : i32
          %rem3A_242 = arith.constant 128 : i32
          %rem3A_243 = arith.remsi %while3A_231, %rem3A_242 : i32
          %add3A_244 = arith.constant 0 : i32
          %add3A_245 = vector.broadcast %add3A_244 : i32 to vector<16xi32>
          %add3A_246 = arith.addi %add3A_245, %iota3A : vector<16xi32>
          %broadcast_in_dim3A_247 = vector.broadcast %rem3A_197 : i32 to vector<16xi32>
          %broadcast_in_dim3A_248 = vector.broadcast %and3A_239 : i32 to vector<16xi32>
          %gather3A = tpu.vector_load_idx %arg7[%broadcast_in_dim3A_247, %add3A_246, %broadcast_in_dim3A_248] : memref<2x64x512xf32, #tpu.memory_space<vmem>>[vector<16xi32>, vector<16xi32>, vector<16xi32>], vector<16xf32>,
          %broadcast_in_dim3A_249 = vector.broadcast %rem3A_243 : i32 to vector<16xi32>
          tpu.vector_store_idx %arg10[%broadcast_in_dim3A_249, %add3A_246], %gather3A : memref<128x128xf32, #tpu.memory_space<vmem>>[vector<16xi32>, vector<16xi32>], vector<16xf32>,
          %add3A_250 = arith.constant 16 : i32
          %add3A_251 = vector.broadcast %add3A_250 : i32 to vector<16xi32>
          %add3A_252 = arith.addi %add3A_251, %iota3A : vector<16xi32>
          %broadcast_in_dim3A_253 = vector.broadcast %rem3A_197 : i32 to vector<16xi32>
          %broadcast_in_dim3A_254 = vector.broadcast %and3A_239 : i32 to vector<16xi32>
          %gather3A_255 = tpu.vector_load_idx %arg7[%broadcast_in_dim3A_253, %add3A_252, %broadcast_in_dim3A_254] : memref<2x64x512xf32, #tpu.memory_space<vmem>>[vector<16xi32>, vector<16xi32>, vector<16xi32>], vector<16xf32>,
          %broadcast_in_dim3A_256 = vector.broadcast %rem3A_243 : i32 to vector<16xi32>
          tpu.vector_store_idx %arg10[%broadcast_in_dim3A_256, %add3A_252], %gather3A_255 : memref<128x128xf32, #tpu.memory_space<vmem>>[vector<16xi32>, vector<16xi32>], vector<16xf32>,
          %add3A_257 = arith.constant 32 : i32
          %add3A_258 = vector.broadcast %add3A_257 : i32 to vector<16xi32>
          %add3A_259 = arith.addi %add3A_258, %iota3A : vector<16xi32>
          %broadcast_in_dim3A_260 = vector.broadcast %rem3A_197 : i32 to vector<16xi32>
          %broadcast_in_dim3A_261 = vector.broadcast %and3A_239 : i32 to vector<16xi32>
          %gather3A_262 = tpu.vector_load_idx %arg7[%broadcast_in_dim3A_260, %add3A_259, %broadcast_in_dim3A_261] : memref<2x64x512xf32, #tpu.memory_space<vmem>>[vector<16xi32>, vector<16xi32>, vector<16xi32>], vector<16xf32>,
          %broadcast_in_dim3A_263 = vector.broadcast %rem3A_243 : i32 to vector<16xi32>
          tpu.vector_store_idx %arg10[%broadcast_in_dim3A_263, %add3A_259], %gather3A_262 : memref<128x128xf32, #tpu.memory_space<vmem>>[vector<16xi32>, vector<16xi32>], vector<16xf32>,
          %add3A_264 = arith.constant 48 : i32
          %add3A_265 = vector.broadcast %add3A_264 : i32 to vector<16xi32>
          %add3A_266 = arith.addi %add3A_265, %iota3A : vector<16xi32>
          %broadcast_in_dim3A_267 = vector.broadcast %rem3A_197 : i32 to vector<16xi32>
          %broadcast_in_dim3A_268 = vector.broadcast %and3A_239 : i32 to vector<16xi32>
          %gather3A_269 = tpu.vector_load_idx %arg7[%broadcast_in_dim3A_267, %add3A_266, %broadcast_in_dim3A_268] : memref<2x64x512xf32, #tpu.memory_space<vmem>>[vector<16xi32>, vector<16xi32>, vector<16xi32>], vector<16xf32>,
          %broadcast_in_dim3A_270 = vector.broadcast %rem3A_243 : i32 to vector<16xi32>
          tpu.vector_store_idx %arg10[%broadcast_in_dim3A_270, %add3A_266], %gather3A_269 : memref<128x128xf32, #tpu.memory_space<vmem>>[vector<16xi32>, vector<16xi32>], vector<16xf32>,
          %broadcast_in_dim3A_271 = arith.constant 0 : i32
          %broadcast_in_dim3A_272 = vector.broadcast %broadcast_in_dim3A_271 : i32 to vector<16xi32>
          %broadcast_in_dim3A_273 = vector.broadcast %rem3A_243 : i32 to vector<16xi32>
          %broadcast_in_dim3A_274 = vector.broadcast %and3A_241 : i32 to vector<16xi32>
          %eq3A_275 = arith.constant 0 : i32
          %eq3A_276 = vector.broadcast %eq3A_275 : i32 to vector<16xi32>
          %eq3A_277 = arith.cmpi eq, %iota3A, %eq3A_276 : vector<16xi32>
          tpu.vector_store_idx %arg11[%broadcast_in_dim3A_272, %broadcast_in_dim3A_273], %broadcast_in_dim3A_274 masked %eq3A_277 : memref<1x128xi32, #tpu.memory_space<vmem>>[vector<16xi32>, vector<16xi32>], vector<16xi32>, vector<16xi1>
          %add3A_278 = arith.constant 1 : i32
          %add3A_279 = arith.addi %while3A_231, %add3A_278 : i32
          %rem3A_280 = arith.constant 128 : i32
          %rem3A_281 = arith.remsi %add3A_279, %rem3A_280 : i32
          %eq3A_282 = arith.constant 0 : i32
          %eq3A_283 = arith.cmpi eq, %rem3A_281, %eq3A_282 : i32
          %convert_element_type3A_284 = arith.extui %eq3A_283 : i1 to i32
          %cond3A_285 = arith.constant 0 : i32
          %cond3A_286 = arith.cmpi ne, %convert_element_type3A_284, %cond3A_285 : i32
          scf.if %cond3A_286 {
            %run_scoped3A = arith.constant 0 : i32
            "tpu.region"() ({
              %run_scoped3A_287 = tpu.sem_alloc : memref<!tpu.dma_semaphore, #tpu.memory_space<semaphore_mem>>
              %dma_start3A_288 = arith.constant 0 : i32
              %dma_start3A_289 = tpu.memref_slice %arg11[%run_scoped3A, %dma_start3A_288] : memref<1x128xi32, #tpu.memory_space<vmem>> -> memref<1x128xi32, #tpu.memory_space<vmem>>
              %dma_start3A_290 = tpu.memref_squeeze %dma_start3A_289 : memref<1x128xi32, #tpu.memory_space<vmem>> -> memref<128xi32, #tpu.memory_space<vmem>>
              %dma_start3A_291 = arith.constant 0 : i32
              %dma_start3A_292 = arith.constant 0 : i32
              %dma_start3A_293 = tpu.memref_slice %arg4[%dma_start3A_291, %dma_start3A_292] : memref<16416x128xf32, #tpu.memory_space<hbm>> -> memref<16416x128xf32, #tpu.memory_space<hbm>>
              tpu.enqueue_indirect_dma source(%arg10 : memref<128x128xf32, #tpu.memory_space<vmem>>) target(%dma_start3A_293 : memref<16416x128xf32, #tpu.memory_space<hbm>>) offsets(%dma_start3A_290 : memref<128xi32, #tpu.memory_space<vmem>>) semaphore(%run_scoped3A_287 : memref<!tpu.dma_semaphore, #tpu.memory_space<semaphore_mem>>)
              %dma_wait3A_294 = arith.constant 0 : i32
              %dma_wait3A_295 = tpu.memref_slice %arg11[%run_scoped3A, %dma_wait3A_294] : memref<1x128xi32, #tpu.memory_space<vmem>> -> memref<1x128xi32, #tpu.memory_space<vmem>>
              %dma_wait3A_296 = tpu.memref_squeeze %dma_wait3A_295 : memref<1x128xi32, #tpu.memory_space<vmem>> -> memref<128xi32, #tpu.memory_space<vmem>>
              %dma_wait3A_297 = arith.constant 0 : i32
              %dma_wait3A_298 = arith.constant 0 : i32
              %dma_wait3A_299 = tpu.memref_slice %arg4[%dma_wait3A_297, %dma_wait3A_298] : memref<16416x128xf32, #tpu.memory_space<hbm>> -> memref<16416x128xf32, #tpu.memory_space<hbm>>
              tpu.wait_indirect_dma semaphore(%run_scoped3A_287 : memref<!tpu.dma_semaphore, #tpu.memory_space<semaphore_mem>>) src(%arg10 : memref<128x128xf32, #tpu.memory_space<vmem>>) dst(%dma_wait3A_299 : memref<16416x128xf32, #tpu.memory_space<hbm>>)
              tpu.yield
            }) : () -> ()
          } else {
          }
          scf.yield %add3A_279 : i32
        }
        scf.yield %while3A_229 : i32
      }
      scf.yield %while3A_208 : i32
    }
    "tpu.region"() ({
      %run_scoped3A = tpu.sem_alloc : memref<!tpu.dma_semaphore, #tpu.memory_space<semaphore_mem>>
      %dma_start3A_170 = arith.constant 0 : i32
      %dma_start3A_171 = arith.constant 999936 : i32
      %dma_start3A_172 = tpu.memref_slice %arg3[%dma_start3A_170, %dma_start3A_171] : memref<64x1000000xf32, #tpu.memory_space<hbm>> -> memref<64x64xf32, #tpu.memory_space<hbm>>
      %dma_start3A_173 = arith.constant 0 : i32
      %dma_start3A_174 = arith.constant 999936 : i32
      %dma_start3A_175 = tpu.memref_slice %arg3[%dma_start3A_173, %dma_start3A_174] : memref<64x1000000xf32, #tpu.memory_space<hbm>> -> memref<64x64xf32, #tpu.memory_space<hbm>>
      tpu.enqueue_dma source(%dma_start3A_175 : memref<64x64xf32, #tpu.memory_space<hbm>>) target(%arg8 : memref<64x64xf32, #tpu.memory_space<vmem>>) target_semaphore(%run_scoped3A : memref<!tpu.dma_semaphore, #tpu.memory_space<semaphore_mem>>)
      %dma_wait3A = arith.constant 0 : i32
      %dma_wait3A_176 = arith.constant 999936 : i32
      %dma_wait3A_177 = tpu.memref_slice %arg3[%dma_wait3A, %dma_wait3A_176] : memref<64x1000000xf32, #tpu.memory_space<hbm>> -> memref<64x64xf32, #tpu.memory_space<hbm>>
      %dma_wait3A_178 = arith.constant 0 : i32
      %dma_wait3A_179 = arith.constant 999936 : i32
      %dma_wait3A_180 = tpu.memref_slice %arg3[%dma_wait3A_178, %dma_wait3A_179] : memref<64x1000000xf32, #tpu.memory_space<hbm>> -> memref<64x64xf32, #tpu.memory_space<hbm>>
      tpu.wait_dma2 semaphore(%run_scoped3A : memref<!tpu.dma_semaphore, #tpu.memory_space<semaphore_mem>>) src(%dma_wait3A_180 : memref<64x64xf32, #tpu.memory_space<hbm>>) dst(%arg8 : memref<64x64xf32, #tpu.memory_space<vmem>>)
      tpu.yield
    }) : () -> ()
    %while3A_154 = arith.constant 0 : i32
    %while3A_155 = arith.subi %select_n3A_126, %while3A_154 : i32
    %while3A_156 = arith.addi %while3A_154, %while3A_155 : i32
    %while3A_157 = arith.constant 1 : i32
    %while3A_158 = arith.divsi %while3A_155, %while3A_157 : i32
    %while3A_159 = arith.muli %while3A_158, %while3A_157 : i32
    %while3A_160 = arith.addi %while3A_154, %while3A_159 : i32
    %while3A_161 = arith.constant 1 : i32
    %while3A_162 = scf.for %while3A_170 = %while3A_154 to %while3A_160 step %while3A_161 iter_args(%while3A_171 = %while3A_153) -> (i32)  : i32 {
      %mul3A_172 = arith.constant 16 : i32
      %mul3A_173 = arith.muli %while3A_170, %mul3A_172 : i32
      %get3A = arith.index_cast %mul3A_173 : i32 to index
      %get3A_174 = tpu.vector_load %arg6[%get3A] {strides = array<i32>} : memref<16400xi32, #tpu.memory_space<vmem>>, vector<16xi32>,
      %shift_right_arithmetic3A = arith.constant 23 : i32
      %shift_right_arithmetic3A_175 = vector.broadcast %shift_right_arithmetic3A : i32 to vector<16xi32>
      %shift_right_arithmetic3A_176 = arith.shrsi %get3A_174, %shift_right_arithmetic3A_175 : vector<16xi32>
      %eq3A = arith.constant 189 : i32
      %eq3A_177 = vector.broadcast %eq3A : i32 to vector<16xi32>
      %eq3A_178 = arith.cmpi eq, %shift_right_arithmetic3A_176, %eq3A_177 : vector<16xi32>
      %swap3A_179 = arith.constant 0 : index
      %swap3A_180 = tpu.vector_load %arg9[%swap3A_179] masked %eq3A_178 {strides = array<i32>} : memref<32xi32, #tpu.memory_space<vmem>>, vector<16xi32>, vector<16xi1>
      tpu.vector_store %arg9[%swap3A_179], %get3A_174 masked %eq3A_178 {strides = array<i32>} : memref<32xi32, #tpu.memory_space<vmem>>, vector<16xi32>, vector<16xi1>
      %all_reduce_population_count3A = tpu.all_reduce %eq3A_178 {dim = 0 : i64, kind = #tpu.reduction_kind<sum>} : vector<16xi1> -> vector<16xi32>
      %slice3A = vector.extract_strided_slice %all_reduce_population_count3A {offsets = [0], sizes = [1], strides = [1]} : vector<16xi32> to vector<1xi32>
      %squeeze3A = vector.extract %slice3A[0] : i32 from vector<1xi32>
      %while3A_181 = arith.constant 0 : i32
      %while3A_182 = arith.subi %squeeze3A, %while3A_181 : i32
      %while3A_183 = arith.addi %while3A_181, %while3A_182 : i32
      %while3A_184 = arith.constant 1 : i32
      %while3A_185 = arith.divsi %while3A_182, %while3A_184 : i32
      %while3A_186 = arith.muli %while3A_185, %while3A_184 : i32
      %while3A_187 = arith.addi %while3A_181, %while3A_186 : i32
      %while3A_188 = arith.constant 1 : i32
      %while3A_189 = scf.for %while3A_192 = %while3A_181 to %while3A_187 step %while3A_188 iter_args(%while3A_193 = %while3A_171) -> (i32)  : i32 {
        %get3A_194 = arith.index_cast %while3A_192 : i32 to index
        %get3A_195 = tpu.vector_load %arg9[%get3A_194] {strides = array<i32>} : memref<32xi32, #tpu.memory_space<vmem>>, vector<16xi32>,
        %slice3A_196 = vector.extract_strided_slice %get3A_195 {offsets = [0], sizes = [1], strides = [1]} : vector<16xi32> to vector<1xi32>
        %squeeze3A_197 = vector.extract %slice3A_196[0] : i32 from vector<1xi32>
        %shift_right_arithmetic3A_198 = arith.constant 14 : i32
        %shift_right_arithmetic3A_199 = arith.shrsi %squeeze3A_197, %shift_right_arithmetic3A_198 : i32
        %and3A_200 = arith.constant 511 : i32
        %and3A_201 = arith.andi %shift_right_arithmetic3A_199, %and3A_200 : i32
        %and3A_202 = arith.constant 16383 : i32
        %and3A_203 = arith.andi %squeeze3A_197, %and3A_202 : i32
        %rem3A_204 = arith.constant 128 : i32
        %rem3A_205 = arith.remsi %while3A_193, %rem3A_204 : i32
        %add3A_206 = arith.constant 0 : i32
        %add3A_207 = vector.broadcast %add3A_206 : i32 to vector<16xi32>
        %add3A_208 = arith.addi %add3A_207, %iota3A : vector<16xi32>
        %broadcast_in_dim3A_209 = vector.broadcast %and3A_201 : i32 to vector<16xi32>
        %gather3A = tpu.vector_load_idx %arg8[%add3A_208, %broadcast_in_dim3A_209] : memref<64x64xf32, #tpu.memory_space<vmem>>[vector<16xi32>, vector<16xi32>], vector<16xf32>,
        %broadcast_in_dim3A_210 = vector.broadcast %rem3A_205 : i32 to vector<16xi32>
        tpu.vector_store_idx %arg10[%broadcast_in_dim3A_210, %add3A_208], %gather3A : memref<128x128xf32, #tpu.memory_space<vmem>>[vector<16xi32>, vector<16xi32>], vector<16xf32>,
        %add3A_211 = arith.constant 16 : i32
        %add3A_212 = vector.broadcast %add3A_211 : i32 to vector<16xi32>
        %add3A_213 = arith.addi %add3A_212, %iota3A : vector<16xi32>
        %broadcast_in_dim3A_214 = vector.broadcast %and3A_201 : i32 to vector<16xi32>
        %gather3A_215 = tpu.vector_load_idx %arg8[%add3A_213, %broadcast_in_dim3A_214] : memref<64x64xf32, #tpu.memory_space<vmem>>[vector<16xi32>, vector<16xi32>], vector<16xf32>,
        %broadcast_in_dim3A_216 = vector.broadcast %rem3A_205 : i32 to vector<16xi32>
        tpu.vector_store_idx %arg10[%broadcast_in_dim3A_216, %add3A_213], %gather3A_215 : memref<128x128xf32, #tpu.memory_space<vmem>>[vector<16xi32>, vector<16xi32>], vector<16xf32>,
        %add3A_217 = arith.constant 32 : i32
        %add3A_218 = vector.broadcast %add3A_217 : i32 to vector<16xi32>
        %add3A_219 = arith.addi %add3A_218, %iota3A : vector<16xi32>
        %broadcast_in_dim3A_220 = vector.broadcast %and3A_201 : i32 to vector<16xi32>
        %gather3A_221 = tpu.vector_load_idx %arg8[%add3A_219, %broadcast_in_dim3A_220] : memref<64x64xf32, #tpu.memory_space<vmem>>[vector<16xi32>, vector<16xi32>], vector<16xf32>,
        %broadcast_in_dim3A_222 = vector.broadcast %rem3A_205 : i32 to vector<16xi32>
        tpu.vector_store_idx %arg10[%broadcast_in_dim3A_222, %add3A_219], %gather3A_221 : memref<128x128xf32, #tpu.memory_space<vmem>>[vector<16xi32>, vector<16xi32>], vector<16xf32>,
        %add3A_223 = arith.constant 48 : i32
        %add3A_224 = vector.broadcast %add3A_223 : i32 to vector<16xi32>
        %add3A_225 = arith.addi %add3A_224, %iota3A : vector<16xi32>
        %broadcast_in_dim3A_226 = vector.broadcast %and3A_201 : i32 to vector<16xi32>
        %gather3A_227 = tpu.vector_load_idx %arg8[%add3A_225, %broadcast_in_dim3A_226] : memref<64x64xf32, #tpu.memory_space<vmem>>[vector<16xi32>, vector<16xi32>], vector<16xf32>,
        %broadcast_in_dim3A_228 = vector.broadcast %rem3A_205 : i32 to vector<16xi32>
        tpu.vector_store_idx %arg10[%broadcast_in_dim3A_228, %add3A_225], %gather3A_227 : memref<128x128xf32, #tpu.memory_space<vmem>>[vector<16xi32>, vector<16xi32>], vector<16xf32>,
        %broadcast_in_dim3A_229 = arith.constant 0 : i32
        %broadcast_in_dim3A_230 = vector.broadcast %broadcast_in_dim3A_229 : i32 to vector<16xi32>
        %broadcast_in_dim3A_231 = vector.broadcast %rem3A_205 : i32 to vector<16xi32>
        %broadcast_in_dim3A_232 = vector.broadcast %and3A_203 : i32 to vector<16xi32>
        %eq3A_233 = arith.constant 0 : i32
        %eq3A_234 = vector.broadcast %eq3A_233 : i32 to vector<16xi32>
        %eq3A_235 = arith.cmpi eq, %iota3A, %eq3A_234 : vector<16xi32>
        tpu.vector_store_idx %arg11[%broadcast_in_dim3A_230, %broadcast_in_dim3A_231], %broadcast_in_dim3A_232 masked %eq3A_235 : memref<1x128xi32, #tpu.memory_space<vmem>>[vector<16xi32>, vector<16xi32>], vector<16xi32>, vector<16xi1>
        %add3A_236 = arith.constant 1 : i32
        %add3A_237 = arith.addi %while3A_193, %add3A_236 : i32
        %rem3A_238 = arith.constant 128 : i32
        %rem3A_239 = arith.remsi %add3A_237, %rem3A_238 : i32
        %eq3A_240 = arith.constant 0 : i32
        %eq3A_241 = arith.cmpi eq, %rem3A_239, %eq3A_240 : i32
        %convert_element_type3A_242 = arith.extui %eq3A_241 : i1 to i32
        %cond3A_243 = arith.constant 0 : i32
        %cond3A_244 = arith.cmpi ne, %convert_element_type3A_242, %cond3A_243 : i32
        scf.if %cond3A_244 {
          %run_scoped3A = arith.constant 0 : i32
          "tpu.region"() ({
            %run_scoped3A_245 = tpu.sem_alloc : memref<!tpu.dma_semaphore, #tpu.memory_space<semaphore_mem>>
            %dma_start3A_246 = arith.constant 0 : i32
            %dma_start3A_247 = tpu.memref_slice %arg11[%run_scoped3A, %dma_start3A_246] : memref<1x128xi32, #tpu.memory_space<vmem>> -> memref<1x128xi32, #tpu.memory_space<vmem>>
            %dma_start3A_248 = tpu.memref_squeeze %dma_start3A_247 : memref<1x128xi32, #tpu.memory_space<vmem>> -> memref<128xi32, #tpu.memory_space<vmem>>
            %dma_start3A_249 = arith.constant 0 : i32
            %dma_start3A_250 = arith.constant 0 : i32
            %dma_start3A_251 = tpu.memref_slice %arg4[%dma_start3A_249, %dma_start3A_250] : memref<16416x128xf32, #tpu.memory_space<hbm>> -> memref<16416x128xf32, #tpu.memory_space<hbm>>
            tpu.enqueue_indirect_dma source(%arg10 : memref<128x128xf32, #tpu.memory_space<vmem>>) target(%dma_start3A_251 : memref<16416x128xf32, #tpu.memory_space<hbm>>) offsets(%dma_start3A_248 : memref<128xi32, #tpu.memory_space<vmem>>) semaphore(%run_scoped3A_245 : memref<!tpu.dma_semaphore, #tpu.memory_space<semaphore_mem>>)
            %dma_wait3A = arith.constant 0 : i32
            %dma_wait3A_252 = tpu.memref_slice %arg11[%run_scoped3A, %dma_wait3A] : memref<1x128xi32, #tpu.memory_space<vmem>> -> memref<1x128xi32, #tpu.memory_space<vmem>>
            %dma_wait3A_253 = tpu.memref_squeeze %dma_wait3A_252 : memref<1x128xi32, #tpu.memory_space<vmem>> -> memref<128xi32, #tpu.memory_space<vmem>>
            %dma_wait3A_254 = arith.constant 0 : i32
            %dma_wait3A_255 = arith.constant 0 : i32
            %dma_wait3A_256 = tpu.memref_slice %arg4[%dma_wait3A_254, %dma_wait3A_255] : memref<16416x128xf32, #tpu.memory_space<hbm>> -> memref<16416x128xf32, #tpu.memory_space<hbm>>
            tpu.wait_indirect_dma semaphore(%run_scoped3A_245 : memref<!tpu.dma_semaphore, #tpu.memory_space<semaphore_mem>>) src(%arg10 : memref<128x128xf32, #tpu.memory_space<vmem>>) dst(%dma_wait3A_256 : memref<16416x128xf32, #tpu.memory_space<hbm>>)
            tpu.yield
          }) : () -> ()
        } else {
        }
        scf.yield %add3A_237 : i32
      }
      %while3A_190 = arith.constant 1 : i32
      %while3A_191 = scf.for %while3A_192 = %while3A_187 to %while3A_183 step %while3A_190 iter_args(%while3A_193 = %while3A_189) -> (i32)  : i32 {
        %get3A_194 = arith.index_cast %while3A_192 : i32 to index
        %get3A_195 = tpu.vector_load %arg9[%get3A_194] {strides = array<i32>} : memref<32xi32, #tpu.memory_space<vmem>>, vector<16xi32>,
        %slice3A_196 = vector.extract_strided_slice %get3A_195 {offsets = [0], sizes = [1], strides = [1]} : vector<16xi32> to vector<1xi32>
        %squeeze3A_197 = vector.extract %slice3A_196[0] : i32 from vector<1xi32>
        %shift_right_arithmetic3A_198 = arith.constant 14 : i32
        %shift_right_arithmetic3A_199 = arith.shrsi %squeeze3A_197, %shift_right_arithmetic3A_198 : i32
        %and3A_200 = arith.constant 511 : i32
        %and3A_201 = arith.andi %shift_right_arithmetic3A_199, %and3A_200 : i32
        %and3A_202 = arith.constant 16383 : i32
        %and3A_203 = arith.andi %squeeze3A_197, %and3A_202 : i32
        %rem3A_204 = arith.constant 128 : i32
        %rem3A_205 = arith.remsi %while3A_193, %rem3A_204 : i32
        %add3A_206 = arith.constant 0 : i32
        %add3A_207 = vector.broadcast %add3A_206 : i32 to vector<16xi32>
        %add3A_208 = arith.addi %add3A_207, %iota3A : vector<16xi32>
        %broadcast_in_dim3A_209 = vector.broadcast %and3A_201 : i32 to vector<16xi32>
        %gather3A = tpu.vector_load_idx %arg8[%add3A_208, %broadcast_in_dim3A_209] : memref<64x64xf32, #tpu.memory_space<vmem>>[vector<16xi32>, vector<16xi32>], vector<16xf32>,
        %broadcast_in_dim3A_210 = vector.broadcast %rem3A_205 : i32 to vector<16xi32>
        tpu.vector_store_idx %arg10[%broadcast_in_dim3A_210, %add3A_208], %gather3A : memref<128x128xf32, #tpu.memory_space<vmem>>[vector<16xi32>, vector<16xi32>], vector<16xf32>,
        %add3A_211 = arith.constant 16 : i32
        %add3A_212 = vector.broadcast %add3A_211 : i32 to vector<16xi32>
        %add3A_213 = arith.addi %add3A_212, %iota3A : vector<16xi32>
        %broadcast_in_dim3A_214 = vector.broadcast %and3A_201 : i32 to vector<16xi32>
        %gather3A_215 = tpu.vector_load_idx %arg8[%add3A_213, %broadcast_in_dim3A_214] : memref<64x64xf32, #tpu.memory_space<vmem>>[vector<16xi32>, vector<16xi32>], vector<16xf32>,
        %broadcast_in_dim3A_216 = vector.broadcast %rem3A_205 : i32 to vector<16xi32>
        tpu.vector_store_idx %arg10[%broadcast_in_dim3A_216, %add3A_213], %gather3A_215 : memref<128x128xf32, #tpu.memory_space<vmem>>[vector<16xi32>, vector<16xi32>], vector<16xf32>,
        %add3A_217 = arith.constant 32 : i32
        %add3A_218 = vector.broadcast %add3A_217 : i32 to vector<16xi32>
        %add3A_219 = arith.addi %add3A_218, %iota3A : vector<16xi32>
        %broadcast_in_dim3A_220 = vector.broadcast %and3A_201 : i32 to vector<16xi32>
        %gather3A_221 = tpu.vector_load_idx %arg8[%add3A_219, %broadcast_in_dim3A_220] : memref<64x64xf32, #tpu.memory_space<vmem>>[vector<16xi32>, vector<16xi32>], vector<16xf32>,
        %broadcast_in_dim3A_222 = vector.broadcast %rem3A_205 : i32 to vector<16xi32>
        tpu.vector_store_idx %arg10[%broadcast_in_dim3A_222, %add3A_219], %gather3A_221 : memref<128x128xf32, #tpu.memory_space<vmem>>[vector<16xi32>, vector<16xi32>], vector<16xf32>,
        %add3A_223 = arith.constant 48 : i32
        %add3A_224 = vector.broadcast %add3A_223 : i32 to vector<16xi32>
        %add3A_225 = arith.addi %add3A_224, %iota3A : vector<16xi32>
        %broadcast_in_dim3A_226 = vector.broadcast %and3A_201 : i32 to vector<16xi32>
        %gather3A_227 = tpu.vector_load_idx %arg8[%add3A_225, %broadcast_in_dim3A_226] : memref<64x64xf32, #tpu.memory_space<vmem>>[vector<16xi32>, vector<16xi32>], vector<16xf32>,
        %broadcast_in_dim3A_228 = vector.broadcast %rem3A_205 : i32 to vector<16xi32>
        tpu.vector_store_idx %arg10[%broadcast_in_dim3A_228, %add3A_225], %gather3A_227 : memref<128x128xf32, #tpu.memory_space<vmem>>[vector<16xi32>, vector<16xi32>], vector<16xf32>,
        %broadcast_in_dim3A_229 = arith.constant 0 : i32
        %broadcast_in_dim3A_230 = vector.broadcast %broadcast_in_dim3A_229 : i32 to vector<16xi32>
        %broadcast_in_dim3A_231 = vector.broadcast %rem3A_205 : i32 to vector<16xi32>
        %broadcast_in_dim3A_232 = vector.broadcast %and3A_203 : i32 to vector<16xi32>
        %eq3A_233 = arith.constant 0 : i32
        %eq3A_234 = vector.broadcast %eq3A_233 : i32 to vector<16xi32>
        %eq3A_235 = arith.cmpi eq, %iota3A, %eq3A_234 : vector<16xi32>
        tpu.vector_store_idx %arg11[%broadcast_in_dim3A_230, %broadcast_in_dim3A_231], %broadcast_in_dim3A_232 masked %eq3A_235 : memref<1x128xi32, #tpu.memory_space<vmem>>[vector<16xi32>, vector<16xi32>], vector<16xi32>, vector<16xi1>
        %add3A_236 = arith.constant 1 : i32
        %add3A_237 = arith.addi %while3A_193, %add3A_236 : i32
        %rem3A_238 = arith.constant 128 : i32
        %rem3A_239 = arith.remsi %add3A_237, %rem3A_238 : i32
        %eq3A_240 = arith.constant 0 : i32
        %eq3A_241 = arith.cmpi eq, %rem3A_239, %eq3A_240 : i32
        %convert_element_type3A_242 = arith.extui %eq3A_241 : i1 to i32
        %cond3A_243 = arith.constant 0 : i32
        %cond3A_244 = arith.cmpi ne, %convert_element_type3A_242, %cond3A_243 : i32
        scf.if %cond3A_244 {
          %run_scoped3A = arith.constant 0 : i32
          "tpu.region"() ({
            %run_scoped3A_245 = tpu.sem_alloc : memref<!tpu.dma_semaphore, #tpu.memory_space<semaphore_mem>>
            %dma_start3A_246 = arith.constant 0 : i32
            %dma_start3A_247 = tpu.memref_slice %arg11[%run_scoped3A, %dma_start3A_246] : memref<1x128xi32, #tpu.memory_space<vmem>> -> memref<1x128xi32, #tpu.memory_space<vmem>>
            %dma_start3A_248 = tpu.memref_squeeze %dma_start3A_247 : memref<1x128xi32, #tpu.memory_space<vmem>> -> memref<128xi32, #tpu.memory_space<vmem>>
            %dma_start3A_249 = arith.constant 0 : i32
            %dma_start3A_250 = arith.constant 0 : i32
            %dma_start3A_251 = tpu.memref_slice %arg4[%dma_start3A_249, %dma_start3A_250] : memref<16416x128xf32, #tpu.memory_space<hbm>> -> memref<16416x128xf32, #tpu.memory_space<hbm>>
            tpu.enqueue_indirect_dma source(%arg10 : memref<128x128xf32, #tpu.memory_space<vmem>>) target(%dma_start3A_251 : memref<16416x128xf32, #tpu.memory_space<hbm>>) offsets(%dma_start3A_248 : memref<128xi32, #tpu.memory_space<vmem>>) semaphore(%run_scoped3A_245 : memref<!tpu.dma_semaphore, #tpu.memory_space<semaphore_mem>>)
            %dma_wait3A = arith.constant 0 : i32
            %dma_wait3A_252 = tpu.memref_slice %arg11[%run_scoped3A, %dma_wait3A] : memref<1x128xi32, #tpu.memory_space<vmem>> -> memref<1x128xi32, #tpu.memory_space<vmem>>
            %dma_wait3A_253 = tpu.memref_squeeze %dma_wait3A_252 : memref<1x128xi32, #tpu.memory_space<vmem>> -> memref<128xi32, #tpu.memory_space<vmem>>
            %dma_wait3A_254 = arith.constant 0 : i32
            %dma_wait3A_255 = arith.constant 0 : i32
            %dma_wait3A_256 = tpu.memref_slice %arg4[%dma_wait3A_254, %dma_wait3A_255] : memref<16416x128xf32, #tpu.memory_space<hbm>> -> memref<16416x128xf32, #tpu.memory_space<hbm>>
            tpu.wait_indirect_dma semaphore(%run_scoped3A_245 : memref<!tpu.dma_semaphore, #tpu.memory_space<semaphore_mem>>) src(%arg10 : memref<128x128xf32, #tpu.memory_space<vmem>>) dst(%dma_wait3A_256 : memref<16416x128xf32, #tpu.memory_space<hbm>>)
            tpu.yield
          }) : () -> ()
        } else {
        }
        scf.yield %add3A_237 : i32
      }
      scf.yield %while3A_191 : i32
    }
    %while3A_163 = arith.constant 1 : i32
    %while3A_164 = scf.for %while3A_170 = %while3A_160 to %while3A_156 step %while3A_163 iter_args(%while3A_171 = %while3A_162) -> (i32)  : i32 {
      %mul3A_172 = arith.constant 16 : i32
      %mul3A_173 = arith.muli %while3A_170, %mul3A_172 : i32
      %get3A = arith.index_cast %mul3A_173 : i32 to index
      %get3A_174 = tpu.vector_load %arg6[%get3A] {strides = array<i32>} : memref<16400xi32, #tpu.memory_space<vmem>>, vector<16xi32>,
      %shift_right_arithmetic3A = arith.constant 23 : i32
      %shift_right_arithmetic3A_175 = vector.broadcast %shift_right_arithmetic3A : i32 to vector<16xi32>
      %shift_right_arithmetic3A_176 = arith.shrsi %get3A_174, %shift_right_arithmetic3A_175 : vector<16xi32>
      %eq3A = arith.constant 189 : i32
      %eq3A_177 = vector.broadcast %eq3A : i32 to vector<16xi32>
      %eq3A_178 = arith.cmpi eq, %shift_right_arithmetic3A_176, %eq3A_177 : vector<16xi32>
      %swap3A_179 = arith.constant 0 : index
      %swap3A_180 = tpu.vector_load %arg9[%swap3A_179] masked %eq3A_178 {strides = array<i32>} : memref<32xi32, #tpu.memory_space<vmem>>, vector<16xi32>, vector<16xi1>
      tpu.vector_store %arg9[%swap3A_179], %get3A_174 masked %eq3A_178 {strides = array<i32>} : memref<32xi32, #tpu.memory_space<vmem>>, vector<16xi32>, vector<16xi1>
      %all_reduce_population_count3A = tpu.all_reduce %eq3A_178 {dim = 0 : i64, kind = #tpu.reduction_kind<sum>} : vector<16xi1> -> vector<16xi32>
      %slice3A = vector.extract_strided_slice %all_reduce_population_count3A {offsets = [0], sizes = [1], strides = [1]} : vector<16xi32> to vector<1xi32>
      %squeeze3A = vector.extract %slice3A[0] : i32 from vector<1xi32>
      %while3A_181 = arith.constant 0 : i32
      %while3A_182 = arith.subi %squeeze3A, %while3A_181 : i32
      %while3A_183 = arith.addi %while3A_181, %while3A_182 : i32
      %while3A_184 = arith.constant 1 : i32
      %while3A_185 = arith.divsi %while3A_182, %while3A_184 : i32
      %while3A_186 = arith.muli %while3A_185, %while3A_184 : i32
      %while3A_187 = arith.addi %while3A_181, %while3A_186 : i32
      %while3A_188 = arith.constant 1 : i32
      %while3A_189 = scf.for %while3A_192 = %while3A_181 to %while3A_187 step %while3A_188 iter_args(%while3A_193 = %while3A_171) -> (i32)  : i32 {
        %get3A_194 = arith.index_cast %while3A_192 : i32 to index
        %get3A_195 = tpu.vector_load %arg9[%get3A_194] {strides = array<i32>} : memref<32xi32, #tpu.memory_space<vmem>>, vector<16xi32>,
        %slice3A_196 = vector.extract_strided_slice %get3A_195 {offsets = [0], sizes = [1], strides = [1]} : vector<16xi32> to vector<1xi32>
        %squeeze3A_197 = vector.extract %slice3A_196[0] : i32 from vector<1xi32>
        %shift_right_arithmetic3A_198 = arith.constant 14 : i32
        %shift_right_arithmetic3A_199 = arith.shrsi %squeeze3A_197, %shift_right_arithmetic3A_198 : i32
        %and3A_200 = arith.constant 511 : i32
        %and3A_201 = arith.andi %shift_right_arithmetic3A_199, %and3A_200 : i32
        %and3A_202 = arith.constant 16383 : i32
        %and3A_203 = arith.andi %squeeze3A_197, %and3A_202 : i32
        %rem3A_204 = arith.constant 128 : i32
        %rem3A_205 = arith.remsi %while3A_193, %rem3A_204 : i32
        %add3A_206 = arith.constant 0 : i32
        %add3A_207 = vector.broadcast %add3A_206 : i32 to vector<16xi32>
        %add3A_208 = arith.addi %add3A_207, %iota3A : vector<16xi32>
        %broadcast_in_dim3A_209 = vector.broadcast %and3A_201 : i32 to vector<16xi32>
        %gather3A = tpu.vector_load_idx %arg8[%add3A_208, %broadcast_in_dim3A_209] : memref<64x64xf32, #tpu.memory_space<vmem>>[vector<16xi32>, vector<16xi32>], vector<16xf32>,
        %broadcast_in_dim3A_210 = vector.broadcast %rem3A_205 : i32 to vector<16xi32>
        tpu.vector_store_idx %arg10[%broadcast_in_dim3A_210, %add3A_208], %gather3A : memref<128x128xf32, #tpu.memory_space<vmem>>[vector<16xi32>, vector<16xi32>], vector<16xf32>,
        %add3A_211 = arith.constant 16 : i32
        %add3A_212 = vector.broadcast %add3A_211 : i32 to vector<16xi32>
        %add3A_213 = arith.addi %add3A_212, %iota3A : vector<16xi32>
        %broadcast_in_dim3A_214 = vector.broadcast %and3A_201 : i32 to vector<16xi32>
        %gather3A_215 = tpu.vector_load_idx %arg8[%add3A_213, %broadcast_in_dim3A_214] : memref<64x64xf32, #tpu.memory_space<vmem>>[vector<16xi32>, vector<16xi32>], vector<16xf32>,
        %broadcast_in_dim3A_216 = vector.broadcast %rem3A_205 : i32 to vector<16xi32>
        tpu.vector_store_idx %arg10[%broadcast_in_dim3A_216, %add3A_213], %gather3A_215 : memref<128x128xf32, #tpu.memory_space<vmem>>[vector<16xi32>, vector<16xi32>], vector<16xf32>,
        %add3A_217 = arith.constant 32 : i32
        %add3A_218 = vector.broadcast %add3A_217 : i32 to vector<16xi32>
        %add3A_219 = arith.addi %add3A_218, %iota3A : vector<16xi32>
        %broadcast_in_dim3A_220 = vector.broadcast %and3A_201 : i32 to vector<16xi32>
        %gather3A_221 = tpu.vector_load_idx %arg8[%add3A_219, %broadcast_in_dim3A_220] : memref<64x64xf32, #tpu.memory_space<vmem>>[vector<16xi32>, vector<16xi32>], vector<16xf32>,
        %broadcast_in_dim3A_222 = vector.broadcast %rem3A_205 : i32 to vector<16xi32>
        tpu.vector_store_idx %arg10[%broadcast_in_dim3A_222, %add3A_219], %gather3A_221 : memref<128x128xf32, #tpu.memory_space<vmem>>[vector<16xi32>, vector<16xi32>], vector<16xf32>,
        %add3A_223 = arith.constant 48 : i32
        %add3A_224 = vector.broadcast %add3A_223 : i32 to vector<16xi32>
        %add3A_225 = arith.addi %add3A_224, %iota3A : vector<16xi32>
        %broadcast_in_dim3A_226 = vector.broadcast %and3A_201 : i32 to vector<16xi32>
        %gather3A_227 = tpu.vector_load_idx %arg8[%add3A_225, %broadcast_in_dim3A_226] : memref<64x64xf32, #tpu.memory_space<vmem>>[vector<16xi32>, vector<16xi32>], vector<16xf32>,
        %broadcast_in_dim3A_228 = vector.broadcast %rem3A_205 : i32 to vector<16xi32>
        tpu.vector_store_idx %arg10[%broadcast_in_dim3A_228, %add3A_225], %gather3A_227 : memref<128x128xf32, #tpu.memory_space<vmem>>[vector<16xi32>, vector<16xi32>], vector<16xf32>,
        %broadcast_in_dim3A_229 = arith.constant 0 : i32
        %broadcast_in_dim3A_230 = vector.broadcast %broadcast_in_dim3A_229 : i32 to vector<16xi32>
        %broadcast_in_dim3A_231 = vector.broadcast %rem3A_205 : i32 to vector<16xi32>
        %broadcast_in_dim3A_232 = vector.broadcast %and3A_203 : i32 to vector<16xi32>
        %eq3A_233 = arith.constant 0 : i32
        %eq3A_234 = vector.broadcast %eq3A_233 : i32 to vector<16xi32>
        %eq3A_235 = arith.cmpi eq, %iota3A, %eq3A_234 : vector<16xi32>
        tpu.vector_store_idx %arg11[%broadcast_in_dim3A_230, %broadcast_in_dim3A_231], %broadcast_in_dim3A_232 masked %eq3A_235 : memref<1x128xi32, #tpu.memory_space<vmem>>[vector<16xi32>, vector<16xi32>], vector<16xi32>, vector<16xi1>
        %add3A_236 = arith.constant 1 : i32
        %add3A_237 = arith.addi %while3A_193, %add3A_236 : i32
        %rem3A_238 = arith.constant 128 : i32
        %rem3A_239 = arith.remsi %add3A_237, %rem3A_238 : i32
        %eq3A_240 = arith.constant 0 : i32
        %eq3A_241 = arith.cmpi eq, %rem3A_239, %eq3A_240 : i32
        %convert_element_type3A_242 = arith.extui %eq3A_241 : i1 to i32
        %cond3A_243 = arith.constant 0 : i32
        %cond3A_244 = arith.cmpi ne, %convert_element_type3A_242, %cond3A_243 : i32
        scf.if %cond3A_244 {
          %run_scoped3A = arith.constant 0 : i32
          "tpu.region"() ({
            %run_scoped3A_245 = tpu.sem_alloc : memref<!tpu.dma_semaphore, #tpu.memory_space<semaphore_mem>>
            %dma_start3A_246 = arith.constant 0 : i32
            %dma_start3A_247 = tpu.memref_slice %arg11[%run_scoped3A, %dma_start3A_246] : memref<1x128xi32, #tpu.memory_space<vmem>> -> memref<1x128xi32, #tpu.memory_space<vmem>>
            %dma_start3A_248 = tpu.memref_squeeze %dma_start3A_247 : memref<1x128xi32, #tpu.memory_space<vmem>> -> memref<128xi32, #tpu.memory_space<vmem>>
            %dma_start3A_249 = arith.constant 0 : i32
            %dma_start3A_250 = arith.constant 0 : i32
            %dma_start3A_251 = tpu.memref_slice %arg4[%dma_start3A_249, %dma_start3A_250] : memref<16416x128xf32, #tpu.memory_space<hbm>> -> memref<16416x128xf32, #tpu.memory_space<hbm>>
            tpu.enqueue_indirect_dma source(%arg10 : memref<128x128xf32, #tpu.memory_space<vmem>>) target(%dma_start3A_251 : memref<16416x128xf32, #tpu.memory_space<hbm>>) offsets(%dma_start3A_248 : memref<128xi32, #tpu.memory_space<vmem>>) semaphore(%run_scoped3A_245 : memref<!tpu.dma_semaphore, #tpu.memory_space<semaphore_mem>>)
            %dma_wait3A = arith.constant 0 : i32
            %dma_wait3A_252 = tpu.memref_slice %arg11[%run_scoped3A, %dma_wait3A] : memref<1x128xi32, #tpu.memory_space<vmem>> -> memref<1x128xi32, #tpu.memory_space<vmem>>
            %dma_wait3A_253 = tpu.memref_squeeze %dma_wait3A_252 : memref<1x128xi32, #tpu.memory_space<vmem>> -> memref<128xi32, #tpu.memory_space<vmem>>
            %dma_wait3A_254 = arith.constant 0 : i32
            %dma_wait3A_255 = arith.constant 0 : i32
            %dma_wait3A_256 = tpu.memref_slice %arg4[%dma_wait3A_254, %dma_wait3A_255] : memref<16416x128xf32, #tpu.memory_space<hbm>> -> memref<16416x128xf32, #tpu.memory_space<hbm>>
            tpu.wait_indirect_dma semaphore(%run_scoped3A_245 : memref<!tpu.dma_semaphore, #tpu.memory_space<semaphore_mem>>) src(%arg10 : memref<128x128xf32, #tpu.memory_space<vmem>>) dst(%dma_wait3A_256 : memref<16416x128xf32, #tpu.memory_space<hbm>>)
            tpu.yield
          }) : () -> ()
        } else {
        }
        scf.yield %add3A_237 : i32
      }
      %while3A_190 = arith.constant 1 : i32
      %while3A_191 = scf.for %while3A_192 = %while3A_187 to %while3A_183 step %while3A_190 iter_args(%while3A_193 = %while3A_189) -> (i32)  : i32 {
        %get3A_194 = arith.index_cast %while3A_192 : i32 to index
        %get3A_195 = tpu.vector_load %arg9[%get3A_194] {strides = array<i32>} : memref<32xi32, #tpu.memory_space<vmem>>, vector<16xi32>,
        %slice3A_196 = vector.extract_strided_slice %get3A_195 {offsets = [0], sizes = [1], strides = [1]} : vector<16xi32> to vector<1xi32>
        %squeeze3A_197 = vector.extract %slice3A_196[0] : i32 from vector<1xi32>
        %shift_right_arithmetic3A_198 = arith.constant 14 : i32
        %shift_right_arithmetic3A_199 = arith.shrsi %squeeze3A_197, %shift_right_arithmetic3A_198 : i32
        %and3A_200 = arith.constant 511 : i32
        %and3A_201 = arith.andi %shift_right_arithmetic3A_199, %and3A_200 : i32
        %and3A_202 = arith.constant 16383 : i32
        %and3A_203 = arith.andi %squeeze3A_197, %and3A_202 : i32
        %rem3A_204 = arith.constant 128 : i32
        %rem3A_205 = arith.remsi %while3A_193, %rem3A_204 : i32
        %add3A_206 = arith.constant 0 : i32
        %add3A_207 = vector.broadcast %add3A_206 : i32 to vector<16xi32>
        %add3A_208 = arith.addi %add3A_207, %iota3A : vector<16xi32>
        %broadcast_in_dim3A_209 = vector.broadcast %and3A_201 : i32 to vector<16xi32>
        %gather3A = tpu.vector_load_idx %arg8[%add3A_208, %broadcast_in_dim3A_209] : memref<64x64xf32, #tpu.memory_space<vmem>>[vector<16xi32>, vector<16xi32>], vector<16xf32>,
        %broadcast_in_dim3A_210 = vector.broadcast %rem3A_205 : i32 to vector<16xi32>
        tpu.vector_store_idx %arg10[%broadcast_in_dim3A_210, %add3A_208], %gather3A : memref<128x128xf32, #tpu.memory_space<vmem>>[vector<16xi32>, vector<16xi32>], vector<16xf32>,
        %add3A_211 = arith.constant 16 : i32
        %add3A_212 = vector.broadcast %add3A_211 : i32 to vector<16xi32>
        %add3A_213 = arith.addi %add3A_212, %iota3A : vector<16xi32>
        %broadcast_in_dim3A_214 = vector.broadcast %and3A_201 : i32 to vector<16xi32>
        %gather3A_215 = tpu.vector_load_idx %arg8[%add3A_213, %broadcast_in_dim3A_214] : memref<64x64xf32, #tpu.memory_space<vmem>>[vector<16xi32>, vector<16xi32>], vector<16xf32>,
        %broadcast_in_dim3A_216 = vector.broadcast %rem3A_205 : i32 to vector<16xi32>
        tpu.vector_store_idx %arg10[%broadcast_in_dim3A_216, %add3A_213], %gather3A_215 : memref<128x128xf32, #tpu.memory_space<vmem>>[vector<16xi32>, vector<16xi32>], vector<16xf32>,
        %add3A_217 = arith.constant 32 : i32
        %add3A_218 = vector.broadcast %add3A_217 : i32 to vector<16xi32>
        %add3A_219 = arith.addi %add3A_218, %iota3A : vector<16xi32>
        %broadcast_in_dim3A_220 = vector.broadcast %and3A_201 : i32 to vector<16xi32>
        %gather3A_221 = tpu.vector_load_idx %arg8[%add3A_219, %broadcast_in_dim3A_220] : memref<64x64xf32, #tpu.memory_space<vmem>>[vector<16xi32>, vector<16xi32>], vector<16xf32>,
        %broadcast_in_dim3A_222 = vector.broadcast %rem3A_205 : i32 to vector<16xi32>
        tpu.vector_store_idx %arg10[%broadcast_in_dim3A_222, %add3A_219], %gather3A_221 : memref<128x128xf32, #tpu.memory_space<vmem>>[vector<16xi32>, vector<16xi32>], vector<16xf32>,
        %add3A_223 = arith.constant 48 : i32
        %add3A_224 = vector.broadcast %add3A_223 : i32 to vector<16xi32>
        %add3A_225 = arith.addi %add3A_224, %iota3A : vector<16xi32>
        %broadcast_in_dim3A_226 = vector.broadcast %and3A_201 : i32 to vector<16xi32>
        %gather3A_227 = tpu.vector_load_idx %arg8[%add3A_225, %broadcast_in_dim3A_226] : memref<64x64xf32, #tpu.memory_space<vmem>>[vector<16xi32>, vector<16xi32>], vector<16xf32>,
        %broadcast_in_dim3A_228 = vector.broadcast %rem3A_205 : i32 to vector<16xi32>
        tpu.vector_store_idx %arg10[%broadcast_in_dim3A_228, %add3A_225], %gather3A_227 : memref<128x128xf32, #tpu.memory_space<vmem>>[vector<16xi32>, vector<16xi32>], vector<16xf32>,
        %broadcast_in_dim3A_229 = arith.constant 0 : i32
        %broadcast_in_dim3A_230 = vector.broadcast %broadcast_in_dim3A_229 : i32 to vector<16xi32>
        %broadcast_in_dim3A_231 = vector.broadcast %rem3A_205 : i32 to vector<16xi32>
        %broadcast_in_dim3A_232 = vector.broadcast %and3A_203 : i32 to vector<16xi32>
        %eq3A_233 = arith.constant 0 : i32
        %eq3A_234 = vector.broadcast %eq3A_233 : i32 to vector<16xi32>
        %eq3A_235 = arith.cmpi eq, %iota3A, %eq3A_234 : vector<16xi32>
        tpu.vector_store_idx %arg11[%broadcast_in_dim3A_230, %broadcast_in_dim3A_231], %broadcast_in_dim3A_232 masked %eq3A_235 : memref<1x128xi32, #tpu.memory_space<vmem>>[vector<16xi32>, vector<16xi32>], vector<16xi32>, vector<16xi1>
        %add3A_236 = arith.constant 1 : i32
        %add3A_237 = arith.addi %while3A_193, %add3A_236 : i32
        %rem3A_238 = arith.constant 128 : i32
        %rem3A_239 = arith.remsi %add3A_237, %rem3A_238 : i32
        %eq3A_240 = arith.constant 0 : i32
        %eq3A_241 = arith.cmpi eq, %rem3A_239, %eq3A_240 : i32
        %convert_element_type3A_242 = arith.extui %eq3A_241 : i1 to i32
        %cond3A_243 = arith.constant 0 : i32
        %cond3A_244 = arith.cmpi ne, %convert_element_type3A_242, %cond3A_243 : i32
        scf.if %cond3A_244 {
          %run_scoped3A = arith.constant 0 : i32
          "tpu.region"() ({
            %run_scoped3A_245 = tpu.sem_alloc : memref<!tpu.dma_semaphore, #tpu.memory_space<semaphore_mem>>
            %dma_start3A_246 = arith.constant 0 : i32
            %dma_start3A_247 = tpu.memref_slice %arg11[%run_scoped3A, %dma_start3A_246] : memref<1x128xi32, #tpu.memory_space<vmem>> -> memref<1x128xi32, #tpu.memory_space<vmem>>
            %dma_start3A_248 = tpu.memref_squeeze %dma_start3A_247 : memref<1x128xi32, #tpu.memory_space<vmem>> -> memref<128xi32, #tpu.memory_space<vmem>>
            %dma_start3A_249 = arith.constant 0 : i32
            %dma_start3A_250 = arith.constant 0 : i32
            %dma_start3A_251 = tpu.memref_slice %arg4[%dma_start3A_249, %dma_start3A_250] : memref<16416x128xf32, #tpu.memory_space<hbm>> -> memref<16416x128xf32, #tpu.memory_space<hbm>>
            tpu.enqueue_indirect_dma source(%arg10 : memref<128x128xf32, #tpu.memory_space<vmem>>) target(%dma_start3A_251 : memref<16416x128xf32, #tpu.memory_space<hbm>>) offsets(%dma_start3A_248 : memref<128xi32, #tpu.memory_space<vmem>>) semaphore(%run_scoped3A_245 : memref<!tpu.dma_semaphore, #tpu.memory_space<semaphore_mem>>)
            %dma_wait3A = arith.constant 0 : i32
            %dma_wait3A_252 = tpu.memref_slice %arg11[%run_scoped3A, %dma_wait3A] : memref<1x128xi32, #tpu.memory_space<vmem>> -> memref<1x128xi32, #tpu.memory_space<vmem>>
            %dma_wait3A_253 = tpu.memref_squeeze %dma_wait3A_252 : memref<1x128xi32, #tpu.memory_space<vmem>> -> memref<128xi32, #tpu.memory_space<vmem>>
            %dma_wait3A_254 = arith.constant 0 : i32
            %dma_wait3A_255 = arith.constant 0 : i32
            %dma_wait3A_256 = tpu.memref_slice %arg4[%dma_wait3A_254, %dma_wait3A_255] : memref<16416x128xf32, #tpu.memory_space<hbm>> -> memref<16416x128xf32, #tpu.memory_space<hbm>>
            tpu.wait_indirect_dma semaphore(%run_scoped3A_245 : memref<!tpu.dma_semaphore, #tpu.memory_space<semaphore_mem>>) src(%arg10 : memref<128x128xf32, #tpu.memory_space<vmem>>) dst(%dma_wait3A_256 : memref<16416x128xf32, #tpu.memory_space<hbm>>)
            tpu.yield
          }) : () -> ()
        } else {
        }
        scf.yield %add3A_237 : i32
      }
      scf.yield %while3A_191 : i32
    }
    %rem3A_165 = arith.constant 128 : i32
    %rem3A_166 = arith.remsi %while3A_164, %rem3A_165 : i32
    %ne3A_167 = arith.constant 0 : i32
    %ne3A_168 = arith.cmpi ne, %rem3A_166, %ne3A_167 : i32
    %convert_element_type3A = arith.extui %ne3A_168 : i1 to i32
    %cond3A = arith.constant 0 : i32
    %cond3A_169 = arith.cmpi ne, %convert_element_type3A, %cond3A : i32
    scf.if %cond3A_169 {
      %run_scoped3A = arith.constant 0 : i32
      "tpu.region"() ({
        %run_scoped3A_170 = tpu.sem_alloc : memref<!tpu.dma_semaphore, #tpu.memory_space<semaphore_mem>>
        %dma_start3A_171 = arith.constant 0 : i32
        %dma_start3A_172 = tpu.memref_slice %arg11[%run_scoped3A, %dma_start3A_171] : memref<1x128xi32, #tpu.memory_space<vmem>> -> memref<1x128xi32, #tpu.memory_space<vmem>>
        %dma_start3A_173 = tpu.memref_squeeze %dma_start3A_172 : memref<1x128xi32, #tpu.memory_space<vmem>> -> memref<128xi32, #tpu.memory_space<vmem>>
        %dma_start3A_174 = arith.constant 0 : i32
        %dma_start3A_175 = arith.constant 0 : i32
        %dma_start3A_176 = tpu.memref_slice %arg4[%dma_start3A_174, %dma_start3A_175] : memref<16416x128xf32, #tpu.memory_space<hbm>> -> memref<16416x128xf32, #tpu.memory_space<hbm>>
        tpu.enqueue_indirect_dma source(%arg10 : memref<128x128xf32, #tpu.memory_space<vmem>>) target(%dma_start3A_176 : memref<16416x128xf32, #tpu.memory_space<hbm>>) offsets(%dma_start3A_173 : memref<128xi32, #tpu.memory_space<vmem>>) semaphore(%run_scoped3A_170 : memref<!tpu.dma_semaphore, #tpu.memory_space<semaphore_mem>>)
        %dma_wait3A = arith.constant 0 : i32
        %dma_wait3A_177 = tpu.memref_slice %arg11[%run_scoped3A, %dma_wait3A] : memref<1x128xi32, #tpu.memory_space<vmem>> -> memref<1x128xi32, #tpu.memory_space<vmem>>
        %dma_wait3A_178 = tpu.memref_squeeze %dma_wait3A_177 : memref<1x128xi32, #tpu.memory_space<vmem>> -> memref<128xi32, #tpu.memory_space<vmem>>
        %dma_wait3A_179 = arith.constant 0 : i32
        %dma_wait3A_180 = arith.constant 0 : i32
        %dma_wait3A_181 = tpu.memref_slice %arg4[%dma_wait3A_179, %dma_wait3A_180] : memref<16416x128xf32, #tpu.memory_space<hbm>> -> memref<16416x128xf32, #tpu.memory_space<hbm>>
        tpu.wait_indirect_dma semaphore(%run_scoped3A_170 : memref<!tpu.dma_semaphore, #tpu.memory_space<semaphore_mem>>) src(%arg10 : memref<128x128xf32, #tpu.memory_space<vmem>>) dst(%dma_wait3A_181 : memref<16416x128xf32, #tpu.memory_space<hbm>>)
        tpu.yield
      }) : () -> ()
    } else {
    }
    return
  }
}

#map = affine_map<(d0, d1) -> (0)>
#map1 = affine_map<(d0, d1) -> (0, 0)>
module attributes {stable_mosaic.version = 14 : i64} {
  func.func @body(%arg0: i32, %arg1: i32, %arg2: memref<16384xi32, #tpu.memory_space<hbm>>, %arg3: memref<64x100000xf32, #tpu.memory_space<hbm>>, %arg4: memref<16416x128xf32, #tpu.memory_space<hbm>>, %arg5: memref<2048xi32, #tpu.memory_space<vmem>>, %arg6: memref<16400xi32, #tpu.memory_space<vmem>>, %arg7: memref<2x64x256xf32, #tpu.memory_space<vmem>>, %arg8: memref<64x160xf32, #tpu.memory_space<vmem>>, %arg9: memref<32xi32, #tpu.memory_space<vmem>>, %arg10: memref<128x128xf32, #tpu.memory_space<vmem>>, %arg11: memref<1x128xi32, #tpu.memory_space<vmem>>, %arg12: memref<!tpu.dma_semaphore, #tpu.memory_space<semaphore_mem>>) attributes {dimension_semantics = [#tpu.dimension_semantics<core_parallel>, #tpu.dimension_semantics<subcore_parallel>], iteration_bounds = array<i64: 2, 16>, scalar_prefetch = 0 : i64, scratch_operands = 8 : i64, tpu.core_type = #tpu.core_type<sc_vector_subcore>, window_params = [{transform_indices = #map}, {transform_indices = #map1}, {transform_indices = #map1}]} {
    %mul3A = arith.constant 2 : i32
    %mul3A_0 = arith.muli %arg1, %mul3A : i32
    %add3A = arith.addi %mul3A_0, %arg0 : i32
    %sub3A = arith.constant 389 : i32
    %sub3A_1 = arith.subi %sub3A, %add3A : i32
    %jit3A = arith.constant 32 : i32
    %div3A = arith.divsi %sub3A_1, %jit3A : i32
    %sign3A = arith.constant 0 : i32
    %sign3A_2 = arith.cmpi sgt, %sub3A_1, %sign3A : i32
    %sign3A_3 = arith.extui %sign3A_2 : i1 to i32
    %sign3A_4 = arith.constant 0 : i32
    %sign3A_5 = arith.cmpi slt, %sub3A_1, %sign3A_4 : i32
    %sign3A_6 = arith.extui %sign3A_5 : i1 to i32
    %sign3A_7 = arith.subi %sign3A_3, %sign3A_6 : i32
    %sign3A_8 = arith.constant 0 : i32
    %sign3A_9 = arith.cmpi sgt, %jit3A, %sign3A_8 : i32
    %sign3A_10 = arith.extui %sign3A_9 : i1 to i32
    %sign3A_11 = arith.constant 0 : i32
    %sign3A_12 = arith.cmpi slt, %jit3A, %sign3A_11 : i32
    %sign3A_13 = arith.extui %sign3A_12 : i1 to i32
    %sign3A_14 = arith.subi %sign3A_10, %sign3A_13 : i32
    %ne3A = arith.cmpi ne, %sign3A_7, %sign3A_14 : i32
    %rem3A = arith.remsi %sub3A_1, %jit3A : i32
    %ne3A_15 = arith.constant 0 : i32
    %ne3A_16 = arith.cmpi ne, %rem3A, %ne3A_15 : i32
    %and3A = arith.andi %ne3A, %ne3A_16 : i1
    %sub3A_17 = arith.constant 1 : i32
    %sub3A_18 = arith.subi %div3A, %sub3A_17 : i32
    %select_n3A = arith.select %and3A, %sub3A_18, %div3A : i32
    %add3A_19 = arith.constant 1 : i32
    %add3A_20 = arith.addi %select_n3A, %add3A_19 : i32
    %iota3A = tpu.iota {dimensions = array<i32: 0>} : vector<16xi32>
    %scan3A = arith.constant 0 : i32
    %scan3A_21 = arith.constant 0 : i32
    %scan3A_22 = arith.constant 128 : i32
    %scan3A_23 = arith.addi %scan3A_21, %scan3A_22 : i32
    %scan3A_24 = arith.constant 1 : i32
    scf.for %scan3A_170 = %scan3A_21 to %scan3A_23 step %scan3A_24  : i32 {
      %broadcast_in_dim3A_171 = vector.broadcast %scan3A_170 : i32 to vector<16xi32>
      %add3A_172 = arith.constant 64 : i32
      %add3A_173 = vector.broadcast %add3A_172 : i32 to vector<16xi32>
      %add3A_174 = arith.addi %add3A_173, %iota3A : vector<16xi32>
      %broadcast_in_dim3A_175 = arith.constant 0.000000e+00 : f32
      %broadcast_in_dim3A_176 = vector.broadcast %broadcast_in_dim3A_175 : f32 to vector<16xf32>
      tpu.vector_store_idx %arg10[%broadcast_in_dim3A_171, %add3A_174], %broadcast_in_dim3A_176 : memref<128x128xf32, #tpu.memory_space<vmem>>[vector<16xi32>, vector<16xi32>], vector<16xf32>,
      %broadcast_in_dim3A_177 = vector.broadcast %scan3A_170 : i32 to vector<16xi32>
      %add3A_178 = arith.constant 80 : i32
      %add3A_179 = vector.broadcast %add3A_178 : i32 to vector<16xi32>
      %add3A_180 = arith.addi %add3A_179, %iota3A : vector<16xi32>
      %broadcast_in_dim3A_181 = arith.constant 0.000000e+00 : f32
      %broadcast_in_dim3A_182 = vector.broadcast %broadcast_in_dim3A_181 : f32 to vector<16xf32>
      tpu.vector_store_idx %arg10[%broadcast_in_dim3A_177, %add3A_180], %broadcast_in_dim3A_182 : memref<128x128xf32, #tpu.memory_space<vmem>>[vector<16xi32>, vector<16xi32>], vector<16xf32>,
      %broadcast_in_dim3A_183 = vector.broadcast %scan3A_170 : i32 to vector<16xi32>
      %add3A_184 = arith.constant 96 : i32
      %add3A_185 = vector.broadcast %add3A_184 : i32 to vector<16xi32>
      %add3A_186 = arith.addi %add3A_185, %iota3A : vector<16xi32>
      %broadcast_in_dim3A_187 = arith.constant 0.000000e+00 : f32
      %broadcast_in_dim3A_188 = vector.broadcast %broadcast_in_dim3A_187 : f32 to vector<16xf32>
      tpu.vector_store_idx %arg10[%broadcast_in_dim3A_183, %add3A_186], %broadcast_in_dim3A_188 : memref<128x128xf32, #tpu.memory_space<vmem>>[vector<16xi32>, vector<16xi32>], vector<16xf32>,
      %broadcast_in_dim3A_189 = vector.broadcast %scan3A_170 : i32 to vector<16xi32>
      %add3A_190 = arith.constant 112 : i32
      %add3A_191 = vector.broadcast %add3A_190 : i32 to vector<16xi32>
      %add3A_192 = arith.addi %add3A_191, %iota3A : vector<16xi32>
      %broadcast_in_dim3A_193 = arith.constant 0.000000e+00 : f32
      %broadcast_in_dim3A_194 = vector.broadcast %broadcast_in_dim3A_193 : f32 to vector<16xf32>
      tpu.vector_store_idx %arg10[%broadcast_in_dim3A_189, %add3A_192], %broadcast_in_dim3A_194 : memref<128x128xf32, #tpu.memory_space<vmem>>[vector<16xi32>, vector<16xi32>], vector<16xf32>,
    }
    %scan3A_25 = arith.constant 128 : i32
    %broadcast_in_dim3A = arith.constant 0 : i32
    %broadcast_in_dim3A_26 = vector.broadcast %broadcast_in_dim3A : i32 to vector<16xi32>
    %add3A_27 = arith.constant 0 : i32
    %add3A_28 = vector.broadcast %add3A_27 : i32 to vector<16xi32>
    %add3A_29 = arith.addi %add3A_28, %iota3A : vector<16xi32>
    %add3A_30 = arith.constant 16384 : i32
    %add3A_31 = arith.addi %add3A_30, %add3A : i32
    %broadcast_in_dim3A_32 = vector.broadcast %add3A_31 : i32 to vector<16xi32>
    tpu.vector_store_idx %arg11[%broadcast_in_dim3A_26, %add3A_29], %broadcast_in_dim3A_32 : memref<1x128xi32, #tpu.memory_space<vmem>>[vector<16xi32>, vector<16xi32>], vector<16xi32>,
    %broadcast_in_dim3A_33 = arith.constant 0 : i32
    %broadcast_in_dim3A_34 = vector.broadcast %broadcast_in_dim3A_33 : i32 to vector<16xi32>
    %add3A_35 = arith.constant 16 : i32
    %add3A_36 = vector.broadcast %add3A_35 : i32 to vector<16xi32>
    %add3A_37 = arith.addi %add3A_36, %iota3A : vector<16xi32>
    %add3A_38 = arith.constant 16384 : i32
    %add3A_39 = arith.addi %add3A_38, %add3A : i32
    %broadcast_in_dim3A_40 = vector.broadcast %add3A_39 : i32 to vector<16xi32>
    tpu.vector_store_idx %arg11[%broadcast_in_dim3A_34, %add3A_37], %broadcast_in_dim3A_40 : memref<1x128xi32, #tpu.memory_space<vmem>>[vector<16xi32>, vector<16xi32>], vector<16xi32>,
    %broadcast_in_dim3A_41 = arith.constant 0 : i32
    %broadcast_in_dim3A_42 = vector.broadcast %broadcast_in_dim3A_41 : i32 to vector<16xi32>
    %add3A_43 = arith.constant 32 : i32
    %add3A_44 = vector.broadcast %add3A_43 : i32 to vector<16xi32>
    %add3A_45 = arith.addi %add3A_44, %iota3A : vector<16xi32>
    %add3A_46 = arith.constant 16384 : i32
    %add3A_47 = arith.addi %add3A_46, %add3A : i32
    %broadcast_in_dim3A_48 = vector.broadcast %add3A_47 : i32 to vector<16xi32>
    tpu.vector_store_idx %arg11[%broadcast_in_dim3A_42, %add3A_45], %broadcast_in_dim3A_48 : memref<1x128xi32, #tpu.memory_space<vmem>>[vector<16xi32>, vector<16xi32>], vector<16xi32>,
    %broadcast_in_dim3A_49 = arith.constant 0 : i32
    %broadcast_in_dim3A_50 = vector.broadcast %broadcast_in_dim3A_49 : i32 to vector<16xi32>
    %add3A_51 = arith.constant 48 : i32
    %add3A_52 = vector.broadcast %add3A_51 : i32 to vector<16xi32>
    %add3A_53 = arith.addi %add3A_52, %iota3A : vector<16xi32>
    %add3A_54 = arith.constant 16384 : i32
    %add3A_55 = arith.addi %add3A_54, %add3A : i32
    %broadcast_in_dim3A_56 = vector.broadcast %add3A_55 : i32 to vector<16xi32>
    tpu.vector_store_idx %arg11[%broadcast_in_dim3A_50, %add3A_53], %broadcast_in_dim3A_56 : memref<1x128xi32, #tpu.memory_space<vmem>>[vector<16xi32>, vector<16xi32>], vector<16xi32>,
    %broadcast_in_dim3A_57 = arith.constant 0 : i32
    %broadcast_in_dim3A_58 = vector.broadcast %broadcast_in_dim3A_57 : i32 to vector<16xi32>
    %add3A_59 = arith.constant 64 : i32
    %add3A_60 = vector.broadcast %add3A_59 : i32 to vector<16xi32>
    %add3A_61 = arith.addi %add3A_60, %iota3A : vector<16xi32>
    %add3A_62 = arith.constant 16384 : i32
    %add3A_63 = arith.addi %add3A_62, %add3A : i32
    %broadcast_in_dim3A_64 = vector.broadcast %add3A_63 : i32 to vector<16xi32>
    tpu.vector_store_idx %arg11[%broadcast_in_dim3A_58, %add3A_61], %broadcast_in_dim3A_64 : memref<1x128xi32, #tpu.memory_space<vmem>>[vector<16xi32>, vector<16xi32>], vector<16xi32>,
    %broadcast_in_dim3A_65 = arith.constant 0 : i32
    %broadcast_in_dim3A_66 = vector.broadcast %broadcast_in_dim3A_65 : i32 to vector<16xi32>
    %add3A_67 = arith.constant 80 : i32
    %add3A_68 = vector.broadcast %add3A_67 : i32 to vector<16xi32>
    %add3A_69 = arith.addi %add3A_68, %iota3A : vector<16xi32>
    %add3A_70 = arith.constant 16384 : i32
    %add3A_71 = arith.addi %add3A_70, %add3A : i32
    %broadcast_in_dim3A_72 = vector.broadcast %add3A_71 : i32 to vector<16xi32>
    tpu.vector_store_idx %arg11[%broadcast_in_dim3A_66, %add3A_69], %broadcast_in_dim3A_72 : memref<1x128xi32, #tpu.memory_space<vmem>>[vector<16xi32>, vector<16xi32>], vector<16xi32>,
    %broadcast_in_dim3A_73 = arith.constant 0 : i32
    %broadcast_in_dim3A_74 = vector.broadcast %broadcast_in_dim3A_73 : i32 to vector<16xi32>
    %add3A_75 = arith.constant 96 : i32
    %add3A_76 = vector.broadcast %add3A_75 : i32 to vector<16xi32>
    %add3A_77 = arith.addi %add3A_76, %iota3A : vector<16xi32>
    %add3A_78 = arith.constant 16384 : i32
    %add3A_79 = arith.addi %add3A_78, %add3A : i32
    %broadcast_in_dim3A_80 = vector.broadcast %add3A_79 : i32 to vector<16xi32>
    tpu.vector_store_idx %arg11[%broadcast_in_dim3A_74, %add3A_77], %broadcast_in_dim3A_80 : memref<1x128xi32, #tpu.memory_space<vmem>>[vector<16xi32>, vector<16xi32>], vector<16xi32>,
    %broadcast_in_dim3A_81 = arith.constant 0 : i32
    %broadcast_in_dim3A_82 = vector.broadcast %broadcast_in_dim3A_81 : i32 to vector<16xi32>
    %add3A_83 = arith.constant 112 : i32
    %add3A_84 = vector.broadcast %add3A_83 : i32 to vector<16xi32>
    %add3A_85 = arith.addi %add3A_84, %iota3A : vector<16xi32>
    %add3A_86 = arith.constant 16384 : i32
    %add3A_87 = arith.addi %add3A_86, %add3A : i32
    %broadcast_in_dim3A_88 = vector.broadcast %add3A_87 : i32 to vector<16xi32>
    tpu.vector_store_idx %arg11[%broadcast_in_dim3A_82, %add3A_85], %broadcast_in_dim3A_88 : memref<1x128xi32, #tpu.memory_space<vmem>>[vector<16xi32>, vector<16xi32>], vector<16xi32>,
    %scan3A_89 = arith.constant 0 : i32
    %scan3A_90 = arith.constant 0 : i32
    %scan3A_91 = arith.constant 8 : i32
    %scan3A_92 = arith.addi %scan3A_90, %scan3A_91 : i32
    %scan3A_93 = arith.constant 1 : i32
    %scan3A_94 = scf.for %scan3A_170 = %scan3A_90 to %scan3A_92 step %scan3A_93 iter_args(%scan3A_171 = %scan3A_89) -> (i32)  : i32 {
      %mul3A_172 = arith.constant 2048 : i32
      %mul3A_173 = arith.muli %scan3A_170, %mul3A_172 : i32
      "tpu.region"() ({
        %run_scoped3A = tpu.sem_alloc : memref<!tpu.dma_semaphore, #tpu.memory_space<semaphore_mem>>
        %dma_start3A_180 = tpu.memref_slice %arg2[%mul3A_173] : memref<16384xi32, #tpu.memory_space<hbm>> -> memref<2048xi32, #tpu.memory_space<hbm>>
        %dma_start3A_181 = tpu.memref_slice %arg2[%mul3A_173] : memref<16384xi32, #tpu.memory_space<hbm>> -> memref<2048xi32, #tpu.memory_space<hbm>>
        tpu.enqueue_dma source(%dma_start3A_181 : memref<2048xi32, #tpu.memory_space<hbm>>) target(%arg5 : memref<2048xi32, #tpu.memory_space<vmem>>) target_semaphore(%run_scoped3A : memref<!tpu.dma_semaphore, #tpu.memory_space<semaphore_mem>>)
        %dma_wait3A = tpu.memref_slice %arg2[%mul3A_173] : memref<16384xi32, #tpu.memory_space<hbm>> -> memref<2048xi32, #tpu.memory_space<hbm>>
        %dma_wait3A_182 = tpu.memref_slice %arg2[%mul3A_173] : memref<16384xi32, #tpu.memory_space<hbm>> -> memref<2048xi32, #tpu.memory_space<hbm>>
        tpu.wait_dma2 semaphore(%run_scoped3A : memref<!tpu.dma_semaphore, #tpu.memory_space<semaphore_mem>>) src(%dma_wait3A_182 : memref<2048xi32, #tpu.memory_space<hbm>>) dst(%arg5 : memref<2048xi32, #tpu.memory_space<vmem>>)
        tpu.yield
      }) : () -> ()
      %scan3A_174 = arith.constant 0 : i32
      %scan3A_175 = arith.constant 128 : i32
      %scan3A_176 = arith.addi %scan3A_174, %scan3A_175 : i32
      %scan3A_177 = arith.constant 1 : i32
      %scan3A_178 = scf.for %scan3A_180 = %scan3A_174 to %scan3A_176 step %scan3A_177 iter_args(%scan3A_181 = %scan3A_171) -> (i32)  : i32 {
        %mul3A_182 = arith.constant 16 : i32
        %mul3A_183 = arith.muli %scan3A_180, %mul3A_182 : i32
        %get3A = arith.index_cast %mul3A_183 : i32 to index
        %get3A_184 = tpu.vector_load %arg5[%get3A] {strides = array<i32>} : memref<2048xi32, #tpu.memory_space<vmem>>, vector<16xi32>,
        %mul3A_185 = arith.constant 2048 : i32
        %mul3A_186 = arith.muli %scan3A_170, %mul3A_185 : i32
        %mul3A_187 = arith.constant 16 : i32
        %mul3A_188 = arith.muli %scan3A_180, %mul3A_187 : i32
        %add3A_189 = arith.addi %mul3A_186, %mul3A_188 : i32
        %add3A_190 = vector.broadcast %add3A_189 : i32 to vector<16xi32>
        %add3A_191 = arith.addi %add3A_190, %iota3A : vector<16xi32>
        %shift_right_arithmetic3A = arith.constant 8 : i32
        %shift_right_arithmetic3A_192 = vector.broadcast %shift_right_arithmetic3A : i32 to vector<16xi32>
        %shift_right_arithmetic3A_193 = arith.shrsi %get3A_184, %shift_right_arithmetic3A_192 : vector<16xi32>
        %and3A_194 = arith.constant 31 : i32
        %and3A_195 = vector.broadcast %and3A_194 : i32 to vector<16xi32>
        %and3A_196 = arith.andi %shift_right_arithmetic3A_193, %and3A_195 : vector<16xi32>
        %eq3A = vector.broadcast %add3A : i32 to vector<16xi32>
        %eq3A_197 = arith.cmpi eq, %and3A_196, %eq3A : vector<16xi32>
        %ge3A = arith.constant 99840 : i32
        %ge3A_198 = vector.broadcast %ge3A : i32 to vector<16xi32>
        %ge3A_199 = arith.cmpi sge, %get3A_184, %ge3A_198 : vector<16xi32>
        %convert_element_type3A_200 = arith.extui %ge3A_199 : vector<16xi1> to vector<16xi32>
        %shift_left3A = arith.constant 30 : i32
        %shift_left3A_201 = vector.broadcast %shift_left3A : i32 to vector<16xi32>
        %shift_left3A_202 = arith.shli %convert_element_type3A_200, %shift_left3A_201 : vector<16xi32>
        %shift_right_arithmetic3A_203 = arith.constant 13 : i32
        %shift_right_arithmetic3A_204 = vector.broadcast %shift_right_arithmetic3A_203 : i32 to vector<16xi32>
        %shift_right_arithmetic3A_205 = arith.shrsi %get3A_184, %shift_right_arithmetic3A_204 : vector<16xi32>
        %shift_left3A_206 = arith.constant 23 : i32
        %shift_left3A_207 = vector.broadcast %shift_left3A_206 : i32 to vector<16xi32>
        %shift_left3A_208 = arith.shli %shift_right_arithmetic3A_205, %shift_left3A_207 : vector<16xi32>
        %or3A = arith.ori %shift_left3A_202, %shift_left3A_208 : vector<16xi32>
        %and3A_209 = arith.constant 255 : i32
        %and3A_210 = vector.broadcast %and3A_209 : i32 to vector<16xi32>
        %and3A_211 = arith.andi %get3A_184, %and3A_210 : vector<16xi32>
        %shift_left3A_212 = arith.constant 14 : i32
        %shift_left3A_213 = vector.broadcast %shift_left3A_212 : i32 to vector<16xi32>
        %shift_left3A_214 = arith.shli %and3A_211, %shift_left3A_213 : vector<16xi32>
        %or3A_215 = arith.ori %or3A, %shift_left3A_214 : vector<16xi32>
        %or3A_216 = arith.ori %or3A_215, %add3A_191 : vector<16xi32>
        %swap3A_217 = arith.index_cast %scan3A_181 : i32 to index
        %swap3A_218 = tpu.vector_load %arg6[%swap3A_217] masked %eq3A_197 {strides = array<i32>} : memref<16400xi32, #tpu.memory_space<vmem>>, vector<16xi32>, vector<16xi1>
        tpu.vector_store %arg6[%swap3A_217], %or3A_216 masked %eq3A_197 {strides = array<i32>} : memref<16400xi32, #tpu.memory_space<vmem>>, vector<16xi32>, vector<16xi1>
        %all_reduce_population_count3A = tpu.all_reduce %eq3A_197 {dim = 0 : i64, kind = #tpu.reduction_kind<sum>} : vector<16xi1> -> vector<16xi32>
        %slice3A = vector.extract_strided_slice %all_reduce_population_count3A {offsets = [0], sizes = [1], strides = [1]} : vector<16xi32> to vector<1xi32>
        %squeeze3A = vector.extract %slice3A[0] : i32 from vector<1xi32>
        %add3A_219 = arith.addi %scan3A_181, %squeeze3A : i32
        scf.yield %add3A_219 : i32
      }
      %scan3A_179 = arith.constant 128 : i32
      scf.yield %scan3A_178 : i32
    }
    %scan3A_95 = arith.constant 8 : i32
    %broadcast_in_dim3A_96 = arith.constant 2147400000 : i32
    %broadcast_in_dim3A_97 = vector.broadcast %broadcast_in_dim3A_96 : i32 to vector<16xi32>
    %swap3A = arith.index_cast %scan3A_94 : i32 to index
    %swap3A_98 = tpu.vector_load %arg6[%swap3A] {strides = array<i32>} : memref<16400xi32, #tpu.memory_space<vmem>>, vector<16xi32>,
    tpu.vector_store %arg6[%swap3A], %broadcast_in_dim3A_97 {strides = array<i32>} : memref<16400xi32, #tpu.memory_space<vmem>>, vector<16xi32>,
    %add3A_99 = arith.constant 16 : i32
    %add3A_100 = arith.addi %scan3A_94, %add3A_99 : i32
    %sub3A_101 = arith.constant 1 : i32
    %sub3A_102 = arith.subi %add3A_100, %sub3A_101 : i32
    %jit3A_103 = arith.constant 16 : i32
    %div3A_104 = arith.divsi %sub3A_102, %jit3A_103 : i32
    %sign3A_105 = arith.constant 0 : i32
    %sign3A_106 = arith.cmpi sgt, %sub3A_102, %sign3A_105 : i32
    %sign3A_107 = arith.extui %sign3A_106 : i1 to i32
    %sign3A_108 = arith.constant 0 : i32
    %sign3A_109 = arith.cmpi slt, %sub3A_102, %sign3A_108 : i32
    %sign3A_110 = arith.extui %sign3A_109 : i1 to i32
    %sign3A_111 = arith.subi %sign3A_107, %sign3A_110 : i32
    %sign3A_112 = arith.constant 0 : i32
    %sign3A_113 = arith.cmpi sgt, %jit3A_103, %sign3A_112 : i32
    %sign3A_114 = arith.extui %sign3A_113 : i1 to i32
    %sign3A_115 = arith.constant 0 : i32
    %sign3A_116 = arith.cmpi slt, %jit3A_103, %sign3A_115 : i32
    %sign3A_117 = arith.extui %sign3A_116 : i1 to i32
    %sign3A_118 = arith.subi %sign3A_114, %sign3A_117 : i32
    %ne3A_119 = arith.cmpi ne, %sign3A_111, %sign3A_118 : i32
    %rem3A_120 = arith.remsi %sub3A_102, %jit3A_103 : i32
    %ne3A_121 = arith.constant 0 : i32
    %ne3A_122 = arith.cmpi ne, %rem3A_120, %ne3A_121 : i32
    %and3A_123 = arith.andi %ne3A_119, %ne3A_122 : i1
    %sub3A_124 = arith.constant 1 : i32
    %sub3A_125 = arith.subi %div3A_104, %sub3A_124 : i32
    %select_n3A_126 = arith.select %and3A_123, %sub3A_125, %div3A_104 : i32
    %add3A_127 = arith.constant 0 : i32
    %add3A_128 = arith.addi %add3A, %add3A_127 : i32
    %mul3A_129 = arith.constant 256 : i32
    %mul3A_130 = arith.muli %add3A_128, %mul3A_129 : i32
    %multiple_of3A = tpu.assume_multiple %mul3A_130, 256 : i32
    %dma_start3A = arith.constant 0 : i32
    %dma_start3A_131 = arith.constant 0 : i32
    %dma_start3A_132 = arith.constant 0 : i32
    %dma_start3A_133 = tpu.memref_slice %arg7[%dma_start3A, %dma_start3A_131, %dma_start3A_132] : memref<2x64x256xf32, #tpu.memory_space<vmem>> -> memref<1x64x256xf32, #tpu.memory_space<vmem>>
    %dma_start3A_134 = tpu.memref_squeeze %dma_start3A_133 : memref<1x64x256xf32, #tpu.memory_space<vmem>> -> memref<64x256xf32, #tpu.memory_space<vmem>>
    %dma_start3A_135 = arith.constant 0 : i32
    %dma_start3A_136 = tpu.memref_slice %arg3[%dma_start3A_135, %multiple_of3A] : memref<64x100000xf32, #tpu.memory_space<hbm>> -> memref<64x256xf32, #tpu.memory_space<hbm>>
    %dma_start3A_137 = arith.constant 0 : i32
    %dma_start3A_138 = arith.constant 0 : i32
    %dma_start3A_139 = tpu.memref_slice %arg7[%dma_start3A, %dma_start3A_137, %dma_start3A_138] : memref<2x64x256xf32, #tpu.memory_space<vmem>> -> memref<1x64x256xf32, #tpu.memory_space<vmem>>
    %dma_start3A_140 = tpu.memref_squeeze %dma_start3A_139 : memref<1x64x256xf32, #tpu.memory_space<vmem>> -> memref<64x256xf32, #tpu.memory_space<vmem>>
    %dma_start3A_141 = arith.constant 0 : i32
    %dma_start3A_142 = tpu.memref_slice %arg3[%dma_start3A_141, %multiple_of3A] : memref<64x100000xf32, #tpu.memory_space<hbm>> -> memref<64x256xf32, #tpu.memory_space<hbm>>
    tpu.enqueue_dma source(%dma_start3A_142 : memref<64x256xf32, #tpu.memory_space<hbm>>) target(%dma_start3A_140 : memref<64x256xf32, #tpu.memory_space<vmem>>) target_semaphore(%arg12 : memref<!tpu.dma_semaphore, #tpu.memory_space<semaphore_mem>>)
    %while3A = arith.constant 0 : i32
    %while3A_143 = arith.constant 0 : i32
    %while3A_144 = arith.subi %add3A_20, %while3A : i32
    %while3A_145 = arith.addi %while3A, %while3A_144 : i32
    %while3A_146 = arith.constant 1 : i32
    %while3A_147 = arith.divsi %while3A_144, %while3A_146 : i32
    %while3A_148 = arith.muli %while3A_147, %while3A_146 : i32
    %while3A_149 = arith.addi %while3A, %while3A_148 : i32
    %while3A_150 = arith.constant 1 : i32
    %while3A_151 = scf.for %while3A_170 = %while3A to %while3A_149 step %while3A_150 iter_args(%while3A_171 = %while3A_143) -> (i32)  : i32 {
      %add3A_172 = arith.constant 1 : i32
      %add3A_173 = arith.addi %while3A_170, %add3A_172 : i32
      %lt3A = arith.cmpi slt, %add3A_173, %add3A_20 : i32
      %convert_element_type3A_174 = arith.extui %lt3A : i1 to i32
      %cond3A_175 = arith.constant 0 : i32
      %cond3A_176 = arith.cmpi ne, %convert_element_type3A_174, %cond3A_175 : i32
      scf.if %cond3A_176 {
        %add3A_209 = arith.constant 1 : i32
        %add3A_210 = arith.addi %while3A_170, %add3A_209 : i32
        %mul3A_211 = arith.constant 32 : i32
        %mul3A_212 = arith.muli %add3A_210, %mul3A_211 : i32
        %add3A_213 = arith.addi %add3A, %mul3A_212 : i32
        %mul3A_214 = arith.constant 256 : i32
        %mul3A_215 = arith.muli %add3A_213, %mul3A_214 : i32
        %multiple_of3A_216 = tpu.assume_multiple %mul3A_215, 256 : i32
        %add3A_217 = arith.constant 1 : i32
        %add3A_218 = arith.addi %while3A_170, %add3A_217 : i32
        %rem3A_219 = arith.constant 2 : i32
        %rem3A_220 = arith.remsi %add3A_218, %rem3A_219 : i32
        %dma_start3A_221 = arith.constant 0 : i32
        %dma_start3A_222 = arith.constant 0 : i32
        %dma_start3A_223 = tpu.memref_slice %arg7[%rem3A_220, %dma_start3A_221, %dma_start3A_222] : memref<2x64x256xf32, #tpu.memory_space<vmem>> -> memref<1x64x256xf32, #tpu.memory_space<vmem>>
        %dma_start3A_224 = tpu.memref_squeeze %dma_start3A_223 : memref<1x64x256xf32, #tpu.memory_space<vmem>> -> memref<64x256xf32, #tpu.memory_space<vmem>>
        %dma_start3A_225 = arith.constant 0 : i32
        %dma_start3A_226 = tpu.memref_slice %arg3[%dma_start3A_225, %multiple_of3A_216] : memref<64x100000xf32, #tpu.memory_space<hbm>> -> memref<64x256xf32, #tpu.memory_space<hbm>>
        %dma_start3A_227 = arith.constant 0 : i32
        %dma_start3A_228 = arith.constant 0 : i32
        %dma_start3A_229 = tpu.memref_slice %arg7[%rem3A_220, %dma_start3A_227, %dma_start3A_228] : memref<2x64x256xf32, #tpu.memory_space<vmem>> -> memref<1x64x256xf32, #tpu.memory_space<vmem>>
        %dma_start3A_230 = tpu.memref_squeeze %dma_start3A_229 : memref<1x64x256xf32, #tpu.memory_space<vmem>> -> memref<64x256xf32, #tpu.memory_space<vmem>>
        %dma_start3A_231 = arith.constant 0 : i32
        %dma_start3A_232 = tpu.memref_slice %arg3[%dma_start3A_231, %multiple_of3A_216] : memref<64x100000xf32, #tpu.memory_space<hbm>> -> memref<64x256xf32, #tpu.memory_space<hbm>>
        tpu.enqueue_dma source(%dma_start3A_232 : memref<64x256xf32, #tpu.memory_space<hbm>>) target(%dma_start3A_230 : memref<64x256xf32, #tpu.memory_space<vmem>>) target_semaphore(%arg12 : memref<!tpu.dma_semaphore, #tpu.memory_space<semaphore_mem>>)
      } else {
      }
      %mul3A_177 = arith.constant 32 : i32
      %mul3A_178 = arith.muli %while3A_170, %mul3A_177 : i32
      %add3A_179 = arith.addi %add3A, %mul3A_178 : i32
      %mul3A_180 = arith.constant 256 : i32
      %mul3A_181 = arith.muli %add3A_179, %mul3A_180 : i32
      %multiple_of3A_182 = tpu.assume_multiple %mul3A_181, 256 : i32
      %rem3A_183 = arith.constant 2 : i32
      %rem3A_184 = arith.remsi %while3A_170, %rem3A_183 : i32
      %dma_wait3A = arith.constant 0 : i32
      %dma_wait3A_185 = arith.constant 0 : i32
      %dma_wait3A_186 = tpu.memref_slice %arg7[%rem3A_184, %dma_wait3A, %dma_wait3A_185] : memref<2x64x256xf32, #tpu.memory_space<vmem>> -> memref<1x64x256xf32, #tpu.memory_space<vmem>>
      %dma_wait3A_187 = tpu.memref_squeeze %dma_wait3A_186 : memref<1x64x256xf32, #tpu.memory_space<vmem>> -> memref<64x256xf32, #tpu.memory_space<vmem>>
      %dma_wait3A_188 = arith.constant 0 : i32
      %dma_wait3A_189 = tpu.memref_slice %arg3[%dma_wait3A_188, %multiple_of3A_182] : memref<64x100000xf32, #tpu.memory_space<hbm>> -> memref<64x256xf32, #tpu.memory_space<hbm>>
      %dma_wait3A_190 = arith.constant 0 : i32
      %dma_wait3A_191 = arith.constant 0 : i32
      %dma_wait3A_192 = tpu.memref_slice %arg7[%rem3A_184, %dma_wait3A_190, %dma_wait3A_191] : memref<2x64x256xf32, #tpu.memory_space<vmem>> -> memref<1x64x256xf32, #tpu.memory_space<vmem>>
      %dma_wait3A_193 = tpu.memref_squeeze %dma_wait3A_192 : memref<1x64x256xf32, #tpu.memory_space<vmem>> -> memref<64x256xf32, #tpu.memory_space<vmem>>
      %dma_wait3A_194 = arith.constant 0 : i32
      %dma_wait3A_195 = tpu.memref_slice %arg3[%dma_wait3A_194, %multiple_of3A_182] : memref<64x100000xf32, #tpu.memory_space<hbm>> -> memref<64x256xf32, #tpu.memory_space<hbm>>
      tpu.wait_dma2 semaphore(%arg12 : memref<!tpu.dma_semaphore, #tpu.memory_space<semaphore_mem>>) src(%dma_wait3A_195 : memref<64x256xf32, #tpu.memory_space<hbm>>) dst(%dma_wait3A_193 : memref<64x256xf32, #tpu.memory_space<vmem>>)
      %rem3A_196 = arith.constant 2 : i32
      %rem3A_197 = arith.remsi %while3A_170, %rem3A_196 : i32
      %while3A_198 = arith.constant 0 : i32
      %while3A_199 = arith.subi %select_n3A_126, %while3A_198 : i32
      %while3A_200 = arith.addi %while3A_198, %while3A_199 : i32
      %while3A_201 = arith.constant 1 : i32
      %while3A_202 = arith.divsi %while3A_199, %while3A_201 : i32
      %while3A_203 = arith.muli %while3A_202, %while3A_201 : i32
      %while3A_204 = arith.addi %while3A_198, %while3A_203 : i32
      %while3A_205 = arith.constant 1 : i32
      %while3A_206 = scf.for %while3A_209 = %while3A_198 to %while3A_204 step %while3A_205 iter_args(%while3A_210 = %while3A_171) -> (i32)  : i32 {
        %mul3A_211 = arith.constant 16 : i32
        %mul3A_212 = arith.muli %while3A_209, %mul3A_211 : i32
        %get3A = arith.index_cast %mul3A_212 : i32 to index
        %get3A_213 = tpu.vector_load %arg6[%get3A] {strides = array<i32>} : memref<16400xi32, #tpu.memory_space<vmem>>, vector<16xi32>,
        %shift_right_arithmetic3A = arith.constant 23 : i32
        %shift_right_arithmetic3A_214 = vector.broadcast %shift_right_arithmetic3A : i32 to vector<16xi32>
        %shift_right_arithmetic3A_215 = arith.shrsi %get3A_213, %shift_right_arithmetic3A_214 : vector<16xi32>
        %eq3A = vector.broadcast %while3A_170 : i32 to vector<16xi32>
        %eq3A_216 = arith.cmpi eq, %shift_right_arithmetic3A_215, %eq3A : vector<16xi32>
        %swap3A_217 = arith.constant 0 : index
        %swap3A_218 = tpu.vector_load %arg9[%swap3A_217] masked %eq3A_216 {strides = array<i32>} : memref<32xi32, #tpu.memory_space<vmem>>, vector<16xi32>, vector<16xi1>
        tpu.vector_store %arg9[%swap3A_217], %get3A_213 masked %eq3A_216 {strides = array<i32>} : memref<32xi32, #tpu.memory_space<vmem>>, vector<16xi32>, vector<16xi1>
        %all_reduce_population_count3A = tpu.all_reduce %eq3A_216 {dim = 0 : i64, kind = #tpu.reduction_kind<sum>} : vector<16xi1> -> vector<16xi32>
        %slice3A = vector.extract_strided_slice %all_reduce_population_count3A {offsets = [0], sizes = [1], strides = [1]} : vector<16xi32> to vector<1xi32>
        %squeeze3A = vector.extract %slice3A[0] : i32 from vector<1xi32>
        %while3A_219 = arith.constant 0 : i32
        %while3A_220 = arith.subi %squeeze3A, %while3A_219 : i32
        %while3A_221 = arith.addi %while3A_219, %while3A_220 : i32
        %while3A_222 = arith.constant 1 : i32
        %while3A_223 = arith.divsi %while3A_220, %while3A_222 : i32
        %while3A_224 = arith.muli %while3A_223, %while3A_222 : i32
        %while3A_225 = arith.addi %while3A_219, %while3A_224 : i32
        %while3A_226 = arith.constant 1 : i32
        %while3A_227 = scf.for %while3A_230 = %while3A_219 to %while3A_225 step %while3A_226 iter_args(%while3A_231 = %while3A_210) -> (i32)  : i32 {
          %get3A_232 = arith.index_cast %while3A_230 : i32 to index
          %get3A_233 = tpu.vector_load %arg9[%get3A_232] {strides = array<i32>} : memref<32xi32, #tpu.memory_space<vmem>>, vector<16xi32>,
          %slice3A_234 = vector.extract_strided_slice %get3A_233 {offsets = [0], sizes = [1], strides = [1]} : vector<16xi32> to vector<1xi32>
          %squeeze3A_235 = vector.extract %slice3A_234[0] : i32 from vector<1xi32>
          %shift_right_arithmetic3A_236 = arith.constant 14 : i32
          %shift_right_arithmetic3A_237 = arith.shrsi %squeeze3A_235, %shift_right_arithmetic3A_236 : i32
          %and3A_238 = arith.constant 511 : i32
          %and3A_239 = arith.andi %shift_right_arithmetic3A_237, %and3A_238 : i32
          %and3A_240 = arith.constant 16383 : i32
          %and3A_241 = arith.andi %squeeze3A_235, %and3A_240 : i32
          %rem3A_242 = arith.constant 128 : i32
          %rem3A_243 = arith.remsi %while3A_231, %rem3A_242 : i32
          %add3A_244 = arith.constant 0 : i32
          %add3A_245 = vector.broadcast %add3A_244 : i32 to vector<16xi32>
          %add3A_246 = arith.addi %add3A_245, %iota3A : vector<16xi32>
          %broadcast_in_dim3A_247 = vector.broadcast %rem3A_197 : i32 to vector<16xi32>
          %broadcast_in_dim3A_248 = vector.broadcast %and3A_239 : i32 to vector<16xi32>
          %gather3A = tpu.vector_load_idx %arg7[%broadcast_in_dim3A_247, %add3A_246, %broadcast_in_dim3A_248] : memref<2x64x256xf32, #tpu.memory_space<vmem>>[vector<16xi32>, vector<16xi32>, vector<16xi32>], vector<16xf32>,
          %broadcast_in_dim3A_249 = vector.broadcast %rem3A_243 : i32 to vector<16xi32>
          tpu.vector_store_idx %arg10[%broadcast_in_dim3A_249, %add3A_246], %gather3A : memref<128x128xf32, #tpu.memory_space<vmem>>[vector<16xi32>, vector<16xi32>], vector<16xf32>,
          %add3A_250 = arith.constant 16 : i32
          %add3A_251 = vector.broadcast %add3A_250 : i32 to vector<16xi32>
          %add3A_252 = arith.addi %add3A_251, %iota3A : vector<16xi32>
          %broadcast_in_dim3A_253 = vector.broadcast %rem3A_197 : i32 to vector<16xi32>
          %broadcast_in_dim3A_254 = vector.broadcast %and3A_239 : i32 to vector<16xi32>
          %gather3A_255 = tpu.vector_load_idx %arg7[%broadcast_in_dim3A_253, %add3A_252, %broadcast_in_dim3A_254] : memref<2x64x256xf32, #tpu.memory_space<vmem>>[vector<16xi32>, vector<16xi32>, vector<16xi32>], vector<16xf32>,
          %broadcast_in_dim3A_256 = vector.broadcast %rem3A_243 : i32 to vector<16xi32>
          tpu.vector_store_idx %arg10[%broadcast_in_dim3A_256, %add3A_252], %gather3A_255 : memref<128x128xf32, #tpu.memory_space<vmem>>[vector<16xi32>, vector<16xi32>], vector<16xf32>,
          %add3A_257 = arith.constant 32 : i32
          %add3A_258 = vector.broadcast %add3A_257 : i32 to vector<16xi32>
          %add3A_259 = arith.addi %add3A_258, %iota3A : vector<16xi32>
          %broadcast_in_dim3A_260 = vector.broadcast %rem3A_197 : i32 to vector<16xi32>
          %broadcast_in_dim3A_261 = vector.broadcast %and3A_239 : i32 to vector<16xi32>
          %gather3A_262 = tpu.vector_load_idx %arg7[%broadcast_in_dim3A_260, %add3A_259, %broadcast_in_dim3A_261] : memref<2x64x256xf32, #tpu.memory_space<vmem>>[vector<16xi32>, vector<16xi32>, vector<16xi32>], vector<16xf32>,
          %broadcast_in_dim3A_263 = vector.broadcast %rem3A_243 : i32 to vector<16xi32>
          tpu.vector_store_idx %arg10[%broadcast_in_dim3A_263, %add3A_259], %gather3A_262 : memref<128x128xf32, #tpu.memory_space<vmem>>[vector<16xi32>, vector<16xi32>], vector<16xf32>,
          %add3A_264 = arith.constant 48 : i32
          %add3A_265 = vector.broadcast %add3A_264 : i32 to vector<16xi32>
          %add3A_266 = arith.addi %add3A_265, %iota3A : vector<16xi32>
          %broadcast_in_dim3A_267 = vector.broadcast %rem3A_197 : i32 to vector<16xi32>
          %broadcast_in_dim3A_268 = vector.broadcast %and3A_239 : i32 to vector<16xi32>
          %gather3A_269 = tpu.vector_load_idx %arg7[%broadcast_in_dim3A_267, %add3A_266, %broadcast_in_dim3A_268] : memref<2x64x256xf32, #tpu.memory_space<vmem>>[vector<16xi32>, vector<16xi32>, vector<16xi32>], vector<16xf32>,
          %broadcast_in_dim3A_270 = vector.broadcast %rem3A_243 : i32 to vector<16xi32>
          tpu.vector_store_idx %arg10[%broadcast_in_dim3A_270, %add3A_266], %gather3A_269 : memref<128x128xf32, #tpu.memory_space<vmem>>[vector<16xi32>, vector<16xi32>], vector<16xf32>,
          %broadcast_in_dim3A_271 = arith.constant 0 : i32
          %broadcast_in_dim3A_272 = vector.broadcast %broadcast_in_dim3A_271 : i32 to vector<16xi32>
          %broadcast_in_dim3A_273 = vector.broadcast %rem3A_243 : i32 to vector<16xi32>
          %broadcast_in_dim3A_274 = vector.broadcast %and3A_241 : i32 to vector<16xi32>
          %eq3A_275 = arith.constant 0 : i32
          %eq3A_276 = vector.broadcast %eq3A_275 : i32 to vector<16xi32>
          %eq3A_277 = arith.cmpi eq, %iota3A, %eq3A_276 : vector<16xi32>
          tpu.vector_store_idx %arg11[%broadcast_in_dim3A_272, %broadcast_in_dim3A_273], %broadcast_in_dim3A_274 masked %eq3A_277 : memref<1x128xi32, #tpu.memory_space<vmem>>[vector<16xi32>, vector<16xi32>], vector<16xi32>, vector<16xi1>
          %add3A_278 = arith.constant 1 : i32
          %add3A_279 = arith.addi %while3A_231, %add3A_278 : i32
          %rem3A_280 = arith.constant 128 : i32
          %rem3A_281 = arith.remsi %add3A_279, %rem3A_280 : i32
          %eq3A_282 = arith.constant 0 : i32
          %eq3A_283 = arith.cmpi eq, %rem3A_281, %eq3A_282 : i32
          %convert_element_type3A_284 = arith.extui %eq3A_283 : i1 to i32
          %cond3A_285 = arith.constant 0 : i32
          %cond3A_286 = arith.cmpi ne, %convert_element_type3A_284, %cond3A_285 : i32
          scf.if %cond3A_286 {
            %run_scoped3A = arith.constant 0 : i32
            "tpu.region"() ({
              %run_scoped3A_287 = tpu.sem_alloc : memref<!tpu.dma_semaphore, #tpu.memory_space<semaphore_mem>>
              %dma_start3A_288 = arith.constant 0 : i32
              %dma_start3A_289 = tpu.memref_slice %arg11[%run_scoped3A, %dma_start3A_288] : memref<1x128xi32, #tpu.memory_space<vmem>> -> memref<1x128xi32, #tpu.memory_space<vmem>>
              %dma_start3A_290 = tpu.memref_squeeze %dma_start3A_289 : memref<1x128xi32, #tpu.memory_space<vmem>> -> memref<128xi32, #tpu.memory_space<vmem>>
              %dma_start3A_291 = arith.constant 0 : i32
              %dma_start3A_292 = arith.constant 0 : i32
              %dma_start3A_293 = tpu.memref_slice %arg4[%dma_start3A_291, %dma_start3A_292] : memref<16416x128xf32, #tpu.memory_space<hbm>> -> memref<16416x128xf32, #tpu.memory_space<hbm>>
              tpu.enqueue_indirect_dma source(%arg10 : memref<128x128xf32, #tpu.memory_space<vmem>>) target(%dma_start3A_293 : memref<16416x128xf32, #tpu.memory_space<hbm>>) offsets(%dma_start3A_290 : memref<128xi32, #tpu.memory_space<vmem>>) semaphore(%run_scoped3A_287 : memref<!tpu.dma_semaphore, #tpu.memory_space<semaphore_mem>>)
              %dma_wait3A_294 = arith.constant 0 : i32
              %dma_wait3A_295 = tpu.memref_slice %arg11[%run_scoped3A, %dma_wait3A_294] : memref<1x128xi32, #tpu.memory_space<vmem>> -> memref<1x128xi32, #tpu.memory_space<vmem>>
              %dma_wait3A_296 = tpu.memref_squeeze %dma_wait3A_295 : memref<1x128xi32, #tpu.memory_space<vmem>> -> memref<128xi32, #tpu.memory_space<vmem>>
              %dma_wait3A_297 = arith.constant 0 : i32
              %dma_wait3A_298 = arith.constant 0 : i32
              %dma_wait3A_299 = tpu.memref_slice %arg4[%dma_wait3A_297, %dma_wait3A_298] : memref<16416x128xf32, #tpu.memory_space<hbm>> -> memref<16416x128xf32, #tpu.memory_space<hbm>>
              tpu.wait_indirect_dma semaphore(%run_scoped3A_287 : memref<!tpu.dma_semaphore, #tpu.memory_space<semaphore_mem>>) src(%arg10 : memref<128x128xf32, #tpu.memory_space<vmem>>) dst(%dma_wait3A_299 : memref<16416x128xf32, #tpu.memory_space<hbm>>)
              tpu.yield
            }) : () -> ()
          } else {
          }
          scf.yield %add3A_279 : i32
        }
        %while3A_228 = arith.constant 1 : i32
        %while3A_229 = scf.for %while3A_230 = %while3A_225 to %while3A_221 step %while3A_228 iter_args(%while3A_231 = %while3A_227) -> (i32)  : i32 {
          %get3A_232 = arith.index_cast %while3A_230 : i32 to index
          %get3A_233 = tpu.vector_load %arg9[%get3A_232] {strides = array<i32>} : memref<32xi32, #tpu.memory_space<vmem>>, vector<16xi32>,
          %slice3A_234 = vector.extract_strided_slice %get3A_233 {offsets = [0], sizes = [1], strides = [1]} : vector<16xi32> to vector<1xi32>
          %squeeze3A_235 = vector.extract %slice3A_234[0] : i32 from vector<1xi32>
          %shift_right_arithmetic3A_236 = arith.constant 14 : i32
          %shift_right_arithmetic3A_237 = arith.shrsi %squeeze3A_235, %shift_right_arithmetic3A_236 : i32
          %and3A_238 = arith.constant 511 : i32
          %and3A_239 = arith.andi %shift_right_arithmetic3A_237, %and3A_238 : i32
          %and3A_240 = arith.constant 16383 : i32
          %and3A_241 = arith.andi %squeeze3A_235, %and3A_240 : i32
          %rem3A_242 = arith.constant 128 : i32
          %rem3A_243 = arith.remsi %while3A_231, %rem3A_242 : i32
          %add3A_244 = arith.constant 0 : i32
          %add3A_245 = vector.broadcast %add3A_244 : i32 to vector<16xi32>
          %add3A_246 = arith.addi %add3A_245, %iota3A : vector<16xi32>
          %broadcast_in_dim3A_247 = vector.broadcast %rem3A_197 : i32 to vector<16xi32>
          %broadcast_in_dim3A_248 = vector.broadcast %and3A_239 : i32 to vector<16xi32>
          %gather3A = tpu.vector_load_idx %arg7[%broadcast_in_dim3A_247, %add3A_246, %broadcast_in_dim3A_248] : memref<2x64x256xf32, #tpu.memory_space<vmem>>[vector<16xi32>, vector<16xi32>, vector<16xi32>], vector<16xf32>,
          %broadcast_in_dim3A_249 = vector.broadcast %rem3A_243 : i32 to vector<16xi32>
          tpu.vector_store_idx %arg10[%broadcast_in_dim3A_249, %add3A_246], %gather3A : memref<128x128xf32, #tpu.memory_space<vmem>>[vector<16xi32>, vector<16xi32>], vector<16xf32>,
          %add3A_250 = arith.constant 16 : i32
          %add3A_251 = vector.broadcast %add3A_250 : i32 to vector<16xi32>
          %add3A_252 = arith.addi %add3A_251, %iota3A : vector<16xi32>
          %broadcast_in_dim3A_253 = vector.broadcast %rem3A_197 : i32 to vector<16xi32>
          %broadcast_in_dim3A_254 = vector.broadcast %and3A_239 : i32 to vector<16xi32>
          %gather3A_255 = tpu.vector_load_idx %arg7[%broadcast_in_dim3A_253, %add3A_252, %broadcast_in_dim3A_254] : memref<2x64x256xf32, #tpu.memory_space<vmem>>[vector<16xi32>, vector<16xi32>, vector<16xi32>], vector<16xf32>,
          %broadcast_in_dim3A_256 = vector.broadcast %rem3A_243 : i32 to vector<16xi32>
          tpu.vector_store_idx %arg10[%broadcast_in_dim3A_256, %add3A_252], %gather3A_255 : memref<128x128xf32, #tpu.memory_space<vmem>>[vector<16xi32>, vector<16xi32>], vector<16xf32>,
          %add3A_257 = arith.constant 32 : i32
          %add3A_258 = vector.broadcast %add3A_257 : i32 to vector<16xi32>
          %add3A_259 = arith.addi %add3A_258, %iota3A : vector<16xi32>
          %broadcast_in_dim3A_260 = vector.broadcast %rem3A_197 : i32 to vector<16xi32>
          %broadcast_in_dim3A_261 = vector.broadcast %and3A_239 : i32 to vector<16xi32>
          %gather3A_262 = tpu.vector_load_idx %arg7[%broadcast_in_dim3A_260, %add3A_259, %broadcast_in_dim3A_261] : memref<2x64x256xf32, #tpu.memory_space<vmem>>[vector<16xi32>, vector<16xi32>, vector<16xi32>], vector<16xf32>,
          %broadcast_in_dim3A_263 = vector.broadcast %rem3A_243 : i32 to vector<16xi32>
          tpu.vector_store_idx %arg10[%broadcast_in_dim3A_263, %add3A_259], %gather3A_262 : memref<128x128xf32, #tpu.memory_space<vmem>>[vector<16xi32>, vector<16xi32>], vector<16xf32>,
          %add3A_264 = arith.constant 48 : i32
          %add3A_265 = vector.broadcast %add3A_264 : i32 to vector<16xi32>
          %add3A_266 = arith.addi %add3A_265, %iota3A : vector<16xi32>
          %broadcast_in_dim3A_267 = vector.broadcast %rem3A_197 : i32 to vector<16xi32>
          %broadcast_in_dim3A_268 = vector.broadcast %and3A_239 : i32 to vector<16xi32>
          %gather3A_269 = tpu.vector_load_idx %arg7[%broadcast_in_dim3A_267, %add3A_266, %broadcast_in_dim3A_268] : memref<2x64x256xf32, #tpu.memory_space<vmem>>[vector<16xi32>, vector<16xi32>, vector<16xi32>], vector<16xf32>,
          %broadcast_in_dim3A_270 = vector.broadcast %rem3A_243 : i32 to vector<16xi32>
          tpu.vector_store_idx %arg10[%broadcast_in_dim3A_270, %add3A_266], %gather3A_269 : memref<128x128xf32, #tpu.memory_space<vmem>>[vector<16xi32>, vector<16xi32>], vector<16xf32>,
          %broadcast_in_dim3A_271 = arith.constant 0 : i32
          %broadcast_in_dim3A_272 = vector.broadcast %broadcast_in_dim3A_271 : i32 to vector<16xi32>
          %broadcast_in_dim3A_273 = vector.broadcast %rem3A_243 : i32 to vector<16xi32>
          %broadcast_in_dim3A_274 = vector.broadcast %and3A_241 : i32 to vector<16xi32>
          %eq3A_275 = arith.constant 0 : i32
          %eq3A_276 = vector.broadcast %eq3A_275 : i32 to vector<16xi32>
          %eq3A_277 = arith.cmpi eq, %iota3A, %eq3A_276 : vector<16xi32>
          tpu.vector_store_idx %arg11[%broadcast_in_dim3A_272, %broadcast_in_dim3A_273], %broadcast_in_dim3A_274 masked %eq3A_277 : memref<1x128xi32, #tpu.memory_space<vmem>>[vector<16xi32>, vector<16xi32>], vector<16xi32>, vector<16xi1>
          %add3A_278 = arith.constant 1 : i32
          %add3A_279 = arith.addi %while3A_231, %add3A_278 : i32
          %rem3A_280 = arith.constant 128 : i32
          %rem3A_281 = arith.remsi %add3A_279, %rem3A_280 : i32
          %eq3A_282 = arith.constant 0 : i32
          %eq3A_283 = arith.cmpi eq, %rem3A_281, %eq3A_282 : i32
          %convert_element_type3A_284 = arith.extui %eq3A_283 : i1 to i32
          %cond3A_285 = arith.constant 0 : i32
          %cond3A_286 = arith.cmpi ne, %convert_element_type3A_284, %cond3A_285 : i32
          scf.if %cond3A_286 {
            %run_scoped3A = arith.constant 0 : i32
            "tpu.region"() ({
              %run_scoped3A_287 = tpu.sem_alloc : memref<!tpu.dma_semaphore, #tpu.memory_space<semaphore_mem>>
              %dma_start3A_288 = arith.constant 0 : i32
              %dma_start3A_289 = tpu.memref_slice %arg11[%run_scoped3A, %dma_start3A_288] : memref<1x128xi32, #tpu.memory_space<vmem>> -> memref<1x128xi32, #tpu.memory_space<vmem>>
              %dma_start3A_290 = tpu.memref_squeeze %dma_start3A_289 : memref<1x128xi32, #tpu.memory_space<vmem>> -> memref<128xi32, #tpu.memory_space<vmem>>
              %dma_start3A_291 = arith.constant 0 : i32
              %dma_start3A_292 = arith.constant 0 : i32
              %dma_start3A_293 = tpu.memref_slice %arg4[%dma_start3A_291, %dma_start3A_292] : memref<16416x128xf32, #tpu.memory_space<hbm>> -> memref<16416x128xf32, #tpu.memory_space<hbm>>
              tpu.enqueue_indirect_dma source(%arg10 : memref<128x128xf32, #tpu.memory_space<vmem>>) target(%dma_start3A_293 : memref<16416x128xf32, #tpu.memory_space<hbm>>) offsets(%dma_start3A_290 : memref<128xi32, #tpu.memory_space<vmem>>) semaphore(%run_scoped3A_287 : memref<!tpu.dma_semaphore, #tpu.memory_space<semaphore_mem>>)
              %dma_wait3A_294 = arith.constant 0 : i32
              %dma_wait3A_295 = tpu.memref_slice %arg11[%run_scoped3A, %dma_wait3A_294] : memref<1x128xi32, #tpu.memory_space<vmem>> -> memref<1x128xi32, #tpu.memory_space<vmem>>
              %dma_wait3A_296 = tpu.memref_squeeze %dma_wait3A_295 : memref<1x128xi32, #tpu.memory_space<vmem>> -> memref<128xi32, #tpu.memory_space<vmem>>
              %dma_wait3A_297 = arith.constant 0 : i32
              %dma_wait3A_298 = arith.constant 0 : i32
              %dma_wait3A_299 = tpu.memref_slice %arg4[%dma_wait3A_297, %dma_wait3A_298] : memref<16416x128xf32, #tpu.memory_space<hbm>> -> memref<16416x128xf32, #tpu.memory_space<hbm>>
              tpu.wait_indirect_dma semaphore(%run_scoped3A_287 : memref<!tpu.dma_semaphore, #tpu.memory_space<semaphore_mem>>) src(%arg10 : memref<128x128xf32, #tpu.memory_space<vmem>>) dst(%dma_wait3A_299 : memref<16416x128xf32, #tpu.memory_space<hbm>>)
              tpu.yield
            }) : () -> ()
          } else {
          }
          scf.yield %add3A_279 : i32
        }
        scf.yield %while3A_229 : i32
      }
      %while3A_207 = arith.constant 1 : i32
      %while3A_208 = scf.for %while3A_209 = %while3A_204 to %while3A_200 step %while3A_207 iter_args(%while3A_210 = %while3A_206) -> (i32)  : i32 {
        %mul3A_211 = arith.constant 16 : i32
        %mul3A_212 = arith.muli %while3A_209, %mul3A_211 : i32
        %get3A = arith.index_cast %mul3A_212 : i32 to index
        %get3A_213 = tpu.vector_load %arg6[%get3A] {strides = array<i32>} : memref<16400xi32, #tpu.memory_space<vmem>>, vector<16xi32>,
        %shift_right_arithmetic3A = arith.constant 23 : i32
        %shift_right_arithmetic3A_214 = vector.broadcast %shift_right_arithmetic3A : i32 to vector<16xi32>
        %shift_right_arithmetic3A_215 = arith.shrsi %get3A_213, %shift_right_arithmetic3A_214 : vector<16xi32>
        %eq3A = vector.broadcast %while3A_170 : i32 to vector<16xi32>
        %eq3A_216 = arith.cmpi eq, %shift_right_arithmetic3A_215, %eq3A : vector<16xi32>
        %swap3A_217 = arith.constant 0 : index
        %swap3A_218 = tpu.vector_load %arg9[%swap3A_217] masked %eq3A_216 {strides = array<i32>} : memref<32xi32, #tpu.memory_space<vmem>>, vector<16xi32>, vector<16xi1>
        tpu.vector_store %arg9[%swap3A_217], %get3A_213 masked %eq3A_216 {strides = array<i32>} : memref<32xi32, #tpu.memory_space<vmem>>, vector<16xi32>, vector<16xi1>
        %all_reduce_population_count3A = tpu.all_reduce %eq3A_216 {dim = 0 : i64, kind = #tpu.reduction_kind<sum>} : vector<16xi1> -> vector<16xi32>
        %slice3A = vector.extract_strided_slice %all_reduce_population_count3A {offsets = [0], sizes = [1], strides = [1]} : vector<16xi32> to vector<1xi32>
        %squeeze3A = vector.extract %slice3A[0] : i32 from vector<1xi32>
        %while3A_219 = arith.constant 0 : i32
        %while3A_220 = arith.subi %squeeze3A, %while3A_219 : i32
        %while3A_221 = arith.addi %while3A_219, %while3A_220 : i32
        %while3A_222 = arith.constant 1 : i32
        %while3A_223 = arith.divsi %while3A_220, %while3A_222 : i32
        %while3A_224 = arith.muli %while3A_223, %while3A_222 : i32
        %while3A_225 = arith.addi %while3A_219, %while3A_224 : i32
        %while3A_226 = arith.constant 1 : i32
        %while3A_227 = scf.for %while3A_230 = %while3A_219 to %while3A_225 step %while3A_226 iter_args(%while3A_231 = %while3A_210) -> (i32)  : i32 {
          %get3A_232 = arith.index_cast %while3A_230 : i32 to index
          %get3A_233 = tpu.vector_load %arg9[%get3A_232] {strides = array<i32>} : memref<32xi32, #tpu.memory_space<vmem>>, vector<16xi32>,
          %slice3A_234 = vector.extract_strided_slice %get3A_233 {offsets = [0], sizes = [1], strides = [1]} : vector<16xi32> to vector<1xi32>
          %squeeze3A_235 = vector.extract %slice3A_234[0] : i32 from vector<1xi32>
          %shift_right_arithmetic3A_236 = arith.constant 14 : i32
          %shift_right_arithmetic3A_237 = arith.shrsi %squeeze3A_235, %shift_right_arithmetic3A_236 : i32
          %and3A_238 = arith.constant 511 : i32
          %and3A_239 = arith.andi %shift_right_arithmetic3A_237, %and3A_238 : i32
          %and3A_240 = arith.constant 16383 : i32
          %and3A_241 = arith.andi %squeeze3A_235, %and3A_240 : i32
          %rem3A_242 = arith.constant 128 : i32
          %rem3A_243 = arith.remsi %while3A_231, %rem3A_242 : i32
          %add3A_244 = arith.constant 0 : i32
          %add3A_245 = vector.broadcast %add3A_244 : i32 to vector<16xi32>
          %add3A_246 = arith.addi %add3A_245, %iota3A : vector<16xi32>
          %broadcast_in_dim3A_247 = vector.broadcast %rem3A_197 : i32 to vector<16xi32>
          %broadcast_in_dim3A_248 = vector.broadcast %and3A_239 : i32 to vector<16xi32>
          %gather3A = tpu.vector_load_idx %arg7[%broadcast_in_dim3A_247, %add3A_246, %broadcast_in_dim3A_248] : memref<2x64x256xf32, #tpu.memory_space<vmem>>[vector<16xi32>, vector<16xi32>, vector<16xi32>], vector<16xf32>,
          %broadcast_in_dim3A_249 = vector.broadcast %rem3A_243 : i32 to vector<16xi32>
          tpu.vector_store_idx %arg10[%broadcast_in_dim3A_249, %add3A_246], %gather3A : memref<128x128xf32, #tpu.memory_space<vmem>>[vector<16xi32>, vector<16xi32>], vector<16xf32>,
          %add3A_250 = arith.constant 16 : i32
          %add3A_251 = vector.broadcast %add3A_250 : i32 to vector<16xi32>
          %add3A_252 = arith.addi %add3A_251, %iota3A : vector<16xi32>
          %broadcast_in_dim3A_253 = vector.broadcast %rem3A_197 : i32 to vector<16xi32>
          %broadcast_in_dim3A_254 = vector.broadcast %and3A_239 : i32 to vector<16xi32>
          %gather3A_255 = tpu.vector_load_idx %arg7[%broadcast_in_dim3A_253, %add3A_252, %broadcast_in_dim3A_254] : memref<2x64x256xf32, #tpu.memory_space<vmem>>[vector<16xi32>, vector<16xi32>, vector<16xi32>], vector<16xf32>,
          %broadcast_in_dim3A_256 = vector.broadcast %rem3A_243 : i32 to vector<16xi32>
          tpu.vector_store_idx %arg10[%broadcast_in_dim3A_256, %add3A_252], %gather3A_255 : memref<128x128xf32, #tpu.memory_space<vmem>>[vector<16xi32>, vector<16xi32>], vector<16xf32>,
          %add3A_257 = arith.constant 32 : i32
          %add3A_258 = vector.broadcast %add3A_257 : i32 to vector<16xi32>
          %add3A_259 = arith.addi %add3A_258, %iota3A : vector<16xi32>
          %broadcast_in_dim3A_260 = vector.broadcast %rem3A_197 : i32 to vector<16xi32>
          %broadcast_in_dim3A_261 = vector.broadcast %and3A_239 : i32 to vector<16xi32>
          %gather3A_262 = tpu.vector_load_idx %arg7[%broadcast_in_dim3A_260, %add3A_259, %broadcast_in_dim3A_261] : memref<2x64x256xf32, #tpu.memory_space<vmem>>[vector<16xi32>, vector<16xi32>, vector<16xi32>], vector<16xf32>,
          %broadcast_in_dim3A_263 = vector.broadcast %rem3A_243 : i32 to vector<16xi32>
          tpu.vector_store_idx %arg10[%broadcast_in_dim3A_263, %add3A_259], %gather3A_262 : memref<128x128xf32, #tpu.memory_space<vmem>>[vector<16xi32>, vector<16xi32>], vector<16xf32>,
          %add3A_264 = arith.constant 48 : i32
          %add3A_265 = vector.broadcast %add3A_264 : i32 to vector<16xi32>
          %add3A_266 = arith.addi %add3A_265, %iota3A : vector<16xi32>
          %broadcast_in_dim3A_267 = vector.broadcast %rem3A_197 : i32 to vector<16xi32>
          %broadcast_in_dim3A_268 = vector.broadcast %and3A_239 : i32 to vector<16xi32>
          %gather3A_269 = tpu.vector_load_idx %arg7[%broadcast_in_dim3A_267, %add3A_266, %broadcast_in_dim3A_268] : memref<2x64x256xf32, #tpu.memory_space<vmem>>[vector<16xi32>, vector<16xi32>, vector<16xi32>], vector<16xf32>,
          %broadcast_in_dim3A_270 = vector.broadcast %rem3A_243 : i32 to vector<16xi32>
          tpu.vector_store_idx %arg10[%broadcast_in_dim3A_270, %add3A_266], %gather3A_269 : memref<128x128xf32, #tpu.memory_space<vmem>>[vector<16xi32>, vector<16xi32>], vector<16xf32>,
          %broadcast_in_dim3A_271 = arith.constant 0 : i32
          %broadcast_in_dim3A_272 = vector.broadcast %broadcast_in_dim3A_271 : i32 to vector<16xi32>
          %broadcast_in_dim3A_273 = vector.broadcast %rem3A_243 : i32 to vector<16xi32>
          %broadcast_in_dim3A_274 = vector.broadcast %and3A_241 : i32 to vector<16xi32>
          %eq3A_275 = arith.constant 0 : i32
          %eq3A_276 = vector.broadcast %eq3A_275 : i32 to vector<16xi32>
          %eq3A_277 = arith.cmpi eq, %iota3A, %eq3A_276 : vector<16xi32>
          tpu.vector_store_idx %arg11[%broadcast_in_dim3A_272, %broadcast_in_dim3A_273], %broadcast_in_dim3A_274 masked %eq3A_277 : memref<1x128xi32, #tpu.memory_space<vmem>>[vector<16xi32>, vector<16xi32>], vector<16xi32>, vector<16xi1>
          %add3A_278 = arith.constant 1 : i32
          %add3A_279 = arith.addi %while3A_231, %add3A_278 : i32
          %rem3A_280 = arith.constant 128 : i32
          %rem3A_281 = arith.remsi %add3A_279, %rem3A_280 : i32
          %eq3A_282 = arith.constant 0 : i32
          %eq3A_283 = arith.cmpi eq, %rem3A_281, %eq3A_282 : i32
          %convert_element_type3A_284 = arith.extui %eq3A_283 : i1 to i32
          %cond3A_285 = arith.constant 0 : i32
          %cond3A_286 = arith.cmpi ne, %convert_element_type3A_284, %cond3A_285 : i32
          scf.if %cond3A_286 {
            %run_scoped3A = arith.constant 0 : i32
            "tpu.region"() ({
              %run_scoped3A_287 = tpu.sem_alloc : memref<!tpu.dma_semaphore, #tpu.memory_space<semaphore_mem>>
              %dma_start3A_288 = arith.constant 0 : i32
              %dma_start3A_289 = tpu.memref_slice %arg11[%run_scoped3A, %dma_start3A_288] : memref<1x128xi32, #tpu.memory_space<vmem>> -> memref<1x128xi32, #tpu.memory_space<vmem>>
              %dma_start3A_290 = tpu.memref_squeeze %dma_start3A_289 : memref<1x128xi32, #tpu.memory_space<vmem>> -> memref<128xi32, #tpu.memory_space<vmem>>
              %dma_start3A_291 = arith.constant 0 : i32
              %dma_start3A_292 = arith.constant 0 : i32
              %dma_start3A_293 = tpu.memref_slice %arg4[%dma_start3A_291, %dma_start3A_292] : memref<16416x128xf32, #tpu.memory_space<hbm>> -> memref<16416x128xf32, #tpu.memory_space<hbm>>
              tpu.enqueue_indirect_dma source(%arg10 : memref<128x128xf32, #tpu.memory_space<vmem>>) target(%dma_start3A_293 : memref<16416x128xf32, #tpu.memory_space<hbm>>) offsets(%dma_start3A_290 : memref<128xi32, #tpu.memory_space<vmem>>) semaphore(%run_scoped3A_287 : memref<!tpu.dma_semaphore, #tpu.memory_space<semaphore_mem>>)
              %dma_wait3A_294 = arith.constant 0 : i32
              %dma_wait3A_295 = tpu.memref_slice %arg11[%run_scoped3A, %dma_wait3A_294] : memref<1x128xi32, #tpu.memory_space<vmem>> -> memref<1x128xi32, #tpu.memory_space<vmem>>
              %dma_wait3A_296 = tpu.memref_squeeze %dma_wait3A_295 : memref<1x128xi32, #tpu.memory_space<vmem>> -> memref<128xi32, #tpu.memory_space<vmem>>
              %dma_wait3A_297 = arith.constant 0 : i32
              %dma_wait3A_298 = arith.constant 0 : i32
              %dma_wait3A_299 = tpu.memref_slice %arg4[%dma_wait3A_297, %dma_wait3A_298] : memref<16416x128xf32, #tpu.memory_space<hbm>> -> memref<16416x128xf32, #tpu.memory_space<hbm>>
              tpu.wait_indirect_dma semaphore(%run_scoped3A_287 : memref<!tpu.dma_semaphore, #tpu.memory_space<semaphore_mem>>) src(%arg10 : memref<128x128xf32, #tpu.memory_space<vmem>>) dst(%dma_wait3A_299 : memref<16416x128xf32, #tpu.memory_space<hbm>>)
              tpu.yield
            }) : () -> ()
          } else {
          }
          scf.yield %add3A_279 : i32
        }
        %while3A_228 = arith.constant 1 : i32
        %while3A_229 = scf.for %while3A_230 = %while3A_225 to %while3A_221 step %while3A_228 iter_args(%while3A_231 = %while3A_227) -> (i32)  : i32 {
          %get3A_232 = arith.index_cast %while3A_230 : i32 to index
          %get3A_233 = tpu.vector_load %arg9[%get3A_232] {strides = array<i32>} : memref<32xi32, #tpu.memory_space<vmem>>, vector<16xi32>,
          %slice3A_234 = vector.extract_strided_slice %get3A_233 {offsets = [0], sizes = [1], strides = [1]} : vector<16xi32> to vector<1xi32>
          %squeeze3A_235 = vector.extract %slice3A_234[0] : i32 from vector<1xi32>
          %shift_right_arithmetic3A_236 = arith.constant 14 : i32
          %shift_right_arithmetic3A_237 = arith.shrsi %squeeze3A_235, %shift_right_arithmetic3A_236 : i32
          %and3A_238 = arith.constant 511 : i32
          %and3A_239 = arith.andi %shift_right_arithmetic3A_237, %and3A_238 : i32
          %and3A_240 = arith.constant 16383 : i32
          %and3A_241 = arith.andi %squeeze3A_235, %and3A_240 : i32
          %rem3A_242 = arith.constant 128 : i32
          %rem3A_243 = arith.remsi %while3A_231, %rem3A_242 : i32
          %add3A_244 = arith.constant 0 : i32
          %add3A_245 = vector.broadcast %add3A_244 : i32 to vector<16xi32>
          %add3A_246 = arith.addi %add3A_245, %iota3A : vector<16xi32>
          %broadcast_in_dim3A_247 = vector.broadcast %rem3A_197 : i32 to vector<16xi32>
          %broadcast_in_dim3A_248 = vector.broadcast %and3A_239 : i32 to vector<16xi32>
          %gather3A = tpu.vector_load_idx %arg7[%broadcast_in_dim3A_247, %add3A_246, %broadcast_in_dim3A_248] : memref<2x64x256xf32, #tpu.memory_space<vmem>>[vector<16xi32>, vector<16xi32>, vector<16xi32>], vector<16xf32>,
          %broadcast_in_dim3A_249 = vector.broadcast %rem3A_243 : i32 to vector<16xi32>
          tpu.vector_store_idx %arg10[%broadcast_in_dim3A_249, %add3A_246], %gather3A : memref<128x128xf32, #tpu.memory_space<vmem>>[vector<16xi32>, vector<16xi32>], vector<16xf32>,
          %add3A_250 = arith.constant 16 : i32
          %add3A_251 = vector.broadcast %add3A_250 : i32 to vector<16xi32>
          %add3A_252 = arith.addi %add3A_251, %iota3A : vector<16xi32>
          %broadcast_in_dim3A_253 = vector.broadcast %rem3A_197 : i32 to vector<16xi32>
          %broadcast_in_dim3A_254 = vector.broadcast %and3A_239 : i32 to vector<16xi32>
          %gather3A_255 = tpu.vector_load_idx %arg7[%broadcast_in_dim3A_253, %add3A_252, %broadcast_in_dim3A_254] : memref<2x64x256xf32, #tpu.memory_space<vmem>>[vector<16xi32>, vector<16xi32>, vector<16xi32>], vector<16xf32>,
          %broadcast_in_dim3A_256 = vector.broadcast %rem3A_243 : i32 to vector<16xi32>
          tpu.vector_store_idx %arg10[%broadcast_in_dim3A_256, %add3A_252], %gather3A_255 : memref<128x128xf32, #tpu.memory_space<vmem>>[vector<16xi32>, vector<16xi32>], vector<16xf32>,
          %add3A_257 = arith.constant 32 : i32
          %add3A_258 = vector.broadcast %add3A_257 : i32 to vector<16xi32>
          %add3A_259 = arith.addi %add3A_258, %iota3A : vector<16xi32>
          %broadcast_in_dim3A_260 = vector.broadcast %rem3A_197 : i32 to vector<16xi32>
          %broadcast_in_dim3A_261 = vector.broadcast %and3A_239 : i32 to vector<16xi32>
          %gather3A_262 = tpu.vector_load_idx %arg7[%broadcast_in_dim3A_260, %add3A_259, %broadcast_in_dim3A_261] : memref<2x64x256xf32, #tpu.memory_space<vmem>>[vector<16xi32>, vector<16xi32>, vector<16xi32>], vector<16xf32>,
          %broadcast_in_dim3A_263 = vector.broadcast %rem3A_243 : i32 to vector<16xi32>
          tpu.vector_store_idx %arg10[%broadcast_in_dim3A_263, %add3A_259], %gather3A_262 : memref<128x128xf32, #tpu.memory_space<vmem>>[vector<16xi32>, vector<16xi32>], vector<16xf32>,
          %add3A_264 = arith.constant 48 : i32
          %add3A_265 = vector.broadcast %add3A_264 : i32 to vector<16xi32>
          %add3A_266 = arith.addi %add3A_265, %iota3A : vector<16xi32>
          %broadcast_in_dim3A_267 = vector.broadcast %rem3A_197 : i32 to vector<16xi32>
          %broadcast_in_dim3A_268 = vector.broadcast %and3A_239 : i32 to vector<16xi32>
          %gather3A_269 = tpu.vector_load_idx %arg7[%broadcast_in_dim3A_267, %add3A_266, %broadcast_in_dim3A_268] : memref<2x64x256xf32, #tpu.memory_space<vmem>>[vector<16xi32>, vector<16xi32>, vector<16xi32>], vector<16xf32>,
          %broadcast_in_dim3A_270 = vector.broadcast %rem3A_243 : i32 to vector<16xi32>
          tpu.vector_store_idx %arg10[%broadcast_in_dim3A_270, %add3A_266], %gather3A_269 : memref<128x128xf32, #tpu.memory_space<vmem>>[vector<16xi32>, vector<16xi32>], vector<16xf32>,
          %broadcast_in_dim3A_271 = arith.constant 0 : i32
          %broadcast_in_dim3A_272 = vector.broadcast %broadcast_in_dim3A_271 : i32 to vector<16xi32>
          %broadcast_in_dim3A_273 = vector.broadcast %rem3A_243 : i32 to vector<16xi32>
          %broadcast_in_dim3A_274 = vector.broadcast %and3A_241 : i32 to vector<16xi32>
          %eq3A_275 = arith.constant 0 : i32
          %eq3A_276 = vector.broadcast %eq3A_275 : i32 to vector<16xi32>
          %eq3A_277 = arith.cmpi eq, %iota3A, %eq3A_276 : vector<16xi32>
          tpu.vector_store_idx %arg11[%broadcast_in_dim3A_272, %broadcast_in_dim3A_273], %broadcast_in_dim3A_274 masked %eq3A_277 : memref<1x128xi32, #tpu.memory_space<vmem>>[vector<16xi32>, vector<16xi32>], vector<16xi32>, vector<16xi1>
          %add3A_278 = arith.constant 1 : i32
          %add3A_279 = arith.addi %while3A_231, %add3A_278 : i32
          %rem3A_280 = arith.constant 128 : i32
          %rem3A_281 = arith.remsi %add3A_279, %rem3A_280 : i32
          %eq3A_282 = arith.constant 0 : i32
          %eq3A_283 = arith.cmpi eq, %rem3A_281, %eq3A_282 : i32
          %convert_element_type3A_284 = arith.extui %eq3A_283 : i1 to i32
          %cond3A_285 = arith.constant 0 : i32
          %cond3A_286 = arith.cmpi ne, %convert_element_type3A_284, %cond3A_285 : i32
          scf.if %cond3A_286 {
            %run_scoped3A = arith.constant 0 : i32
            "tpu.region"() ({
              %run_scoped3A_287 = tpu.sem_alloc : memref<!tpu.dma_semaphore, #tpu.memory_space<semaphore_mem>>
              %dma_start3A_288 = arith.constant 0 : i32
              %dma_start3A_289 = tpu.memref_slice %arg11[%run_scoped3A, %dma_start3A_288] : memref<1x128xi32, #tpu.memory_space<vmem>> -> memref<1x128xi32, #tpu.memory_space<vmem>>
              %dma_start3A_290 = tpu.memref_squeeze %dma_start3A_289 : memref<1x128xi32, #tpu.memory_space<vmem>> -> memref<128xi32, #tpu.memory_space<vmem>>
              %dma_start3A_291 = arith.constant 0 : i32
              %dma_start3A_292 = arith.constant 0 : i32
              %dma_start3A_293 = tpu.memref_slice %arg4[%dma_start3A_291, %dma_start3A_292] : memref<16416x128xf32, #tpu.memory_space<hbm>> -> memref<16416x128xf32, #tpu.memory_space<hbm>>
              tpu.enqueue_indirect_dma source(%arg10 : memref<128x128xf32, #tpu.memory_space<vmem>>) target(%dma_start3A_293 : memref<16416x128xf32, #tpu.memory_space<hbm>>) offsets(%dma_start3A_290 : memref<128xi32, #tpu.memory_space<vmem>>) semaphore(%run_scoped3A_287 : memref<!tpu.dma_semaphore, #tpu.memory_space<semaphore_mem>>)
              %dma_wait3A_294 = arith.constant 0 : i32
              %dma_wait3A_295 = tpu.memref_slice %arg11[%run_scoped3A, %dma_wait3A_294] : memref<1x128xi32, #tpu.memory_space<vmem>> -> memref<1x128xi32, #tpu.memory_space<vmem>>
              %dma_wait3A_296 = tpu.memref_squeeze %dma_wait3A_295 : memref<1x128xi32, #tpu.memory_space<vmem>> -> memref<128xi32, #tpu.memory_space<vmem>>
              %dma_wait3A_297 = arith.constant 0 : i32
              %dma_wait3A_298 = arith.constant 0 : i32
              %dma_wait3A_299 = tpu.memref_slice %arg4[%dma_wait3A_297, %dma_wait3A_298] : memref<16416x128xf32, #tpu.memory_space<hbm>> -> memref<16416x128xf32, #tpu.memory_space<hbm>>
              tpu.wait_indirect_dma semaphore(%run_scoped3A_287 : memref<!tpu.dma_semaphore, #tpu.memory_space<semaphore_mem>>) src(%arg10 : memref<128x128xf32, #tpu.memory_space<vmem>>) dst(%dma_wait3A_299 : memref<16416x128xf32, #tpu.memory_space<hbm>>)
              tpu.yield
            }) : () -> ()
          } else {
          }
          scf.yield %add3A_279 : i32
        }
        scf.yield %while3A_229 : i32
      }
      scf.yield %while3A_208 : i32
    }
    %while3A_152 = arith.constant 1 : i32
    %while3A_153 = scf.for %while3A_170 = %while3A_149 to %while3A_145 step %while3A_152 iter_args(%while3A_171 = %while3A_151) -> (i32)  : i32 {
      %add3A_172 = arith.constant 1 : i32
      %add3A_173 = arith.addi %while3A_170, %add3A_172 : i32
      %lt3A = arith.cmpi slt, %add3A_173, %add3A_20 : i32
      %convert_element_type3A_174 = arith.extui %lt3A : i1 to i32
      %cond3A_175 = arith.constant 0 : i32
      %cond3A_176 = arith.cmpi ne, %convert_element_type3A_174, %cond3A_175 : i32
      scf.if %cond3A_176 {
        %add3A_209 = arith.constant 1 : i32
        %add3A_210 = arith.addi %while3A_170, %add3A_209 : i32
        %mul3A_211 = arith.constant 32 : i32
        %mul3A_212 = arith.muli %add3A_210, %mul3A_211 : i32
        %add3A_213 = arith.addi %add3A, %mul3A_212 : i32
        %mul3A_214 = arith.constant 256 : i32
        %mul3A_215 = arith.muli %add3A_213, %mul3A_214 : i32
        %multiple_of3A_216 = tpu.assume_multiple %mul3A_215, 256 : i32
        %add3A_217 = arith.constant 1 : i32
        %add3A_218 = arith.addi %while3A_170, %add3A_217 : i32
        %rem3A_219 = arith.constant 2 : i32
        %rem3A_220 = arith.remsi %add3A_218, %rem3A_219 : i32
        %dma_start3A_221 = arith.constant 0 : i32
        %dma_start3A_222 = arith.constant 0 : i32
        %dma_start3A_223 = tpu.memref_slice %arg7[%rem3A_220, %dma_start3A_221, %dma_start3A_222] : memref<2x64x256xf32, #tpu.memory_space<vmem>> -> memref<1x64x256xf32, #tpu.memory_space<vmem>>
        %dma_start3A_224 = tpu.memref_squeeze %dma_start3A_223 : memref<1x64x256xf32, #tpu.memory_space<vmem>> -> memref<64x256xf32, #tpu.memory_space<vmem>>
        %dma_start3A_225 = arith.constant 0 : i32
        %dma_start3A_226 = tpu.memref_slice %arg3[%dma_start3A_225, %multiple_of3A_216] : memref<64x100000xf32, #tpu.memory_space<hbm>> -> memref<64x256xf32, #tpu.memory_space<hbm>>
        %dma_start3A_227 = arith.constant 0 : i32
        %dma_start3A_228 = arith.constant 0 : i32
        %dma_start3A_229 = tpu.memref_slice %arg7[%rem3A_220, %dma_start3A_227, %dma_start3A_228] : memref<2x64x256xf32, #tpu.memory_space<vmem>> -> memref<1x64x256xf32, #tpu.memory_space<vmem>>
        %dma_start3A_230 = tpu.memref_squeeze %dma_start3A_229 : memref<1x64x256xf32, #tpu.memory_space<vmem>> -> memref<64x256xf32, #tpu.memory_space<vmem>>
        %dma_start3A_231 = arith.constant 0 : i32
        %dma_start3A_232 = tpu.memref_slice %arg3[%dma_start3A_231, %multiple_of3A_216] : memref<64x100000xf32, #tpu.memory_space<hbm>> -> memref<64x256xf32, #tpu.memory_space<hbm>>
        tpu.enqueue_dma source(%dma_start3A_232 : memref<64x256xf32, #tpu.memory_space<hbm>>) target(%dma_start3A_230 : memref<64x256xf32, #tpu.memory_space<vmem>>) target_semaphore(%arg12 : memref<!tpu.dma_semaphore, #tpu.memory_space<semaphore_mem>>)
      } else {
      }
      %mul3A_177 = arith.constant 32 : i32
      %mul3A_178 = arith.muli %while3A_170, %mul3A_177 : i32
      %add3A_179 = arith.addi %add3A, %mul3A_178 : i32
      %mul3A_180 = arith.constant 256 : i32
      %mul3A_181 = arith.muli %add3A_179, %mul3A_180 : i32
      %multiple_of3A_182 = tpu.assume_multiple %mul3A_181, 256 : i32
      %rem3A_183 = arith.constant 2 : i32
      %rem3A_184 = arith.remsi %while3A_170, %rem3A_183 : i32
      %dma_wait3A = arith.constant 0 : i32
      %dma_wait3A_185 = arith.constant 0 : i32
      %dma_wait3A_186 = tpu.memref_slice %arg7[%rem3A_184, %dma_wait3A, %dma_wait3A_185] : memref<2x64x256xf32, #tpu.memory_space<vmem>> -> memref<1x64x256xf32, #tpu.memory_space<vmem>>
      %dma_wait3A_187 = tpu.memref_squeeze %dma_wait3A_186 : memref<1x64x256xf32, #tpu.memory_space<vmem>> -> memref<64x256xf32, #tpu.memory_space<vmem>>
      %dma_wait3A_188 = arith.constant 0 : i32
      %dma_wait3A_189 = tpu.memref_slice %arg3[%dma_wait3A_188, %multiple_of3A_182] : memref<64x100000xf32, #tpu.memory_space<hbm>> -> memref<64x256xf32, #tpu.memory_space<hbm>>
      %dma_wait3A_190 = arith.constant 0 : i32
      %dma_wait3A_191 = arith.constant 0 : i32
      %dma_wait3A_192 = tpu.memref_slice %arg7[%rem3A_184, %dma_wait3A_190, %dma_wait3A_191] : memref<2x64x256xf32, #tpu.memory_space<vmem>> -> memref<1x64x256xf32, #tpu.memory_space<vmem>>
      %dma_wait3A_193 = tpu.memref_squeeze %dma_wait3A_192 : memref<1x64x256xf32, #tpu.memory_space<vmem>> -> memref<64x256xf32, #tpu.memory_space<vmem>>
      %dma_wait3A_194 = arith.constant 0 : i32
      %dma_wait3A_195 = tpu.memref_slice %arg3[%dma_wait3A_194, %multiple_of3A_182] : memref<64x100000xf32, #tpu.memory_space<hbm>> -> memref<64x256xf32, #tpu.memory_space<hbm>>
      tpu.wait_dma2 semaphore(%arg12 : memref<!tpu.dma_semaphore, #tpu.memory_space<semaphore_mem>>) src(%dma_wait3A_195 : memref<64x256xf32, #tpu.memory_space<hbm>>) dst(%dma_wait3A_193 : memref<64x256xf32, #tpu.memory_space<vmem>>)
      %rem3A_196 = arith.constant 2 : i32
      %rem3A_197 = arith.remsi %while3A_170, %rem3A_196 : i32
      %while3A_198 = arith.constant 0 : i32
      %while3A_199 = arith.subi %select_n3A_126, %while3A_198 : i32
      %while3A_200 = arith.addi %while3A_198, %while3A_199 : i32
      %while3A_201 = arith.constant 1 : i32
      %while3A_202 = arith.divsi %while3A_199, %while3A_201 : i32
      %while3A_203 = arith.muli %while3A_202, %while3A_201 : i32
      %while3A_204 = arith.addi %while3A_198, %while3A_203 : i32
      %while3A_205 = arith.constant 1 : i32
      %while3A_206 = scf.for %while3A_209 = %while3A_198 to %while3A_204 step %while3A_205 iter_args(%while3A_210 = %while3A_171) -> (i32)  : i32 {
        %mul3A_211 = arith.constant 16 : i32
        %mul3A_212 = arith.muli %while3A_209, %mul3A_211 : i32
        %get3A = arith.index_cast %mul3A_212 : i32 to index
        %get3A_213 = tpu.vector_load %arg6[%get3A] {strides = array<i32>} : memref<16400xi32, #tpu.memory_space<vmem>>, vector<16xi32>,
        %shift_right_arithmetic3A = arith.constant 23 : i32
        %shift_right_arithmetic3A_214 = vector.broadcast %shift_right_arithmetic3A : i32 to vector<16xi32>
        %shift_right_arithmetic3A_215 = arith.shrsi %get3A_213, %shift_right_arithmetic3A_214 : vector<16xi32>
        %eq3A = vector.broadcast %while3A_170 : i32 to vector<16xi32>
        %eq3A_216 = arith.cmpi eq, %shift_right_arithmetic3A_215, %eq3A : vector<16xi32>
        %swap3A_217 = arith.constant 0 : index
        %swap3A_218 = tpu.vector_load %arg9[%swap3A_217] masked %eq3A_216 {strides = array<i32>} : memref<32xi32, #tpu.memory_space<vmem>>, vector<16xi32>, vector<16xi1>
        tpu.vector_store %arg9[%swap3A_217], %get3A_213 masked %eq3A_216 {strides = array<i32>} : memref<32xi32, #tpu.memory_space<vmem>>, vector<16xi32>, vector<16xi1>
        %all_reduce_population_count3A = tpu.all_reduce %eq3A_216 {dim = 0 : i64, kind = #tpu.reduction_kind<sum>} : vector<16xi1> -> vector<16xi32>
        %slice3A = vector.extract_strided_slice %all_reduce_population_count3A {offsets = [0], sizes = [1], strides = [1]} : vector<16xi32> to vector<1xi32>
        %squeeze3A = vector.extract %slice3A[0] : i32 from vector<1xi32>
        %while3A_219 = arith.constant 0 : i32
        %while3A_220 = arith.subi %squeeze3A, %while3A_219 : i32
        %while3A_221 = arith.addi %while3A_219, %while3A_220 : i32
        %while3A_222 = arith.constant 1 : i32
        %while3A_223 = arith.divsi %while3A_220, %while3A_222 : i32
        %while3A_224 = arith.muli %while3A_223, %while3A_222 : i32
        %while3A_225 = arith.addi %while3A_219, %while3A_224 : i32
        %while3A_226 = arith.constant 1 : i32
        %while3A_227 = scf.for %while3A_230 = %while3A_219 to %while3A_225 step %while3A_226 iter_args(%while3A_231 = %while3A_210) -> (i32)  : i32 {
          %get3A_232 = arith.index_cast %while3A_230 : i32 to index
          %get3A_233 = tpu.vector_load %arg9[%get3A_232] {strides = array<i32>} : memref<32xi32, #tpu.memory_space<vmem>>, vector<16xi32>,
          %slice3A_234 = vector.extract_strided_slice %get3A_233 {offsets = [0], sizes = [1], strides = [1]} : vector<16xi32> to vector<1xi32>
          %squeeze3A_235 = vector.extract %slice3A_234[0] : i32 from vector<1xi32>
          %shift_right_arithmetic3A_236 = arith.constant 14 : i32
          %shift_right_arithmetic3A_237 = arith.shrsi %squeeze3A_235, %shift_right_arithmetic3A_236 : i32
          %and3A_238 = arith.constant 511 : i32
          %and3A_239 = arith.andi %shift_right_arithmetic3A_237, %and3A_238 : i32
          %and3A_240 = arith.constant 16383 : i32
          %and3A_241 = arith.andi %squeeze3A_235, %and3A_240 : i32
          %rem3A_242 = arith.constant 128 : i32
          %rem3A_243 = arith.remsi %while3A_231, %rem3A_242 : i32
          %add3A_244 = arith.constant 0 : i32
          %add3A_245 = vector.broadcast %add3A_244 : i32 to vector<16xi32>
          %add3A_246 = arith.addi %add3A_245, %iota3A : vector<16xi32>
          %broadcast_in_dim3A_247 = vector.broadcast %rem3A_197 : i32 to vector<16xi32>
          %broadcast_in_dim3A_248 = vector.broadcast %and3A_239 : i32 to vector<16xi32>
          %gather3A = tpu.vector_load_idx %arg7[%broadcast_in_dim3A_247, %add3A_246, %broadcast_in_dim3A_248] : memref<2x64x256xf32, #tpu.memory_space<vmem>>[vector<16xi32>, vector<16xi32>, vector<16xi32>], vector<16xf32>,
          %broadcast_in_dim3A_249 = vector.broadcast %rem3A_243 : i32 to vector<16xi32>
          tpu.vector_store_idx %arg10[%broadcast_in_dim3A_249, %add3A_246], %gather3A : memref<128x128xf32, #tpu.memory_space<vmem>>[vector<16xi32>, vector<16xi32>], vector<16xf32>,
          %add3A_250 = arith.constant 16 : i32
          %add3A_251 = vector.broadcast %add3A_250 : i32 to vector<16xi32>
          %add3A_252 = arith.addi %add3A_251, %iota3A : vector<16xi32>
          %broadcast_in_dim3A_253 = vector.broadcast %rem3A_197 : i32 to vector<16xi32>
          %broadcast_in_dim3A_254 = vector.broadcast %and3A_239 : i32 to vector<16xi32>
          %gather3A_255 = tpu.vector_load_idx %arg7[%broadcast_in_dim3A_253, %add3A_252, %broadcast_in_dim3A_254] : memref<2x64x256xf32, #tpu.memory_space<vmem>>[vector<16xi32>, vector<16xi32>, vector<16xi32>], vector<16xf32>,
          %broadcast_in_dim3A_256 = vector.broadcast %rem3A_243 : i32 to vector<16xi32>
          tpu.vector_store_idx %arg10[%broadcast_in_dim3A_256, %add3A_252], %gather3A_255 : memref<128x128xf32, #tpu.memory_space<vmem>>[vector<16xi32>, vector<16xi32>], vector<16xf32>,
          %add3A_257 = arith.constant 32 : i32
          %add3A_258 = vector.broadcast %add3A_257 : i32 to vector<16xi32>
          %add3A_259 = arith.addi %add3A_258, %iota3A : vector<16xi32>
          %broadcast_in_dim3A_260 = vector.broadcast %rem3A_197 : i32 to vector<16xi32>
          %broadcast_in_dim3A_261 = vector.broadcast %and3A_239 : i32 to vector<16xi32>
          %gather3A_262 = tpu.vector_load_idx %arg7[%broadcast_in_dim3A_260, %add3A_259, %broadcast_in_dim3A_261] : memref<2x64x256xf32, #tpu.memory_space<vmem>>[vector<16xi32>, vector<16xi32>, vector<16xi32>], vector<16xf32>,
          %broadcast_in_dim3A_263 = vector.broadcast %rem3A_243 : i32 to vector<16xi32>
          tpu.vector_store_idx %arg10[%broadcast_in_dim3A_263, %add3A_259], %gather3A_262 : memref<128x128xf32, #tpu.memory_space<vmem>>[vector<16xi32>, vector<16xi32>], vector<16xf32>,
          %add3A_264 = arith.constant 48 : i32
          %add3A_265 = vector.broadcast %add3A_264 : i32 to vector<16xi32>
          %add3A_266 = arith.addi %add3A_265, %iota3A : vector<16xi32>
          %broadcast_in_dim3A_267 = vector.broadcast %rem3A_197 : i32 to vector<16xi32>
          %broadcast_in_dim3A_268 = vector.broadcast %and3A_239 : i32 to vector<16xi32>
          %gather3A_269 = tpu.vector_load_idx %arg7[%broadcast_in_dim3A_267, %add3A_266, %broadcast_in_dim3A_268] : memref<2x64x256xf32, #tpu.memory_space<vmem>>[vector<16xi32>, vector<16xi32>, vector<16xi32>], vector<16xf32>,
          %broadcast_in_dim3A_270 = vector.broadcast %rem3A_243 : i32 to vector<16xi32>
          tpu.vector_store_idx %arg10[%broadcast_in_dim3A_270, %add3A_266], %gather3A_269 : memref<128x128xf32, #tpu.memory_space<vmem>>[vector<16xi32>, vector<16xi32>], vector<16xf32>,
          %broadcast_in_dim3A_271 = arith.constant 0 : i32
          %broadcast_in_dim3A_272 = vector.broadcast %broadcast_in_dim3A_271 : i32 to vector<16xi32>
          %broadcast_in_dim3A_273 = vector.broadcast %rem3A_243 : i32 to vector<16xi32>
          %broadcast_in_dim3A_274 = vector.broadcast %and3A_241 : i32 to vector<16xi32>
          %eq3A_275 = arith.constant 0 : i32
          %eq3A_276 = vector.broadcast %eq3A_275 : i32 to vector<16xi32>
          %eq3A_277 = arith.cmpi eq, %iota3A, %eq3A_276 : vector<16xi32>
          tpu.vector_store_idx %arg11[%broadcast_in_dim3A_272, %broadcast_in_dim3A_273], %broadcast_in_dim3A_274 masked %eq3A_277 : memref<1x128xi32, #tpu.memory_space<vmem>>[vector<16xi32>, vector<16xi32>], vector<16xi32>, vector<16xi1>
          %add3A_278 = arith.constant 1 : i32
          %add3A_279 = arith.addi %while3A_231, %add3A_278 : i32
          %rem3A_280 = arith.constant 128 : i32
          %rem3A_281 = arith.remsi %add3A_279, %rem3A_280 : i32
          %eq3A_282 = arith.constant 0 : i32
          %eq3A_283 = arith.cmpi eq, %rem3A_281, %eq3A_282 : i32
          %convert_element_type3A_284 = arith.extui %eq3A_283 : i1 to i32
          %cond3A_285 = arith.constant 0 : i32
          %cond3A_286 = arith.cmpi ne, %convert_element_type3A_284, %cond3A_285 : i32
          scf.if %cond3A_286 {
            %run_scoped3A = arith.constant 0 : i32
            "tpu.region"() ({
              %run_scoped3A_287 = tpu.sem_alloc : memref<!tpu.dma_semaphore, #tpu.memory_space<semaphore_mem>>
              %dma_start3A_288 = arith.constant 0 : i32
              %dma_start3A_289 = tpu.memref_slice %arg11[%run_scoped3A, %dma_start3A_288] : memref<1x128xi32, #tpu.memory_space<vmem>> -> memref<1x128xi32, #tpu.memory_space<vmem>>
              %dma_start3A_290 = tpu.memref_squeeze %dma_start3A_289 : memref<1x128xi32, #tpu.memory_space<vmem>> -> memref<128xi32, #tpu.memory_space<vmem>>
              %dma_start3A_291 = arith.constant 0 : i32
              %dma_start3A_292 = arith.constant 0 : i32
              %dma_start3A_293 = tpu.memref_slice %arg4[%dma_start3A_291, %dma_start3A_292] : memref<16416x128xf32, #tpu.memory_space<hbm>> -> memref<16416x128xf32, #tpu.memory_space<hbm>>
              tpu.enqueue_indirect_dma source(%arg10 : memref<128x128xf32, #tpu.memory_space<vmem>>) target(%dma_start3A_293 : memref<16416x128xf32, #tpu.memory_space<hbm>>) offsets(%dma_start3A_290 : memref<128xi32, #tpu.memory_space<vmem>>) semaphore(%run_scoped3A_287 : memref<!tpu.dma_semaphore, #tpu.memory_space<semaphore_mem>>)
              %dma_wait3A_294 = arith.constant 0 : i32
              %dma_wait3A_295 = tpu.memref_slice %arg11[%run_scoped3A, %dma_wait3A_294] : memref<1x128xi32, #tpu.memory_space<vmem>> -> memref<1x128xi32, #tpu.memory_space<vmem>>
              %dma_wait3A_296 = tpu.memref_squeeze %dma_wait3A_295 : memref<1x128xi32, #tpu.memory_space<vmem>> -> memref<128xi32, #tpu.memory_space<vmem>>
              %dma_wait3A_297 = arith.constant 0 : i32
              %dma_wait3A_298 = arith.constant 0 : i32
              %dma_wait3A_299 = tpu.memref_slice %arg4[%dma_wait3A_297, %dma_wait3A_298] : memref<16416x128xf32, #tpu.memory_space<hbm>> -> memref<16416x128xf32, #tpu.memory_space<hbm>>
              tpu.wait_indirect_dma semaphore(%run_scoped3A_287 : memref<!tpu.dma_semaphore, #tpu.memory_space<semaphore_mem>>) src(%arg10 : memref<128x128xf32, #tpu.memory_space<vmem>>) dst(%dma_wait3A_299 : memref<16416x128xf32, #tpu.memory_space<hbm>>)
              tpu.yield
            }) : () -> ()
          } else {
          }
          scf.yield %add3A_279 : i32
        }
        %while3A_228 = arith.constant 1 : i32
        %while3A_229 = scf.for %while3A_230 = %while3A_225 to %while3A_221 step %while3A_228 iter_args(%while3A_231 = %while3A_227) -> (i32)  : i32 {
          %get3A_232 = arith.index_cast %while3A_230 : i32 to index
          %get3A_233 = tpu.vector_load %arg9[%get3A_232] {strides = array<i32>} : memref<32xi32, #tpu.memory_space<vmem>>, vector<16xi32>,
          %slice3A_234 = vector.extract_strided_slice %get3A_233 {offsets = [0], sizes = [1], strides = [1]} : vector<16xi32> to vector<1xi32>
          %squeeze3A_235 = vector.extract %slice3A_234[0] : i32 from vector<1xi32>
          %shift_right_arithmetic3A_236 = arith.constant 14 : i32
          %shift_right_arithmetic3A_237 = arith.shrsi %squeeze3A_235, %shift_right_arithmetic3A_236 : i32
          %and3A_238 = arith.constant 511 : i32
          %and3A_239 = arith.andi %shift_right_arithmetic3A_237, %and3A_238 : i32
          %and3A_240 = arith.constant 16383 : i32
          %and3A_241 = arith.andi %squeeze3A_235, %and3A_240 : i32
          %rem3A_242 = arith.constant 128 : i32
          %rem3A_243 = arith.remsi %while3A_231, %rem3A_242 : i32
          %add3A_244 = arith.constant 0 : i32
          %add3A_245 = vector.broadcast %add3A_244 : i32 to vector<16xi32>
          %add3A_246 = arith.addi %add3A_245, %iota3A : vector<16xi32>
          %broadcast_in_dim3A_247 = vector.broadcast %rem3A_197 : i32 to vector<16xi32>
          %broadcast_in_dim3A_248 = vector.broadcast %and3A_239 : i32 to vector<16xi32>
          %gather3A = tpu.vector_load_idx %arg7[%broadcast_in_dim3A_247, %add3A_246, %broadcast_in_dim3A_248] : memref<2x64x256xf32, #tpu.memory_space<vmem>>[vector<16xi32>, vector<16xi32>, vector<16xi32>], vector<16xf32>,
          %broadcast_in_dim3A_249 = vector.broadcast %rem3A_243 : i32 to vector<16xi32>
          tpu.vector_store_idx %arg10[%broadcast_in_dim3A_249, %add3A_246], %gather3A : memref<128x128xf32, #tpu.memory_space<vmem>>[vector<16xi32>, vector<16xi32>], vector<16xf32>,
          %add3A_250 = arith.constant 16 : i32
          %add3A_251 = vector.broadcast %add3A_250 : i32 to vector<16xi32>
          %add3A_252 = arith.addi %add3A_251, %iota3A : vector<16xi32>
          %broadcast_in_dim3A_253 = vector.broadcast %rem3A_197 : i32 to vector<16xi32>
          %broadcast_in_dim3A_254 = vector.broadcast %and3A_239 : i32 to vector<16xi32>
          %gather3A_255 = tpu.vector_load_idx %arg7[%broadcast_in_dim3A_253, %add3A_252, %broadcast_in_dim3A_254] : memref<2x64x256xf32, #tpu.memory_space<vmem>>[vector<16xi32>, vector<16xi32>, vector<16xi32>], vector<16xf32>,
          %broadcast_in_dim3A_256 = vector.broadcast %rem3A_243 : i32 to vector<16xi32>
          tpu.vector_store_idx %arg10[%broadcast_in_dim3A_256, %add3A_252], %gather3A_255 : memref<128x128xf32, #tpu.memory_space<vmem>>[vector<16xi32>, vector<16xi32>], vector<16xf32>,
          %add3A_257 = arith.constant 32 : i32
          %add3A_258 = vector.broadcast %add3A_257 : i32 to vector<16xi32>
          %add3A_259 = arith.addi %add3A_258, %iota3A : vector<16xi32>
          %broadcast_in_dim3A_260 = vector.broadcast %rem3A_197 : i32 to vector<16xi32>
          %broadcast_in_dim3A_261 = vector.broadcast %and3A_239 : i32 to vector<16xi32>
          %gather3A_262 = tpu.vector_load_idx %arg7[%broadcast_in_dim3A_260, %add3A_259, %broadcast_in_dim3A_261] : memref<2x64x256xf32, #tpu.memory_space<vmem>>[vector<16xi32>, vector<16xi32>, vector<16xi32>], vector<16xf32>,
          %broadcast_in_dim3A_263 = vector.broadcast %rem3A_243 : i32 to vector<16xi32>
          tpu.vector_store_idx %arg10[%broadcast_in_dim3A_263, %add3A_259], %gather3A_262 : memref<128x128xf32, #tpu.memory_space<vmem>>[vector<16xi32>, vector<16xi32>], vector<16xf32>,
          %add3A_264 = arith.constant 48 : i32
          %add3A_265 = vector.broadcast %add3A_264 : i32 to vector<16xi32>
          %add3A_266 = arith.addi %add3A_265, %iota3A : vector<16xi32>
          %broadcast_in_dim3A_267 = vector.broadcast %rem3A_197 : i32 to vector<16xi32>
          %broadcast_in_dim3A_268 = vector.broadcast %and3A_239 : i32 to vector<16xi32>
          %gather3A_269 = tpu.vector_load_idx %arg7[%broadcast_in_dim3A_267, %add3A_266, %broadcast_in_dim3A_268] : memref<2x64x256xf32, #tpu.memory_space<vmem>>[vector<16xi32>, vector<16xi32>, vector<16xi32>], vector<16xf32>,
          %broadcast_in_dim3A_270 = vector.broadcast %rem3A_243 : i32 to vector<16xi32>
          tpu.vector_store_idx %arg10[%broadcast_in_dim3A_270, %add3A_266], %gather3A_269 : memref<128x128xf32, #tpu.memory_space<vmem>>[vector<16xi32>, vector<16xi32>], vector<16xf32>,
          %broadcast_in_dim3A_271 = arith.constant 0 : i32
          %broadcast_in_dim3A_272 = vector.broadcast %broadcast_in_dim3A_271 : i32 to vector<16xi32>
          %broadcast_in_dim3A_273 = vector.broadcast %rem3A_243 : i32 to vector<16xi32>
          %broadcast_in_dim3A_274 = vector.broadcast %and3A_241 : i32 to vector<16xi32>
          %eq3A_275 = arith.constant 0 : i32
          %eq3A_276 = vector.broadcast %eq3A_275 : i32 to vector<16xi32>
          %eq3A_277 = arith.cmpi eq, %iota3A, %eq3A_276 : vector<16xi32>
          tpu.vector_store_idx %arg11[%broadcast_in_dim3A_272, %broadcast_in_dim3A_273], %broadcast_in_dim3A_274 masked %eq3A_277 : memref<1x128xi32, #tpu.memory_space<vmem>>[vector<16xi32>, vector<16xi32>], vector<16xi32>, vector<16xi1>
          %add3A_278 = arith.constant 1 : i32
          %add3A_279 = arith.addi %while3A_231, %add3A_278 : i32
          %rem3A_280 = arith.constant 128 : i32
          %rem3A_281 = arith.remsi %add3A_279, %rem3A_280 : i32
          %eq3A_282 = arith.constant 0 : i32
          %eq3A_283 = arith.cmpi eq, %rem3A_281, %eq3A_282 : i32
          %convert_element_type3A_284 = arith.extui %eq3A_283 : i1 to i32
          %cond3A_285 = arith.constant 0 : i32
          %cond3A_286 = arith.cmpi ne, %convert_element_type3A_284, %cond3A_285 : i32
          scf.if %cond3A_286 {
            %run_scoped3A = arith.constant 0 : i32
            "tpu.region"() ({
              %run_scoped3A_287 = tpu.sem_alloc : memref<!tpu.dma_semaphore, #tpu.memory_space<semaphore_mem>>
              %dma_start3A_288 = arith.constant 0 : i32
              %dma_start3A_289 = tpu.memref_slice %arg11[%run_scoped3A, %dma_start3A_288] : memref<1x128xi32, #tpu.memory_space<vmem>> -> memref<1x128xi32, #tpu.memory_space<vmem>>
              %dma_start3A_290 = tpu.memref_squeeze %dma_start3A_289 : memref<1x128xi32, #tpu.memory_space<vmem>> -> memref<128xi32, #tpu.memory_space<vmem>>
              %dma_start3A_291 = arith.constant 0 : i32
              %dma_start3A_292 = arith.constant 0 : i32
              %dma_start3A_293 = tpu.memref_slice %arg4[%dma_start3A_291, %dma_start3A_292] : memref<16416x128xf32, #tpu.memory_space<hbm>> -> memref<16416x128xf32, #tpu.memory_space<hbm>>
              tpu.enqueue_indirect_dma source(%arg10 : memref<128x128xf32, #tpu.memory_space<vmem>>) target(%dma_start3A_293 : memref<16416x128xf32, #tpu.memory_space<hbm>>) offsets(%dma_start3A_290 : memref<128xi32, #tpu.memory_space<vmem>>) semaphore(%run_scoped3A_287 : memref<!tpu.dma_semaphore, #tpu.memory_space<semaphore_mem>>)
              %dma_wait3A_294 = arith.constant 0 : i32
              %dma_wait3A_295 = tpu.memref_slice %arg11[%run_scoped3A, %dma_wait3A_294] : memref<1x128xi32, #tpu.memory_space<vmem>> -> memref<1x128xi32, #tpu.memory_space<vmem>>
              %dma_wait3A_296 = tpu.memref_squeeze %dma_wait3A_295 : memref<1x128xi32, #tpu.memory_space<vmem>> -> memref<128xi32, #tpu.memory_space<vmem>>
              %dma_wait3A_297 = arith.constant 0 : i32
              %dma_wait3A_298 = arith.constant 0 : i32
              %dma_wait3A_299 = tpu.memref_slice %arg4[%dma_wait3A_297, %dma_wait3A_298] : memref<16416x128xf32, #tpu.memory_space<hbm>> -> memref<16416x128xf32, #tpu.memory_space<hbm>>
              tpu.wait_indirect_dma semaphore(%run_scoped3A_287 : memref<!tpu.dma_semaphore, #tpu.memory_space<semaphore_mem>>) src(%arg10 : memref<128x128xf32, #tpu.memory_space<vmem>>) dst(%dma_wait3A_299 : memref<16416x128xf32, #tpu.memory_space<hbm>>)
              tpu.yield
            }) : () -> ()
          } else {
          }
          scf.yield %add3A_279 : i32
        }
        scf.yield %while3A_229 : i32
      }
      %while3A_207 = arith.constant 1 : i32
      %while3A_208 = scf.for %while3A_209 = %while3A_204 to %while3A_200 step %while3A_207 iter_args(%while3A_210 = %while3A_206) -> (i32)  : i32 {
        %mul3A_211 = arith.constant 16 : i32
        %mul3A_212 = arith.muli %while3A_209, %mul3A_211 : i32
        %get3A = arith.index_cast %mul3A_212 : i32 to index
        %get3A_213 = tpu.vector_load %arg6[%get3A] {strides = array<i32>} : memref<16400xi32, #tpu.memory_space<vmem>>, vector<16xi32>,
        %shift_right_arithmetic3A = arith.constant 23 : i32
        %shift_right_arithmetic3A_214 = vector.broadcast %shift_right_arithmetic3A : i32 to vector<16xi32>
        %shift_right_arithmetic3A_215 = arith.shrsi %get3A_213, %shift_right_arithmetic3A_214 : vector<16xi32>
        %eq3A = vector.broadcast %while3A_170 : i32 to vector<16xi32>
        %eq3A_216 = arith.cmpi eq, %shift_right_arithmetic3A_215, %eq3A : vector<16xi32>
        %swap3A_217 = arith.constant 0 : index
        %swap3A_218 = tpu.vector_load %arg9[%swap3A_217] masked %eq3A_216 {strides = array<i32>} : memref<32xi32, #tpu.memory_space<vmem>>, vector<16xi32>, vector<16xi1>
        tpu.vector_store %arg9[%swap3A_217], %get3A_213 masked %eq3A_216 {strides = array<i32>} : memref<32xi32, #tpu.memory_space<vmem>>, vector<16xi32>, vector<16xi1>
        %all_reduce_population_count3A = tpu.all_reduce %eq3A_216 {dim = 0 : i64, kind = #tpu.reduction_kind<sum>} : vector<16xi1> -> vector<16xi32>
        %slice3A = vector.extract_strided_slice %all_reduce_population_count3A {offsets = [0], sizes = [1], strides = [1]} : vector<16xi32> to vector<1xi32>
        %squeeze3A = vector.extract %slice3A[0] : i32 from vector<1xi32>
        %while3A_219 = arith.constant 0 : i32
        %while3A_220 = arith.subi %squeeze3A, %while3A_219 : i32
        %while3A_221 = arith.addi %while3A_219, %while3A_220 : i32
        %while3A_222 = arith.constant 1 : i32
        %while3A_223 = arith.divsi %while3A_220, %while3A_222 : i32
        %while3A_224 = arith.muli %while3A_223, %while3A_222 : i32
        %while3A_225 = arith.addi %while3A_219, %while3A_224 : i32
        %while3A_226 = arith.constant 1 : i32
        %while3A_227 = scf.for %while3A_230 = %while3A_219 to %while3A_225 step %while3A_226 iter_args(%while3A_231 = %while3A_210) -> (i32)  : i32 {
          %get3A_232 = arith.index_cast %while3A_230 : i32 to index
          %get3A_233 = tpu.vector_load %arg9[%get3A_232] {strides = array<i32>} : memref<32xi32, #tpu.memory_space<vmem>>, vector<16xi32>,
          %slice3A_234 = vector.extract_strided_slice %get3A_233 {offsets = [0], sizes = [1], strides = [1]} : vector<16xi32> to vector<1xi32>
          %squeeze3A_235 = vector.extract %slice3A_234[0] : i32 from vector<1xi32>
          %shift_right_arithmetic3A_236 = arith.constant 14 : i32
          %shift_right_arithmetic3A_237 = arith.shrsi %squeeze3A_235, %shift_right_arithmetic3A_236 : i32
          %and3A_238 = arith.constant 511 : i32
          %and3A_239 = arith.andi %shift_right_arithmetic3A_237, %and3A_238 : i32
          %and3A_240 = arith.constant 16383 : i32
          %and3A_241 = arith.andi %squeeze3A_235, %and3A_240 : i32
          %rem3A_242 = arith.constant 128 : i32
          %rem3A_243 = arith.remsi %while3A_231, %rem3A_242 : i32
          %add3A_244 = arith.constant 0 : i32
          %add3A_245 = vector.broadcast %add3A_244 : i32 to vector<16xi32>
          %add3A_246 = arith.addi %add3A_245, %iota3A : vector<16xi32>
          %broadcast_in_dim3A_247 = vector.broadcast %rem3A_197 : i32 to vector<16xi32>
          %broadcast_in_dim3A_248 = vector.broadcast %and3A_239 : i32 to vector<16xi32>
          %gather3A = tpu.vector_load_idx %arg7[%broadcast_in_dim3A_247, %add3A_246, %broadcast_in_dim3A_248] : memref<2x64x256xf32, #tpu.memory_space<vmem>>[vector<16xi32>, vector<16xi32>, vector<16xi32>], vector<16xf32>,
          %broadcast_in_dim3A_249 = vector.broadcast %rem3A_243 : i32 to vector<16xi32>
          tpu.vector_store_idx %arg10[%broadcast_in_dim3A_249, %add3A_246], %gather3A : memref<128x128xf32, #tpu.memory_space<vmem>>[vector<16xi32>, vector<16xi32>], vector<16xf32>,
          %add3A_250 = arith.constant 16 : i32
          %add3A_251 = vector.broadcast %add3A_250 : i32 to vector<16xi32>
          %add3A_252 = arith.addi %add3A_251, %iota3A : vector<16xi32>
          %broadcast_in_dim3A_253 = vector.broadcast %rem3A_197 : i32 to vector<16xi32>
          %broadcast_in_dim3A_254 = vector.broadcast %and3A_239 : i32 to vector<16xi32>
          %gather3A_255 = tpu.vector_load_idx %arg7[%broadcast_in_dim3A_253, %add3A_252, %broadcast_in_dim3A_254] : memref<2x64x256xf32, #tpu.memory_space<vmem>>[vector<16xi32>, vector<16xi32>, vector<16xi32>], vector<16xf32>,
          %broadcast_in_dim3A_256 = vector.broadcast %rem3A_243 : i32 to vector<16xi32>
          tpu.vector_store_idx %arg10[%broadcast_in_dim3A_256, %add3A_252], %gather3A_255 : memref<128x128xf32, #tpu.memory_space<vmem>>[vector<16xi32>, vector<16xi32>], vector<16xf32>,
          %add3A_257 = arith.constant 32 : i32
          %add3A_258 = vector.broadcast %add3A_257 : i32 to vector<16xi32>
          %add3A_259 = arith.addi %add3A_258, %iota3A : vector<16xi32>
          %broadcast_in_dim3A_260 = vector.broadcast %rem3A_197 : i32 to vector<16xi32>
          %broadcast_in_dim3A_261 = vector.broadcast %and3A_239 : i32 to vector<16xi32>
          %gather3A_262 = tpu.vector_load_idx %arg7[%broadcast_in_dim3A_260, %add3A_259, %broadcast_in_dim3A_261] : memref<2x64x256xf32, #tpu.memory_space<vmem>>[vector<16xi32>, vector<16xi32>, vector<16xi32>], vector<16xf32>,
          %broadcast_in_dim3A_263 = vector.broadcast %rem3A_243 : i32 to vector<16xi32>
          tpu.vector_store_idx %arg10[%broadcast_in_dim3A_263, %add3A_259], %gather3A_262 : memref<128x128xf32, #tpu.memory_space<vmem>>[vector<16xi32>, vector<16xi32>], vector<16xf32>,
          %add3A_264 = arith.constant 48 : i32
          %add3A_265 = vector.broadcast %add3A_264 : i32 to vector<16xi32>
          %add3A_266 = arith.addi %add3A_265, %iota3A : vector<16xi32>
          %broadcast_in_dim3A_267 = vector.broadcast %rem3A_197 : i32 to vector<16xi32>
          %broadcast_in_dim3A_268 = vector.broadcast %and3A_239 : i32 to vector<16xi32>
          %gather3A_269 = tpu.vector_load_idx %arg7[%broadcast_in_dim3A_267, %add3A_266, %broadcast_in_dim3A_268] : memref<2x64x256xf32, #tpu.memory_space<vmem>>[vector<16xi32>, vector<16xi32>, vector<16xi32>], vector<16xf32>,
          %broadcast_in_dim3A_270 = vector.broadcast %rem3A_243 : i32 to vector<16xi32>
          tpu.vector_store_idx %arg10[%broadcast_in_dim3A_270, %add3A_266], %gather3A_269 : memref<128x128xf32, #tpu.memory_space<vmem>>[vector<16xi32>, vector<16xi32>], vector<16xf32>,
          %broadcast_in_dim3A_271 = arith.constant 0 : i32
          %broadcast_in_dim3A_272 = vector.broadcast %broadcast_in_dim3A_271 : i32 to vector<16xi32>
          %broadcast_in_dim3A_273 = vector.broadcast %rem3A_243 : i32 to vector<16xi32>
          %broadcast_in_dim3A_274 = vector.broadcast %and3A_241 : i32 to vector<16xi32>
          %eq3A_275 = arith.constant 0 : i32
          %eq3A_276 = vector.broadcast %eq3A_275 : i32 to vector<16xi32>
          %eq3A_277 = arith.cmpi eq, %iota3A, %eq3A_276 : vector<16xi32>
          tpu.vector_store_idx %arg11[%broadcast_in_dim3A_272, %broadcast_in_dim3A_273], %broadcast_in_dim3A_274 masked %eq3A_277 : memref<1x128xi32, #tpu.memory_space<vmem>>[vector<16xi32>, vector<16xi32>], vector<16xi32>, vector<16xi1>
          %add3A_278 = arith.constant 1 : i32
          %add3A_279 = arith.addi %while3A_231, %add3A_278 : i32
          %rem3A_280 = arith.constant 128 : i32
          %rem3A_281 = arith.remsi %add3A_279, %rem3A_280 : i32
          %eq3A_282 = arith.constant 0 : i32
          %eq3A_283 = arith.cmpi eq, %rem3A_281, %eq3A_282 : i32
          %convert_element_type3A_284 = arith.extui %eq3A_283 : i1 to i32
          %cond3A_285 = arith.constant 0 : i32
          %cond3A_286 = arith.cmpi ne, %convert_element_type3A_284, %cond3A_285 : i32
          scf.if %cond3A_286 {
            %run_scoped3A = arith.constant 0 : i32
            "tpu.region"() ({
              %run_scoped3A_287 = tpu.sem_alloc : memref<!tpu.dma_semaphore, #tpu.memory_space<semaphore_mem>>
              %dma_start3A_288 = arith.constant 0 : i32
              %dma_start3A_289 = tpu.memref_slice %arg11[%run_scoped3A, %dma_start3A_288] : memref<1x128xi32, #tpu.memory_space<vmem>> -> memref<1x128xi32, #tpu.memory_space<vmem>>
              %dma_start3A_290 = tpu.memref_squeeze %dma_start3A_289 : memref<1x128xi32, #tpu.memory_space<vmem>> -> memref<128xi32, #tpu.memory_space<vmem>>
              %dma_start3A_291 = arith.constant 0 : i32
              %dma_start3A_292 = arith.constant 0 : i32
              %dma_start3A_293 = tpu.memref_slice %arg4[%dma_start3A_291, %dma_start3A_292] : memref<16416x128xf32, #tpu.memory_space<hbm>> -> memref<16416x128xf32, #tpu.memory_space<hbm>>
              tpu.enqueue_indirect_dma source(%arg10 : memref<128x128xf32, #tpu.memory_space<vmem>>) target(%dma_start3A_293 : memref<16416x128xf32, #tpu.memory_space<hbm>>) offsets(%dma_start3A_290 : memref<128xi32, #tpu.memory_space<vmem>>) semaphore(%run_scoped3A_287 : memref<!tpu.dma_semaphore, #tpu.memory_space<semaphore_mem>>)
              %dma_wait3A_294 = arith.constant 0 : i32
              %dma_wait3A_295 = tpu.memref_slice %arg11[%run_scoped3A, %dma_wait3A_294] : memref<1x128xi32, #tpu.memory_space<vmem>> -> memref<1x128xi32, #tpu.memory_space<vmem>>
              %dma_wait3A_296 = tpu.memref_squeeze %dma_wait3A_295 : memref<1x128xi32, #tpu.memory_space<vmem>> -> memref<128xi32, #tpu.memory_space<vmem>>
              %dma_wait3A_297 = arith.constant 0 : i32
              %dma_wait3A_298 = arith.constant 0 : i32
              %dma_wait3A_299 = tpu.memref_slice %arg4[%dma_wait3A_297, %dma_wait3A_298] : memref<16416x128xf32, #tpu.memory_space<hbm>> -> memref<16416x128xf32, #tpu.memory_space<hbm>>
              tpu.wait_indirect_dma semaphore(%run_scoped3A_287 : memref<!tpu.dma_semaphore, #tpu.memory_space<semaphore_mem>>) src(%arg10 : memref<128x128xf32, #tpu.memory_space<vmem>>) dst(%dma_wait3A_299 : memref<16416x128xf32, #tpu.memory_space<hbm>>)
              tpu.yield
            }) : () -> ()
          } else {
          }
          scf.yield %add3A_279 : i32
        }
        %while3A_228 = arith.constant 1 : i32
        %while3A_229 = scf.for %while3A_230 = %while3A_225 to %while3A_221 step %while3A_228 iter_args(%while3A_231 = %while3A_227) -> (i32)  : i32 {
          %get3A_232 = arith.index_cast %while3A_230 : i32 to index
          %get3A_233 = tpu.vector_load %arg9[%get3A_232] {strides = array<i32>} : memref<32xi32, #tpu.memory_space<vmem>>, vector<16xi32>,
          %slice3A_234 = vector.extract_strided_slice %get3A_233 {offsets = [0], sizes = [1], strides = [1]} : vector<16xi32> to vector<1xi32>
          %squeeze3A_235 = vector.extract %slice3A_234[0] : i32 from vector<1xi32>
          %shift_right_arithmetic3A_236 = arith.constant 14 : i32
          %shift_right_arithmetic3A_237 = arith.shrsi %squeeze3A_235, %shift_right_arithmetic3A_236 : i32
          %and3A_238 = arith.constant 511 : i32
          %and3A_239 = arith.andi %shift_right_arithmetic3A_237, %and3A_238 : i32
          %and3A_240 = arith.constant 16383 : i32
          %and3A_241 = arith.andi %squeeze3A_235, %and3A_240 : i32
          %rem3A_242 = arith.constant 128 : i32
          %rem3A_243 = arith.remsi %while3A_231, %rem3A_242 : i32
          %add3A_244 = arith.constant 0 : i32
          %add3A_245 = vector.broadcast %add3A_244 : i32 to vector<16xi32>
          %add3A_246 = arith.addi %add3A_245, %iota3A : vector<16xi32>
          %broadcast_in_dim3A_247 = vector.broadcast %rem3A_197 : i32 to vector<16xi32>
          %broadcast_in_dim3A_248 = vector.broadcast %and3A_239 : i32 to vector<16xi32>
          %gather3A = tpu.vector_load_idx %arg7[%broadcast_in_dim3A_247, %add3A_246, %broadcast_in_dim3A_248] : memref<2x64x256xf32, #tpu.memory_space<vmem>>[vector<16xi32>, vector<16xi32>, vector<16xi32>], vector<16xf32>,
          %broadcast_in_dim3A_249 = vector.broadcast %rem3A_243 : i32 to vector<16xi32>
          tpu.vector_store_idx %arg10[%broadcast_in_dim3A_249, %add3A_246], %gather3A : memref<128x128xf32, #tpu.memory_space<vmem>>[vector<16xi32>, vector<16xi32>], vector<16xf32>,
          %add3A_250 = arith.constant 16 : i32
          %add3A_251 = vector.broadcast %add3A_250 : i32 to vector<16xi32>
          %add3A_252 = arith.addi %add3A_251, %iota3A : vector<16xi32>
          %broadcast_in_dim3A_253 = vector.broadcast %rem3A_197 : i32 to vector<16xi32>
          %broadcast_in_dim3A_254 = vector.broadcast %and3A_239 : i32 to vector<16xi32>
          %gather3A_255 = tpu.vector_load_idx %arg7[%broadcast_in_dim3A_253, %add3A_252, %broadcast_in_dim3A_254] : memref<2x64x256xf32, #tpu.memory_space<vmem>>[vector<16xi32>, vector<16xi32>, vector<16xi32>], vector<16xf32>,
          %broadcast_in_dim3A_256 = vector.broadcast %rem3A_243 : i32 to vector<16xi32>
          tpu.vector_store_idx %arg10[%broadcast_in_dim3A_256, %add3A_252], %gather3A_255 : memref<128x128xf32, #tpu.memory_space<vmem>>[vector<16xi32>, vector<16xi32>], vector<16xf32>,
          %add3A_257 = arith.constant 32 : i32
          %add3A_258 = vector.broadcast %add3A_257 : i32 to vector<16xi32>
          %add3A_259 = arith.addi %add3A_258, %iota3A : vector<16xi32>
          %broadcast_in_dim3A_260 = vector.broadcast %rem3A_197 : i32 to vector<16xi32>
          %broadcast_in_dim3A_261 = vector.broadcast %and3A_239 : i32 to vector<16xi32>
          %gather3A_262 = tpu.vector_load_idx %arg7[%broadcast_in_dim3A_260, %add3A_259, %broadcast_in_dim3A_261] : memref<2x64x256xf32, #tpu.memory_space<vmem>>[vector<16xi32>, vector<16xi32>, vector<16xi32>], vector<16xf32>,
          %broadcast_in_dim3A_263 = vector.broadcast %rem3A_243 : i32 to vector<16xi32>
          tpu.vector_store_idx %arg10[%broadcast_in_dim3A_263, %add3A_259], %gather3A_262 : memref<128x128xf32, #tpu.memory_space<vmem>>[vector<16xi32>, vector<16xi32>], vector<16xf32>,
          %add3A_264 = arith.constant 48 : i32
          %add3A_265 = vector.broadcast %add3A_264 : i32 to vector<16xi32>
          %add3A_266 = arith.addi %add3A_265, %iota3A : vector<16xi32>
          %broadcast_in_dim3A_267 = vector.broadcast %rem3A_197 : i32 to vector<16xi32>
          %broadcast_in_dim3A_268 = vector.broadcast %and3A_239 : i32 to vector<16xi32>
          %gather3A_269 = tpu.vector_load_idx %arg7[%broadcast_in_dim3A_267, %add3A_266, %broadcast_in_dim3A_268] : memref<2x64x256xf32, #tpu.memory_space<vmem>>[vector<16xi32>, vector<16xi32>, vector<16xi32>], vector<16xf32>,
          %broadcast_in_dim3A_270 = vector.broadcast %rem3A_243 : i32 to vector<16xi32>
          tpu.vector_store_idx %arg10[%broadcast_in_dim3A_270, %add3A_266], %gather3A_269 : memref<128x128xf32, #tpu.memory_space<vmem>>[vector<16xi32>, vector<16xi32>], vector<16xf32>,
          %broadcast_in_dim3A_271 = arith.constant 0 : i32
          %broadcast_in_dim3A_272 = vector.broadcast %broadcast_in_dim3A_271 : i32 to vector<16xi32>
          %broadcast_in_dim3A_273 = vector.broadcast %rem3A_243 : i32 to vector<16xi32>
          %broadcast_in_dim3A_274 = vector.broadcast %and3A_241 : i32 to vector<16xi32>
          %eq3A_275 = arith.constant 0 : i32
          %eq3A_276 = vector.broadcast %eq3A_275 : i32 to vector<16xi32>
          %eq3A_277 = arith.cmpi eq, %iota3A, %eq3A_276 : vector<16xi32>
          tpu.vector_store_idx %arg11[%broadcast_in_dim3A_272, %broadcast_in_dim3A_273], %broadcast_in_dim3A_274 masked %eq3A_277 : memref<1x128xi32, #tpu.memory_space<vmem>>[vector<16xi32>, vector<16xi32>], vector<16xi32>, vector<16xi1>
          %add3A_278 = arith.constant 1 : i32
          %add3A_279 = arith.addi %while3A_231, %add3A_278 : i32
          %rem3A_280 = arith.constant 128 : i32
          %rem3A_281 = arith.remsi %add3A_279, %rem3A_280 : i32
          %eq3A_282 = arith.constant 0 : i32
          %eq3A_283 = arith.cmpi eq, %rem3A_281, %eq3A_282 : i32
          %convert_element_type3A_284 = arith.extui %eq3A_283 : i1 to i32
          %cond3A_285 = arith.constant 0 : i32
          %cond3A_286 = arith.cmpi ne, %convert_element_type3A_284, %cond3A_285 : i32
          scf.if %cond3A_286 {
            %run_scoped3A = arith.constant 0 : i32
            "tpu.region"() ({
              %run_scoped3A_287 = tpu.sem_alloc : memref<!tpu.dma_semaphore, #tpu.memory_space<semaphore_mem>>
              %dma_start3A_288 = arith.constant 0 : i32
              %dma_start3A_289 = tpu.memref_slice %arg11[%run_scoped3A, %dma_start3A_288] : memref<1x128xi32, #tpu.memory_space<vmem>> -> memref<1x128xi32, #tpu.memory_space<vmem>>
              %dma_start3A_290 = tpu.memref_squeeze %dma_start3A_289 : memref<1x128xi32, #tpu.memory_space<vmem>> -> memref<128xi32, #tpu.memory_space<vmem>>
              %dma_start3A_291 = arith.constant 0 : i32
              %dma_start3A_292 = arith.constant 0 : i32
              %dma_start3A_293 = tpu.memref_slice %arg4[%dma_start3A_291, %dma_start3A_292] : memref<16416x128xf32, #tpu.memory_space<hbm>> -> memref<16416x128xf32, #tpu.memory_space<hbm>>
              tpu.enqueue_indirect_dma source(%arg10 : memref<128x128xf32, #tpu.memory_space<vmem>>) target(%dma_start3A_293 : memref<16416x128xf32, #tpu.memory_space<hbm>>) offsets(%dma_start3A_290 : memref<128xi32, #tpu.memory_space<vmem>>) semaphore(%run_scoped3A_287 : memref<!tpu.dma_semaphore, #tpu.memory_space<semaphore_mem>>)
              %dma_wait3A_294 = arith.constant 0 : i32
              %dma_wait3A_295 = tpu.memref_slice %arg11[%run_scoped3A, %dma_wait3A_294] : memref<1x128xi32, #tpu.memory_space<vmem>> -> memref<1x128xi32, #tpu.memory_space<vmem>>
              %dma_wait3A_296 = tpu.memref_squeeze %dma_wait3A_295 : memref<1x128xi32, #tpu.memory_space<vmem>> -> memref<128xi32, #tpu.memory_space<vmem>>
              %dma_wait3A_297 = arith.constant 0 : i32
              %dma_wait3A_298 = arith.constant 0 : i32
              %dma_wait3A_299 = tpu.memref_slice %arg4[%dma_wait3A_297, %dma_wait3A_298] : memref<16416x128xf32, #tpu.memory_space<hbm>> -> memref<16416x128xf32, #tpu.memory_space<hbm>>
              tpu.wait_indirect_dma semaphore(%run_scoped3A_287 : memref<!tpu.dma_semaphore, #tpu.memory_space<semaphore_mem>>) src(%arg10 : memref<128x128xf32, #tpu.memory_space<vmem>>) dst(%dma_wait3A_299 : memref<16416x128xf32, #tpu.memory_space<hbm>>)
              tpu.yield
            }) : () -> ()
          } else {
          }
          scf.yield %add3A_279 : i32
        }
        scf.yield %while3A_229 : i32
      }
      scf.yield %while3A_208 : i32
    }
    "tpu.region"() ({
      %run_scoped3A = tpu.sem_alloc : memref<!tpu.dma_semaphore, #tpu.memory_space<semaphore_mem>>
      %dma_start3A_170 = arith.constant 0 : i32
      %dma_start3A_171 = arith.constant 99840 : i32
      %dma_start3A_172 = tpu.memref_slice %arg3[%dma_start3A_170, %dma_start3A_171] : memref<64x100000xf32, #tpu.memory_space<hbm>> -> memref<64x160xf32, #tpu.memory_space<hbm>>
      %dma_start3A_173 = arith.constant 0 : i32
      %dma_start3A_174 = arith.constant 99840 : i32
      %dma_start3A_175 = tpu.memref_slice %arg3[%dma_start3A_173, %dma_start3A_174] : memref<64x100000xf32, #tpu.memory_space<hbm>> -> memref<64x160xf32, #tpu.memory_space<hbm>>
      tpu.enqueue_dma source(%dma_start3A_175 : memref<64x160xf32, #tpu.memory_space<hbm>>) target(%arg8 : memref<64x160xf32, #tpu.memory_space<vmem>>) target_semaphore(%run_scoped3A : memref<!tpu.dma_semaphore, #tpu.memory_space<semaphore_mem>>)
      %dma_wait3A = arith.constant 0 : i32
      %dma_wait3A_176 = arith.constant 99840 : i32
      %dma_wait3A_177 = tpu.memref_slice %arg3[%dma_wait3A, %dma_wait3A_176] : memref<64x100000xf32, #tpu.memory_space<hbm>> -> memref<64x160xf32, #tpu.memory_space<hbm>>
      %dma_wait3A_178 = arith.constant 0 : i32
      %dma_wait3A_179 = arith.constant 99840 : i32
      %dma_wait3A_180 = tpu.memref_slice %arg3[%dma_wait3A_178, %dma_wait3A_179] : memref<64x100000xf32, #tpu.memory_space<hbm>> -> memref<64x160xf32, #tpu.memory_space<hbm>>
      tpu.wait_dma2 semaphore(%run_scoped3A : memref<!tpu.dma_semaphore, #tpu.memory_space<semaphore_mem>>) src(%dma_wait3A_180 : memref<64x160xf32, #tpu.memory_space<hbm>>) dst(%arg8 : memref<64x160xf32, #tpu.memory_space<vmem>>)
      tpu.yield
    }) : () -> ()
    %while3A_154 = arith.constant 0 : i32
    %while3A_155 = arith.subi %select_n3A_126, %while3A_154 : i32
    %while3A_156 = arith.addi %while3A_154, %while3A_155 : i32
    %while3A_157 = arith.constant 1 : i32
    %while3A_158 = arith.divsi %while3A_155, %while3A_157 : i32
    %while3A_159 = arith.muli %while3A_158, %while3A_157 : i32
    %while3A_160 = arith.addi %while3A_154, %while3A_159 : i32
    %while3A_161 = arith.constant 1 : i32
    %while3A_162 = scf.for %while3A_170 = %while3A_154 to %while3A_160 step %while3A_161 iter_args(%while3A_171 = %while3A_153) -> (i32)  : i32 {
      %mul3A_172 = arith.constant 16 : i32
      %mul3A_173 = arith.muli %while3A_170, %mul3A_172 : i32
      %get3A = arith.index_cast %mul3A_173 : i32 to index
      %get3A_174 = tpu.vector_load %arg6[%get3A] {strides = array<i32>} : memref<16400xi32, #tpu.memory_space<vmem>>, vector<16xi32>,
      %shift_right_arithmetic3A = arith.constant 23 : i32
      %shift_right_arithmetic3A_175 = vector.broadcast %shift_right_arithmetic3A : i32 to vector<16xi32>
      %shift_right_arithmetic3A_176 = arith.shrsi %get3A_174, %shift_right_arithmetic3A_175 : vector<16xi32>
      %eq3A = arith.constant 140 : i32
      %eq3A_177 = vector.broadcast %eq3A : i32 to vector<16xi32>
      %eq3A_178 = arith.cmpi eq, %shift_right_arithmetic3A_176, %eq3A_177 : vector<16xi32>
      %swap3A_179 = arith.constant 0 : index
      %swap3A_180 = tpu.vector_load %arg9[%swap3A_179] masked %eq3A_178 {strides = array<i32>} : memref<32xi32, #tpu.memory_space<vmem>>, vector<16xi32>, vector<16xi1>
      tpu.vector_store %arg9[%swap3A_179], %get3A_174 masked %eq3A_178 {strides = array<i32>} : memref<32xi32, #tpu.memory_space<vmem>>, vector<16xi32>, vector<16xi1>
      %all_reduce_population_count3A = tpu.all_reduce %eq3A_178 {dim = 0 : i64, kind = #tpu.reduction_kind<sum>} : vector<16xi1> -> vector<16xi32>
      %slice3A = vector.extract_strided_slice %all_reduce_population_count3A {offsets = [0], sizes = [1], strides = [1]} : vector<16xi32> to vector<1xi32>
      %squeeze3A = vector.extract %slice3A[0] : i32 from vector<1xi32>
      %while3A_181 = arith.constant 0 : i32
      %while3A_182 = arith.subi %squeeze3A, %while3A_181 : i32
      %while3A_183 = arith.addi %while3A_181, %while3A_182 : i32
      %while3A_184 = arith.constant 1 : i32
      %while3A_185 = arith.divsi %while3A_182, %while3A_184 : i32
      %while3A_186 = arith.muli %while3A_185, %while3A_184 : i32
      %while3A_187 = arith.addi %while3A_181, %while3A_186 : i32
      %while3A_188 = arith.constant 1 : i32
      %while3A_189 = scf.for %while3A_192 = %while3A_181 to %while3A_187 step %while3A_188 iter_args(%while3A_193 = %while3A_171) -> (i32)  : i32 {
        %get3A_194 = arith.index_cast %while3A_192 : i32 to index
        %get3A_195 = tpu.vector_load %arg9[%get3A_194] {strides = array<i32>} : memref<32xi32, #tpu.memory_space<vmem>>, vector<16xi32>,
        %slice3A_196 = vector.extract_strided_slice %get3A_195 {offsets = [0], sizes = [1], strides = [1]} : vector<16xi32> to vector<1xi32>
        %squeeze3A_197 = vector.extract %slice3A_196[0] : i32 from vector<1xi32>
        %shift_right_arithmetic3A_198 = arith.constant 14 : i32
        %shift_right_arithmetic3A_199 = arith.shrsi %squeeze3A_197, %shift_right_arithmetic3A_198 : i32
        %and3A_200 = arith.constant 511 : i32
        %and3A_201 = arith.andi %shift_right_arithmetic3A_199, %and3A_200 : i32
        %and3A_202 = arith.constant 16383 : i32
        %and3A_203 = arith.andi %squeeze3A_197, %and3A_202 : i32
        %rem3A_204 = arith.constant 128 : i32
        %rem3A_205 = arith.remsi %while3A_193, %rem3A_204 : i32
        %add3A_206 = arith.constant 0 : i32
        %add3A_207 = vector.broadcast %add3A_206 : i32 to vector<16xi32>
        %add3A_208 = arith.addi %add3A_207, %iota3A : vector<16xi32>
        %broadcast_in_dim3A_209 = vector.broadcast %and3A_201 : i32 to vector<16xi32>
        %gather3A = tpu.vector_load_idx %arg8[%add3A_208, %broadcast_in_dim3A_209] : memref<64x160xf32, #tpu.memory_space<vmem>>[vector<16xi32>, vector<16xi32>], vector<16xf32>,
        %broadcast_in_dim3A_210 = vector.broadcast %rem3A_205 : i32 to vector<16xi32>
        tpu.vector_store_idx %arg10[%broadcast_in_dim3A_210, %add3A_208], %gather3A : memref<128x128xf32, #tpu.memory_space<vmem>>[vector<16xi32>, vector<16xi32>], vector<16xf32>,
        %add3A_211 = arith.constant 16 : i32
        %add3A_212 = vector.broadcast %add3A_211 : i32 to vector<16xi32>
        %add3A_213 = arith.addi %add3A_212, %iota3A : vector<16xi32>
        %broadcast_in_dim3A_214 = vector.broadcast %and3A_201 : i32 to vector<16xi32>
        %gather3A_215 = tpu.vector_load_idx %arg8[%add3A_213, %broadcast_in_dim3A_214] : memref<64x160xf32, #tpu.memory_space<vmem>>[vector<16xi32>, vector<16xi32>], vector<16xf32>,
        %broadcast_in_dim3A_216 = vector.broadcast %rem3A_205 : i32 to vector<16xi32>
        tpu.vector_store_idx %arg10[%broadcast_in_dim3A_216, %add3A_213], %gather3A_215 : memref<128x128xf32, #tpu.memory_space<vmem>>[vector<16xi32>, vector<16xi32>], vector<16xf32>,
        %add3A_217 = arith.constant 32 : i32
        %add3A_218 = vector.broadcast %add3A_217 : i32 to vector<16xi32>
        %add3A_219 = arith.addi %add3A_218, %iota3A : vector<16xi32>
        %broadcast_in_dim3A_220 = vector.broadcast %and3A_201 : i32 to vector<16xi32>
        %gather3A_221 = tpu.vector_load_idx %arg8[%add3A_219, %broadcast_in_dim3A_220] : memref<64x160xf32, #tpu.memory_space<vmem>>[vector<16xi32>, vector<16xi32>], vector<16xf32>,
        %broadcast_in_dim3A_222 = vector.broadcast %rem3A_205 : i32 to vector<16xi32>
        tpu.vector_store_idx %arg10[%broadcast_in_dim3A_222, %add3A_219], %gather3A_221 : memref<128x128xf32, #tpu.memory_space<vmem>>[vector<16xi32>, vector<16xi32>], vector<16xf32>,
        %add3A_223 = arith.constant 48 : i32
        %add3A_224 = vector.broadcast %add3A_223 : i32 to vector<16xi32>
        %add3A_225 = arith.addi %add3A_224, %iota3A : vector<16xi32>
        %broadcast_in_dim3A_226 = vector.broadcast %and3A_201 : i32 to vector<16xi32>
        %gather3A_227 = tpu.vector_load_idx %arg8[%add3A_225, %broadcast_in_dim3A_226] : memref<64x160xf32, #tpu.memory_space<vmem>>[vector<16xi32>, vector<16xi32>], vector<16xf32>,
        %broadcast_in_dim3A_228 = vector.broadcast %rem3A_205 : i32 to vector<16xi32>
        tpu.vector_store_idx %arg10[%broadcast_in_dim3A_228, %add3A_225], %gather3A_227 : memref<128x128xf32, #tpu.memory_space<vmem>>[vector<16xi32>, vector<16xi32>], vector<16xf32>,
        %broadcast_in_dim3A_229 = arith.constant 0 : i32
        %broadcast_in_dim3A_230 = vector.broadcast %broadcast_in_dim3A_229 : i32 to vector<16xi32>
        %broadcast_in_dim3A_231 = vector.broadcast %rem3A_205 : i32 to vector<16xi32>
        %broadcast_in_dim3A_232 = vector.broadcast %and3A_203 : i32 to vector<16xi32>
        %eq3A_233 = arith.constant 0 : i32
        %eq3A_234 = vector.broadcast %eq3A_233 : i32 to vector<16xi32>
        %eq3A_235 = arith.cmpi eq, %iota3A, %eq3A_234 : vector<16xi32>
        tpu.vector_store_idx %arg11[%broadcast_in_dim3A_230, %broadcast_in_dim3A_231], %broadcast_in_dim3A_232 masked %eq3A_235 : memref<1x128xi32, #tpu.memory_space<vmem>>[vector<16xi32>, vector<16xi32>], vector<16xi32>, vector<16xi1>
        %add3A_236 = arith.constant 1 : i32
        %add3A_237 = arith.addi %while3A_193, %add3A_236 : i32
        %rem3A_238 = arith.constant 128 : i32
        %rem3A_239 = arith.remsi %add3A_237, %rem3A_238 : i32
        %eq3A_240 = arith.constant 0 : i32
        %eq3A_241 = arith.cmpi eq, %rem3A_239, %eq3A_240 : i32
        %convert_element_type3A_242 = arith.extui %eq3A_241 : i1 to i32
        %cond3A_243 = arith.constant 0 : i32
        %cond3A_244 = arith.cmpi ne, %convert_element_type3A_242, %cond3A_243 : i32
        scf.if %cond3A_244 {
          %run_scoped3A = arith.constant 0 : i32
          "tpu.region"() ({
            %run_scoped3A_245 = tpu.sem_alloc : memref<!tpu.dma_semaphore, #tpu.memory_space<semaphore_mem>>
            %dma_start3A_246 = arith.constant 0 : i32
            %dma_start3A_247 = tpu.memref_slice %arg11[%run_scoped3A, %dma_start3A_246] : memref<1x128xi32, #tpu.memory_space<vmem>> -> memref<1x128xi32, #tpu.memory_space<vmem>>
            %dma_start3A_248 = tpu.memref_squeeze %dma_start3A_247 : memref<1x128xi32, #tpu.memory_space<vmem>> -> memref<128xi32, #tpu.memory_space<vmem>>
            %dma_start3A_249 = arith.constant 0 : i32
            %dma_start3A_250 = arith.constant 0 : i32
            %dma_start3A_251 = tpu.memref_slice %arg4[%dma_start3A_249, %dma_start3A_250] : memref<16416x128xf32, #tpu.memory_space<hbm>> -> memref<16416x128xf32, #tpu.memory_space<hbm>>
            tpu.enqueue_indirect_dma source(%arg10 : memref<128x128xf32, #tpu.memory_space<vmem>>) target(%dma_start3A_251 : memref<16416x128xf32, #tpu.memory_space<hbm>>) offsets(%dma_start3A_248 : memref<128xi32, #tpu.memory_space<vmem>>) semaphore(%run_scoped3A_245 : memref<!tpu.dma_semaphore, #tpu.memory_space<semaphore_mem>>)
            %dma_wait3A = arith.constant 0 : i32
            %dma_wait3A_252 = tpu.memref_slice %arg11[%run_scoped3A, %dma_wait3A] : memref<1x128xi32, #tpu.memory_space<vmem>> -> memref<1x128xi32, #tpu.memory_space<vmem>>
            %dma_wait3A_253 = tpu.memref_squeeze %dma_wait3A_252 : memref<1x128xi32, #tpu.memory_space<vmem>> -> memref<128xi32, #tpu.memory_space<vmem>>
            %dma_wait3A_254 = arith.constant 0 : i32
            %dma_wait3A_255 = arith.constant 0 : i32
            %dma_wait3A_256 = tpu.memref_slice %arg4[%dma_wait3A_254, %dma_wait3A_255] : memref<16416x128xf32, #tpu.memory_space<hbm>> -> memref<16416x128xf32, #tpu.memory_space<hbm>>
            tpu.wait_indirect_dma semaphore(%run_scoped3A_245 : memref<!tpu.dma_semaphore, #tpu.memory_space<semaphore_mem>>) src(%arg10 : memref<128x128xf32, #tpu.memory_space<vmem>>) dst(%dma_wait3A_256 : memref<16416x128xf32, #tpu.memory_space<hbm>>)
            tpu.yield
          }) : () -> ()
        } else {
        }
        scf.yield %add3A_237 : i32
      }
      %while3A_190 = arith.constant 1 : i32
      %while3A_191 = scf.for %while3A_192 = %while3A_187 to %while3A_183 step %while3A_190 iter_args(%while3A_193 = %while3A_189) -> (i32)  : i32 {
        %get3A_194 = arith.index_cast %while3A_192 : i32 to index
        %get3A_195 = tpu.vector_load %arg9[%get3A_194] {strides = array<i32>} : memref<32xi32, #tpu.memory_space<vmem>>, vector<16xi32>,
        %slice3A_196 = vector.extract_strided_slice %get3A_195 {offsets = [0], sizes = [1], strides = [1]} : vector<16xi32> to vector<1xi32>
        %squeeze3A_197 = vector.extract %slice3A_196[0] : i32 from vector<1xi32>
        %shift_right_arithmetic3A_198 = arith.constant 14 : i32
        %shift_right_arithmetic3A_199 = arith.shrsi %squeeze3A_197, %shift_right_arithmetic3A_198 : i32
        %and3A_200 = arith.constant 511 : i32
        %and3A_201 = arith.andi %shift_right_arithmetic3A_199, %and3A_200 : i32
        %and3A_202 = arith.constant 16383 : i32
        %and3A_203 = arith.andi %squeeze3A_197, %and3A_202 : i32
        %rem3A_204 = arith.constant 128 : i32
        %rem3A_205 = arith.remsi %while3A_193, %rem3A_204 : i32
        %add3A_206 = arith.constant 0 : i32
        %add3A_207 = vector.broadcast %add3A_206 : i32 to vector<16xi32>
        %add3A_208 = arith.addi %add3A_207, %iota3A : vector<16xi32>
        %broadcast_in_dim3A_209 = vector.broadcast %and3A_201 : i32 to vector<16xi32>
        %gather3A = tpu.vector_load_idx %arg8[%add3A_208, %broadcast_in_dim3A_209] : memref<64x160xf32, #tpu.memory_space<vmem>>[vector<16xi32>, vector<16xi32>], vector<16xf32>,
        %broadcast_in_dim3A_210 = vector.broadcast %rem3A_205 : i32 to vector<16xi32>
        tpu.vector_store_idx %arg10[%broadcast_in_dim3A_210, %add3A_208], %gather3A : memref<128x128xf32, #tpu.memory_space<vmem>>[vector<16xi32>, vector<16xi32>], vector<16xf32>,
        %add3A_211 = arith.constant 16 : i32
        %add3A_212 = vector.broadcast %add3A_211 : i32 to vector<16xi32>
        %add3A_213 = arith.addi %add3A_212, %iota3A : vector<16xi32>
        %broadcast_in_dim3A_214 = vector.broadcast %and3A_201 : i32 to vector<16xi32>
        %gather3A_215 = tpu.vector_load_idx %arg8[%add3A_213, %broadcast_in_dim3A_214] : memref<64x160xf32, #tpu.memory_space<vmem>>[vector<16xi32>, vector<16xi32>], vector<16xf32>,
        %broadcast_in_dim3A_216 = vector.broadcast %rem3A_205 : i32 to vector<16xi32>
        tpu.vector_store_idx %arg10[%broadcast_in_dim3A_216, %add3A_213], %gather3A_215 : memref<128x128xf32, #tpu.memory_space<vmem>>[vector<16xi32>, vector<16xi32>], vector<16xf32>,
        %add3A_217 = arith.constant 32 : i32
        %add3A_218 = vector.broadcast %add3A_217 : i32 to vector<16xi32>
        %add3A_219 = arith.addi %add3A_218, %iota3A : vector<16xi32>
        %broadcast_in_dim3A_220 = vector.broadcast %and3A_201 : i32 to vector<16xi32>
        %gather3A_221 = tpu.vector_load_idx %arg8[%add3A_219, %broadcast_in_dim3A_220] : memref<64x160xf32, #tpu.memory_space<vmem>>[vector<16xi32>, vector<16xi32>], vector<16xf32>,
        %broadcast_in_dim3A_222 = vector.broadcast %rem3A_205 : i32 to vector<16xi32>
        tpu.vector_store_idx %arg10[%broadcast_in_dim3A_222, %add3A_219], %gather3A_221 : memref<128x128xf32, #tpu.memory_space<vmem>>[vector<16xi32>, vector<16xi32>], vector<16xf32>,
        %add3A_223 = arith.constant 48 : i32
        %add3A_224 = vector.broadcast %add3A_223 : i32 to vector<16xi32>
        %add3A_225 = arith.addi %add3A_224, %iota3A : vector<16xi32>
        %broadcast_in_dim3A_226 = vector.broadcast %and3A_201 : i32 to vector<16xi32>
        %gather3A_227 = tpu.vector_load_idx %arg8[%add3A_225, %broadcast_in_dim3A_226] : memref<64x160xf32, #tpu.memory_space<vmem>>[vector<16xi32>, vector<16xi32>], vector<16xf32>,
        %broadcast_in_dim3A_228 = vector.broadcast %rem3A_205 : i32 to vector<16xi32>
        tpu.vector_store_idx %arg10[%broadcast_in_dim3A_228, %add3A_225], %gather3A_227 : memref<128x128xf32, #tpu.memory_space<vmem>>[vector<16xi32>, vector<16xi32>], vector<16xf32>,
        %broadcast_in_dim3A_229 = arith.constant 0 : i32
        %broadcast_in_dim3A_230 = vector.broadcast %broadcast_in_dim3A_229 : i32 to vector<16xi32>
        %broadcast_in_dim3A_231 = vector.broadcast %rem3A_205 : i32 to vector<16xi32>
        %broadcast_in_dim3A_232 = vector.broadcast %and3A_203 : i32 to vector<16xi32>
        %eq3A_233 = arith.constant 0 : i32
        %eq3A_234 = vector.broadcast %eq3A_233 : i32 to vector<16xi32>
        %eq3A_235 = arith.cmpi eq, %iota3A, %eq3A_234 : vector<16xi32>
        tpu.vector_store_idx %arg11[%broadcast_in_dim3A_230, %broadcast_in_dim3A_231], %broadcast_in_dim3A_232 masked %eq3A_235 : memref<1x128xi32, #tpu.memory_space<vmem>>[vector<16xi32>, vector<16xi32>], vector<16xi32>, vector<16xi1>
        %add3A_236 = arith.constant 1 : i32
        %add3A_237 = arith.addi %while3A_193, %add3A_236 : i32
        %rem3A_238 = arith.constant 128 : i32
        %rem3A_239 = arith.remsi %add3A_237, %rem3A_238 : i32
        %eq3A_240 = arith.constant 0 : i32
        %eq3A_241 = arith.cmpi eq, %rem3A_239, %eq3A_240 : i32
        %convert_element_type3A_242 = arith.extui %eq3A_241 : i1 to i32
        %cond3A_243 = arith.constant 0 : i32
        %cond3A_244 = arith.cmpi ne, %convert_element_type3A_242, %cond3A_243 : i32
        scf.if %cond3A_244 {
          %run_scoped3A = arith.constant 0 : i32
          "tpu.region"() ({
            %run_scoped3A_245 = tpu.sem_alloc : memref<!tpu.dma_semaphore, #tpu.memory_space<semaphore_mem>>
            %dma_start3A_246 = arith.constant 0 : i32
            %dma_start3A_247 = tpu.memref_slice %arg11[%run_scoped3A, %dma_start3A_246] : memref<1x128xi32, #tpu.memory_space<vmem>> -> memref<1x128xi32, #tpu.memory_space<vmem>>
            %dma_start3A_248 = tpu.memref_squeeze %dma_start3A_247 : memref<1x128xi32, #tpu.memory_space<vmem>> -> memref<128xi32, #tpu.memory_space<vmem>>
            %dma_start3A_249 = arith.constant 0 : i32
            %dma_start3A_250 = arith.constant 0 : i32
            %dma_start3A_251 = tpu.memref_slice %arg4[%dma_start3A_249, %dma_start3A_250] : memref<16416x128xf32, #tpu.memory_space<hbm>> -> memref<16416x128xf32, #tpu.memory_space<hbm>>
            tpu.enqueue_indirect_dma source(%arg10 : memref<128x128xf32, #tpu.memory_space<vmem>>) target(%dma_start3A_251 : memref<16416x128xf32, #tpu.memory_space<hbm>>) offsets(%dma_start3A_248 : memref<128xi32, #tpu.memory_space<vmem>>) semaphore(%run_scoped3A_245 : memref<!tpu.dma_semaphore, #tpu.memory_space<semaphore_mem>>)
            %dma_wait3A = arith.constant 0 : i32
            %dma_wait3A_252 = tpu.memref_slice %arg11[%run_scoped3A, %dma_wait3A] : memref<1x128xi32, #tpu.memory_space<vmem>> -> memref<1x128xi32, #tpu.memory_space<vmem>>
            %dma_wait3A_253 = tpu.memref_squeeze %dma_wait3A_252 : memref<1x128xi32, #tpu.memory_space<vmem>> -> memref<128xi32, #tpu.memory_space<vmem>>
            %dma_wait3A_254 = arith.constant 0 : i32
            %dma_wait3A_255 = arith.constant 0 : i32
            %dma_wait3A_256 = tpu.memref_slice %arg4[%dma_wait3A_254, %dma_wait3A_255] : memref<16416x128xf32, #tpu.memory_space<hbm>> -> memref<16416x128xf32, #tpu.memory_space<hbm>>
            tpu.wait_indirect_dma semaphore(%run_scoped3A_245 : memref<!tpu.dma_semaphore, #tpu.memory_space<semaphore_mem>>) src(%arg10 : memref<128x128xf32, #tpu.memory_space<vmem>>) dst(%dma_wait3A_256 : memref<16416x128xf32, #tpu.memory_space<hbm>>)
            tpu.yield
          }) : () -> ()
        } else {
        }
        scf.yield %add3A_237 : i32
      }
      scf.yield %while3A_191 : i32
    }
    %while3A_163 = arith.constant 1 : i32
    %while3A_164 = scf.for %while3A_170 = %while3A_160 to %while3A_156 step %while3A_163 iter_args(%while3A_171 = %while3A_162) -> (i32)  : i32 {
      %mul3A_172 = arith.constant 16 : i32
      %mul3A_173 = arith.muli %while3A_170, %mul3A_172 : i32
      %get3A = arith.index_cast %mul3A_173 : i32 to index
      %get3A_174 = tpu.vector_load %arg6[%get3A] {strides = array<i32>} : memref<16400xi32, #tpu.memory_space<vmem>>, vector<16xi32>,
      %shift_right_arithmetic3A = arith.constant 23 : i32
      %shift_right_arithmetic3A_175 = vector.broadcast %shift_right_arithmetic3A : i32 to vector<16xi32>
      %shift_right_arithmetic3A_176 = arith.shrsi %get3A_174, %shift_right_arithmetic3A_175 : vector<16xi32>
      %eq3A = arith.constant 140 : i32
      %eq3A_177 = vector.broadcast %eq3A : i32 to vector<16xi32>
      %eq3A_178 = arith.cmpi eq, %shift_right_arithmetic3A_176, %eq3A_177 : vector<16xi32>
      %swap3A_179 = arith.constant 0 : index
      %swap3A_180 = tpu.vector_load %arg9[%swap3A_179] masked %eq3A_178 {strides = array<i32>} : memref<32xi32, #tpu.memory_space<vmem>>, vector<16xi32>, vector<16xi1>
      tpu.vector_store %arg9[%swap3A_179], %get3A_174 masked %eq3A_178 {strides = array<i32>} : memref<32xi32, #tpu.memory_space<vmem>>, vector<16xi32>, vector<16xi1>
      %all_reduce_population_count3A = tpu.all_reduce %eq3A_178 {dim = 0 : i64, kind = #tpu.reduction_kind<sum>} : vector<16xi1> -> vector<16xi32>
      %slice3A = vector.extract_strided_slice %all_reduce_population_count3A {offsets = [0], sizes = [1], strides = [1]} : vector<16xi32> to vector<1xi32>
      %squeeze3A = vector.extract %slice3A[0] : i32 from vector<1xi32>
      %while3A_181 = arith.constant 0 : i32
      %while3A_182 = arith.subi %squeeze3A, %while3A_181 : i32
      %while3A_183 = arith.addi %while3A_181, %while3A_182 : i32
      %while3A_184 = arith.constant 1 : i32
      %while3A_185 = arith.divsi %while3A_182, %while3A_184 : i32
      %while3A_186 = arith.muli %while3A_185, %while3A_184 : i32
      %while3A_187 = arith.addi %while3A_181, %while3A_186 : i32
      %while3A_188 = arith.constant 1 : i32
      %while3A_189 = scf.for %while3A_192 = %while3A_181 to %while3A_187 step %while3A_188 iter_args(%while3A_193 = %while3A_171) -> (i32)  : i32 {
        %get3A_194 = arith.index_cast %while3A_192 : i32 to index
        %get3A_195 = tpu.vector_load %arg9[%get3A_194] {strides = array<i32>} : memref<32xi32, #tpu.memory_space<vmem>>, vector<16xi32>,
        %slice3A_196 = vector.extract_strided_slice %get3A_195 {offsets = [0], sizes = [1], strides = [1]} : vector<16xi32> to vector<1xi32>
        %squeeze3A_197 = vector.extract %slice3A_196[0] : i32 from vector<1xi32>
        %shift_right_arithmetic3A_198 = arith.constant 14 : i32
        %shift_right_arithmetic3A_199 = arith.shrsi %squeeze3A_197, %shift_right_arithmetic3A_198 : i32
        %and3A_200 = arith.constant 511 : i32
        %and3A_201 = arith.andi %shift_right_arithmetic3A_199, %and3A_200 : i32
        %and3A_202 = arith.constant 16383 : i32
        %and3A_203 = arith.andi %squeeze3A_197, %and3A_202 : i32
        %rem3A_204 = arith.constant 128 : i32
        %rem3A_205 = arith.remsi %while3A_193, %rem3A_204 : i32
        %add3A_206 = arith.constant 0 : i32
        %add3A_207 = vector.broadcast %add3A_206 : i32 to vector<16xi32>
        %add3A_208 = arith.addi %add3A_207, %iota3A : vector<16xi32>
        %broadcast_in_dim3A_209 = vector.broadcast %and3A_201 : i32 to vector<16xi32>
        %gather3A = tpu.vector_load_idx %arg8[%add3A_208, %broadcast_in_dim3A_209] : memref<64x160xf32, #tpu.memory_space<vmem>>[vector<16xi32>, vector<16xi32>], vector<16xf32>,
        %broadcast_in_dim3A_210 = vector.broadcast %rem3A_205 : i32 to vector<16xi32>
        tpu.vector_store_idx %arg10[%broadcast_in_dim3A_210, %add3A_208], %gather3A : memref<128x128xf32, #tpu.memory_space<vmem>>[vector<16xi32>, vector<16xi32>], vector<16xf32>,
        %add3A_211 = arith.constant 16 : i32
        %add3A_212 = vector.broadcast %add3A_211 : i32 to vector<16xi32>
        %add3A_213 = arith.addi %add3A_212, %iota3A : vector<16xi32>
        %broadcast_in_dim3A_214 = vector.broadcast %and3A_201 : i32 to vector<16xi32>
        %gather3A_215 = tpu.vector_load_idx %arg8[%add3A_213, %broadcast_in_dim3A_214] : memref<64x160xf32, #tpu.memory_space<vmem>>[vector<16xi32>, vector<16xi32>], vector<16xf32>,
        %broadcast_in_dim3A_216 = vector.broadcast %rem3A_205 : i32 to vector<16xi32>
        tpu.vector_store_idx %arg10[%broadcast_in_dim3A_216, %add3A_213], %gather3A_215 : memref<128x128xf32, #tpu.memory_space<vmem>>[vector<16xi32>, vector<16xi32>], vector<16xf32>,
        %add3A_217 = arith.constant 32 : i32
        %add3A_218 = vector.broadcast %add3A_217 : i32 to vector<16xi32>
        %add3A_219 = arith.addi %add3A_218, %iota3A : vector<16xi32>
        %broadcast_in_dim3A_220 = vector.broadcast %and3A_201 : i32 to vector<16xi32>
        %gather3A_221 = tpu.vector_load_idx %arg8[%add3A_219, %broadcast_in_dim3A_220] : memref<64x160xf32, #tpu.memory_space<vmem>>[vector<16xi32>, vector<16xi32>], vector<16xf32>,
        %broadcast_in_dim3A_222 = vector.broadcast %rem3A_205 : i32 to vector<16xi32>
        tpu.vector_store_idx %arg10[%broadcast_in_dim3A_222, %add3A_219], %gather3A_221 : memref<128x128xf32, #tpu.memory_space<vmem>>[vector<16xi32>, vector<16xi32>], vector<16xf32>,
        %add3A_223 = arith.constant 48 : i32
        %add3A_224 = vector.broadcast %add3A_223 : i32 to vector<16xi32>
        %add3A_225 = arith.addi %add3A_224, %iota3A : vector<16xi32>
        %broadcast_in_dim3A_226 = vector.broadcast %and3A_201 : i32 to vector<16xi32>
        %gather3A_227 = tpu.vector_load_idx %arg8[%add3A_225, %broadcast_in_dim3A_226] : memref<64x160xf32, #tpu.memory_space<vmem>>[vector<16xi32>, vector<16xi32>], vector<16xf32>,
        %broadcast_in_dim3A_228 = vector.broadcast %rem3A_205 : i32 to vector<16xi32>
        tpu.vector_store_idx %arg10[%broadcast_in_dim3A_228, %add3A_225], %gather3A_227 : memref<128x128xf32, #tpu.memory_space<vmem>>[vector<16xi32>, vector<16xi32>], vector<16xf32>,
        %broadcast_in_dim3A_229 = arith.constant 0 : i32
        %broadcast_in_dim3A_230 = vector.broadcast %broadcast_in_dim3A_229 : i32 to vector<16xi32>
        %broadcast_in_dim3A_231 = vector.broadcast %rem3A_205 : i32 to vector<16xi32>
        %broadcast_in_dim3A_232 = vector.broadcast %and3A_203 : i32 to vector<16xi32>
        %eq3A_233 = arith.constant 0 : i32
        %eq3A_234 = vector.broadcast %eq3A_233 : i32 to vector<16xi32>
        %eq3A_235 = arith.cmpi eq, %iota3A, %eq3A_234 : vector<16xi32>
        tpu.vector_store_idx %arg11[%broadcast_in_dim3A_230, %broadcast_in_dim3A_231], %broadcast_in_dim3A_232 masked %eq3A_235 : memref<1x128xi32, #tpu.memory_space<vmem>>[vector<16xi32>, vector<16xi32>], vector<16xi32>, vector<16xi1>
        %add3A_236 = arith.constant 1 : i32
        %add3A_237 = arith.addi %while3A_193, %add3A_236 : i32
        %rem3A_238 = arith.constant 128 : i32
        %rem3A_239 = arith.remsi %add3A_237, %rem3A_238 : i32
        %eq3A_240 = arith.constant 0 : i32
        %eq3A_241 = arith.cmpi eq, %rem3A_239, %eq3A_240 : i32
        %convert_element_type3A_242 = arith.extui %eq3A_241 : i1 to i32
        %cond3A_243 = arith.constant 0 : i32
        %cond3A_244 = arith.cmpi ne, %convert_element_type3A_242, %cond3A_243 : i32
        scf.if %cond3A_244 {
          %run_scoped3A = arith.constant 0 : i32
          "tpu.region"() ({
            %run_scoped3A_245 = tpu.sem_alloc : memref<!tpu.dma_semaphore, #tpu.memory_space<semaphore_mem>>
            %dma_start3A_246 = arith.constant 0 : i32
            %dma_start3A_247 = tpu.memref_slice %arg11[%run_scoped3A, %dma_start3A_246] : memref<1x128xi32, #tpu.memory_space<vmem>> -> memref<1x128xi32, #tpu.memory_space<vmem>>
            %dma_start3A_248 = tpu.memref_squeeze %dma_start3A_247 : memref<1x128xi32, #tpu.memory_space<vmem>> -> memref<128xi32, #tpu.memory_space<vmem>>
            %dma_start3A_249 = arith.constant 0 : i32
            %dma_start3A_250 = arith.constant 0 : i32
            %dma_start3A_251 = tpu.memref_slice %arg4[%dma_start3A_249, %dma_start3A_250] : memref<16416x128xf32, #tpu.memory_space<hbm>> -> memref<16416x128xf32, #tpu.memory_space<hbm>>
            tpu.enqueue_indirect_dma source(%arg10 : memref<128x128xf32, #tpu.memory_space<vmem>>) target(%dma_start3A_251 : memref<16416x128xf32, #tpu.memory_space<hbm>>) offsets(%dma_start3A_248 : memref<128xi32, #tpu.memory_space<vmem>>) semaphore(%run_scoped3A_245 : memref<!tpu.dma_semaphore, #tpu.memory_space<semaphore_mem>>)
            %dma_wait3A = arith.constant 0 : i32
            %dma_wait3A_252 = tpu.memref_slice %arg11[%run_scoped3A, %dma_wait3A] : memref<1x128xi32, #tpu.memory_space<vmem>> -> memref<1x128xi32, #tpu.memory_space<vmem>>
            %dma_wait3A_253 = tpu.memref_squeeze %dma_wait3A_252 : memref<1x128xi32, #tpu.memory_space<vmem>> -> memref<128xi32, #tpu.memory_space<vmem>>
            %dma_wait3A_254 = arith.constant 0 : i32
            %dma_wait3A_255 = arith.constant 0 : i32
            %dma_wait3A_256 = tpu.memref_slice %arg4[%dma_wait3A_254, %dma_wait3A_255] : memref<16416x128xf32, #tpu.memory_space<hbm>> -> memref<16416x128xf32, #tpu.memory_space<hbm>>
            tpu.wait_indirect_dma semaphore(%run_scoped3A_245 : memref<!tpu.dma_semaphore, #tpu.memory_space<semaphore_mem>>) src(%arg10 : memref<128x128xf32, #tpu.memory_space<vmem>>) dst(%dma_wait3A_256 : memref<16416x128xf32, #tpu.memory_space<hbm>>)
            tpu.yield
          }) : () -> ()
        } else {
        }
        scf.yield %add3A_237 : i32
      }
      %while3A_190 = arith.constant 1 : i32
      %while3A_191 = scf.for %while3A_192 = %while3A_187 to %while3A_183 step %while3A_190 iter_args(%while3A_193 = %while3A_189) -> (i32)  : i32 {
        %get3A_194 = arith.index_cast %while3A_192 : i32 to index
        %get3A_195 = tpu.vector_load %arg9[%get3A_194] {strides = array<i32>} : memref<32xi32, #tpu.memory_space<vmem>>, vector<16xi32>,
        %slice3A_196 = vector.extract_strided_slice %get3A_195 {offsets = [0], sizes = [1], strides = [1]} : vector<16xi32> to vector<1xi32>
        %squeeze3A_197 = vector.extract %slice3A_196[0] : i32 from vector<1xi32>
        %shift_right_arithmetic3A_198 = arith.constant 14 : i32
        %shift_right_arithmetic3A_199 = arith.shrsi %squeeze3A_197, %shift_right_arithmetic3A_198 : i32
        %and3A_200 = arith.constant 511 : i32
        %and3A_201 = arith.andi %shift_right_arithmetic3A_199, %and3A_200 : i32
        %and3A_202 = arith.constant 16383 : i32
        %and3A_203 = arith.andi %squeeze3A_197, %and3A_202 : i32
        %rem3A_204 = arith.constant 128 : i32
        %rem3A_205 = arith.remsi %while3A_193, %rem3A_204 : i32
        %add3A_206 = arith.constant 0 : i32
        %add3A_207 = vector.broadcast %add3A_206 : i32 to vector<16xi32>
        %add3A_208 = arith.addi %add3A_207, %iota3A : vector<16xi32>
        %broadcast_in_dim3A_209 = vector.broadcast %and3A_201 : i32 to vector<16xi32>
        %gather3A = tpu.vector_load_idx %arg8[%add3A_208, %broadcast_in_dim3A_209] : memref<64x160xf32, #tpu.memory_space<vmem>>[vector<16xi32>, vector<16xi32>], vector<16xf32>,
        %broadcast_in_dim3A_210 = vector.broadcast %rem3A_205 : i32 to vector<16xi32>
        tpu.vector_store_idx %arg10[%broadcast_in_dim3A_210, %add3A_208], %gather3A : memref<128x128xf32, #tpu.memory_space<vmem>>[vector<16xi32>, vector<16xi32>], vector<16xf32>,
        %add3A_211 = arith.constant 16 : i32
        %add3A_212 = vector.broadcast %add3A_211 : i32 to vector<16xi32>
        %add3A_213 = arith.addi %add3A_212, %iota3A : vector<16xi32>
        %broadcast_in_dim3A_214 = vector.broadcast %and3A_201 : i32 to vector<16xi32>
        %gather3A_215 = tpu.vector_load_idx %arg8[%add3A_213, %broadcast_in_dim3A_214] : memref<64x160xf32, #tpu.memory_space<vmem>>[vector<16xi32>, vector<16xi32>], vector<16xf32>,
        %broadcast_in_dim3A_216 = vector.broadcast %rem3A_205 : i32 to vector<16xi32>
        tpu.vector_store_idx %arg10[%broadcast_in_dim3A_216, %add3A_213], %gather3A_215 : memref<128x128xf32, #tpu.memory_space<vmem>>[vector<16xi32>, vector<16xi32>], vector<16xf32>,
        %add3A_217 = arith.constant 32 : i32
        %add3A_218 = vector.broadcast %add3A_217 : i32 to vector<16xi32>
        %add3A_219 = arith.addi %add3A_218, %iota3A : vector<16xi32>
        %broadcast_in_dim3A_220 = vector.broadcast %and3A_201 : i32 to vector<16xi32>
        %gather3A_221 = tpu.vector_load_idx %arg8[%add3A_219, %broadcast_in_dim3A_220] : memref<64x160xf32, #tpu.memory_space<vmem>>[vector<16xi32>, vector<16xi32>], vector<16xf32>,
        %broadcast_in_dim3A_222 = vector.broadcast %rem3A_205 : i32 to vector<16xi32>
        tpu.vector_store_idx %arg10[%broadcast_in_dim3A_222, %add3A_219], %gather3A_221 : memref<128x128xf32, #tpu.memory_space<vmem>>[vector<16xi32>, vector<16xi32>], vector<16xf32>,
        %add3A_223 = arith.constant 48 : i32
        %add3A_224 = vector.broadcast %add3A_223 : i32 to vector<16xi32>
        %add3A_225 = arith.addi %add3A_224, %iota3A : vector<16xi32>
        %broadcast_in_dim3A_226 = vector.broadcast %and3A_201 : i32 to vector<16xi32>
        %gather3A_227 = tpu.vector_load_idx %arg8[%add3A_225, %broadcast_in_dim3A_226] : memref<64x160xf32, #tpu.memory_space<vmem>>[vector<16xi32>, vector<16xi32>], vector<16xf32>,
        %broadcast_in_dim3A_228 = vector.broadcast %rem3A_205 : i32 to vector<16xi32>
        tpu.vector_store_idx %arg10[%broadcast_in_dim3A_228, %add3A_225], %gather3A_227 : memref<128x128xf32, #tpu.memory_space<vmem>>[vector<16xi32>, vector<16xi32>], vector<16xf32>,
        %broadcast_in_dim3A_229 = arith.constant 0 : i32
        %broadcast_in_dim3A_230 = vector.broadcast %broadcast_in_dim3A_229 : i32 to vector<16xi32>
        %broadcast_in_dim3A_231 = vector.broadcast %rem3A_205 : i32 to vector<16xi32>
        %broadcast_in_dim3A_232 = vector.broadcast %and3A_203 : i32 to vector<16xi32>
        %eq3A_233 = arith.constant 0 : i32
        %eq3A_234 = vector.broadcast %eq3A_233 : i32 to vector<16xi32>
        %eq3A_235 = arith.cmpi eq, %iota3A, %eq3A_234 : vector<16xi32>
        tpu.vector_store_idx %arg11[%broadcast_in_dim3A_230, %broadcast_in_dim3A_231], %broadcast_in_dim3A_232 masked %eq3A_235 : memref<1x128xi32, #tpu.memory_space<vmem>>[vector<16xi32>, vector<16xi32>], vector<16xi32>, vector<16xi1>
        %add3A_236 = arith.constant 1 : i32
        %add3A_237 = arith.addi %while3A_193, %add3A_236 : i32
        %rem3A_238 = arith.constant 128 : i32
        %rem3A_239 = arith.remsi %add3A_237, %rem3A_238 : i32
        %eq3A_240 = arith.constant 0 : i32
        %eq3A_241 = arith.cmpi eq, %rem3A_239, %eq3A_240 : i32
        %convert_element_type3A_242 = arith.extui %eq3A_241 : i1 to i32
        %cond3A_243 = arith.constant 0 : i32
        %cond3A_244 = arith.cmpi ne, %convert_element_type3A_242, %cond3A_243 : i32
        scf.if %cond3A_244 {
          %run_scoped3A = arith.constant 0 : i32
          "tpu.region"() ({
            %run_scoped3A_245 = tpu.sem_alloc : memref<!tpu.dma_semaphore, #tpu.memory_space<semaphore_mem>>
            %dma_start3A_246 = arith.constant 0 : i32
            %dma_start3A_247 = tpu.memref_slice %arg11[%run_scoped3A, %dma_start3A_246] : memref<1x128xi32, #tpu.memory_space<vmem>> -> memref<1x128xi32, #tpu.memory_space<vmem>>
            %dma_start3A_248 = tpu.memref_squeeze %dma_start3A_247 : memref<1x128xi32, #tpu.memory_space<vmem>> -> memref<128xi32, #tpu.memory_space<vmem>>
            %dma_start3A_249 = arith.constant 0 : i32
            %dma_start3A_250 = arith.constant 0 : i32
            %dma_start3A_251 = tpu.memref_slice %arg4[%dma_start3A_249, %dma_start3A_250] : memref<16416x128xf32, #tpu.memory_space<hbm>> -> memref<16416x128xf32, #tpu.memory_space<hbm>>
            tpu.enqueue_indirect_dma source(%arg10 : memref<128x128xf32, #tpu.memory_space<vmem>>) target(%dma_start3A_251 : memref<16416x128xf32, #tpu.memory_space<hbm>>) offsets(%dma_start3A_248 : memref<128xi32, #tpu.memory_space<vmem>>) semaphore(%run_scoped3A_245 : memref<!tpu.dma_semaphore, #tpu.memory_space<semaphore_mem>>)
            %dma_wait3A = arith.constant 0 : i32
            %dma_wait3A_252 = tpu.memref_slice %arg11[%run_scoped3A, %dma_wait3A] : memref<1x128xi32, #tpu.memory_space<vmem>> -> memref<1x128xi32, #tpu.memory_space<vmem>>
            %dma_wait3A_253 = tpu.memref_squeeze %dma_wait3A_252 : memref<1x128xi32, #tpu.memory_space<vmem>> -> memref<128xi32, #tpu.memory_space<vmem>>
            %dma_wait3A_254 = arith.constant 0 : i32
            %dma_wait3A_255 = arith.constant 0 : i32
            %dma_wait3A_256 = tpu.memref_slice %arg4[%dma_wait3A_254, %dma_wait3A_255] : memref<16416x128xf32, #tpu.memory_space<hbm>> -> memref<16416x128xf32, #tpu.memory_space<hbm>>
            tpu.wait_indirect_dma semaphore(%run_scoped3A_245 : memref<!tpu.dma_semaphore, #tpu.memory_space<semaphore_mem>>) src(%arg10 : memref<128x128xf32, #tpu.memory_space<vmem>>) dst(%dma_wait3A_256 : memref<16416x128xf32, #tpu.memory_space<hbm>>)
            tpu.yield
          }) : () -> ()
        } else {
        }
        scf.yield %add3A_237 : i32
      }
      scf.yield %while3A_191 : i32
    }
    %rem3A_165 = arith.constant 128 : i32
    %rem3A_166 = arith.remsi %while3A_164, %rem3A_165 : i32
    %ne3A_167 = arith.constant 0 : i32
    %ne3A_168 = arith.cmpi ne, %rem3A_166, %ne3A_167 : i32
    %convert_element_type3A = arith.extui %ne3A_168 : i1 to i32
    %cond3A = arith.constant 0 : i32
    %cond3A_169 = arith.cmpi ne, %convert_element_type3A, %cond3A : i32
    scf.if %cond3A_169 {
      %run_scoped3A = arith.constant 0 : i32
      "tpu.region"() ({
        %run_scoped3A_170 = tpu.sem_alloc : memref<!tpu.dma_semaphore, #tpu.memory_space<semaphore_mem>>
        %dma_start3A_171 = arith.constant 0 : i32
        %dma_start3A_172 = tpu.memref_slice %arg11[%run_scoped3A, %dma_start3A_171] : memref<1x128xi32, #tpu.memory_space<vmem>> -> memref<1x128xi32, #tpu.memory_space<vmem>>
        %dma_start3A_173 = tpu.memref_squeeze %dma_start3A_172 : memref<1x128xi32, #tpu.memory_space<vmem>> -> memref<128xi32, #tpu.memory_space<vmem>>
        %dma_start3A_174 = arith.constant 0 : i32
        %dma_start3A_175 = arith.constant 0 : i32
        %dma_start3A_176 = tpu.memref_slice %arg4[%dma_start3A_174, %dma_start3A_175] : memref<16416x128xf32, #tpu.memory_space<hbm>> -> memref<16416x128xf32, #tpu.memory_space<hbm>>
        tpu.enqueue_indirect_dma source(%arg10 : memref<128x128xf32, #tpu.memory_space<vmem>>) target(%dma_start3A_176 : memref<16416x128xf32, #tpu.memory_space<hbm>>) offsets(%dma_start3A_173 : memref<128xi32, #tpu.memory_space<vmem>>) semaphore(%run_scoped3A_170 : memref<!tpu.dma_semaphore, #tpu.memory_space<semaphore_mem>>)
        %dma_wait3A = arith.constant 0 : i32
        %dma_wait3A_177 = tpu.memref_slice %arg11[%run_scoped3A, %dma_wait3A] : memref<1x128xi32, #tpu.memory_space<vmem>> -> memref<1x128xi32, #tpu.memory_space<vmem>>
        %dma_wait3A_178 = tpu.memref_squeeze %dma_wait3A_177 : memref<1x128xi32, #tpu.memory_space<vmem>> -> memref<128xi32, #tpu.memory_space<vmem>>
        %dma_wait3A_179 = arith.constant 0 : i32
        %dma_wait3A_180 = arith.constant 0 : i32
        %dma_wait3A_181 = tpu.memref_slice %arg4[%dma_wait3A_179, %dma_wait3A_180] : memref<16416x128xf32, #tpu.memory_space<hbm>> -> memref<16416x128xf32, #tpu.memory_space<hbm>>
        tpu.wait_indirect_dma semaphore(%run_scoped3A_170 : memref<!tpu.dma_semaphore, #tpu.memory_space<semaphore_mem>>) src(%arg10 : memref<128x128xf32, #tpu.memory_space<vmem>>) dst(%dma_wait3A_181 : memref<16416x128xf32, #tpu.memory_space<hbm>>)
        tpu.yield
      }) : () -> ()
    } else {
    }
    return
  }
}

module attributes {stable_mosaic.version = 14 : i64} {
  func.func @_mlp_body(%arg0: i32, %arg1: memref<2048x128xf32, #tpu.memory_space<vmem>>, %arg2: memref<2048x128xf32, #tpu.memory_space<vmem>>, %arg3: memref<2048x128xf32, #tpu.memory_space<vmem>>, %arg4: memref<128x64xf32, #tpu.memory_space<vmem>>, %arg5: memref<64x128xf32, #tpu.memory_space<vmem>>, %arg6: memref<64x128xf32, #tpu.memory_space<vmem>>, %arg7: memref<64x128xf32, #tpu.memory_space<vmem>>, %arg8: memref<1x128xf32, #tpu.memory_space<vmem>>, %arg9: memref<128x64xf32, #tpu.memory_space<vmem>>, %arg10: memref<1x64xf32, #tpu.memory_space<vmem>>, %arg11: memref<64x1xf32, #tpu.memory_space<vmem>>, %arg12: memref<1x1xf32, #tpu.memory_space<vmem>>, %arg13: memref<2048x1xf32, #tpu.memory_space<vmem>>) attributes {dimension_semantics = [#tpu.dimension_semantics<arbitrary>], iteration_bounds = array<i64: 8>, scalar_prefetch = 0 : i64, scratch_operands = 0 : i64, tpu.core_type = #tpu.core_type<tc>, window_params = [{transform_indices = @transform_0, window_bounds = array<i64: 2048, 128>}, {transform_indices = @transform_1, window_bounds = array<i64: 2048, 128>}, {transform_indices = @transform_2, window_bounds = array<i64: 2048, 128>}, {pipeline_mode = #tpu.pipeline_mode<synchronous>, transform_indices = @transform_3, window_bounds = array<i64: 128, 64>}, {pipeline_mode = #tpu.pipeline_mode<synchronous>, transform_indices = @transform_4, window_bounds = array<i64: 64, 128>}, {pipeline_mode = #tpu.pipeline_mode<synchronous>, transform_indices = @transform_5, window_bounds = array<i64: 64, 128>}, {pipeline_mode = #tpu.pipeline_mode<synchronous>, transform_indices = @transform_6, window_bounds = array<i64: 64, 128>}, {pipeline_mode = #tpu.pipeline_mode<synchronous>, transform_indices = @transform_7, window_bounds = array<i64: 1, 128>}, {pipeline_mode = #tpu.pipeline_mode<synchronous>, transform_indices = @transform_8, window_bounds = array<i64: 128, 64>}, {pipeline_mode = #tpu.pipeline_mode<synchronous>, transform_indices = @transform_9, window_bounds = array<i64: 1, 64>}, {pipeline_mode = #tpu.pipeline_mode<synchronous>, transform_indices = @transform_10, window_bounds = array<i64: 64, 1>}, {pipeline_mode = #tpu.pipeline_mode<synchronous>, transform_indices = @transform_11, window_bounds = array<i64: 1, 1>}, {transform_indices = @transform_12, window_bounds = array<i64: 2048, 1>}]} {
    %get3A = arith.constant 0 : index
    %get3A_0 = arith.constant 0 : index
    %get3A_1 = vector.load %arg1[%get3A, %get3A_0] : memref<2048x128xf32, #tpu.memory_space<vmem>>, vector<2048x64xf32>
    %get3A_2 = arith.constant 0 : index
    %get3A_3 = arith.constant 0 : index
    %get3A_4 = vector.load %arg2[%get3A_2, %get3A_3] : memref<2048x128xf32, #tpu.memory_space<vmem>>, vector<2048x64xf32>
    %get3A_5 = arith.constant 0 : index
    %get3A_6 = arith.constant 0 : index
    %get3A_7 = vector.load %arg3[%get3A_5, %get3A_6] : memref<2048x128xf32, #tpu.memory_space<vmem>>, vector<2048x128xf32>
    %get3A_8 = arith.constant 0 : index
    %get3A_9 = arith.constant 0 : index
    %get3A_10 = vector.load %arg4[%get3A_8, %get3A_9] : memref<128x64xf32, #tpu.memory_space<vmem>>, vector<128x64xf32>
    %dot_general3A = arith.constant dense<0.000000e+00> : vector<2048x64xf32>
    %dot_general3A_11 = tpu.matmul %get3A_7, %get3A_10, %dot_general3A {dimension_numbers = #tpu.dot_dimension_numbers<[1], [0], [0], [1], [0, 0, 1, 1], [], []>, transpose_lhs_hint = false} : vector<2048x128xf32>, vector<128x64xf32>, vector<2048x64xf32> -> vector<2048x64xf32>
    %max3A = arith.constant 0.000000e+00 : f32
    %max3A_12 = vector.broadcast %max3A : f32 to vector<2048x64xf32>
    %max3A_13 = arith.maximumf %dot_general3A_11, %max3A_12 : vector<2048x64xf32>
    %get3A_14 = arith.constant 0 : index
    %get3A_15 = arith.constant 0 : index
    %get3A_16 = vector.load %arg5[%get3A_14, %get3A_15] : memref<64x128xf32, #tpu.memory_space<vmem>>, vector<64x128xf32>
    %dot_general3A_17 = arith.constant dense<0.000000e+00> : vector<2048x128xf32>
    %dot_general3A_18 = tpu.matmul %get3A_1, %get3A_16, %dot_general3A_17 {dimension_numbers = #tpu.dot_dimension_numbers<[1], [0], [0], [1], [0, 0, 1, 1], [], []>, transpose_lhs_hint = false} : vector<2048x64xf32>, vector<64x128xf32>, vector<2048x128xf32> -> vector<2048x128xf32>
    %get3A_19 = arith.constant 0 : index
    %get3A_20 = arith.constant 0 : index
    %get3A_21 = vector.load %arg6[%get3A_19, %get3A_20] : memref<64x128xf32, #tpu.memory_space<vmem>>, vector<64x128xf32>
    %dot_general3A_22 = arith.constant dense<0.000000e+00> : vector<2048x128xf32>
    %dot_general3A_23 = tpu.matmul %get3A_4, %get3A_21, %dot_general3A_22 {dimension_numbers = #tpu.dot_dimension_numbers<[1], [0], [0], [1], [0, 0, 1, 1], [], []>, transpose_lhs_hint = false} : vector<2048x64xf32>, vector<64x128xf32>, vector<2048x128xf32> -> vector<2048x128xf32>
    %add3A = arith.addf %dot_general3A_18, %dot_general3A_23 : vector<2048x128xf32>
    %get3A_24 = arith.constant 0 : index
    %get3A_25 = arith.constant 0 : index
    %get3A_26 = vector.load %arg7[%get3A_24, %get3A_25] : memref<64x128xf32, #tpu.memory_space<vmem>>, vector<64x128xf32>
    %dot_general3A_27 = arith.constant dense<0.000000e+00> : vector<2048x128xf32>
    %dot_general3A_28 = tpu.matmul %max3A_13, %get3A_26, %dot_general3A_27 {dimension_numbers = #tpu.dot_dimension_numbers<[1], [0], [0], [1], [0, 0, 1, 1], [], []>, transpose_lhs_hint = false} : vector<2048x64xf32>, vector<64x128xf32>, vector<2048x128xf32> -> vector<2048x128xf32>
    %add3A_29 = arith.addf %add3A, %dot_general3A_28 : vector<2048x128xf32>
    %get3A_30 = arith.constant 0 : index
    %get3A_31 = arith.constant 0 : index
    %get3A_32 = vector.load %arg8[%get3A_30, %get3A_31] : memref<1x128xf32, #tpu.memory_space<vmem>>, vector<1x128xf32>
    %add3A_33 = vector.broadcast %get3A_32 : vector<1x128xf32> to vector<2048x128xf32>
    %add3A_34 = arith.addf %add3A_29, %add3A_33 : vector<2048x128xf32>
    %max3A_35 = arith.constant 0.000000e+00 : f32
    %max3A_36 = vector.broadcast %max3A_35 : f32 to vector<2048x128xf32>
    %max3A_37 = arith.maximumf %add3A_34, %max3A_36 : vector<2048x128xf32>
    %get3A_38 = arith.constant 0 : index
    %get3A_39 = arith.constant 0 : index
    %get3A_40 = vector.load %arg9[%get3A_38, %get3A_39] : memref<128x64xf32, #tpu.memory_space<vmem>>, vector<128x64xf32>
    %dot_general3A_41 = arith.constant dense<0.000000e+00> : vector<2048x64xf32>
    %dot_general3A_42 = tpu.matmul %max3A_37, %get3A_40, %dot_general3A_41 {dimension_numbers = #tpu.dot_dimension_numbers<[1], [0], [0], [1], [0, 0, 1, 1], [], []>, transpose_lhs_hint = false} : vector<2048x128xf32>, vector<128x64xf32>, vector<2048x64xf32> -> vector<2048x64xf32>
    %get3A_43 = arith.constant 0 : index
    %get3A_44 = arith.constant 0 : index
    %get3A_45 = vector.load %arg10[%get3A_43, %get3A_44] : memref<1x64xf32, #tpu.memory_space<vmem>>, vector<1x64xf32>
    %add3A_46 = vector.broadcast %get3A_45 : vector<1x64xf32> to vector<2048x64xf32>
    %add3A_47 = arith.addf %dot_general3A_42, %add3A_46 : vector<2048x64xf32>
    %max3A_48 = arith.constant 0.000000e+00 : f32
    %max3A_49 = vector.broadcast %max3A_48 : f32 to vector<2048x64xf32>
    %max3A_50 = arith.maximumf %add3A_47, %max3A_49 : vector<2048x64xf32>
    %get3A_51 = arith.constant 0 : index
    %get3A_52 = arith.constant 0 : index
    %get3A_53 = vector.load %arg11[%get3A_51, %get3A_52] : memref<64x1xf32, #tpu.memory_space<vmem>>, vector<64x1xf32>
    %dot_general3A_54 = arith.constant dense<0.000000e+00> : vector<2048x1xf32>
    %dot_general3A_55 = tpu.matmul %max3A_50, %get3A_53, %dot_general3A_54 {dimension_numbers = #tpu.dot_dimension_numbers<[1], [0], [0], [1], [0, 0, 1, 1], [], []>, transpose_lhs_hint = false} : vector<2048x64xf32>, vector<64x1xf32>, vector<2048x1xf32> -> vector<2048x1xf32>
    %get3A_56 = arith.constant 0 : index
    %get3A_57 = arith.constant 0 : index
    %get3A_58 = vector.load %arg12[%get3A_56, %get3A_57] : memref<1x1xf32, #tpu.memory_space<vmem>>, vector<1x1xf32>
    %add3A_59 = vector.broadcast %get3A_58 : vector<1x1xf32> to vector<2048x1xf32>
    %add3A_60 = arith.addf %dot_general3A_55, %add3A_59 : vector<2048x1xf32>
    %logistic3A = arith.negf %add3A_60 : vector<2048x1xf32>
    %logistic3A_61 = math.exp %logistic3A : vector<2048x1xf32>
    %logistic3A_62 = arith.constant 1.000000e+00 : f32
    %logistic3A_63 = vector.broadcast %logistic3A_62 : f32 to vector<2048x1xf32>
    %logistic3A_64 = arith.addf %logistic3A_63, %logistic3A_61 : vector<2048x1xf32>
    %logistic3A_65 = arith.divf %logistic3A_63, %logistic3A_64 : vector<2048x1xf32>
    %swap3A = arith.constant 0 : index
    %swap3A_66 = arith.constant 0 : index
    %swap3A_67 = vector.load %arg13[%swap3A, %swap3A_66] : memref<2048x1xf32, #tpu.memory_space<vmem>>, vector<2048x1xf32>
    tpu.vector_store %arg13[%swap3A, %swap3A_66], %logistic3A_65 {strides = array<i32>} : memref<2048x1xf32, #tpu.memory_space<vmem>>, vector<2048x1xf32>,
    return
  }
  func.func @transform_0(%arg0: i32) -> (i32, i32) {
    %c0_i32 = arith.constant 0 : i32
    %c0_i32_0 = arith.constant 0 : i32
    return %arg0, %c0_i32 : i32, i32
  }
  func.func @transform_1(%arg0: i32) -> (i32, i32) {
    %c0_i32 = arith.constant 0 : i32
    %c0_i32_0 = arith.constant 0 : i32
    return %arg0, %c0_i32 : i32, i32
  }
  func.func @transform_2(%arg0: i32) -> (i32, i32) {
    %c0_i32 = arith.constant 0 : i32
    %c0_i32_0 = arith.constant 0 : i32
    return %arg0, %c0_i32 : i32, i32
  }
  func.func @transform_3(%arg0: i32) -> (i32, i32) {
    %c0_i32 = arith.constant 0 : i32
    %c0_i32_0 = arith.constant 0 : i32
    %c0_i32_1 = arith.constant 0 : i32
    return %c0_i32, %c0_i32_0 : i32, i32
  }
  func.func @transform_4(%arg0: i32) -> (i32, i32) {
    %c0_i32 = arith.constant 0 : i32
    %c0_i32_0 = arith.constant 0 : i32
    %c0_i32_1 = arith.constant 0 : i32
    return %c0_i32, %c0_i32_0 : i32, i32
  }
  func.func @transform_5(%arg0: i32) -> (i32, i32) {
    %c0_i32 = arith.constant 0 : i32
    %c0_i32_0 = arith.constant 0 : i32
    %c0_i32_1 = arith.constant 0 : i32
    return %c0_i32, %c0_i32_0 : i32, i32
  }
  func.func @transform_6(%arg0: i32) -> (i32, i32) {
    %c0_i32 = arith.constant 0 : i32
    %c0_i32_0 = arith.constant 0 : i32
    %c0_i32_1 = arith.constant 0 : i32
    return %c0_i32, %c0_i32_0 : i32, i32
  }
  func.func @transform_7(%arg0: i32) -> (i32, i32) {
    %c0_i32 = arith.constant 0 : i32
    %c0_i32_0 = arith.constant 0 : i32
    %c0_i32_1 = arith.constant 0 : i32
    return %c0_i32, %c0_i32_0 : i32, i32
  }
  func.func @transform_8(%arg0: i32) -> (i32, i32) {
    %c0_i32 = arith.constant 0 : i32
    %c0_i32_0 = arith.constant 0 : i32
    %c0_i32_1 = arith.constant 0 : i32
    return %c0_i32, %c0_i32_0 : i32, i32
  }
  func.func @transform_9(%arg0: i32) -> (i32, i32) {
    %c0_i32 = arith.constant 0 : i32
    %c0_i32_0 = arith.constant 0 : i32
    %c0_i32_1 = arith.constant 0 : i32
    return %c0_i32, %c0_i32_0 : i32, i32
  }
  func.func @transform_10(%arg0: i32) -> (i32, i32) {
    %c0_i32 = arith.constant 0 : i32
    %c0_i32_0 = arith.constant 0 : i32
    %c0_i32_1 = arith.constant 0 : i32
    return %c0_i32, %c0_i32_0 : i32, i32
  }
  func.func @transform_11(%arg0: i32) -> (i32, i32) {
    %c0_i32 = arith.constant 0 : i32
    %c0_i32_0 = arith.constant 0 : i32
    %c0_i32_1 = arith.constant 0 : i32
    return %c0_i32, %c0_i32_0 : i32, i32
  }
  func.func @transform_12(%arg0: i32) -> (i32, i32) {
    %c0_i32 = arith.constant 0 : i32
    %c0_i32_0 = arith.constant 0 : i32
    return %arg0, %c0_i32 : i32, i32
  }
}

</mosaic_0001>

<sc_bundles>
// kernel: kernel.5.cloned.1.call-start
scs
__scs_entry_jumppad:
0x0: {  	(pc) =	sbr.rel $0x88, $3  }
0x1: {  	(tag) =	ssettag $0x0;
	lr =	simm.s32 $0x1  }
0x2: {  	[smem:$0x3F95] =	sst lr;
	_ =	strace $0xD0000000  }
0x3: {  	_ = 	snop  }
0x4: {  	_ = 	snop  }
0x5: {  	_ = 	snop  }
0x6: {  	_ = 	snop  }
0x7: {  	_ = 	snop  }
__scs_overlays_trampoline_lowered:
0x8: {  	[smem:$0x3FA4] =	sst s0  }
0x9: {  	[smem:$0x3FA5] =	sst s1  }
0xa: {  	[smem:$0x3FA6] =	sst s2  }
0xb: {  	[smem:$0x3FA7] =	sst s3  }
0xc: {  	[smem:$0x3FA8] =	sst s4  }
0xd: {  	[smem:$0x3FA9] =	sst s5  }
0xe: {  	[smem:$0x3FAA] =	sst s6  }
0xf: {  	[smem:$0x3FAB] =	sst s7  }
0x10: {  	[smem:$0x3FAC] =	sst s8  }
0x11: {  	[smem:$0x3FAD] =	sst s9;
	s0 =	simm.s32 @!p0 $0x0  }
0x12: {  	s1 =	sld [smem:$0x3F93];
	s0 =	simm.s32 @p0 $0x1  }
0x13: {  	[smem:$0x3FAE] =	sst s0;
	s0 =	simm.s32 @!p1 $0x0  }
0x14: {  	s2 =	sld [smem:$0x3F92];
	s0 =	simm.s32 @p1 $0x1  }
0x15: {  	[smem:$0x3FAF] =	sst s0;
	s0 =	simm.s32 @!p2 $0x0  }
0x16: {  	s3 =	sld [smem:$0x3FDB];
	s0 =	simm.s32 @p2 $0x1  }
0x17: {  	s4 =	simm.s32 $0x1BF5;
	[smem:$0x3FB1] =	sst s0  }
0x18: {  	s0 =	sld [smem:$0x3F94];
	_ =	swait.ge [sflag:s4], $0x0  }
0x19: {  	s7 =	sld [smem:$0x3F95]  }
0x1a: {  	s8 =	sadd.s32 $0xFFFFE003, lr  }
0x1b: {  	s9 =	sadd.s32 $0xFFFFFEF7, lr;
	s5 =	simm.s32 $0xFFFFFFFF;
	p2 =	slt.u32 s8, $0xFFFFF086  }
0x1c: {  	p1 =	slt.u32 s9, $0xF7A;
	s5 =	simm.s32 @!p2 $0x0  }
0x1d: {  	s5 =	simm.s32 @p1 $0x1;
	p0 =	seq.s32 s7, s2  }
0x1e: {  	s7 =	smul.u32 @!p0 $0xF7A, s2;
	p2 =	seq.s32 @!p0 s5, $0x0  }
0x1f: {  	s9 =	smul.u32 $0xF7A, s1;
	s8 =	simm.s32 @!p0 $0x1BF5;
	p2 =	por !p2, p0  }
0x20: {  	[sflag:s8] =	ssyncset.s32 @!p0 $0xFFFFF086;
	s6 =	sadd.s32 @!p0 s3, s7;
	s7 =	simm.s32 @!p0 $0x108  }
0x21: {  	s3 =	sadd.s32 s3, s9;
	s6 =	sadd.s32 @!p0 $0x88, s6;
	s7 =	simm.s32 @p2 $0x1082  }
0x22: {  	[simem:s7], [sflag:s8] =	dma.local @!p0 [hbm:s6], $0xF7A  }
0x23: {  	s9 =	sor.u32 $0xD0000000, s2;
	s6 =	simm.s32 $0x108;
	_ =	swait.ge @!p0 [sflag:s8], $0x0  }
0x24: {  	s3 =	sadd.s32 $0x88, s3;
	s6 =	simm.s32 @!p1 $0x1082;
	[sflag:s4] =	ssyncset.s32 $0xFFFFF086  }
0x25: {  	[simem:s6], [sflag:s4] =	dma.local [hbm:s3], $0xF7A  }
0x26: {  	[smem:$0x3F95] =	sst s1;
	(tag) =	ssettag s2;
	_ =	strace s9  }
0x27: {  	s1 =	sld [smem:$0x3FA5]  }
0x28: {  	s2 =	sld [smem:$0x3FA6]  }
0x29: {  	s4 =	sld [smem:$0x3FA8]  }
0x2a: {  	p0 =	seq.s32 s5, $0x0;
	s5 =	sld [smem:$0x3FA9]  }
0x2b: {  	s6 =	sld [smem:$0x3FAA]  }
0x2c: {  	s7 =	sld [smem:$0x3FAB]  }
0x2d: {  	s3 =	simm.s32 $0x108;
	s8 =	sld [smem:$0x3FAC]  }
0x2e: {  	s3 =	simm.s32 @!p0 $0x1082;
	s9 =	sld [smem:$0x3FAD]  }
0x2f: {  	lr =	sadd.s32 s0, s3;
	s0 =	sld [smem:$0x3FA4]  }
0x30: {  	s3 =	sld [smem:$0x3FA7]  }
0x31: {  	[smem:$0x3FB0] =	sst s10  }
0x32: {  	s10 =	sld [smem:$0x3FAE];
	_ =	sdelay $0x3  }
0x33: {  	p0 =	seq.s32 s10, $0x1;
	s10 =	sld [smem:$0x3FB0];
	_ =	sdelay $0x3  }
0x34: {  	[smem:$0x3FB0] =	sst s10  }
0x35: {  	s10 =	sld [smem:$0x3FAF];
	_ =	sdelay $0x3  }
0x36: {  	p1 =	seq.s32 s10, $0x1;
	s10 =	sld [smem:$0x3FB0];
	_ =	sdelay $0x3  }
0x37: {  	[smem:$0x3FB0] =	sst s10  }
0x38: {  	s10 =	sld [smem:$0x3FB1]  }
0x39: {  	_ = 	snop;
	(pc) =	sbr.ind lr, $3  }
0x3a: {  	_ = 	snop  }
0x3b: {  	_ = 	snop  }
0x3c: {  	p2 =	seq.s32 s10, $0x1;
	s10 =	sld [smem:$0x3FB0]  }
0x3d: {  	_ =	shalt  }
0x3e: {  	_ =	shalt  }
0x3f: {  	_ =	shalt  }
0x40: {  	_ =	shalt  }
0x41: {  	_ =	shalt  }
0x42: {  	_ =	shalt  }
0x43: {  	_ =	shalt  }
0x44: {  	_ =	shalt  }
0x45: {  	_ =	shalt  }
0x46: {  	_ =	shalt  }
0x47: {  	_ =	shalt  }
0x48: {  	_ =	shalt  }
0x49: {  	_ =	shalt  }
0x4a: {  	_ =	shalt  }
0x4b: {  	_ =	shalt  }
0x4c: {  	_ =	shalt  }
0x4d: {  	_ =	shalt  }
0x4e: {  	_ =	shalt  }
0x4f: {  	_ =	shalt  }
0x50: {  	_ =	shalt  }
0x51: {  	_ =	shalt  }
0x52: {  	_ =	shalt  }
0x53: {  	_ =	shalt  }
0x54: {  	_ =	shalt  }
0x55: {  	_ =	shalt  }
0x56: {  	_ =	shalt  }
0x57: {  	_ =	shalt  }
0x58: {  	_ =	shalt  }
0x59: {  	_ =	shalt  }
0x5a: {  	_ =	shalt  }
0x5b: {  	_ =	shalt  }
0x5c: {  	_ =	shalt  }
0x5d: {  	_ =	shalt  }
0x5e: {  	_ =	shalt  }
0x5f: {  	_ =	shalt  }
0x60: {  	_ =	shalt  }
0x61: {  	_ =	shalt  }
0x62: {  	_ =	shalt  }
0x63: {  	_ =	shalt  }
0x64: {  	_ =	shalt  }
0x65: {  	_ =	shalt  }
0x66: {  	_ =	shalt  }
0x67: {  	_ =	shalt  }
0x68: {  	_ =	shalt  }
0x69: {  	_ =	shalt  }
0x6a: {  	_ =	shalt  }
0x6b: {  	_ =	shalt  }
0x6c: {  	_ =	shalt  }
0x6d: {  	_ =	shalt  }
0x6e: {  	_ =	shalt  }
0x6f: {  	_ =	shalt  }
0x70: {  	_ =	shalt  }
0x71: {  	_ =	shalt  }
0x72: {  	_ =	shalt  }
0x73: {  	_ =	shalt  }
0x74: {  	_ =	shalt  }
0x75: {  	_ =	shalt  }
0x76: {  	_ =	shalt  }
0x77: {  	_ =	shalt  }
0x78: {  	_ =	shalt  }
0x79: {  	_ =	shalt  }
0x7a: {  	_ =	shalt  }
0x7b: {  	_ =	shalt  }
0x7c: {  	_ =	shalt  }
0x7d: {  	_ =	shalt  }
0x7e: {  	_ =	shalt  }
0x7f: {  	_ =	shalt  }
0x80: {  	_ =	shalt  }
0x81: {  	_ =	shalt  }
0x82: {  	_ =	shalt  }
0x83: {  	_ =	shalt  }
0x84: {  	_ =	shalt  }
0x85: {  	_ =	shalt  }
0x86: {  	_ =	shalt  }
0x87: {  	_ =	shalt  }
.Lfunc_end0:
.L_simem_size_0:
called_computation_lowered:
.L_overlay_start_0:
0x88: {  	s2 =	sld [smem:$0x3FD9]  }
0x89: {  	s3 =	sld [smem:$0x3FFE];
	_ =	sdelay $0x1  }
0x8a: {  	s1 =	srdreg.scid  }
0x8b: {  	s0 =	sand.u32 $0x1, s1  }
0x8c: {  	s17 =	sshll.u32 s0, $0xA;
	s2 =	sadd.s32 s3, s2  }
0x8d: {  	s2 =	sadd.s32 s2, s17  }
0x8e: {  	[smem:$0x3FBC] =	sst s2  }
0x8f: {  	_ = 	snop  }
0x90: {  	s2 =	sld [smem:$0x3FC9]  }
0x91: {  	s18 =	sld [smem:$0x3FC6];
	(tm) =	ssettm $0x1  }
0x92: {  	s4 =	sld [smem:$0x3FFB];
	_ =	sdelay $0x3  }
0x93: {  	_ =	strace s4  }
0x94: {  	s4 =	sld [smem:$0x3FFC];
	_ =	sdelay $0x3  }
0x95: {  	_ =	strace s4  }
0x96: {  	s4 =	sld [smem:$0x3FFD];
	_ =	sdelay $0x3  }
0x97: {  	_ =	strace s4  }
0x98: {  	_ =	strace $0x8FFFFFFF  }
0x99: {  	s19 =	sld [smem:$0x3FDB];
	_ =	sdelay $0x1  }
0x9a: {  	s5 =	simm.s32 $_scs_section_size  }
0x9b: {  	s6 =	simm.s32 $_size__tile_overlayer_lowered;
	s7 =	simm.s32 $_tile_overlayer_lowered  }
0x9c: {  	s22 =	simm.s32 $0x1BFF;
	s21 =	sshll.u32 s7, $0x1;
	s4 =	sadd.s32 s5, s19  }
0x9d: {  	s8 =	simm.s32 $0x0;
	s20 =	sshll.u32 s6, $0x1;
	s6 =	sadd.s32 s21, s4  }
0x9e: {  	[timem:s8], [sflag:s22] =	dma.local [hbm:s6], s20  }
0x9f: {  	_ =	swait.ge [sflag:s22], s20  }
0xa0: {  	s5 =	ssub.s32 $0x0, s20;
	[sflag:s22] =	ssyncset.done $0x0  }
0xa1: {  	[sflag:s22] =	ssyncadd.s32 s5;
	_ =	sdelay $0x1  }
0xa2: {  	s23 =	simm.s32 $0x1B8B  }
0xa3: {  	_ =	swait.ge [sflag:s23], $0x1  }
0xa4: {  	[sflag:s23] =	ssyncset.done $0x0  }
0xa5: {  	s25 =	simm.s32 $0x1B8E;
	s24 =	sld [smem:$0x3FFE];
	[sflag:s23] =	ssyncadd.s32 $0xFFFFFFFF  }
0xa6: {  	s26 =	simm.s32 $execute0_lowered;
	[smem:$0x3FD2] =	sst s25  }
0xa7: {  	s6 =	sshll.u32 s26, $0x1;
	_ =	strace $0x80000046;
	[dreg:$0x1] =	wrdreg $0xFFFFFFFF  }
0xa8: {  	s28 =	simm.s32 $_size_execute0_lowered;
	s4 =	sadd.s32 s4, s6;
	[dreg:$0x0] =	wrdreg $0x0  }
0xa9: {  	s6 =	sshll.u32 s28, $0x1;
	[dreg:$0x2] =	wrdreg s4  }
0xaa: {  	[dreg:$0x3] =	wrdreg s6  }
0xab: {  	[dreg:$0x4] =	wrdreg $0xC0  }
0xac: {  	_ =	task [dreg:s8], $0x5FFFF  }
0xad: {  	[dreg:$0x1] =	wrdreg $0xFFFFFFFF  }
0xae: {  	[dreg:$0x0] =	wrdreg $0x60  }
0xaf: {  	[dreg:$0x2] =	wrdreg s2  }
0xb0: {  	[dreg:$0x3] =	wrdreg s18  }
0xb1: {  	[dreg:$0x4] =	wrdreg s24  }
0xb2: {  	[dreg:$0x5] =	wrdreg $0x9  }
0xb3: {  	_ =	task.clear_ibuf [dreg:s8], $0x6FFFF;
	_ =	strace $0x90000046  }
0xb4: {  	s29 =	simm.s32 $0x9;
	_ =	strace $0x80000048  }
0xb5: {  	_ =	swait.ge [sflag:s29], $0x1  }
0xb6: {  	[sflag:s29] =	ssyncadd.s32 $0xFFFFFFFF  }
0xb7: {  	_ =	strace $0x90000048  }
0xb8: {  	_ =	sfence  }
0xb9: {  	s30 =	sld [smem:$0x0];
	_ =	sdelay $0x2  }
0xba: {  	s31 =	sshll.u32 s1, $0xD;
	s1 =	sshrl.u32 s1, $0x2  }
0xbb: {  	s3 =	sand.u32 $0x4000, s31;
	s1 =	sadd.s32 s1, s30  }
0xbc: {  	s0 =	sor.u32 s3, s0;
	s1 =	sshll.u32 s1, $0x11  }
0xbd: {  	s0 =	sor.u32 s1, s0  }
0xbe: {  	s0 =	sadd.s32 $0x8F2B, s0  }
0xbf: {  	[sflag:s0] =	ssyncadd.remote.s32 $0x1  }
0xc0: {  	_ =	sfence.sel $0xFFFF  }
0xc1: {  	[dreg:$0x0] =	wrdreg $0xFFFFFFFF;
	(pc) =	sbr.abs _section_cstart, $3  }
0xc2: {  	[dreg:$0x1] =	wrdreg $0xFFFFFFFF  }
0xc3: {  	_ =	task.clear_ibuf [dreg:s8], $0x2FFFF;
	_ =	strace $0x9FFFFFFF  }
0xc4: {  	(tm) =	ssettm $0x7FFFFFFF  }
0xc5: {  	_ =	shalt  }
tec
execute0_lowered:
.L_overlay_start_1:
0x0: {  	(tag) =	ssettag $0x1  }
0x1: {  	v0 =	vimm.s32 $0x1380;
	vm11 =	vcmask $0x300;
	vm12 =	vcmask $0x704  }
0x2: {  	vm13 =	vcmask $0xB08;
	vm14 =	vcmask $0xF0C;
	vm10 =	vcmask $0x1310  }
0x3: {  	vm9 =	vcmask $0x1714;
	vm8 =	vcmask $0x1B18;
	vm7 =	vcmask $0x1F1C  }
0x4: {  	vm6 =	vcmask $0x2320;
	vm5 =	vcmask $0x2724;
	vm4 =	vcmask $0x2B28  }
0x5: {  	vm3 =	vcmask $0x2F2C;
	vm2 =	vcmask $0x3330;
	vm1 =	vcmask $0x3734  }
0x6: {  	vm0 =	vcmask $0x3B38;
	v14 =	vimm.s32 $0x3380;
	v15 =	vimm.s32 $0x5380  }
0x7: {  	s1 =	srdreg.scid;
	s0 =	stileid.u32;
	v16 =	vimm.s32 $0x7380;
	v0 =	vsel vm11, $0x0, v0;
	v14 =	vsel vm11, $0x2000, v14  }
0x8: {  	s6 =	sand.u32 $0x1, s1;
	s31 =	sshll.u32 s0, $0x1;
	v15 =	vsel vm11, $0x4000, v15;
	v16 =	vsel vm11, $0x6000, v16;
	v1 =	vsel vm12, $0x80, v0  }
0x9: {  	s8 =	sor.u32 s6, s31;
	v14 =	vsel vm12, $0x2080, v14;
	v15 =	vsel vm12, $0x4080, v15;
	v16 =	vsel vm12, $0x6080, v16  }
0xa: {  	s1 =	sor.u32 $0x4000, s8;
	v2 =	vsel vm13, $0x100, v1;
	v1 =	vmov s8;
	v14 =	vsel vm13, $0x2100, v14  }
0xb: {  	v15 =	vsel vm13, $0x4100, v15;
	v16 =	vsel vm13, $0x6100, v16;
	v0 =	vmov s1  }
0xc: {  	v3 =	vsel vm14, $0x180, v2;
	v2 =	vlaneseq.u32;
	v14 =	vsel vm14, $0x2180, v14  }
0xd: {  	v15 =	vsel vm14, $0x4180, v15;
	v16 =	vsel vm14, $0x6180, v16;
	v4 =	vsel vm10, $0x200, v3  }
0xe: {  	v3 =	vor.u32 $0x40, v2;
	v14 =	vsel vm10, $0x2200, v14;
	v15 =	vsel vm10, $0x4200, v15  }
0xf: {  	v16 =	vsel vm10, $0x6200, v16;
	v5 =	vsel vm9, $0x280, v4;
	v4 =	vimm.f32 $0.0e+00  }
0x10: {  	v14 =	vsel vm9, $0x2280, v14;
	v15 =	vsel vm9, $0x4280, v15;
	v16 =	vsel vm9, $0x6280, v16  }
0x11: {  	v6 =	vsel vm8, $0x300, v5;
	v5 =	vor.u32 $0x50, v2;
	v14 =	vsel vm8, $0x2300, v14  }
0x12: {  	v15 =	vsel vm8, $0x4300, v15;
	v16 =	vsel vm8, $0x6300, v16;
	v7 =	vsel vm7, $0x380, v6  }
0x13: {  	v6 =	vor.u32 $0x60, v2;
	v14 =	vsel vm7, $0x2380, v14;
	v15 =	vsel vm7, $0x4380, v15  }
0x14: {  	v16 =	vsel vm7, $0x6380, v16;
	v8 =	vsel vm6, $0x1000, v7;
	v7 =	vor.u32 $0x70, v2  }
0x15: {  	v14 =	vsel vm6, $0x3000, v14;
	v15 =	vsel vm6, $0x5000, v15;
	v16 =	vsel vm6, $0x7000, v16  }
0x16: {  	s2 =	rddreg [dreg:$0x1];
	v9 =	vsel vm5, $0x1080, v8;
	v8 =	vor.u32 $0x10, v2;
	v14 =	vsel vm5, $0x3080, v14  }
0x17: {  	s5 =	rddreg [dreg:$0x2];
	v15 =	vsel vm5, $0x5080, v15;
	v16 =	vsel vm5, $0x7080, v16;
	v10 =	vsel vm4, $0x1100, v9  }
0x18: {  	s3 =	rddreg [dreg:$0x3];
	s4 =	simm.s32 $0x0;
	v9 =	vor.u32 $0x20, v2;
	v14 =	vsel vm4, $0x3100, v14;
	v15 =	vsel vm4, $0x5100, v15  }
0x19: {  	s12 =	simm.s32 $0x1A900;
	s13 =	simm.s32 $0x2;
	s15 =	simm.s32 $0x1000;
	v16 =	vsel vm4, $0x7100, v16;
	v11 =	vsel vm3, $0x1180, v10;
	v10 =	vor.u32 $0x30, v2  }
0x1a: {  	s14 =	simm.s32 $0x1;
	s16 =	simm.s32 $0x7A1400;
	s17 =	simm.s32 $0x4880;
	v14 =	vsel vm3, $0x3180, v14;
	v15 =	vsel vm3, $0x5180, v15;
	v16 =	vsel vm3, $0x7180, v16  }
0x1b: {  	s18 =	simm.s32 $0x400;
	s19 =	simm.s32 $0x14880;
	[smem:$0x7FF] =	sst s4;
	v12 =	vsel vm2, $0x1200, v11;
	v11 =	vimm.s32 $0x0;
	v14 =	vsel vm2, $0x3200, v14  }
.Ltmp0:
0x1c: {  	s5 =	sadd.s32 $0x1400, s5;
	s6 =	ssub.s32 $0x2, s6;
	v13 =	vsel vm1, $0x1280, v12;
	v12 =	vimm.s32 $0x7FFEB940;
	v17 =	vsel vm1, $0x3280, v14;
	(pc) =	sbr.rel .LBB2_1-.Ltmp0, $4  }
0x1d: {  	s7 =	sshrl.u32 s6, $0x1;
	s9 =	ssub.s32 $0x7A0, s8;
	s10 =	sshll.u32 s8, $0x9;
	v14 =	vsel vm2, $0x5200, v15;
	v15 =	vsel vm2, $0x7200, v16;
	v13 =	vsel vm0, $0x1300, v13  }
0x1e: {  	s8 =	sshll.u32 s8, $0xC;
	s1 =	rddreg [dreg:$0x0];
	_ =	strace $0x80000047;
	v16 =	vsel vm1, $0x5280, v14;
	v18 =	vsel vm1, $0x7280, v15;
	v14 =	vmul.u32 $0x80, v2  }
0x1f: {  	s11 =	ssub.s32 s6, s7;
	s6 =	sshrl.u32 s9, $0x5;
	s7 =	sadd.s32 s2, s10;
	v15 =	vsel vm0, $0x3300, v17;
	v16 =	vsel vm0, $0x5300, v16;
	v17 =	vsel vm0, $0x7300, v18  }
0x20: {  	s9 =	sadd.s32 $0xF4200, s2;
	s10 =	smax.u32 s11, $0x1;
	s11 =	simm.s32 $0x16900;
	v18 =	vor.u32 $0x800, v14;
	v19 =	vor.u32 $0x1000, v14;
	v20 =	vor.u32 $0x1800, v14  }
.LBB2_22:
0x21: {  	s20 =	sand.u32 $0x7F, s20;
	s4 =	sadd.s32 $0x1, s4  }
0x22: {  	p0 =	seq.s32 s20, $0x0;
	p1 =	sne.s32 s4, s10  }
0x23: {  	s20 =	simm.s32 @!p0 $0x80;
	s21 =	simm.s32 @!p0 $0x1A900;
	s22 =	simm.s32 @!p0 $0x16900  }
0x24: {  	[hbm4b:s5+s20] =	stream.indirect.scatter @!p0 [tilespmem:s22], [sflag:$0x2], $0x80, s21, s20, $0xb8;
	[tilespmem:$0x1A980] =	vst v63  }
.Ltmp1:
0x25: {  	_ = 	snop;
	(pc) =	sbr.rel @!p1 .LBB2_23-.Ltmp1, $4  }
0x26: {  	s20 =	simm.s32 @!p0 $0x2  }
0x27: {  	_ =	swait.ge @!p0 [sflag:s20], $0x4000  }
0x28: {  	[sflag:s20] =	ssyncset.done @!p0 $0x0  }
0x29: {  	[sflag:s20] =	ssyncadd.s32 @!p0 $0xFFFFC000  }
.LBB2_1:
0x2a: {  	s20 =	simm.s32 $0x0  }
0x2b: {  	v23 =	vor.u32 s20, v3;
	_ =	sdelay $0x2  }
0x2c: {  	v21 =	vor.u32 s20, v5  }
0x2d: {  	s21 =	simm.s32 $0x1;
	v22 =	vor.u32 s20, v6  }
.LBB2_2:
0x2e: {  	[tilespmem:v23+s11+$0x0] =	vst.idx.msk $0xffff, v4;
	v24 =	vor.u32 s20, v7;
	s20 =	sshll.u32 s21, $0x7;
	p0 =	sne.s32 s21, $0x7F  }
.Ltmp2:
0x2f: {  	v23 =	vor.u32 s20, v3;
	(pc) =	sbr.rel @p0 .LBB2_2-.Ltmp2, $4  }
0x30: {  	_ = 	snop  }
0x31: {  	[tilespmem:v21+s11+$0x0] =	vst.idx.msk $0xffff, v4  }
0x32: {  	v21 =	vor.u32 s20, v5;
	[tilespmem:v22+s11+$0x0] =	vst.idx.msk $0xffff, v4  }
0x33: {  	s21 =	sadd.s32 $0x1, s21;
	v22 =	vor.u32 s20, v6;
	[tilespmem:v24+s11+$0x0] =	vst.idx.msk $0xffff, v4  }
0x34: {  	_ =	sdelay $0x1  }
0x35: {  	v24 =	vor.u32 s20, v7;
	_ =	sdelay $0x1  }
0x36: {  	[tilespmem:v23+s11+$0x0] =	vst.idx.msk $0xffff, v4  }
0x37: {  	[tilespmem:v21+s11+$0x0] =	vst.idx.msk $0xffff, v4  }
0x38: {  	[tilespmem:v22+s11+$0x0] =	vst.idx.msk $0xffff, v4  }
0x39: {  	[tilespmem:v24+s11+$0x0] =	vst.idx.msk $0xffff, v4  }
0x3a: {  	[tilespmem:v2+s12+$0x0] =	vst.idx.msk $0xffff, v0  }
0x3b: {  	[tilespmem:v8+s12+$0x0] =	vst.idx.msk $0xffff, v0  }
0x3c: {  	[tilespmem:v9+s12+$0x0] =	vst.idx.msk $0xffff, v0  }
0x3d: {  	[tilespmem:v10+s12+$0x0] =	vst.idx.msk $0xffff, v0  }
0x3e: {  	[tilespmem:v3+s12+$0x0] =	vst.idx.msk $0xffff, v0  }
0x3f: {  	[tilespmem:v5+s12+$0x0] =	vst.idx.msk $0xffff, v0  }
0x40: {  	s21 =	simm.s32 $0x0;
	[tilespmem:v6+s12+$0x0] =	vst.idx.msk $0xffff, v0  }
0x41: {  	s22 =	simm.s32 $0x0;
	s20 =	simm.s32 $0x0;
	s23 =	simm.s32 $0x0;
	[tilespmem:v7+s12+$0x0] =	vst.idx.msk $0xffff, v0  }
.LBB2_4:
0x42: {  	s24 =	sshll.u32 s23, $0x8  }
0x43: {  	s24 =	sadd.s32 s1, s24  }
0x44: {  	[tilespmem:s21], [sflag:$0x2] =	stream.linear.gather [hbm4b:s24+s21], $0x800, $0x38;
	[tilespmem:$0x1A980] =	vst v63  }
0x45: {  	_ =	swait.ge [sflag:s13], $0x800  }
0x46: {  	[sflag:s13] =	ssyncset.done $0x0  }
0x47: {  	s30 =	simm.s32 $0x0;
	[sflag:s13] =	ssyncadd.s32 $0xFFFFF800  }
0x48: {  	v21 =	vld [tilespmem:s30+$0x0];
	_ =	sdelay $0x4  }
0x49: {  	v22 =	vshrl.u32 v21, $0x9  }
0x4a: {  	v22 =	vand.u32 $0x1F, v22  }
0x4b: {  	vm0 =	veq.s32 v22, v1  }
0x4c: {  	v22 =	vmpcnt.ones.xlane vm0  }
0x4d: {  	v23 =	vshll.u32 v21, $0x9  }
0x4e: {  	vm1 =	vgt.s32 v21, $0xF41FF;
	(v2sf) =	vpush v22, $0x0;
	v22 =	vand.u32 $0xFF800000, v23  }
0x4f: {  	v21 =	vshll.u32 v21, $0xE;
	v23 =	vsel vm1, $0x40000000, v11;
	v22 =	vor.u32 s22, v22  }
0x50: {  	v21 =	vand.u32 $0x7FC000, v21;
	v22 =	vor.u32 v23, v22  }
0x51: {  	v21 =	vor.u32 v21, v22  }
0x52: {  	v21 =	vor.u32 v2, v21  }
0x53: {  	s31 =	simm.s32 $0x10;
	[tilespmem:s20+$0x800] =	vst.msk vm0, v21  }
0x54: {  	v21 =	vld [tilespmem:s31+$0x0];
	_ =	sdelay $0x4  }
0x55: {  	v22 =	vshrl.u32 v21, $0x9;
	vm1 =	vgt.s32 v21, $0xF41FF;
	v23 =	vshll.u32 v21, $0x9  }
0x56: {  	s24 =	sadd.s32 $0x10, s22;
	v21 =	vshll.u32 v21, $0xE;
	v22 =	vand.u32 $0x1F, v22;
	v23 =	vand.u32 $0xFF800000, v23  }
0x57: {  	vm0 =	veq.s32 v22, v1;
	v22 =	vsel vm1, $0x40000000, v11;
	v23 =	vor.u32 s24, v23  }
0x58: {  	v21 =	vand.u32 $0x7FC000, v21;
	v22 =	vor.u32 v22, v23;
	v23 =	vmpcnt.ones.xlane vm0  }
0x59: {  	v21 =	vor.u32 v21, v22  }
0x5a: {  	s25 =	simm.s32 $0x80;
	s26 =	spop (v2sf);
	v21 =	vor.u32 v2, v21;
	(v2sf) =	vpush v23, $0x0  }
.LBB2_5:
0x5b: {  	p0 =	sne.s32 s25, $0x1FC0  }
0x5c: {  	s20 =	sadd.s32 s20, s26;
	s26 =	smov.u32 s25;
	s25 =	sadd.s32 $0x40, s25  }
0x5d: {  	s26 =	sshra.s32 s26, $0x2;
	[tilespmem:s20+$0x800] =	vst.msk vm0, v21  }
0x5e: {  	v21 =	vld [tilespmem:s26+$0x0];
	_ =	sdelay $0x4  }
0x5f: {  	v22 =	vshrl.u32 v21, $0x9;
	vm1 =	vgt.s32 v21, $0xF41FF;
	v23 =	vshll.u32 v21, $0x9  }
0x60: {  	s24 =	sadd.s32 $0x10, s24;
	v21 =	vshll.u32 v21, $0xE;
	v22 =	vand.u32 $0x1F, v22;
	v23 =	vand.u32 $0xFF800000, v23  }
.Ltmp3:
0x61: {  	vm0 =	veq.s32 v22, v1;
	v22 =	vsel vm1, $0x40000000, v11;
	v23 =	vor.u32 s24, v23;
	(pc) =	sbr.rel @p0 .LBB2_5-.Ltmp3, $4  }
0x62: {  	v21 =	vand.u32 $0x7FC000, v21;
	v22 =	vor.u32 v22, v23;
	v23 =	vmpcnt.ones.xlane vm0  }
0x63: {  	v21 =	vor.u32 v21, v22  }
0x64: {  	v21 =	vor.u32 v2, v21;
	(v2sf) =	vpush v23, $0x0  }
0x65: {  	s26 =	spop (v2sf)  }
0x66: {  	_ =	sdelay $0x7  }
0x67: {  	s23 =	sadd.s32 $0x1, s23  }
0x68: {  	p0 =	sne.s32 s23, $0x8  }
.Ltmp4:
0x69: {  	_ = 	snop;
	(pc) =	sbr.rel @p0 .LBB2_4-.Ltmp4, $3  }
0x6a: {  	_ =	sdelay $0x1  }
0x6b: {  	s20 =	sadd.s32 s20, s26;
	s24 =	spop (v2sf)  }
0x6c: {  	s22 =	sadd.s32 $0x800, s22;
	[tilespmem:s20+$0x800] =	vst.msk vm0, v21;
	s20 =	sadd.s32 s20, s24  }
0x6d: {  	s21 =	sadd.s32 $0xF, s20  }
0x6e: {  	[tilespmem:s20+$0x800] =	vst v12;
	s22 =	sand.u32 $0xF, s21  }
0x6f: {  	[tilespmem:s17], [sflag:$0x1] =	stream.strided.gather [hbm4b:s7+s15], $0x8000, s16, s15, $0x38;
	[tilespmem:$0x1A980] =	vst v63  }
0x70: {  	s30 =	sshra.s32 s21, $0x1F;
	p1 =	slt.s32 s21, $0x1;
	p0 =	sne.s32 s22, $0x0  }
.Ltmp5:
0x71: {  	s22 =	sshrl.u32 s30, $0x1C;
	p0 =	por !p1, !p0;
	(pc) =	sbr.rel .LBB2_9-.Ltmp5, $4  }
0x72: {  	s21 =	sadd.s32 s22, s21;
	s22 =	simm.s32 $0x1;
	p0 =	por !p0, !p0  }
0x73: {  	s31 =	sshra.s32 s21, $0x4;
	s22 =	simm.s32 @!p0 $0x0  }
0x74: {  	s21 =	ssub.s32 s31, s22  }
0x75: {  	s20 =	simm.s32 $0x0;
	s22 =	simm.s32 $0x0;
	p0 =	slt.s32 s21, $0x1  }
.LBB2_8:
0x76: {  	p1 =	seq.s32 s23, s6  }
.Ltmp6:
0x77: {  	_ = 	snop;
	(pc) =	sbr.rel @p1 .LBB2_16-.Ltmp6, $1  }
0x78: {  	_ =	sdelay $0x3  }
.LBB2_9:
0x79: {  	s23 =	smov.u32 s22  }
0x7a: {  	s22 =	sadd.s32 $0x1, s22;
	p1 =	sge.u32 s23, s6  }
0x7b: {  	s24 =	sshll.u32 @!p1 s22, $0x11  }
0x7c: {  	s25 =	sshll.u32 @!p1 s22, $0xF;
	s26 =	simm.s32 @!p1 $0x1000;
	s24 =	sor.u32 @!p1 s8, s24  }
0x7d: {  	s28 =	simm.s32 @!p1 $0x7A1400;
	s25 =	sand.u32 @!p1 $0x8000, s25;
	s24 =	sshrl.u32 @!p1 s24, $0x3  }
.Ltmp7:
0x7e: {  	s25 =	sor.u32 @!p1 $0x4880, s25;
	s24 =	sadd.s32 @!p1 s2, s24;
	(pc) =	sbr.rel @p0 .LBB2_8-.Ltmp7, $4  }
0x7f: {  	[tilespmem:s25], [sflag:$0x1] =	stream.strided.gather @!p1 [hbm4b:s24+s26], $0x8000, s28, s26, $0x38;
	[tilespmem:$0x1A980] =	vst v63  }
0x80: {  	_ =	swait.ge [sflag:s14], $0x8000  }
0x81: {  	[sflag:s14] =	ssyncset.done $0x0  }
0x82: {  	[sflag:s14] =	ssyncadd.s32 $0xFFFF8000  }
.Ltmp8:
0x83: {  	(pc) =	sbr.rel .LBB2_11-.Ltmp8, $4  }
0x84: {  	s24 =	sand.u32 $0x1, s23  }
0x85: {  	s24 =	sshll.u32 s24, $0xF  }
0x86: {  	v21 =	vmov s23;
	v22 =	vor.u32 s24, v13  }
0x87: {  	v23 =	vor.u32 s24, v15;
	v24 =	vor.u32 s24, v16;
	v25 =	vor.u32 s24, v17;
	s24 =	simm.s32 $0x0  }
.LBB2_14:
0x88: {  	[sflag:s28] =	ssyncset.done @!p2 $0x0  }
0x89: {  	[sflag:s28] =	ssyncadd.s32 @!p2 $0xFFFFC000  }
.LBB2_15:
0x8a: {  	s24 =	sadd.s32 $0x1, s24  }
0x8b: {  	p1 =	seq.s32 s24, s21  }
.Ltmp9:
0x8c: {  	_ = 	snop;
	(pc) =	sbr.rel @p1 .LBB2_8-.Ltmp9, $1  }
0x8d: {  	_ =	sdelay $0x3  }
.LBB2_11:
0x8e: {  	s25 =	sshll.u32 s24, $0x6  }
0x8f: {  	s25 =	sshra.s32 s25, $0x2  }
0x90: {  	v26 =	vld [tilespmem:s25+$0x800];
	_ =	sdelay $0x4  }
0x91: {  	v27 =	vshra.s32 v26, $0x17  }
0x92: {  	vm0 =	veq.s32 v27, v21  }
0x93: {  	v27 =	vmpcnt.ones.xlane vm0;
	_ =	sdelay $0x1  }
0x94: {  	(v2sf) =	vpush v27, $0x0;
	_ =	sdelay $0xe  }
0x95: {  	s26 =	spop (v2sf)  }
0x96: {  	p1 =	slt.s32 s26, $0x1  }
.Ltmp10:
0x97: {  	_ = 	snop;
	(pc) =	sbr.rel @p1 .LBB2_15-.Ltmp10, $3  }
0x98: {  	_ =	sdelay $0x1  }
0x99: {  	s25 =	simm.s32 $0x16880  }
0x9a: {  	[tilespmem:s25+$0x0] =	vst.msk vm0, v26  }
0x9b: {  	v26 =	vld [tilespmem:s25+$0x0];
	_ =	sdelay $0x4  }
0x9c: {  	(v2sf) =	vpush v26, $0x0;
	_ =	sdelay $0xe  }
0x9d: {  	s28 =	spop (v2sf)  }
0x9e: {  	s29 =	sshrl.u32 s28, $0xE  }
0x9f: {  	s29 =	sand.u32 $0x1FF, s29  }
0xa0: {  	v26 =	vmov s29  }
0xa1: {  	s30 =	sshra.s32 s20, $0x1F;
	v27 =	vand.u32 $0x7F, v26;
	v26 =	vshll.u32 v26, $0x3  }
0xa2: {  	s29 =	sshrl.u32 s30, $0x19;
	v26 =	vand.u32 $0xC00, v26;
	v28 =	vor.u32 v22, v27  }
0xa3: {  	s29 =	sadd.s32 s29, s20;
	v28 =	vor.u32 v26, v28  }
0xa4: {  	s29 =	sand.u32 $0xFFFFFF80, s29  }
0xa5: {  	s29 =	ssub.s32 s20, s29  }
0xa6: {  	v29 =	vmov s29  }
0xa7: {  	v30 =	vshll.u32 v29, $0x7  }
0xa8: {  	v31 =	vor.u32 v23, v27;
	v32 =	vor.u32 v2, v30;
	v28 =	vld.idx.msk [tilespmem:v28+s17+$0x0], $0xffff  }
0xa9: {  	v31 =	vor.u32 v26, v31;
	_ =	sdelay $0x3  }
0xaa: {  	[tilespmem:v32+s11+$0x0] =	vst.idx.msk $0xffff, v28  }
0xab: {  	v60 =	vor.u32 v24, v27;
	v61 =	vor.u32 v8, v30;
	v31 =	vld.idx.msk [tilespmem:v31+s17+$0x0], $0xffff  }
0xac: {  	v28 =	vor.u32 v26, v60;
	_ =	sdelay $0x3  }
0xad: {  	[tilespmem:v61+s11+$0x0] =	vst.idx.msk $0xffff, v31  }
0xae: {  	v27 =	vor.u32 v25, v27;
	v62 =	vor.u32 v9, v30;
	v28 =	vld.idx.msk [tilespmem:v28+s17+$0x0], $0xffff  }
0xaf: {  	v26 =	vor.u32 v26, v27;
	_ =	sdelay $0x3  }
0xb0: {  	[tilespmem:v62+s11+$0x0] =	vst.idx.msk $0xffff, v28  }
0xb1: {  	v27 =	vor.u32 v10, v30;
	v26 =	vld.idx.msk [tilespmem:v26+s17+$0x0], $0xffff;
	_ =	sdelay $0x2  }
0xb2: {  	s26 =	sadd.s32 $0xFFFFFFFF, s26;
	s20 =	sadd.s32 $0x1, s20  }
0xb3: {  	p1 =	sne.s32 s26, $0x0;
	s28 =	sand.u32 $0x3FFF, s28;
	s31 =	sand.u32 $0x7F, s20  }
.Ltmp11:
0xb4: {  	v63 =	vmov s28;
	p2 =	sne.s32 s31, $0x0;
	[tilespmem:v27+s11+$0x0] =	vst.idx.msk $0xffff, v26;
	(pc) =	sbr.rel @!p1 .LBB2_14-.Ltmp11, $4  }
0xb5: {  	s28 =	simm.s32 @!p2 $0x80;
	s29 =	simm.s32 @!p2 $0x1A900;
	s30 =	simm.s32 @!p2 $0x16900;
	[tilespmem:v29+s12+$0x0] =	vst.idx.msk $0x1, v63  }
0xb6: {  	[hbm4b:s5+s28] =	stream.indirect.scatter @!p2 [tilespmem:s30], [sflag:$0x2], $0x80, s29, s28, $0xb8;
	[tilespmem:$0x1A980] =	vst v63  }
0xb7: {  	s28 =	simm.s32 @!p2 $0x2  }
0xb8: {  	_ =	swait.ge @!p2 [sflag:s28], $0x4000  }
.LBB2_13:
0xb9: {  	s26 =	sadd.s32 $0xFFFFFFFF, s26;
	[sflag:s28] =	ssyncset.done @!p2 $0x0;
	s25 =	sadd.s32 $0x1, s25  }
0xba: {  	p1 =	sne.s32 s26, $0x0;
	[sflag:s28] =	ssyncadd.s32 @!p2 $0xFFFFC000  }
0xbb: {  	v26 =	vld [tilespmem:s25+$0x0];
	_ =	sdelay $0x4  }
0xbc: {  	(v2sf) =	vpush v26, $0x0;
	_ =	sdelay $0xe  }
0xbd: {  	s28 =	spop (v2sf)  }
0xbe: {  	s29 =	sshrl.u32 s28, $0xE  }
0xbf: {  	s29 =	sand.u32 $0x1FF, s29  }
0xc0: {  	v26 =	vmov s29  }
0xc1: {  	s29 =	sshra.s32 s20, $0x1F;
	v27 =	vand.u32 $0x7F, v26;
	v26 =	vshll.u32 v26, $0x3  }
0xc2: {  	s29 =	sshrl.u32 s29, $0x19;
	v26 =	vand.u32 $0xC00, v26;
	v28 =	vor.u32 v22, v27;
	v29 =	vor.u32 v24, v27  }
0xc3: {  	s29 =	sadd.s32 s29, s20;
	v30 =	vor.u32 v25, v27;
	v28 =	vor.u32 v26, v28;
	v29 =	vor.u32 v26, v29  }
0xc4: {  	v27 =	vor.u32 v23, v27;
	s29 =	sand.u32 $0xFFFFFF80, s29;
	v30 =	vor.u32 v26, v30  }
0xc5: {  	v26 =	vor.u32 v26, v27;
	s29 =	ssub.s32 s20, s29  }
0xc6: {  	v27 =	vmov s29  }
0xc7: {  	v31 =	vshll.u32 v27, $0x7  }
0xc8: {  	v32 =	vor.u32 v2, v31;
	v28 =	vld.idx.msk [tilespmem:v28+s17+$0x0], $0xffff;
	_ =	sdelay $0x5  }
0xc9: {  	[tilespmem:v32+s11+$0x0] =	vst.idx.msk $0xffff, v28  }
0xca: {  	v28 =	vor.u32 v8, v31;
	v26 =	vld.idx.msk [tilespmem:v26+s17+$0x0], $0xffff;
	_ =	sdelay $0x5  }
0xcb: {  	[tilespmem:v28+s11+$0x0] =	vst.idx.msk $0xffff, v26  }
0xcc: {  	v28 =	vor.u32 v9, v31;
	v26 =	vld.idx.msk [tilespmem:v29+s17+$0x0], $0xffff;
	_ =	sdelay $0x5  }
0xcd: {  	[tilespmem:v28+s11+$0x0] =	vst.idx.msk $0xffff, v26  }
0xce: {  	v28 =	vor.u32 v10, v31;
	v26 =	vld.idx.msk [tilespmem:v30+s17+$0x0], $0xffff;
	_ =	sdelay $0x2  }
0xcf: {  	s20 =	sadd.s32 $0x1, s20  }
0xd0: {  	s28 =	sand.u32 $0x3FFF, s28;
	s29 =	sand.u32 $0x7F, s20  }
.Ltmp12:
0xd1: {  	p2 =	sne.s32 s29, $0x0;
	v29 =	vmov s28;
	(pc) =	sbr.rel @p1 .LBB2_13-.Ltmp12, $4  }
0xd2: {  	s29 =	simm.s32 @!p2 $0x80;
	s30 =	simm.s32 @!p2 $0x1A900;
	s31 =	simm.s32 @!p2 $0x16900;
	[tilespmem:v28+s11+$0x0] =	vst.idx.msk $0xffff, v26  }
0xd3: {  	s28 =	simm.s32 @!p2 $0x2;
	[tilespmem:v27+s12+$0x0] =	vst.idx.msk $0x1, v29  }
0xd4: {  	[hbm4b:s5+s29] =	stream.indirect.scatter @!p2 [tilespmem:s31], [sflag:$0x2], $0x80, s30, s29, $0xb8;
	[tilespmem:$0x1A980] =	vst v63  }
0xd5: {  	_ =	swait.ge @!p2 [sflag:s28], $0x4000  }
.Ltmp13:
0xd6: {  	_ = 	snop;
	(pc) =	sbr.rel .LBB2_14-.Ltmp13, $1  }
0xd7: {  	_ =	sdelay $0x3  }
.LBB2_16:
0xd8: {  	[tilespmem:s19], [sflag:$0x2] =	stream.strided.gather [hbm4b:s9+s18], $0x2000, s16, s18, $0x38;
	[tilespmem:$0x1A980] =	vst v63  }
.Ltmp14:
0xd9: {  	_ = 	snop;
	(pc) =	sbr.rel @!p0 .LBB2_17-.Ltmp14, $4  }
.Ltmp15:
0xda: {  	_ = 	snop;
	(pc) =	sbr.rel @p0 .LBB2_22-.Ltmp15, $4  }
0xdb: {  	_ =	swait.ge [sflag:s13], $0x2000  }
0xdc: {  	[sflag:s13] =	ssyncset.done $0x0  }
0xdd: {  	s22 =	simm.s32 $0x0;
	[sflag:s13] =	ssyncadd.s32 $0xFFFFE000  }
0xde: {  	_ = 	snop  }
.LBB2_20:
0xdf: {  	[sflag:s25] =	ssyncset.done @!p1 $0x0  }
0xe0: {  	[sflag:s25] =	ssyncadd.s32 @!p1 $0xFFFFC000  }
.LBB2_21:
0xe1: {  	s22 =	sadd.s32 $0x1, s22  }
0xe2: {  	p0 =	sne.s32 s22, s21  }
.Ltmp16:
0xe3: {  	_ = 	snop;
	(pc) =	sbr.rel @!p0 .LBB2_22-.Ltmp16, $1  }
0xe4: {  	_ =	sdelay $0x3  }
.LBB2_17:
0xe5: {  	s23 =	sshll.u32 s22, $0x6  }
0xe6: {  	s23 =	sshra.s32 s23, $0x2  }
0xe7: {  	v21 =	vld [tilespmem:s23+$0x800];
	_ =	sdelay $0x4  }
0xe8: {  	v22 =	vand.u32 $0xFF800000, v21  }
0xe9: {  	vm0 =	veq.s32 v22, $0x5E800000  }
0xea: {  	v22 =	vmpcnt.ones.xlane vm0;
	_ =	sdelay $0x1  }
0xeb: {  	(v2sf) =	vpush v22, $0x0;
	_ =	sdelay $0xe  }
0xec: {  	s24 =	spop (v2sf)  }
0xed: {  	p0 =	slt.s32 s24, $0x1  }
.Ltmp17:
0xee: {  	_ = 	snop;
	(pc) =	sbr.rel @p0 .LBB2_21-.Ltmp17, $3  }
0xef: {  	_ =	sdelay $0x1  }
0xf0: {  	s23 =	simm.s32 $0x16880  }
0xf1: {  	[tilespmem:s23+$0x0] =	vst.msk vm0, v21  }
0xf2: {  	v21 =	vld [tilespmem:s23+$0x0];
	_ =	sdelay $0x4  }
0xf3: {  	(v2sf) =	vpush v21, $0x0;
	_ =	sdelay $0xe  }
0xf4: {  	s25 =	spop (v2sf)  }
0xf5: {  	s26 =	sshrl.u32 s25, $0xE  }
0xf6: {  	s28 =	sshra.s32 s20, $0x1F;
	v21 =	vmov s26  }
0xf7: {  	s30 =	sshrl.u32 s28, $0x19;
	v21 =	vand.u32 $0x1FF, v21  }
0xf8: {  	s26 =	sadd.s32 s30, s20;
	v22 =	vadd.s32 v14, v21  }
0xf9: {  	s26 =	sand.u32 $0xFFFFFF80, s26  }
0xfa: {  	s26 =	ssub.s32 s20, s26  }
0xfb: {  	v23 =	vmov s26  }
0xfc: {  	v24 =	vshll.u32 v23, $0x7  }
0xfd: {  	v25 =	vor.u32 v2, v24;
	v22 =	vld.idx.msk [tilespmem:v22+s19+$0x0], $0xffff  }
0xfe: {  	v26 =	vadd.s32 v18, v21;
	_ =	sdelay $0x3  }
0xff: {  	[tilespmem:v25+s11+$0x0] =	vst.idx.msk $0xffff, v22  }
0x100: {  	v60 =	vor.u32 v8, v24;
	v22 =	vld.idx.msk [tilespmem:v26+s19+$0x0], $0xffff  }
0x101: {  	v61 =	vadd.s32 v19, v21;
	_ =	sdelay $0x3  }
0x102: {  	[tilespmem:v60+s11+$0x0] =	vst.idx.msk $0xffff, v22  }
0x103: {  	v62 =	vor.u32 v9, v24;
	v22 =	vld.idx.msk [tilespmem:v61+s19+$0x0], $0xffff  }
0x104: {  	v21 =	vadd.s32 v20, v21;
	_ =	sdelay $0x3  }
0x105: {  	[tilespmem:v62+s11+$0x0] =	vst.idx.msk $0xffff, v22  }
0x106: {  	v22 =	vor.u32 v10, v24;
	v21 =	vld.idx.msk [tilespmem:v21+s19+$0x0], $0xffff;
	_ =	sdelay $0x2  }
0x107: {  	s24 =	sadd.s32 $0xFFFFFFFF, s24;
	s20 =	sadd.s32 $0x1, s20  }
0x108: {  	p0 =	sne.s32 s24, $0x0;
	s25 =	sand.u32 $0x3FFF, s25;
	s31 =	sand.u32 $0x7F, s20  }
.Ltmp18:
0x109: {  	v63 =	vmov s25;
	p1 =	sne.s32 s31, $0x0;
	[tilespmem:v22+s11+$0x0] =	vst.idx.msk $0xffff, v21;
	(pc) =	sbr.rel @!p0 .LBB2_20-.Ltmp18, $4  }
0x10a: {  	s25 =	simm.s32 @!p1 $0x80;
	s26 =	simm.s32 @!p1 $0x1A900;
	s28 =	simm.s32 @!p1 $0x16900;
	[tilespmem:v23+s12+$0x0] =	vst.idx.msk $0x1, v63  }
0x10b: {  	[hbm4b:s5+s25] =	stream.indirect.scatter @!p1 [tilespmem:s28], [sflag:$0x2], $0x80, s26, s25, $0xb8;
	[tilespmem:$0x1A980] =	vst v63  }
0x10c: {  	s25 =	simm.s32 @!p1 $0x2  }
0x10d: {  	_ =	swait.ge @!p1 [sflag:s25], $0x4000  }
.LBB2_19:
0x10e: {  	s24 =	sadd.s32 $0xFFFFFFFF, s24;
	[sflag:s25] =	ssyncset.done @!p1 $0x0;
	s23 =	sadd.s32 $0x1, s23  }
0x10f: {  	p0 =	sne.s32 s24, $0x0;
	[sflag:s25] =	ssyncadd.s32 @!p1 $0xFFFFC000  }
0x110: {  	v21 =	vld [tilespmem:s23+$0x0];
	_ =	sdelay $0x4  }
0x111: {  	(v2sf) =	vpush v21, $0x0;
	_ =	sdelay $0xe  }
0x112: {  	s25 =	spop (v2sf)  }
0x113: {  	s26 =	sshrl.u32 s25, $0xE  }
0x114: {  	s28 =	sshra.s32 s20, $0x1F;
	v21 =	vmov s26  }
0x115: {  	s26 =	sshrl.u32 s28, $0x19;
	v21 =	vand.u32 $0x1FF, v21  }
0x116: {  	s26 =	sadd.s32 s26, s20;
	v22 =	vadd.s32 v14, v21  }
0x117: {  	s26 =	sand.u32 $0xFFFFFF80, s26  }
0x118: {  	s26 =	ssub.s32 s20, s26  }
0x119: {  	v23 =	vmov s26  }
0x11a: {  	v24 =	vshll.u32 v23, $0x7  }
0x11b: {  	v25 =	vor.u32 v2, v24;
	v22 =	vld.idx.msk [tilespmem:v22+s19+$0x0], $0xffff  }
0x11c: {  	v26 =	vadd.s32 v18, v21;
	_ =	sdelay $0x4  }
0x11d: {  	[tilespmem:v25+s11+$0x0] =	vst.idx.msk $0xffff, v22  }
0x11e: {  	v25 =	vor.u32 v8, v24;
	v22 =	vld.idx.msk [tilespmem:v26+s19+$0x0], $0xffff  }
0x11f: {  	v26 =	vadd.s32 v19, v21;
	_ =	sdelay $0x4  }
0x120: {  	[tilespmem:v25+s11+$0x0] =	vst.idx.msk $0xffff, v22  }
0x121: {  	v25 =	vor.u32 v9, v24;
	v22 =	vld.idx.msk [tilespmem:v26+s19+$0x0], $0xffff  }
0x122: {  	v21 =	vadd.s32 v20, v21;
	_ =	sdelay $0x4  }
0x123: {  	[tilespmem:v25+s11+$0x0] =	vst.idx.msk $0xffff, v22  }
0x124: {  	v22 =	vor.u32 v10, v24;
	v21 =	vld.idx.msk [tilespmem:v21+s19+$0x0], $0xffff;
	_ =	sdelay $0x2  }
0x125: {  	s20 =	sadd.s32 $0x1, s20  }
0x126: {  	s25 =	sand.u32 $0x3FFF, s25;
	s26 =	sand.u32 $0x7F, s20  }
.Ltmp19:
0x127: {  	p1 =	sne.s32 s26, $0x0;
	v24 =	vmov s25;
	(pc) =	sbr.rel @p0 .LBB2_19-.Ltmp19, $4  }
0x128: {  	s26 =	simm.s32 @!p1 $0x80;
	s28 =	simm.s32 @!p1 $0x1A900;
	s29 =	simm.s32 @!p1 $0x16900;
	[tilespmem:v22+s11+$0x0] =	vst.idx.msk $0xffff, v21  }
0x129: {  	s25 =	simm.s32 @!p1 $0x2;
	[tilespmem:v23+s12+$0x0] =	vst.idx.msk $0x1, v24  }
0x12a: {  	[hbm4b:s5+s26] =	stream.indirect.scatter @!p1 [tilespmem:s29], [sflag:$0x2], $0x80, s28, s26, $0xb8;
	[tilespmem:$0x1A980] =	vst v63  }
0x12b: {  	_ =	swait.ge @!p1 [sflag:s25], $0x4000  }
.Ltmp20:
0x12c: {  	_ = 	snop;
	(pc) =	sbr.rel .LBB2_20-.Ltmp20, $1  }
0x12d: {  	_ =	sdelay $0x3  }
.LBB2_23:
0x12e: {  	_ =	sfence.sel $0x180000  }
0x12f: {  	[bflag:$0x0] =	sbarrier.arrive $0xFFFF  }
0x130: {  	p0 =	sne.s32 s0, $0x0;
	_ =	strace $0x90000047  }
0x131: {  	s0 =	sadd.s32 @!p0 $0x100000, s3;
	[bflag:$0x2] =	sbarrier.arrive $0xFFFF  }
0x132: {  	[sflag:s0] =	ssyncadd.tile.s32 @!p0 $0x1;
	_ =	shalt  }
.Lfunc_end2:
_tile_overlayer_lowered:
.L_overlay_start_2:
0x133: {  	(tag) =	ssettag $0x2  }
0x134: {  	s0 =	rddreg [dreg:$0x0];
	s2 =	stileid.u32  }
0x135: {  	s1 =	rddreg [dreg:$0x1];
	p0 =	sne.s32 s2, $0x0  }
0x136: {  	s3 =	rddreg [dreg:$0x2];
	[bflag:$0x3] =	sbarrier.arrive $0xFFFF;
	s2 =	simm.s32 @!p0 $0x1C02  }
0x137: {  	[timem:s3], [sflag:s2] =	dma.local @!p0 [hbm:s0], s1  }
0x138: {  	s0 =	simm.s32 @!p0 $0x2  }
0x139: {  	_ =	swait.ge @!p0 [sflag:s0], s1  }
0x13a: {  	s1 =	ssub.s32 @!p0 $0x0, s1;
	[sflag:s0] =	ssyncset.done @!p0 $0x0  }
0x13b: {  	[sflag:s0] =	ssyncadd.s32 @!p0 s1  }
0x13c: {  	[bflag:$0x3] =	sbarrier.arrive $0xFFFF  }
0x13d: {  	_ =	shalt  }

// kernel: kernel.8.cloned.1.call-start
scs
__scs_entry_jumppad:
0x0: {  	(pc) =	sbr.rel $0x88, $3  }
0x1: {  	(tag) =	ssettag $0x0;
	lr =	simm.s32 $0x1  }
0x2: {  	[smem:$0x3F95] =	sst lr;
	_ =	strace $0xD0000000  }
0x3: {  	_ = 	snop  }
0x4: {  	_ = 	snop  }
0x5: {  	_ = 	snop  }
0x6: {  	_ = 	snop  }
0x7: {  	_ = 	snop  }
__scs_overlays_trampoline_lowered:
0x8: {  	[smem:$0x3FA4] =	sst s0  }
0x9: {  	[smem:$0x3FA5] =	sst s1  }
0xa: {  	[smem:$0x3FA6] =	sst s2  }
0xb: {  	[smem:$0x3FA7] =	sst s3  }
0xc: {  	[smem:$0x3FA8] =	sst s4  }
0xd: {  	[smem:$0x3FA9] =	sst s5  }
0xe: {  	[smem:$0x3FAA] =	sst s6  }
0xf: {  	[smem:$0x3FAB] =	sst s7  }
0x10: {  	[smem:$0x3FAC] =	sst s8  }
0x11: {  	[smem:$0x3FAD] =	sst s9;
	s0 =	simm.s32 @!p0 $0x0  }
0x12: {  	s1 =	sld [smem:$0x3F93];
	s0 =	simm.s32 @p0 $0x1  }
0x13: {  	[smem:$0x3FAE] =	sst s0;
	s0 =	simm.s32 @!p1 $0x0  }
0x14: {  	s2 =	sld [smem:$0x3F92];
	s0 =	simm.s32 @p1 $0x1  }
0x15: {  	[smem:$0x3FAF] =	sst s0;
	s0 =	simm.s32 @!p2 $0x0  }
0x16: {  	s3 =	sld [smem:$0x3FDB];
	s0 =	simm.s32 @p2 $0x1  }
0x17: {  	s4 =	simm.s32 $0x1BF5;
	[smem:$0x3FB1] =	sst s0  }
0x18: {  	s0 =	sld [smem:$0x3F94];
	_ =	swait.ge [sflag:s4], $0x0  }
0x19: {  	s7 =	sld [smem:$0x3F95]  }
0x1a: {  	s8 =	sadd.s32 $0xFFFFE003, lr  }
0x1b: {  	s9 =	sadd.s32 $0xFFFFFEF7, lr;
	s5 =	simm.s32 $0xFFFFFFFF;
	p2 =	slt.u32 s8, $0xFFFFF086  }
0x1c: {  	p1 =	slt.u32 s9, $0xF7A;
	s5 =	simm.s32 @!p2 $0x0  }
0x1d: {  	s5 =	simm.s32 @p1 $0x1;
	p0 =	seq.s32 s7, s2  }
0x1e: {  	s7 =	smul.u32 @!p0 $0xF7A, s2;
	p2 =	seq.s32 @!p0 s5, $0x0  }
0x1f: {  	s9 =	smul.u32 $0xF7A, s1;
	s8 =	simm.s32 @!p0 $0x1BF5;
	p2 =	por !p2, p0  }
0x20: {  	[sflag:s8] =	ssyncset.s32 @!p0 $0xFFFFF086;
	s6 =	sadd.s32 @!p0 s3, s7;
	s7 =	simm.s32 @!p0 $0x108  }
0x21: {  	s3 =	sadd.s32 s3, s9;
	s6 =	sadd.s32 @!p0 $0x88, s6;
	s7 =	simm.s32 @p2 $0x1082  }
0x22: {  	[simem:s7], [sflag:s8] =	dma.local @!p0 [hbm:s6], $0xF7A  }
0x23: {  	s9 =	sor.u32 $0xD0000000, s2;
	s6 =	simm.s32 $0x108;
	_ =	swait.ge @!p0 [sflag:s8], $0x0  }
0x24: {  	s3 =	sadd.s32 $0x88, s3;
	s6 =	simm.s32 @!p1 $0x1082;
	[sflag:s4] =	ssyncset.s32 $0xFFFFF086  }
0x25: {  	[simem:s6], [sflag:s4] =	dma.local [hbm:s3], $0xF7A  }
0x26: {  	[smem:$0x3F95] =	sst s1;
	(tag) =	ssettag s2;
	_ =	strace s9  }
0x27: {  	s1 =	sld [smem:$0x3FA5]  }
0x28: {  	s2 =	sld [smem:$0x3FA6]  }
0x29: {  	s4 =	sld [smem:$0x3FA8]  }
0x2a: {  	p0 =	seq.s32 s5, $0x0;
	s5 =	sld [smem:$0x3FA9]  }
0x2b: {  	s6 =	sld [smem:$0x3FAA]  }
0x2c: {  	s7 =	sld [smem:$0x3FAB]  }
0x2d: {  	s3 =	simm.s32 $0x108;
	s8 =	sld [smem:$0x3FAC]  }
0x2e: {  	s3 =	simm.s32 @!p0 $0x1082;
	s9 =	sld [smem:$0x3FAD]  }
0x2f: {  	lr =	sadd.s32 s0, s3;
	s0 =	sld [smem:$0x3FA4]  }
0x30: {  	s3 =	sld [smem:$0x3FA7]  }
0x31: {  	[smem:$0x3FB0] =	sst s10  }
0x32: {  	s10 =	sld [smem:$0x3FAE];
	_ =	sdelay $0x3  }
0x33: {  	p0 =	seq.s32 s10, $0x1;
	s10 =	sld [smem:$0x3FB0];
	_ =	sdelay $0x3  }
0x34: {  	[smem:$0x3FB0] =	sst s10  }
0x35: {  	s10 =	sld [smem:$0x3FAF];
	_ =	sdelay $0x3  }
0x36: {  	p1 =	seq.s32 s10, $0x1;
	s10 =	sld [smem:$0x3FB0];
	_ =	sdelay $0x3  }
0x37: {  	[smem:$0x3FB0] =	sst s10  }
0x38: {  	s10 =	sld [smem:$0x3FB1]  }
0x39: {  	_ = 	snop;
	(pc) =	sbr.ind lr, $3  }
0x3a: {  	_ = 	snop  }
0x3b: {  	_ = 	snop  }
0x3c: {  	p2 =	seq.s32 s10, $0x1;
	s10 =	sld [smem:$0x3FB0]  }
0x3d: {  	_ =	shalt  }
0x3e: {  	_ =	shalt  }
0x3f: {  	_ =	shalt  }
0x40: {  	_ =	shalt  }
0x41: {  	_ =	shalt  }
0x42: {  	_ =	shalt  }
0x43: {  	_ =	shalt  }
0x44: {  	_ =	shalt  }
0x45: {  	_ =	shalt  }
0x46: {  	_ =	shalt  }
0x47: {  	_ =	shalt  }
0x48: {  	_ =	shalt  }
0x49: {  	_ =	shalt  }
0x4a: {  	_ =	shalt  }
0x4b: {  	_ =	shalt  }
0x4c: {  	_ =	shalt  }
0x4d: {  	_ =	shalt  }
0x4e: {  	_ =	shalt  }
0x4f: {  	_ =	shalt  }
0x50: {  	_ =	shalt  }
0x51: {  	_ =	shalt  }
0x52: {  	_ =	shalt  }
0x53: {  	_ =	shalt  }
0x54: {  	_ =	shalt  }
0x55: {  	_ =	shalt  }
0x56: {  	_ =	shalt  }
0x57: {  	_ =	shalt  }
0x58: {  	_ =	shalt  }
0x59: {  	_ =	shalt  }
0x5a: {  	_ =	shalt  }
0x5b: {  	_ =	shalt  }
0x5c: {  	_ =	shalt  }
0x5d: {  	_ =	shalt  }
0x5e: {  	_ =	shalt  }
0x5f: {  	_ =	shalt  }
0x60: {  	_ =	shalt  }
0x61: {  	_ =	shalt  }
0x62: {  	_ =	shalt  }
0x63: {  	_ =	shalt  }
0x64: {  	_ =	shalt  }
0x65: {  	_ =	shalt  }
0x66: {  	_ =	shalt  }
0x67: {  	_ =	shalt  }
0x68: {  	_ =	shalt  }
0x69: {  	_ =	shalt  }
0x6a: {  	_ =	shalt  }
0x6b: {  	_ =	shalt  }
0x6c: {  	_ =	shalt  }
0x6d: {  	_ =	shalt  }
0x6e: {  	_ =	shalt  }
0x6f: {  	_ =	shalt  }
0x70: {  	_ =	shalt  }
0x71: {  	_ =	shalt  }
0x72: {  	_ =	shalt  }
0x73: {  	_ =	shalt  }
0x74: {  	_ =	shalt  }
0x75: {  	_ =	shalt  }
0x76: {  	_ =	shalt  }
0x77: {  	_ =	shalt  }
0x78: {  	_ =	shalt  }
0x79: {  	_ =	shalt  }
0x7a: {  	_ =	shalt  }
0x7b: {  	_ =	shalt  }
0x7c: {  	_ =	shalt  }
0x7d: {  	_ =	shalt  }
0x7e: {  	_ =	shalt  }
0x7f: {  	_ =	shalt  }
0x80: {  	_ =	shalt  }
0x81: {  	_ =	shalt  }
0x82: {  	_ =	shalt  }
0x83: {  	_ =	shalt  }
0x84: {  	_ =	shalt  }
0x85: {  	_ =	shalt  }
0x86: {  	_ =	shalt  }
0x87: {  	_ =	shalt  }
.Lfunc_end0:
.L_simem_size_0:
called_computation.1_lowered:
.L_overlay_start_0:
0x88: {  	s2 =	sld [smem:$0x3FD9]  }
0x89: {  	s3 =	sld [smem:$0x3FFE];
	_ =	sdelay $0x1  }
0x8a: {  	s1 =	srdreg.scid  }
0x8b: {  	s0 =	sand.u32 $0x1, s1  }
0x8c: {  	s17 =	sshll.u32 s0, $0xA;
	s2 =	sadd.s32 s3, s2  }
0x8d: {  	s2 =	sadd.s32 s2, s17  }
0x8e: {  	[smem:$0x3FBC] =	sst s2  }
0x8f: {  	_ = 	snop  }
0x90: {  	s18 =	sld [smem:$0x3FC8]  }
0x91: {  	s4 =	sld [smem:$0x3FC5];
	(tm) =	ssettm $0x1  }
0x92: {  	s19 =	sld [smem:$0x3FFB];
	_ =	sdelay $0x3  }
0x93: {  	_ =	strace s19  }
0x94: {  	s2 =	sld [smem:$0x3FFC];
	_ =	sdelay $0x3  }
0x95: {  	_ =	strace s2  }
0x96: {  	s2 =	sld [smem:$0x3FFD];
	_ =	sdelay $0x3  }
0x97: {  	_ =	strace s2  }
0x98: {  	_ =	strace $0x8FFFFFFF  }
0x99: {  	s20 =	sld [smem:$0x3FDB];
	_ =	sdelay $0x1  }
0x9a: {  	s5 =	simm.s32 $_scs_section_size  }
0x9b: {  	s6 =	simm.s32 $_size__tile_overlayer_lowered;
	s7 =	simm.s32 $_tile_overlayer_lowered  }
0x9c: {  	s8 =	simm.s32 $0x1BFF;
	s21 =	sshll.u32 s7, $0x1;
	s5 =	sadd.s32 s5, s20  }
0x9d: {  	s22 =	simm.s32 $0x0;
	s6 =	sshll.u32 s6, $0x1;
	s7 =	sadd.s32 s21, s5  }
0x9e: {  	[timem:s22], [sflag:s8] =	dma.local [hbm:s7], s6  }
0x9f: {  	_ =	swait.ge [sflag:s8], s6  }
0xa0: {  	s6 =	ssub.s32 $0x0, s6;
	[sflag:s8] =	ssyncset.done $0x0  }
0xa1: {  	[sflag:s8] =	ssyncadd.s32 s6;
	_ =	sdelay $0x1  }
0xa2: {  	s23 =	simm.s32 $0x1B8B  }
0xa3: {  	_ =	swait.ge [sflag:s23], $0x1  }
0xa4: {  	[sflag:s23] =	ssyncset.done $0x0  }
0xa5: {  	[sflag:s23] =	ssyncadd.s32 $0xFFFFFFFF  }
0xa6: {  	s6 =	sld [smem:$0x0]  }
0xa7: {  	s7 =	sand.u32 $0xFFFFFFFE, s1  }
0xa8: {  	p0 =	sne.s32 s1, s7  }
0xa9: {  	s7 =	sshll.u32 @p0 s7, $0xE  }
0xaa: {  	s7 =	sadd.s32 @p0 $0x11B8D, s7;
	s8 =	sshll.u32 @p0 s6, $0x11  }
0xab: {  	s7 =	sor.u32 @p0 s8, s7  }
0xac: {  	[sflag:s7] =	ssyncadd.remote.s32 @p0 $0x1;
	_ =	sdelay $0x1  }
0xad: {  	s7 =	simm.s32 @p0 $0x1B8D  }
0xae: {  	_ =	swait.eq @p0 [sflag:s7], $0x1  }
0xaf: {  	[sflag:s7] =	ssyncadd.s32 @p0 $0xFFFFFFFF  }
0xb0: {  	s8 =	sshll.u32 @!p0 s1, $0xE  }
0xb1: {  	s8 =	sor.u32 @!p0 $0x4000, s8;
	s7 =	simm.s32 @!p0 $0x1B8D  }
0xb2: {  	s6 =	sshll.u32 @!p0 s6, $0x11;
	s8 =	sadd.s32 @!p0 $0x11B8D, s8;
	_ =	swait.eq @!p0 [sflag:s7], $0x1  }
0xb3: {  	s6 =	sor.u32 @!p0 s6, s8;
	[sflag:s7] =	ssyncadd.s32 @!p0 $0xFFFFFFFF  }
0xb4: {  	s25 =	simm.s32 $0x1B8E;
	s24 =	sld [smem:$0x3FFE];
	[sflag:s6] =	ssyncadd.remote.s32 @!p0 $0x1  }
0xb5: {  	s26 =	simm.s32 $execute0_lowered;
	[smem:$0x3FD2] =	sst s25  }
0xb6: {  	s7 =	sshll.u32 s26, $0x1;
	_ =	strace $0x80000049;
	[dreg:$0x1] =	wrdreg $0xFFFFFFFF  }
0xb7: {  	s28 =	simm.s32 $_size_execute0_lowered;
	s5 =	sadd.s32 s5, s7;
	[dreg:$0x0] =	wrdreg $0x0  }
0xb8: {  	s7 =	sshll.u32 s28, $0x1;
	[dreg:$0x2] =	wrdreg s5  }
0xb9: {  	[dreg:$0x3] =	wrdreg s7  }
0xba: {  	[dreg:$0x4] =	wrdreg $0xC0  }
0xbb: {  	_ =	task [dreg:s22], $0x5FFFF  }
0xbc: {  	[dreg:$0x1] =	wrdreg $0xFFFFFFFF  }
0xbd: {  	[dreg:$0x0] =	wrdreg $0x60  }
0xbe: {  	[dreg:$0x2] =	wrdreg s18  }
0xbf: {  	[dreg:$0x3] =	wrdreg s4  }
0xc0: {  	[dreg:$0x4] =	wrdreg s24  }
0xc1: {  	[dreg:$0x5] =	wrdreg $0xA  }
0xc2: {  	_ =	task.clear_ibuf [dreg:s22], $0x6FFFF;
	_ =	strace $0x90000049  }
0xc3: {  	s29 =	simm.s32 $0xA;
	_ =	strace $0x8000004B  }
0xc4: {  	_ =	swait.ge [sflag:s29], $0x1  }
0xc5: {  	[sflag:s29] =	ssyncadd.s32 $0xFFFFFFFF  }
0xc6: {  	_ =	strace $0x9000004B  }
0xc7: {  	_ =	sfence  }
0xc8: {  	s30 =	sld [smem:$0x0];
	_ =	sdelay $0x2  }
0xc9: {  	s31 =	sshll.u32 s1, $0xD;
	s1 =	sshrl.u32 s1, $0x2  }
0xca: {  	s4 =	sand.u32 $0x4000, s31;
	s1 =	sadd.s32 s1, s30  }
0xcb: {  	s0 =	sor.u32 s4, s0;
	s1 =	sshll.u32 s1, $0x11  }
0xcc: {  	s0 =	sor.u32 s1, s0  }
0xcd: {  	s0 =	sadd.s32 $0x8F2B, s0  }
0xce: {  	[sflag:s0] =	ssyncadd.remote.s32 $0x1  }
0xcf: {  	_ =	sfence.sel $0xFFFF  }
0xd0: {  	[dreg:$0x0] =	wrdreg $0xFFFFFFFF;
	(pc) =	sbr.abs _section_cstart, $3  }
0xd1: {  	[dreg:$0x1] =	wrdreg $0xFFFFFFFF  }
0xd2: {  	_ =	task.clear_ibuf [dreg:s22], $0x2FFFF;
	_ =	strace $0x9FFFFFFF  }
0xd3: {  	(tm) =	ssettm $0x7FFFFFFF  }
tec
execute0_lowered:
.L_overlay_start_1:
0x0: {  	(tag) =	ssettag $0x1  }
0x1: {  	v0 =	vimm.s32 $0xB80;
	vm11 =	vcmask $0x300  }
0x2: {  	vm13 =	vcmask $0x704;
	vm14 =	vcmask $0xB08;
	vm12 =	vcmask $0xF0C  }
0x3: {  	vm10 =	vcmask $0x1310;
	vm9 =	vcmask $0x1714;
	vm8 =	vcmask $0x1B18  }
0x4: {  	vm7 =	vcmask $0x1F1C;
	vm6 =	vcmask $0x2320;
	vm5 =	vcmask $0x2724  }
0x5: {  	vm4 =	vcmask $0x2B28;
	vm3 =	vcmask $0x2F2C;
	vm2 =	vcmask $0x3330  }
0x6: {  	vm1 =	vcmask $0x3734;
	vm0 =	vcmask $0x3B38;
	v12 =	vimm.s32 $0x7FFEB940  }
0x7: {  	v14 =	vimm.s32 $0x1B80;
	v15 =	vimm.s32 $0x2B80;
	v16 =	vimm.s32 $0x3B80  }
0x8: {  	s1 =	srdreg.scid;
	s0 =	stileid.u32;
	v0 =	vsel vm11, $0x0, v0;
	v14 =	vsel vm11, $0x1000, v14;
	v15 =	vsel vm11, $0x2000, v15  }
0x9: {  	s5 =	sand.u32 $0x1, s1;
	s29 =	sshll.u32 s0, $0x1;
	v16 =	vsel vm11, $0x3000, v16;
	v0 =	vsel vm13, $0x80, v0;
	v14 =	vsel vm13, $0x1080, v14  }
0xa: {  	s8 =	sor.u32 s5, s29;
	v15 =	vsel vm13, $0x2080, v15;
	v16 =	vsel vm13, $0x3080, v16;
	v1 =	vsel vm14, $0x100, v0  }
0xb: {  	s1 =	sor.u32 $0x4000, s8;
	v14 =	vsel vm14, $0x1100, v14;
	v15 =	vsel vm14, $0x2100, v15;
	v16 =	vsel vm14, $0x3100, v16  }
0xc: {  	v0 =	vmov s1;
	v2 =	vsel vm12, $0x180, v1;
	v1 =	vmov s8  }
0xd: {  	v14 =	vsel vm12, $0x1180, v14;
	v15 =	vsel vm12, $0x2180, v15;
	v16 =	vsel vm12, $0x3180, v16  }
0xe: {  	v3 =	vsel vm10, $0x200, v2;
	v2 =	vlaneseq.u32;
	v14 =	vsel vm10, $0x1200, v14  }
0xf: {  	v15 =	vsel vm10, $0x2200, v15;
	v16 =	vsel vm10, $0x3200, v16;
	v4 =	vsel vm9, $0x280, v3  }
0x10: {  	v3 =	vor.u32 $0x40, v2;
	v14 =	vsel vm9, $0x1280, v14;
	v15 =	vsel vm9, $0x2280, v15  }
0x11: {  	v16 =	vsel vm9, $0x3280, v16;
	v5 =	vsel vm8, $0x300, v4;
	v4 =	vimm.f32 $0.0e+00  }
0x12: {  	v14 =	vsel vm8, $0x1300, v14;
	v15 =	vsel vm8, $0x2300, v15;
	v16 =	vsel vm8, $0x3300, v16  }
0x13: {  	v6 =	vsel vm7, $0x380, v5;
	v5 =	vor.u32 $0x50, v2;
	v14 =	vsel vm7, $0x1380, v14  }
0x14: {  	v15 =	vsel vm7, $0x2380, v15;
	v16 =	vsel vm7, $0x3380, v16;
	v7 =	vsel vm6, $0x800, v6  }
0x15: {  	s2 =	rddreg [dreg:$0x1];
	v6 =	vor.u32 $0x60, v2;
	v14 =	vsel vm6, $0x1800, v14;
	v15 =	vsel vm6, $0x2800, v15  }
0x16: {  	s6 =	rddreg [dreg:$0x2];
	v16 =	vsel vm6, $0x3800, v16;
	v8 =	vsel vm5, $0x880, v7;
	v7 =	vor.u32 $0x70, v2  }
0x17: {  	s3 =	rddreg [dreg:$0x3];
	v14 =	vsel vm5, $0x1880, v14;
	v15 =	vsel vm5, $0x2880, v15;
	v16 =	vsel vm5, $0x3880, v16  }
0x18: {  	s4 =	simm.s32 $0x0;
	s11 =	simm.s32 $0x10900;
	s12 =	simm.s32 $0x14900;
	v9 =	vsel vm4, $0x900, v8;
	v8 =	vor.u32 $0x10, v2;
	v14 =	vsel vm4, $0x1900, v14  }
0x19: {  	s13 =	simm.s32 $0x2;
	s14 =	simm.s32 $0x1;
	s15 =	simm.s32 $0x800;
	v15 =	vsel vm4, $0x2900, v15;
	v16 =	vsel vm4, $0x3900, v16;
	v10 =	vsel vm3, $0x980, v9  }
0x1a: {  	s16 =	simm.s32 $0xC3800;
	s17 =	simm.s32 $0x4880;
	s18 =	simm.s32 $0xC880;
	v9 =	vor.u32 $0x20, v2;
	v14 =	vsel vm3, $0x1980, v14;
	v15 =	vsel vm3, $0x2980, v15  }
.Ltmp0:
0x1b: {  	[smem:$0x7FF] =	sst s4;
	s7 =	ssub.s32 $0x2, s5;
	v16 =	vsel vm3, $0x3980, v16;
	v11 =	vsel vm2, $0xA00, v10;
	v10 =	vor.u32 $0x30, v2;
	(pc) =	sbr.rel .LBB2_1-.Ltmp0, $4  }
0x1c: {  	s5 =	sadd.s32 $0x41600, s6;
	s30 =	sshrl.u32 s7, $0x1;
	s9 =	ssub.s32 $0x185, s8;
	v14 =	vsel vm2, $0x1A00, v14;
	v15 =	vsel vm2, $0x2A00, v15;
	v16 =	vsel vm2, $0x3A00, v16  }
0x1d: {  	s31 =	sshll.u32 s8, $0x8;
	s1 =	rddreg [dreg:$0x0];
	_ =	strace $0x8000004A;
	v13 =	vsel vm1, $0xA80, v11;
	v11 =	vimm.s32 $0x0;
	v14 =	vsel vm1, $0x1A80, v14  }
0x1e: {  	s10 =	ssub.s32 s7, s30;
	s6 =	sshrl.u32 s9, $0x5;
	s7 =	sadd.s32 s2, s31;
	v15 =	vsel vm1, $0x2A80, v15;
	v16 =	vsel vm1, $0x3A80, v16;
	v13 =	vsel vm0, $0xB00, v13  }
0x1f: {  	s8 =	sshll.u32 s8, $0xB;
	s9 =	sadd.s32 $0x18600, s2;
	s10 =	smax.u32 s10, $0x1;
	v14 =	vsel vm0, $0x1B00, v14;
	v15 =	vsel vm0, $0x2B00, v15;
	v16 =	vsel vm0, $0x3B00, v16  }
.LBB2_22:
0x20: {  	s19 =	sand.u32 $0x7F, s19;
	s4 =	sadd.s32 $0x1, s4  }
0x21: {  	p0 =	seq.s32 s19, $0x0;
	p1 =	sne.s32 s4, s10  }
0x22: {  	s19 =	simm.s32 @!p0 $0x80;
	s20 =	simm.s32 @!p0 $0x14900;
	s21 =	simm.s32 @!p0 $0x10900  }
0x23: {  	[hbm4b:s5+s19] =	stream.indirect.scatter @!p0 [tilespmem:s21], [sflag:$0x2], $0x80, s20, s19, $0xb8;
	[tilespmem:$0x14980] =	vst v63  }
.Ltmp1:
0x24: {  	_ = 	snop;
	(pc) =	sbr.rel @!p1 .LBB2_23-.Ltmp1, $4  }
0x25: {  	s19 =	simm.s32 @!p0 $0x2  }
0x26: {  	_ =	swait.ge @!p0 [sflag:s19], $0x4000  }
0x27: {  	[sflag:s19] =	ssyncset.done @!p0 $0x0  }
0x28: {  	[sflag:s19] =	ssyncadd.s32 @!p0 $0xFFFFC000  }
.LBB2_1:
0x29: {  	s19 =	simm.s32 $0x0  }
0x2a: {  	v19 =	vor.u32 s19, v3;
	_ =	sdelay $0x2  }
0x2b: {  	v17 =	vor.u32 s19, v5  }
0x2c: {  	s20 =	simm.s32 $0x1;
	v18 =	vor.u32 s19, v6  }
.LBB2_2:
0x2d: {  	[tilespmem:v19+s11+$0x0] =	vst.idx.msk $0xffff, v4;
	v20 =	vor.u32 s19, v7;
	s19 =	sshll.u32 s20, $0x7;
	p0 =	sne.s32 s20, $0x7F  }
.Ltmp2:
0x2e: {  	v19 =	vor.u32 s19, v3;
	(pc) =	sbr.rel @p0 .LBB2_2-.Ltmp2, $4  }
0x2f: {  	_ = 	snop  }
0x30: {  	[tilespmem:v17+s11+$0x0] =	vst.idx.msk $0xffff, v4  }
0x31: {  	v17 =	vor.u32 s19, v5;
	[tilespmem:v18+s11+$0x0] =	vst.idx.msk $0xffff, v4  }
0x32: {  	s20 =	sadd.s32 $0x1, s20;
	v18 =	vor.u32 s19, v6;
	[tilespmem:v20+s11+$0x0] =	vst.idx.msk $0xffff, v4  }
0x33: {  	_ =	sdelay $0x1  }
0x34: {  	v20 =	vor.u32 s19, v7;
	_ =	sdelay $0x1  }
0x35: {  	[tilespmem:v19+s11+$0x0] =	vst.idx.msk $0xffff, v4  }
0x36: {  	[tilespmem:v17+s11+$0x0] =	vst.idx.msk $0xffff, v4  }
0x37: {  	[tilespmem:v18+s11+$0x0] =	vst.idx.msk $0xffff, v4  }
0x38: {  	[tilespmem:v20+s11+$0x0] =	vst.idx.msk $0xffff, v4  }
0x39: {  	[tilespmem:v2+s12+$0x0] =	vst.idx.msk $0xffff, v0  }
0x3a: {  	[tilespmem:v8+s12+$0x0] =	vst.idx.msk $0xffff, v0  }
0x3b: {  	[tilespmem:v9+s12+$0x0] =	vst.idx.msk $0xffff, v0  }
0x3c: {  	[tilespmem:v10+s12+$0x0] =	vst.idx.msk $0xffff, v0  }
0x3d: {  	[tilespmem:v3+s12+$0x0] =	vst.idx.msk $0xffff, v0  }
0x3e: {  	[tilespmem:v5+s12+$0x0] =	vst.idx.msk $0xffff, v0  }
0x3f: {  	s20 =	simm.s32 $0x0;
	[tilespmem:v6+s12+$0x0] =	vst.idx.msk $0xffff, v0  }
0x40: {  	s21 =	simm.s32 $0x0;
	s19 =	simm.s32 $0x0;
	s22 =	simm.s32 $0x0;
	[tilespmem:v7+s12+$0x0] =	vst.idx.msk $0xffff, v0  }
.LBB2_4:
0x41: {  	s23 =	sshll.u32 s22, $0x8  }
0x42: {  	s23 =	sadd.s32 s1, s23  }
0x43: {  	[tilespmem:s20], [sflag:$0x2] =	stream.linear.gather [hbm4b:s23+s20], $0x800, $0x38;
	[tilespmem:$0x14980] =	vst v63  }
0x44: {  	_ =	swait.ge [sflag:s13], $0x800  }
0x45: {  	[sflag:s13] =	ssyncset.done $0x0  }
0x46: {  	s30 =	simm.s32 $0x0;
	[sflag:s13] =	ssyncadd.s32 $0xFFFFF800  }
0x47: {  	v17 =	vld [tilespmem:s30+$0x0];
	_ =	sdelay $0x4  }
0x48: {  	v18 =	vshrl.u32 v17, $0x8  }
0x49: {  	v18 =	vand.u32 $0x1F, v18  }
0x4a: {  	vm0 =	veq.s32 v18, v1  }
0x4b: {  	v18 =	vmpcnt.ones.xlane vm0  }
0x4c: {  	v19 =	vshll.u32 v17, $0xA  }
0x4d: {  	vm1 =	vgt.s32 v17, $0x185FF;
	(v2sf) =	vpush v18, $0x0;
	v18 =	vand.u32 $0xFF800000, v19  }
0x4e: {  	v17 =	vshll.u32 v17, $0xE;
	v19 =	vsel vm1, $0x40000000, v11;
	v18 =	vor.u32 s21, v18  }
0x4f: {  	v17 =	vand.u32 $0x3FC000, v17;
	v18 =	vor.u32 v19, v18  }
0x50: {  	v17 =	vor.u32 v17, v18  }
0x51: {  	v17 =	vor.u32 v2, v17  }
0x52: {  	s31 =	simm.s32 $0x10;
	[tilespmem:s19+$0x800] =	vst.msk vm0, v17  }
0x53: {  	v17 =	vld [tilespmem:s31+$0x0];
	_ =	sdelay $0x4  }
0x54: {  	v18 =	vshrl.u32 v17, $0x8;
	vm1 =	vgt.s32 v17, $0x185FF;
	v19 =	vshll.u32 v17, $0xA  }
0x55: {  	s23 =	sadd.s32 $0x10, s21;
	v17 =	vshll.u32 v17, $0xE;
	v18 =	vand.u32 $0x1F, v18;
	v19 =	vand.u32 $0xFF800000, v19  }
0x56: {  	vm0 =	veq.s32 v18, v1;
	v18 =	vsel vm1, $0x40000000, v11;
	v19 =	vor.u32 s23, v19  }
0x57: {  	v17 =	vand.u32 $0x3FC000, v17;
	v18 =	vor.u32 v18, v19;
	v19 =	vmpcnt.ones.xlane vm0  }
0x58: {  	v17 =	vor.u32 v17, v18  }
0x59: {  	s24 =	simm.s32 $0x80;
	s25 =	spop (v2sf);
	v17 =	vor.u32 v2, v17;
	(v2sf) =	vpush v19, $0x0  }
.LBB2_5:
0x5a: {  	p0 =	sne.s32 s24, $0x1FC0  }
0x5b: {  	s19 =	sadd.s32 s19, s25;
	s25 =	smov.u32 s24;
	s24 =	sadd.s32 $0x40, s24  }
0x5c: {  	s25 =	sshra.s32 s25, $0x2;
	[tilespmem:s19+$0x800] =	vst.msk vm0, v17  }
0x5d: {  	v17 =	vld [tilespmem:s25+$0x0];
	_ =	sdelay $0x4  }
0x5e: {  	v18 =	vshrl.u32 v17, $0x8;
	vm1 =	vgt.s32 v17, $0x185FF;
	v19 =	vshll.u32 v17, $0xA  }
0x5f: {  	s23 =	sadd.s32 $0x10, s23;
	v17 =	vshll.u32 v17, $0xE;
	v18 =	vand.u32 $0x1F, v18;
	v19 =	vand.u32 $0xFF800000, v19  }
.Ltmp3:
0x60: {  	vm0 =	veq.s32 v18, v1;
	v18 =	vsel vm1, $0x40000000, v11;
	v19 =	vor.u32 s23, v19;
	(pc) =	sbr.rel @p0 .LBB2_5-.Ltmp3, $4  }
0x61: {  	v17 =	vand.u32 $0x3FC000, v17;
	v18 =	vor.u32 v18, v19;
	v19 =	vmpcnt.ones.xlane vm0  }
0x62: {  	v17 =	vor.u32 v17, v18  }
0x63: {  	v17 =	vor.u32 v2, v17;
	(v2sf) =	vpush v19, $0x0  }
0x64: {  	s25 =	spop (v2sf)  }
0x65: {  	_ =	sdelay $0x7  }
0x66: {  	s22 =	sadd.s32 $0x1, s22  }
0x67: {  	p0 =	sne.s32 s22, $0x8  }
.Ltmp4:
0x68: {  	_ = 	snop;
	(pc) =	sbr.rel @p0 .LBB2_4-.Ltmp4, $3  }
0x69: {  	_ =	sdelay $0x1  }
0x6a: {  	s19 =	sadd.s32 s19, s25;
	s23 =	spop (v2sf)  }
0x6b: {  	s21 =	sadd.s32 $0x800, s21;
	[tilespmem:s19+$0x800] =	vst.msk vm0, v17;
	s19 =	sadd.s32 s19, s23  }
0x6c: {  	s20 =	sadd.s32 $0xF, s19  }
0x6d: {  	[tilespmem:s19+$0x800] =	vst v12;
	s21 =	sand.u32 $0xF, s20  }
0x6e: {  	[tilespmem:s17], [sflag:$0x1] =	stream.strided.gather [hbm4b:s7+s15], $0x4000, s16, s15, $0x38;
	[tilespmem:$0x14980] =	vst v63  }
0x6f: {  	s30 =	sshra.s32 s20, $0x1F;
	p1 =	slt.s32 s20, $0x1;
	p0 =	sne.s32 s21, $0x0  }
.Ltmp5:
0x70: {  	s21 =	sshrl.u32 s30, $0x1C;
	p0 =	por !p1, !p0;
	(pc) =	sbr.rel .LBB2_9-.Ltmp5, $4  }
0x71: {  	s20 =	sadd.s32 s21, s20;
	s21 =	simm.s32 $0x1;
	p0 =	por !p0, !p0  }
0x72: {  	s31 =	sshra.s32 s20, $0x4;
	s21 =	simm.s32 @!p0 $0x0  }
0x73: {  	s20 =	ssub.s32 s31, s21  }
0x74: {  	s19 =	simm.s32 $0x0;
	s21 =	simm.s32 $0x0;
	p0 =	slt.s32 s20, $0x1  }
.LBB2_8:
0x75: {  	p1 =	seq.s32 s22, s6  }
.Ltmp6:
0x76: {  	_ = 	snop;
	(pc) =	sbr.rel @p1 .LBB2_16-.Ltmp6, $1  }
0x77: {  	_ =	sdelay $0x3  }
.LBB2_9:
0x78: {  	s22 =	smov.u32 s21  }
0x79: {  	s21 =	sadd.s32 $0x1, s21;
	p1 =	sge.u32 s22, s6  }
0x7a: {  	s23 =	sshll.u32 @!p1 s21, $0x10  }
0x7b: {  	s24 =	sshll.u32 @!p1 s21, $0xE;
	s25 =	simm.s32 @!p1 $0x800;
	s23 =	sor.u32 @!p1 s8, s23  }
0x7c: {  	s26 =	simm.s32 @!p1 $0xC3800;
	s24 =	sand.u32 @!p1 $0x4000, s24;
	s23 =	sshrl.u32 @!p1 s23, $0x3  }
.Ltmp7:
0x7d: {  	s24 =	sadd.s32 @!p1 $0x4880, s24;
	s23 =	sadd.s32 @!p1 s2, s23;
	(pc) =	sbr.rel @p0 .LBB2_8-.Ltmp7, $4  }
0x7e: {  	[tilespmem:s24], [sflag:$0x1] =	stream.strided.gather @!p1 [hbm4b:s23+s25], $0x4000, s26, s25, $0x38;
	[tilespmem:$0x14980] =	vst v63  }
0x7f: {  	_ =	swait.ge [sflag:s14], $0x4000  }
0x80: {  	[sflag:s14] =	ssyncset.done $0x0  }
0x81: {  	[sflag:s14] =	ssyncadd.s32 $0xFFFFC000  }
.Ltmp8:
0x82: {  	(pc) =	sbr.rel .LBB2_11-.Ltmp8, $4  }
0x83: {  	s23 =	sand.u32 $0x1, s22  }
0x84: {  	s23 =	sshll.u32 s23, $0xE  }
0x85: {  	v17 =	vmov s22;
	v18 =	vor.u32 s23, v13  }
0x86: {  	v19 =	vor.u32 s23, v14;
	v20 =	vor.u32 s23, v15;
	v21 =	vor.u32 s23, v16;
	s23 =	simm.s32 $0x0  }
.LBB2_14:
0x87: {  	[sflag:s26] =	ssyncset.done @!p2 $0x0  }
0x88: {  	[sflag:s26] =	ssyncadd.s32 @!p2 $0xFFFFC000  }
.LBB2_15:
0x89: {  	s23 =	sadd.s32 $0x1, s23  }
0x8a: {  	p1 =	seq.s32 s23, s20  }
.Ltmp9:
0x8b: {  	_ = 	snop;
	(pc) =	sbr.rel @p1 .LBB2_8-.Ltmp9, $1  }
0x8c: {  	_ =	sdelay $0x3  }
.LBB2_11:
0x8d: {  	s24 =	sshll.u32 s23, $0x6  }
0x8e: {  	s24 =	sshra.s32 s24, $0x2  }
0x8f: {  	v22 =	vld [tilespmem:s24+$0x800];
	_ =	sdelay $0x4  }
0x90: {  	v23 =	vshra.s32 v22, $0x17  }
0x91: {  	vm0 =	veq.s32 v23, v17  }
0x92: {  	v23 =	vmpcnt.ones.xlane vm0;
	_ =	sdelay $0x1  }
0x93: {  	(v2sf) =	vpush v23, $0x0;
	_ =	sdelay $0xe  }
0x94: {  	s25 =	spop (v2sf)  }
0x95: {  	p1 =	slt.s32 s25, $0x1  }
.Ltmp10:
0x96: {  	_ = 	snop;
	(pc) =	sbr.rel @p1 .LBB2_15-.Ltmp10, $3  }
0x97: {  	_ =	sdelay $0x1  }
0x98: {  	s24 =	simm.s32 $0x10880  }
0x99: {  	[tilespmem:s24+$0x0] =	vst.msk vm0, v22  }
0x9a: {  	v22 =	vld [tilespmem:s24+$0x0];
	_ =	sdelay $0x4  }
0x9b: {  	(v2sf) =	vpush v22, $0x0;
	_ =	sdelay $0xe  }
0x9c: {  	s26 =	spop (v2sf)  }
0x9d: {  	s28 =	sshrl.u32 s26, $0xE  }
0x9e: {  	s28 =	sand.u32 $0x1FF, s28  }
0x9f: {  	v22 =	vmov s28  }
0xa0: {  	s30 =	sshra.s32 s19, $0x1F;
	v23 =	vand.u32 $0x7F, v22;
	v22 =	vshll.u32 v22, $0x3  }
0xa1: {  	s28 =	sshrl.u32 s30, $0x19;
	v22 =	vand.u32 $0xC00, v22;
	v24 =	vor.u32 v23, v18  }
0xa2: {  	s28 =	sadd.s32 s28, s19;
	v24 =	vadd.s32 v22, v24  }
0xa3: {  	s28 =	sand.u32 $0xFFFFFF80, s28  }
0xa4: {  	s28 =	ssub.s32 s19, s28  }
0xa5: {  	v25 =	vmov s28  }
0xa6: {  	v26 =	vshll.u32 v25, $0x7  }
0xa7: {  	v27 =	vor.u32 v23, v19;
	v28 =	vor.u32 v2, v26;
	v24 =	vld.idx.msk [tilespmem:v24+s17+$0x0], $0xffff  }
0xa8: {  	v27 =	vadd.s32 v22, v27;
	_ =	sdelay $0x3  }
0xa9: {  	[tilespmem:v28+s11+$0x0] =	vst.idx.msk $0xffff, v24  }
0xaa: {  	v60 =	vor.u32 v23, v20;
	v61 =	vor.u32 v8, v26;
	v27 =	vld.idx.msk [tilespmem:v27+s17+$0x0], $0xffff  }
0xab: {  	v24 =	vadd.s32 v22, v60;
	_ =	sdelay $0x3  }
0xac: {  	[tilespmem:v61+s11+$0x0] =	vst.idx.msk $0xffff, v27  }
0xad: {  	v23 =	vor.u32 v23, v21;
	v62 =	vor.u32 v9, v26;
	v24 =	vld.idx.msk [tilespmem:v24+s17+$0x0], $0xffff  }
0xae: {  	v22 =	vadd.s32 v22, v23;
	_ =	sdelay $0x3  }
0xaf: {  	[tilespmem:v62+s11+$0x0] =	vst.idx.msk $0xffff, v24  }
0xb0: {  	v23 =	vor.u32 v10, v26;
	v22 =	vld.idx.msk [tilespmem:v22+s17+$0x0], $0xffff;
	_ =	sdelay $0x2  }
0xb1: {  	s25 =	sadd.s32 $0xFFFFFFFF, s25;
	s19 =	sadd.s32 $0x1, s19  }
0xb2: {  	p1 =	sne.s32 s25, $0x0;
	s26 =	sand.u32 $0x3FFF, s26;
	s31 =	sand.u32 $0x7F, s19  }
.Ltmp11:
0xb3: {  	v63 =	vmov s26;
	p2 =	sne.s32 s31, $0x0;
	[tilespmem:v23+s11+$0x0] =	vst.idx.msk $0xffff, v22;
	(pc) =	sbr.rel @!p1 .LBB2_14-.Ltmp11, $4  }
0xb4: {  	s26 =	simm.s32 @!p2 $0x80;
	s28 =	simm.s32 @!p2 $0x14900;
	s29 =	simm.s32 @!p2 $0x10900;
	[tilespmem:v25+s12+$0x0] =	vst.idx.msk $0x1, v63  }
0xb5: {  	[hbm4b:s5+s26] =	stream.indirect.scatter @!p2 [tilespmem:s29], [sflag:$0x2], $0x80, s28, s26, $0xb8;
	[tilespmem:$0x14980] =	vst v63  }
0xb6: {  	s26 =	simm.s32 @!p2 $0x2  }
0xb7: {  	_ =	swait.ge @!p2 [sflag:s26], $0x4000  }
.LBB2_13:
0xb8: {  	s25 =	sadd.s32 $0xFFFFFFFF, s25;
	[sflag:s26] =	ssyncset.done @!p2 $0x0;
	s24 =	sadd.s32 $0x1, s24  }
0xb9: {  	p1 =	sne.s32 s25, $0x0;
	[sflag:s26] =	ssyncadd.s32 @!p2 $0xFFFFC000  }
0xba: {  	v22 =	vld [tilespmem:s24+$0x0];
	_ =	sdelay $0x4  }
0xbb: {  	(v2sf) =	vpush v22, $0x0;
	_ =	sdelay $0xe  }
0xbc: {  	s26 =	spop (v2sf)  }
0xbd: {  	s28 =	sshrl.u32 s26, $0xE  }
0xbe: {  	s28 =	sand.u32 $0x1FF, s28  }
0xbf: {  	v22 =	vmov s28  }
0xc0: {  	s28 =	sshra.s32 s19, $0x1F;
	v23 =	vand.u32 $0x7F, v22;
	v22 =	vshll.u32 v22, $0x3  }
0xc1: {  	s28 =	sshrl.u32 s28, $0x19;
	v22 =	vand.u32 $0xC00, v22;
	v24 =	vor.u32 v23, v18;
	v25 =	vor.u32 v23, v20  }
0xc2: {  	s28 =	sadd.s32 s28, s19;
	v26 =	vor.u32 v23, v21;
	v24 =	vadd.s32 v22, v24;
	v25 =	vadd.s32 v22, v25  }
0xc3: {  	v23 =	vor.u32 v23, v19;
	s28 =	sand.u32 $0xFFFFFF80, s28;
	v26 =	vadd.s32 v22, v26  }
0xc4: {  	v22 =	vadd.s32 v22, v23;
	s28 =	ssub.s32 s19, s28  }
0xc5: {  	v23 =	vmov s28  }
0xc6: {  	v27 =	vshll.u32 v23, $0x7  }
0xc7: {  	v28 =	vor.u32 v2, v27;
	v24 =	vld.idx.msk [tilespmem:v24+s17+$0x0], $0xffff;
	_ =	sdelay $0x5  }
0xc8: {  	[tilespmem:v28+s11+$0x0] =	vst.idx.msk $0xffff, v24  }
0xc9: {  	v24 =	vor.u32 v8, v27;
	v22 =	vld.idx.msk [tilespmem:v22+s17+$0x0], $0xffff;
	_ =	sdelay $0x5  }
0xca: {  	[tilespmem:v24+s11+$0x0] =	vst.idx.msk $0xffff, v22  }
0xcb: {  	v24 =	vor.u32 v9, v27;
	v22 =	vld.idx.msk [tilespmem:v25+s17+$0x0], $0xffff;
	_ =	sdelay $0x5  }
0xcc: {  	[tilespmem:v24+s11+$0x0] =	vst.idx.msk $0xffff, v22  }
0xcd: {  	v24 =	vor.u32 v10, v27;
	v22 =	vld.idx.msk [tilespmem:v26+s17+$0x0], $0xffff;
	_ =	sdelay $0x2  }
0xce: {  	s19 =	sadd.s32 $0x1, s19  }
0xcf: {  	s26 =	sand.u32 $0x3FFF, s26;
	s28 =	sand.u32 $0x7F, s19  }
.Ltmp12:
0xd0: {  	p2 =	sne.s32 s28, $0x0;
	v25 =	vmov s26;
	(pc) =	sbr.rel @p1 .LBB2_13-.Ltmp12, $4  }
0xd1: {  	s28 =	simm.s32 @!p2 $0x80;
	s29 =	simm.s32 @!p2 $0x14900;
	s30 =	simm.s32 @!p2 $0x10900;
	[tilespmem:v24+s11+$0x0] =	vst.idx.msk $0xffff, v22  }
0xd2: {  	s26 =	simm.s32 @!p2 $0x2;
	[tilespmem:v23+s12+$0x0] =	vst.idx.msk $0x1, v25  }
0xd3: {  	[hbm4b:s5+s28] =	stream.indirect.scatter @!p2 [tilespmem:s30], [sflag:$0x2], $0x80, s29, s28, $0xb8;
	[tilespmem:$0x14980] =	vst v63  }
0xd4: {  	_ =	swait.ge @!p2 [sflag:s26], $0x4000  }
.Ltmp13:
0xd5: {  	_ = 	snop;
	(pc) =	sbr.rel .LBB2_14-.Ltmp13, $1  }
0xd6: {  	_ =	sdelay $0x3  }
.LBB2_16:
0xd7: {  	[tilespmem:s18], [sflag:$0x2] =	stream.strided.gather [hbm4b:s9+s15], $0x4000, s16, s15, $0x38;
	[tilespmem:$0x14980] =	vst v63  }
.Ltmp14:
0xd8: {  	_ = 	snop;
	(pc) =	sbr.rel @!p0 .LBB2_17-.Ltmp14, $4  }
.Ltmp15:
0xd9: {  	_ = 	snop;
	(pc) =	sbr.rel @p0 .LBB2_22-.Ltmp15, $4  }
0xda: {  	_ =	swait.ge [sflag:s13], $0x4000  }
0xdb: {  	[sflag:s13] =	ssyncset.done $0x0  }
0xdc: {  	s21 =	simm.s32 $0x0;
	[sflag:s13] =	ssyncadd.s32 $0xFFFFC000  }
0xdd: {  	_ = 	snop  }
.LBB2_20:
0xde: {  	[sflag:s24] =	ssyncset.done @!p1 $0x0  }
0xdf: {  	[sflag:s24] =	ssyncadd.s32 @!p1 $0xFFFFC000  }
.LBB2_21:
0xe0: {  	s21 =	sadd.s32 $0x1, s21  }
0xe1: {  	p0 =	sne.s32 s21, s20  }
.Ltmp16:
0xe2: {  	_ = 	snop;
	(pc) =	sbr.rel @!p0 .LBB2_22-.Ltmp16, $1  }
0xe3: {  	_ =	sdelay $0x3  }
.LBB2_17:
0xe4: {  	s22 =	sshll.u32 s21, $0x6  }
0xe5: {  	s22 =	sshra.s32 s22, $0x2  }
0xe6: {  	v17 =	vld [tilespmem:s22+$0x800];
	_ =	sdelay $0x4  }
0xe7: {  	v18 =	vand.u32 $0xFF800000, v17  }
0xe8: {  	vm0 =	veq.s32 v18, $0x46000000  }
0xe9: {  	v18 =	vmpcnt.ones.xlane vm0;
	_ =	sdelay $0x1  }
0xea: {  	(v2sf) =	vpush v18, $0x0;
	_ =	sdelay $0xe  }
0xeb: {  	s23 =	spop (v2sf)  }
0xec: {  	p0 =	slt.s32 s23, $0x1  }
.Ltmp17:
0xed: {  	_ = 	snop;
	(pc) =	sbr.rel @p0 .LBB2_21-.Ltmp17, $3  }
0xee: {  	_ =	sdelay $0x1  }
0xef: {  	s22 =	simm.s32 $0x10880  }
0xf0: {  	[tilespmem:s22+$0x0] =	vst.msk vm0, v17  }
0xf1: {  	v17 =	vld [tilespmem:s22+$0x0];
	_ =	sdelay $0x4  }
0xf2: {  	(v2sf) =	vpush v17, $0x0;
	_ =	sdelay $0xe  }
0xf3: {  	s24 =	spop (v2sf)  }
0xf4: {  	s25 =	sshrl.u32 s24, $0xE  }
0xf5: {  	s25 =	sand.u32 $0x1FF, s25  }
0xf6: {  	v17 =	vmov s25  }
0xf7: {  	v18 =	vshll.u32 v17, $0x3  }
0xf8: {  	s30 =	sshra.s32 s19, $0x1F;
	v17 =	vand.u32 $0x7F, v17;
	v18 =	vand.u32 $0xC00, v18  }
0xf9: {  	s25 =	sshrl.u32 s30, $0x19;
	v17 =	vor.u32 v17, v18  }
0xfa: {  	s25 =	sadd.s32 s25, s19;
	v18 =	vadd.s32 v13, v17  }
0xfb: {  	s25 =	sand.u32 $0xFFFFFF80, s25  }
0xfc: {  	s25 =	ssub.s32 s19, s25  }
0xfd: {  	v19 =	vmov s25  }
0xfe: {  	v20 =	vshll.u32 v19, $0x7  }
0xff: {  	v21 =	vor.u32 v2, v20;
	v18 =	vld.idx.msk [tilespmem:v18+s18+$0x0], $0xffff  }
0x100: {  	v22 =	vadd.s32 v14, v17;
	_ =	sdelay $0x3  }
0x101: {  	[tilespmem:v21+s11+$0x0] =	vst.idx.msk $0xffff, v18  }
0x102: {  	v60 =	vor.u32 v8, v20;
	v18 =	vld.idx.msk [tilespmem:v22+s18+$0x0], $0xffff  }
0x103: {  	v61 =	vadd.s32 v15, v17;
	_ =	sdelay $0x3  }
0x104: {  	[tilespmem:v60+s11+$0x0] =	vst.idx.msk $0xffff, v18  }
0x105: {  	v62 =	vor.u32 v9, v20;
	v18 =	vld.idx.msk [tilespmem:v61+s18+$0x0], $0xffff  }
0x106: {  	v17 =	vadd.s32 v16, v17;
	_ =	sdelay $0x3  }
0x107: {  	[tilespmem:v62+s11+$0x0] =	vst.idx.msk $0xffff, v18  }
0x108: {  	v18 =	vor.u32 v10, v20;
	v17 =	vld.idx.msk [tilespmem:v17+s18+$0x0], $0xffff;
	_ =	sdelay $0x2  }
0x109: {  	s23 =	sadd.s32 $0xFFFFFFFF, s23;
	s19 =	sadd.s32 $0x1, s19  }
0x10a: {  	p0 =	sne.s32 s23, $0x0;
	s24 =	sand.u32 $0x3FFF, s24;
	s31 =	sand.u32 $0x7F, s19  }
.Ltmp18:
0x10b: {  	v63 =	vmov s24;
	p1 =	sne.s32 s31, $0x0;
	[tilespmem:v18+s11+$0x0] =	vst.idx.msk $0xffff, v17;
	(pc) =	sbr.rel @!p0 .LBB2_20-.Ltmp18, $4  }
0x10c: {  	s24 =	simm.s32 @!p1 $0x80;
	s25 =	simm.s32 @!p1 $0x14900;
	s26 =	simm.s32 @!p1 $0x10900;
	[tilespmem:v19+s12+$0x0] =	vst.idx.msk $0x1, v63  }
0x10d: {  	[hbm4b:s5+s24] =	stream.indirect.scatter @!p1 [tilespmem:s26], [sflag:$0x2], $0x80, s25, s24, $0xb8;
	[tilespmem:$0x14980] =	vst v63  }
0x10e: {  	s24 =	simm.s32 @!p1 $0x2  }
0x10f: {  	_ =	swait.ge @!p1 [sflag:s24], $0x4000  }
.LBB2_19:
0x110: {  	s23 =	sadd.s32 $0xFFFFFFFF, s23;
	[sflag:s24] =	ssyncset.done @!p1 $0x0;
	s22 =	sadd.s32 $0x1, s22  }
0x111: {  	p0 =	sne.s32 s23, $0x0;
	[sflag:s24] =	ssyncadd.s32 @!p1 $0xFFFFC000  }
0x112: {  	v17 =	vld [tilespmem:s22+$0x0];
	_ =	sdelay $0x4  }
0x113: {  	(v2sf) =	vpush v17, $0x0;
	_ =	sdelay $0xe  }
0x114: {  	s24 =	spop (v2sf)  }
0x115: {  	s25 =	sshrl.u32 s24, $0xE  }
0x116: {  	s25 =	sand.u32 $0x1FF, s25  }
0x117: {  	v17 =	vmov s25  }
0x118: {  	v18 =	vand.u32 $0x7F, v17;
	v17 =	vshll.u32 v17, $0x3  }
0x119: {  	s25 =	sshra.s32 s19, $0x1F;
	v17 =	vand.u32 $0xC00, v17  }
0x11a: {  	s25 =	sshrl.u32 s25, $0x19;
	v17 =	vor.u32 v18, v17  }
0x11b: {  	s25 =	sadd.s32 s25, s19;
	v18 =	vadd.s32 v13, v17  }
0x11c: {  	s25 =	sand.u32 $0xFFFFFF80, s25  }
0x11d: {  	s25 =	ssub.s32 s19, s25  }
0x11e: {  	v19 =	vmov s25  }
0x11f: {  	v20 =	vshll.u32 v19, $0x7  }
0x120: {  	v21 =	vor.u32 v2, v20;
	v18 =	vld.idx.msk [tilespmem:v18+s18+$0x0], $0xffff  }
0x121: {  	v22 =	vadd.s32 v14, v17;
	_ =	sdelay $0x4  }
0x122: {  	[tilespmem:v21+s11+$0x0] =	vst.idx.msk $0xffff, v18  }
0x123: {  	v21 =	vor.u32 v8, v20;
	v18 =	vld.idx.msk [tilespmem:v22+s18+$0x0], $0xffff  }
0x124: {  	v22 =	vadd.s32 v15, v17;
	_ =	sdelay $0x4  }
0x125: {  	[tilespmem:v21+s11+$0x0] =	vst.idx.msk $0xffff, v18  }
0x126: {  	v21 =	vor.u32 v9, v20;
	v18 =	vld.idx.msk [tilespmem:v22+s18+$0x0], $0xffff  }
0x127: {  	v17 =	vadd.s32 v16, v17;
	_ =	sdelay $0x4  }
0x128: {  	[tilespmem:v21+s11+$0x0] =	vst.idx.msk $0xffff, v18  }
0x129: {  	v18 =	vor.u32 v10, v20;
	v17 =	vld.idx.msk [tilespmem:v17+s18+$0x0], $0xffff;
	_ =	sdelay $0x2  }
0x12a: {  	s19 =	sadd.s32 $0x1, s19  }
0x12b: {  	s24 =	sand.u32 $0x3FFF, s24;
	s25 =	sand.u32 $0x7F, s19  }
.Ltmp19:
0x12c: {  	p1 =	sne.s32 s25, $0x0;
	v20 =	vmov s24;
	(pc) =	sbr.rel @p0 .LBB2_19-.Ltmp19, $4  }
0x12d: {  	s25 =	simm.s32 @!p1 $0x80;
	s26 =	simm.s32 @!p1 $0x14900;
	s28 =	simm.s32 @!p1 $0x10900;
	[tilespmem:v18+s11+$0x0] =	vst.idx.msk $0xffff, v17  }
0x12e: {  	s24 =	simm.s32 @!p1 $0x2;
	[tilespmem:v19+s12+$0x0] =	vst.idx.msk $0x1, v20  }
0x12f: {  	[hbm4b:s5+s25] =	stream.indirect.scatter @!p1 [tilespmem:s28], [sflag:$0x2], $0x80, s26, s25, $0xb8;
	[tilespmem:$0x14980] =	vst v63  }
0x130: {  	_ =	swait.ge @!p1 [sflag:s24], $0x4000  }
.Ltmp20:
0x131: {  	_ = 	snop;
	(pc) =	sbr.rel .LBB2_20-.Ltmp20, $1  }
0x132: {  	_ =	sdelay $0x3  }
.LBB2_23:
0x133: {  	_ =	sfence.sel $0x180000  }
0x134: {  	[bflag:$0x0] =	sbarrier.arrive $0xFFFF  }
0x135: {  	p0 =	sne.s32 s0, $0x0;
	_ =	strace $0x9000004A  }
0x136: {  	s0 =	sadd.s32 @!p0 $0x100000, s3;
	[bflag:$0x2] =	sbarrier.arrive $0xFFFF  }
0x137: {  	[sflag:s0] =	ssyncadd.tile.s32 @!p0 $0x1;
	_ =	shalt  }
.Lfunc_end2:
_tile_overlayer_lowered:
.L_overlay_start_2:
0x138: {  	(tag) =	ssettag $0x2  }
0x139: {  	s0 =	rddreg [dreg:$0x0];
	s2 =	stileid.u32  }
0x13a: {  	s1 =	rddreg [dreg:$0x1];
	p0 =	sne.s32 s2, $0x0  }
0x13b: {  	s3 =	rddreg [dreg:$0x2];
	[bflag:$0x3] =	sbarrier.arrive $0xFFFF;
	s2 =	simm.s32 @!p0 $0x1C02  }
0x13c: {  	[timem:s3], [sflag:s2] =	dma.local @!p0 [hbm:s0], s1  }
0x13d: {  	s0 =	simm.s32 @!p0 $0x2  }
0x13e: {  	_ =	swait.ge @!p0 [sflag:s0], s1  }
0x13f: {  	s1 =	ssub.s32 @!p0 $0x0, s1;
	[sflag:s0] =	ssyncset.done @!p0 $0x0  }
0x140: {  	[sflag:s0] =	ssyncadd.s32 @!p0 s1  }
0x141: {  	[bflag:$0x3] =	sbarrier.arrive $0xFFFF  }
0x142: {  	_ =	shalt  }

</sc_bundles>
